<compile_context>
chip_gen: v7x
topology: tpu7x:2x2x1
jax: 0.10.2.dev20260603
libtpu: 0.0.44.dev20260713+nightly
codegen_flags: <defaults>
</compile_context>

<pallas_src>
import jax
import jax.numpy as jnp
from jax import lax
from jax.experimental import pallas as pl
from jax.experimental.pallas import tpu as pltpu
from jax.experimental.pallas import tpu_sc as plsc

N = 10000
E = 160000
D = 256
C = 64
NC = 2
NS = 16
K = 128
CH = 80
G = 16
EPAD = NS * CH * K
NACC = 10112
RPT = NACC // NS
R = 1000

_MESH = plsc.VectorSubcoreMesh(core_axis_name="c", subcore_axis_name="s",
                               num_cores=NC, num_subcores=NS)


def _zero_rows(buf, nrows, width):
    def zrow(r, carry):
        for kk in range(width // 16):
            buf[0, r, pl.ds(kk * 16, 16)] = jnp.zeros((16,), jnp.float32)
        return carry
    lax.fori_loop(0, nrows, zrow, 0)


def _zero_acc_slice(zsrc, acc, base):
    off = 0
    for sz in (128, 128, 128, 128, RPT - 512):
        pltpu.sync_copy(zsrc.at[pl.ds(0, sz)], acc.at[pl.ds(base + off, sz)])
        off += sz


def _make_sc_agg(width):
    scratch = {
        "acc": pltpu.VMEM_SHARED((NACC, width), jnp.float32),
        "src_v": pltpu.VMEM((G, K), jnp.int32),
        "dst_v": pltpu.VMEM((G, K), jnp.int32),
        "rowbuf": pltpu.VMEM((2, K, width), jnp.float32),
        "sem0": pltpu.SemaphoreType.DMA,
        "sem1": pltpu.SemaphoreType.DMA,
        "ssem0": pltpu.SemaphoreType.DMA,
        "ssem1": pltpu.SemaphoreType.DMA,
    }

    def body(table, src2, dstp, out, *, acc, src_v, dst_v, rowbuf, sem0, sem1,
             ssem0, ssem1):
        c = lax.axis_index("c")
        s = lax.axis_index("s")
        sems = (sem0, sem1)
        ssems = (ssem0, ssem1)

        _zero_rows(rowbuf, K, width)
        base = s * RPT
        _zero_acc_slice(rowbuf.at[0], acc, base)
        plsc.subcore_barrier()

        def gather(j, b):
            pltpu.async_copy(table.at[src_v.at[j]], rowbuf.at[b], sems[b])

        def group_body(g, carry):
            pltpu.sync_copy(src2.at[c, s, pl.ds(g * G, G)], src_v)
            pltpu.sync_copy(dstp.at[s, pl.ds(g * G, G)], dst_v)
            gather(0, 0)
            gather(1, 1)

            def chunk_body(jj, carry2):
                for b in range(2):
                    j = jj * 2 + b
                    pltpu.make_async_copy(table.at[src_v.at[j]],
                                          rowbuf.at[b], sems[b]).wait()
                    cp = pltpu.async_copy(rowbuf.at[b], acc.at[dst_v.at[j]],
                                          ssems[b], add=True)
                    cp.wait()
                    nxt = j + 2

                    @pl.when(nxt < G)
                    def _():
                        gather(nxt, b)
                return carry2
            lax.fori_loop(0, G // 2, chunk_body, 0)
            return carry
        lax.fori_loop(0, CH // G, group_body, 0)

        plsc.subcore_barrier()
        pltpu.sync_copy(acc.at[pl.ds(base, RPT)], out.at[c, pl.ds(base, RPT)])

    return pl.kernel(
        body,
        out_type=[jax.ShapeDtypeStruct((NC, NACC, width), jnp.float32)],
        mesh=_MESH,
        scratch_types=scratch,
        compiler_params=pltpu.CompilerParams(
            use_tc_tiling_on_sc=(width % 128 == 0)),
        name=f"sc_segsum_w{width}",
    )


def _make_sc_deg():
    CHD = CH // NC
    scratch = {
        "dacc": pltpu.VMEM_SHARED((NACC, 16), jnp.float32),
        "dst_v": pltpu.VMEM((CHD, K), jnp.int32),
        "ones_v": pltpu.VMEM((K, 16), jnp.float32),
        "z16": pltpu.VMEM((2, K, 16), jnp.float32),
    }

    def body(dstp, out, *, dacc, dst_v, ones_v, z16):
        c = lax.axis_index("c")
        s = lax.axis_index("s")

        patt = jnp.where(lax.iota(jnp.int32, 16) == 0, 1.0, 0.0)

        def irow(r, carry):
            ones_v[r, :] = patt
            z16[0, r, :] = jnp.zeros((16,), jnp.float32)
            return carry
        lax.fori_loop(0, K, irow, 0)

        base = s * RPT
        _zero_acc_slice(z16.at[0], dacc, base)
        pltpu.sync_copy(dstp.at[s, pl.ds(c * CHD, CHD)], dst_v)
        plsc.subcore_barrier()

        def chunk_body(j, carry):
            pltpu.sync_copy(ones_v, dacc.at[dst_v.at[j]], add=True)
            return carry
        lax.fori_loop(0, CHD, chunk_body, 0)

        plsc.subcore_barrier()
        pltpu.sync_copy(dacc.at[pl.ds(base, RPT)], out.at[c, pl.ds(base, RPT)])

    return pl.kernel(
        body,
        out_type=[jax.ShapeDtypeStruct((NC, NACC, 16), jnp.float32)],
        mesh=_MESH,
        scratch_types=scratch,
        compiler_params=pltpu.CompilerParams(use_tc_tiling_on_sc=False),
        name="sc_degree",
    )


_sc_agg_d = _make_sc_agg(D // 2)
_sc_agg_c = _make_sc_agg(C // 2)
_sc_deg = _make_sc_deg()


def _scale_from_deg(deg_blk):
    deg = deg_blk[0, :, 0:1] + deg_blk[1, :, 0:1]
    return 1.0 / jnp.maximum(deg, 1.0)


def _tc1_body(f_ref, s_ref, deg_ref, w_ref, b_ref, o_ref):
    scale = _scale_from_deg(deg_ref[...])
    agg = jnp.concatenate([s_ref[0], s_ref[1]], axis=1)
    rst = f_ref[...] + agg * scale
    h = jnp.dot(rst, w_ref[...], preferred_element_type=jnp.float32) + b_ref[...]
    h = jnp.maximum(h, 0.0)
    o_ref[0] = h[:, : D // 2]
    o_ref[1] = h[:, D // 2:]


def _tc2_body(h_ref, s_ref, deg_ref, w2_ref, b2_ref, w3_ref, o_ref):
    scale = _scale_from_deg(deg_ref[...])
    h1 = jnp.concatenate([h_ref[0], h_ref[1]], axis=1)
    agg = jnp.concatenate([s_ref[0], s_ref[1]], axis=1)
    rst = h1 + agg * scale
    h2 = jnp.dot(rst, w2_ref[...], preferred_element_type=jnp.float32) + b2_ref[...]
    h2 = jnp.maximum(h2, 0.0)
    y3 = jnp.dot(h2, w3_ref[...], preferred_element_type=jnp.float32)
    o_ref[0] = y3[:, : C // 2]
    o_ref[1] = y3[:, C // 2:]


def _tc3_body(y_ref, s_ref, deg_ref, b3_ref, o_ref):
    scale = _scale_from_deg(deg_ref[...])
    y = jnp.concatenate([y_ref[0], y_ref[1]], axis=1)
    agg = jnp.concatenate([s_ref[0], s_ref[1]], axis=1)
    o_ref[...] = y + agg * scale + b3_ref[...]


def _row_spec(shape, third=False):
    if third:
        return pl.BlockSpec(shape, lambda i: (0, i, 0))
    return pl.BlockSpec(shape, lambda i: (i, 0))


_tc1 = pl.pallas_call(
    _tc1_body,
    grid=(N // R,),
    in_specs=[
        _row_spec((R, D)),
        _row_spec((2, R, D // 2), True),
        _row_spec((2, R, 16), True),
        pl.BlockSpec((D, D), lambda i: (0, 0)),
        pl.BlockSpec((1, D), lambda i: (0, 0)),
    ],
    out_specs=_row_spec((2, R, D // 2), True),
    out_shape=jax.ShapeDtypeStruct((2, N, D // 2), jnp.float32),
)

_tc2 = pl.pallas_call(
    _tc2_body,
    grid=(N // R,),
    in_specs=[
        _row_spec((2, R, D // 2), True),
        _row_spec((2, R, D // 2), True),
        _row_spec((2, R, 16), True),
        pl.BlockSpec((D, D), lambda i: (0, 0)),
        pl.BlockSpec((1, D), lambda i: (0, 0)),
        pl.BlockSpec((D, C), lambda i: (0, 0)),
    ],
    out_specs=_row_spec((2, R, C // 2), True),
    out_shape=jax.ShapeDtypeStruct((2, N, C // 2), jnp.float32),
)

_tc3 = pl.pallas_call(
    _tc3_body,
    grid=(N // R,),
    in_specs=[
        _row_spec((2, R, C // 2), True),
        _row_spec((2, R, C // 2), True),
        _row_spec((2, R, 16), True),
        pl.BlockSpec((1, C), lambda i: (0, 0)),
    ],
    out_specs=_row_spec((R, C)),
    out_shape=jax.ShapeDtypeStruct((N, C), jnp.float32),
)


def kernel(features, edge_index, W1, b1, W2, b2, W3, b3):
    pad = EPAD - E

    def edge_arrays(src, dst):
        srcp = jnp.concatenate(
            [src, jnp.arange(pad, dtype=jnp.int32)]).reshape(NS, CH, K)
        src2 = jnp.stack([srcp, srcp + N])
        dstp = jnp.concatenate(
            [dst, jnp.full((pad,), N, jnp.int32)]).reshape(NS, CH, K)
        return src2, dstp

    src2, dstp = edge_arrays(edge_index[0], edge_index[1])
    src_s, dst_s = lax.sort((edge_index[0], edge_index[1]), num_keys=1)
    src2_s, dstp_s = edge_arrays(src_s, dst_s)

    f_cat = jnp.concatenate([features[:, : D // 2], features[:, D // 2:]], axis=0)
    b1r = b1.reshape(1, D)
    b2r = b2.reshape(1, D)
    b3r = b3.reshape(1, C)

    (deg,) = _sc_deg(dstp)
    degn = deg[:, :N, :]
    (s1,) = _sc_agg_d(f_cat, src2, dstp)
    h1 = _tc1(features, s1[:, :N, :], degn, W1, b1r)
    (s2,) = _sc_agg_d(h1.reshape(2 * N, D // 2), src2_s, dstp_s)
    y3 = _tc2(h1, s2[:, :N, :], degn, W2, b2r, W3)
    (s3,) = _sc_agg_c(y3.reshape(2 * N, C // 2), src2, dstp)
    out = _tc3(y3, s3[:, :N, :], degn, b3r)
    return out

# --- scband reference (transcript-rebuilt; emitter-appended) ---
"""Pipeline reference for scband-gin-30279519437690 (READ-ONLY COPY).

The authoritative reference and input builder live on the scoring server;
editing this copy changes nothing except your own understanding.
"""

import jax, jax.numpy as jnp
import numpy as np

N = 10000
E = 160000
D = 256
H = 256
C = 64
EPS = 0.0


def setup_inputs(seed: int = 0) -> dict:
    key = jax.random.key(seed)
    ks = jax.random.split(key, 9)
    features = jax.random.normal(ks[0], (N, D), dtype=jnp.float32)
    edge_index = jax.random.randint(ks[1], (2, E), 0, N, dtype=jnp.int32)
    W1 = jax.random.normal(ks[2], (D, H), dtype=jnp.float32) * (1.0 / np.sqrt(D))
    b1 = jnp.zeros((H,), dtype=jnp.float32)
    W2 = jax.random.normal(ks[3], (H, H), dtype=jnp.float32) * (1.0 / np.sqrt(H))
    b2 = jnp.zeros((H,), dtype=jnp.float32)
    W3 = jax.random.normal(ks[4], (H, C), dtype=jnp.float32) * (1.0 / np.sqrt(H))
    b3 = jnp.zeros((C,), dtype=jnp.float32)
    return {"features": features, "edge_index": edge_index, "W1": W1, "b1": b1, "W2": W2, "b2": b2, "W3": W3, "b3": b3}


def _mean_agg(h, src, dst, n_nodes):
    # message = h[src]; aggregate by mean over incoming edges at dst (DGL copy_u + mean)
    msg = jnp.take(h, src, axis=0)
    summed = jax.ops.segment_sum(msg, dst, num_segments=n_nodes)
    deg = jax.ops.segment_sum(jnp.ones((src.shape[0],), h.dtype), dst, num_segments=n_nodes)
    return summed / jnp.maximum(deg, 1.0)[:, None]


def _gin_layer(h, src, dst, W, b, apply_relu):
    agg = _mean_agg(h, src, dst, h.shape[0])
    rst = (1.0 + EPS) * h + agg
    out = rst @ W + b  # Dropout(0.0) is identity
    if apply_relu:
        out = jax.nn.relu(out)
    return out


def reference(features, edge_index, W1, b1, W2, b2, W3, b3):
    src = edge_index[0]
    dst = edge_index[1]
    h = features
    h = _gin_layer(h, src, dst, W1, b1, True)
    h = _gin_layer(h, src, dst, W2, b2, True)
    h = _gin_layer(h, src, dst, W3, b3, False)
    return h

if __name__ == "__main__":
    import jax
    _d = setup_inputs()
    print(jax.jit(kernel)(*tuple(_d.values())))

</pallas_src>

<mosaic_0001>
#map = affine_map<(d0, d1) -> (0, 0, 0)>
module attributes {stable_mosaic.version = 14 : i64} {
  func.func @sc_degree(%arg0: i32, %arg1: i32, %arg2: memref<16x80x128xi32, #tpu.memory_space<hbm>>, %arg3: memref<2x10112x16xf32, #tpu.memory_space<hbm>>, %arg4: memref<10112x16xf32, #tpu.memory_space<vmem_shared>>, %arg5: memref<40x128xi32, #tpu.memory_space<vmem>>, %arg6: memref<128x16xf32, #tpu.memory_space<vmem>>, %arg7: memref<2x128x16xf32, #tpu.memory_space<vmem>>) attributes {dimension_semantics = [#tpu.dimension_semantics<core_parallel>, #tpu.dimension_semantics<subcore_parallel>], iteration_bounds = array<i64: 2, 16>, scalar_prefetch = 0 : i64, scratch_operands = 4 : i64, tpu.core_type = #tpu.core_type<sc_vector_subcore>, window_params = [{transform_indices = #map}, {transform_indices = #map}]} {
    %iota3A = tpu.iota {dimensions = array<i32: 0>} : vector<16xi32>
    %eq3A = arith.constant 0 : i32
    %eq3A_0 = vector.broadcast %eq3A : i32 to vector<16xi32>
    %eq3A_1 = arith.cmpi eq, %iota3A, %eq3A_0 : vector<16xi32>
    %jit3A = arith.constant 1.000000e+00 : f32
    %jit3A_2 = arith.constant 0.000000e+00 : f32
    %broadcast_in_dim3A = vector.broadcast %jit3A : f32 to vector<16xf32>
    %broadcast_in_dim3A_3 = vector.broadcast %jit3A_2 : f32 to vector<16xf32>
    %select_n3A = arith.select %eq3A_1, %broadcast_in_dim3A, %broadcast_in_dim3A_3 : vector<16xi1>, vector<16xf32>
    %scan3A = arith.constant 0 : i32
    %scan3A_4 = arith.constant 0 : i32
    %scan3A_5 = arith.constant 128 : i32
    %scan3A_6 = arith.addi %scan3A_4, %scan3A_5 : i32
    %scan3A_7 = arith.constant 1 : i32
    scf.for %scan3A_32 = %scan3A_4 to %scan3A_6 step %scan3A_7  : i32 {
      %swap3A = arith.index_cast %scan3A_32 : i32 to index
      %swap3A_33 = arith.constant 0 : index
      %swap3A_34 = tpu.vector_load %arg6[%swap3A, %swap3A_33] {strides = array<i32>} : memref<128x16xf32, #tpu.memory_space<vmem>>, vector<1x16xf32>,
      %swap3A_35 = vector.shape_cast %swap3A_34 : vector<1x16xf32> to vector<16xf32>
      %swap3A_36 = vector.shape_cast %select_n3A : vector<16xf32> to vector<1x16xf32>
      tpu.vector_store %arg6[%swap3A, %swap3A_33], %swap3A_36 {strides = array<i32>} : memref<128x16xf32, #tpu.memory_space<vmem>>, vector<1x16xf32>,
      %broadcast_in_dim3A_37 = arith.constant 0.000000e+00 : f32
      %broadcast_in_dim3A_38 = vector.broadcast %broadcast_in_dim3A_37 : f32 to vector<16xf32>
      %swap3A_39 = arith.constant 0 : i32
      %swap3A_40 = arith.index_cast %swap3A_39 : i32 to index
      %swap3A_41 = arith.index_cast %scan3A_32 : i32 to index
      %swap3A_42 = arith.constant 0 : index
      %swap3A_43 = tpu.vector_load %arg7[%swap3A_40, %swap3A_41, %swap3A_42] {strides = array<i32>} : memref<2x128x16xf32, #tpu.memory_space<vmem>>, vector<1x1x16xf32>,
      %swap3A_44 = vector.shape_cast %swap3A_43 : vector<1x1x16xf32> to vector<16xf32>
      %swap3A_45 = vector.shape_cast %broadcast_in_dim3A_38 : vector<16xf32> to vector<1x1x16xf32>
      tpu.vector_store %arg7[%swap3A_40, %swap3A_41, %swap3A_42], %swap3A_45 {strides = array<i32>} : memref<2x128x16xf32, #tpu.memory_space<vmem>>, vector<1x1x16xf32>,
    }
    %scan3A_8 = arith.constant 128 : i32
    %mul3A = arith.constant 632 : i32
    %mul3A_9 = arith.muli %arg1, %mul3A : i32
    %add3A = arith.constant 0 : i32
    %add3A_10 = arith.addi %mul3A_9, %add3A : i32
    %run_scoped3A = arith.constant 0 : i32
    "tpu.region"() ({
      %run_scoped3A_32 = tpu.sem_alloc : memref<!tpu.dma_semaphore, #tpu.memory_space<semaphore_mem>>
      %dma_start3A = arith.constant 0 : i32
      %dma_start3A_33 = arith.constant 0 : i32
      %dma_start3A_34 = tpu.memref_slice %arg7[%run_scoped3A, %dma_start3A, %dma_start3A_33] : memref<2x128x16xf32, #tpu.memory_space<vmem>> -> memref<1x128x16xf32, #tpu.memory_space<vmem>>
      %dma_start3A_35 = tpu.memref_squeeze %dma_start3A_34 : memref<1x128x16xf32, #tpu.memory_space<vmem>> -> memref<128x16xf32, #tpu.memory_space<vmem>>
      %dma_start3A_36 = arith.constant 0 : i32
      %dma_start3A_37 = arith.constant 0 : i32
      %dma_start3A_38 = tpu.memref_slice %dma_start3A_35[%dma_start3A_36, %dma_start3A_37] : memref<128x16xf32, #tpu.memory_space<vmem>> -> memref<128x16xf32, #tpu.memory_space<vmem>>
      %dma_start3A_39 = arith.constant 0 : i32
      %dma_start3A_40 = tpu.memref_slice %arg4[%add3A_10, %dma_start3A_39] : memref<10112x16xf32, #tpu.memory_space<vmem_shared>> -> memref<128x16xf32, #tpu.memory_space<vmem_shared>>
      %dma_start3A_41 = arith.constant 0 : i32
      %dma_start3A_42 = tpu.memref_slice %arg4[%add3A_10, %dma_start3A_41] : memref<10112x16xf32, #tpu.memory_space<vmem_shared>> -> memref<128x16xf32, #tpu.memory_space<vmem_shared>>
      %dma_start3A_43 = arith.constant 0 : i32
      %dma_start3A_44 = arith.constant 0 : i32
      %dma_start3A_45 = tpu.memref_slice %arg7[%run_scoped3A, %dma_start3A_43, %dma_start3A_44] : memref<2x128x16xf32, #tpu.memory_space<vmem>> -> memref<1x128x16xf32, #tpu.memory_space<vmem>>
      %dma_start3A_46 = tpu.memref_squeeze %dma_start3A_45 : memref<1x128x16xf32, #tpu.memory_space<vmem>> -> memref<128x16xf32, #tpu.memory_space<vmem>>
      %dma_start3A_47 = arith.constant 0 : i32
      %dma_start3A_48 = arith.constant 0 : i32
      %dma_start3A_49 = tpu.memref_slice %dma_start3A_46[%dma_start3A_47, %dma_start3A_48] : memref<128x16xf32, #tpu.memory_space<vmem>> -> memref<128x16xf32, #tpu.memory_space<vmem>>
      tpu.enqueue_dma source(%dma_start3A_49 : memref<128x16xf32, #tpu.memory_space<vmem>>) target(%dma_start3A_42 : memref<128x16xf32, #tpu.memory_space<vmem_shared>>) target_semaphore(%run_scoped3A_32 : memref<!tpu.dma_semaphore, #tpu.memory_space<semaphore_mem>>)
      %dma_wait3A = arith.constant 0 : i32
      %dma_wait3A_50 = arith.constant 0 : i32
      %dma_wait3A_51 = tpu.memref_slice %arg7[%run_scoped3A, %dma_wait3A, %dma_wait3A_50] : memref<2x128x16xf32, #tpu.memory_space<vmem>> -> memref<1x128x16xf32, #tpu.memory_space<vmem>>
      %dma_wait3A_52 = tpu.memref_squeeze %dma_wait3A_51 : memref<1x128x16xf32, #tpu.memory_space<vmem>> -> memref<128x16xf32, #tpu.memory_space<vmem>>
      %dma_wait3A_53 = arith.constant 0 : i32
      %dma_wait3A_54 = arith.constant 0 : i32
      %dma_wait3A_55 = tpu.memref_slice %dma_wait3A_52[%dma_wait3A_53, %dma_wait3A_54] : memref<128x16xf32, #tpu.memory_space<vmem>> -> memref<128x16xf32, #tpu.memory_space<vmem>>
      %dma_wait3A_56 = arith.constant 0 : i32
      %dma_wait3A_57 = tpu.memref_slice %arg4[%add3A_10, %dma_wait3A_56] : memref<10112x16xf32, #tpu.memory_space<vmem_shared>> -> memref<128x16xf32, #tpu.memory_space<vmem_shared>>
      %dma_wait3A_58 = arith.constant 0 : i32
      %dma_wait3A_59 = tpu.memref_slice %arg4[%add3A_10, %dma_wait3A_58] : memref<10112x16xf32, #tpu.memory_space<vmem_shared>> -> memref<128x16xf32, #tpu.memory_space<vmem_shared>>
      %dma_wait3A_60 = arith.constant 0 : i32
      %dma_wait3A_61 = arith.constant 0 : i32
      %dma_wait3A_62 = tpu.memref_slice %arg7[%run_scoped3A, %dma_wait3A_60, %dma_wait3A_61] : memref<2x128x16xf32, #tpu.memory_space<vmem>> -> memref<1x128x16xf32, #tpu.memory_space<vmem>>
      %dma_wait3A_63 = tpu.memref_squeeze %dma_wait3A_62 : memref<1x128x16xf32, #tpu.memory_space<vmem>> -> memref<128x16xf32, #tpu.memory_space<vmem>>
      %dma_wait3A_64 = arith.constant 0 : i32
      %dma_wait3A_65 = arith.constant 0 : i32
      %dma_wait3A_66 = tpu.memref_slice %dma_wait3A_63[%dma_wait3A_64, %dma_wait3A_65] : memref<128x16xf32, #tpu.memory_space<vmem>> -> memref<128x16xf32, #tpu.memory_space<vmem>>
      tpu.wait_dma2 semaphore(%run_scoped3A_32 : memref<!tpu.dma_semaphore, #tpu.memory_space<semaphore_mem>>) src(%dma_wait3A_66 : memref<128x16xf32, #tpu.memory_space<vmem>>) dst(%dma_wait3A_59 : memref<128x16xf32, #tpu.memory_space<vmem_shared>>)
      tpu.yield
    }) : () -> ()
    %add3A_11 = arith.constant 128 : i32
    %add3A_12 = arith.addi %mul3A_9, %add3A_11 : i32
    %run_scoped3A_13 = arith.constant 0 : i32
    "tpu.region"() ({
      %run_scoped3A_32 = tpu.sem_alloc : memref<!tpu.dma_semaphore, #tpu.memory_space<semaphore_mem>>
      %dma_start3A = arith.constant 0 : i32
      %dma_start3A_33 = arith.constant 0 : i32
      %dma_start3A_34 = tpu.memref_slice %arg7[%run_scoped3A_13, %dma_start3A, %dma_start3A_33] : memref<2x128x16xf32, #tpu.memory_space<vmem>> -> memref<1x128x16xf32, #tpu.memory_space<vmem>>
      %dma_start3A_35 = tpu.memref_squeeze %dma_start3A_34 : memref<1x128x16xf32, #tpu.memory_space<vmem>> -> memref<128x16xf32, #tpu.memory_space<vmem>>
      %dma_start3A_36 = arith.constant 0 : i32
      %dma_start3A_37 = arith.constant 0 : i32
      %dma_start3A_38 = tpu.memref_slice %dma_start3A_35[%dma_start3A_36, %dma_start3A_37] : memref<128x16xf32, #tpu.memory_space<vmem>> -> memref<128x16xf32, #tpu.memory_space<vmem>>
      %dma_start3A_39 = arith.constant 0 : i32
      %dma_start3A_40 = tpu.memref_slice %arg4[%add3A_12, %dma_start3A_39] : memref<10112x16xf32, #tpu.memory_space<vmem_shared>> -> memref<128x16xf32, #tpu.memory_space<vmem_shared>>
      %dma_start3A_41 = arith.constant 0 : i32
      %dma_start3A_42 = tpu.memref_slice %arg4[%add3A_12, %dma_start3A_41] : memref<10112x16xf32, #tpu.memory_space<vmem_shared>> -> memref<128x16xf32, #tpu.memory_space<vmem_shared>>
      %dma_start3A_43 = arith.constant 0 : i32
      %dma_start3A_44 = arith.constant 0 : i32
      %dma_start3A_45 = tpu.memref_slice %arg7[%run_scoped3A_13, %dma_start3A_43, %dma_start3A_44] : memref<2x128x16xf32, #tpu.memory_space<vmem>> -> memref<1x128x16xf32, #tpu.memory_space<vmem>>
      %dma_start3A_46 = tpu.memref_squeeze %dma_start3A_45 : memref<1x128x16xf32, #tpu.memory_space<vmem>> -> memref<128x16xf32, #tpu.memory_space<vmem>>
      %dma_start3A_47 = arith.constant 0 : i32
      %dma_start3A_48 = arith.constant 0 : i32
      %dma_start3A_49 = tpu.memref_slice %dma_start3A_46[%dma_start3A_47, %dma_start3A_48] : memref<128x16xf32, #tpu.memory_space<vmem>> -> memref<128x16xf32, #tpu.memory_space<vmem>>
      tpu.enqueue_dma source(%dma_start3A_49 : memref<128x16xf32, #tpu.memory_space<vmem>>) target(%dma_start3A_42 : memref<128x16xf32, #tpu.memory_space<vmem_shared>>) target_semaphore(%run_scoped3A_32 : memref<!tpu.dma_semaphore, #tpu.memory_space<semaphore_mem>>)
      %dma_wait3A = arith.constant 0 : i32
      %dma_wait3A_50 = arith.constant 0 : i32
      %dma_wait3A_51 = tpu.memref_slice %arg7[%run_scoped3A_13, %dma_wait3A, %dma_wait3A_50] : memref<2x128x16xf32, #tpu.memory_space<vmem>> -> memref<1x128x16xf32, #tpu.memory_space<vmem>>
      %dma_wait3A_52 = tpu.memref_squeeze %dma_wait3A_51 : memref<1x128x16xf32, #tpu.memory_space<vmem>> -> memref<128x16xf32, #tpu.memory_space<vmem>>
      %dma_wait3A_53 = arith.constant 0 : i32
      %dma_wait3A_54 = arith.constant 0 : i32
      %dma_wait3A_55 = tpu.memref_slice %dma_wait3A_52[%dma_wait3A_53, %dma_wait3A_54] : memref<128x16xf32, #tpu.memory_space<vmem>> -> memref<128x16xf32, #tpu.memory_space<vmem>>
      %dma_wait3A_56 = arith.constant 0 : i32
      %dma_wait3A_57 = tpu.memref_slice %arg4[%add3A_12, %dma_wait3A_56] : memref<10112x16xf32, #tpu.memory_space<vmem_shared>> -> memref<128x16xf32, #tpu.memory_space<vmem_shared>>
      %dma_wait3A_58 = arith.constant 0 : i32
      %dma_wait3A_59 = tpu.memref_slice %arg4[%add3A_12, %dma_wait3A_58] : memref<10112x16xf32, #tpu.memory_space<vmem_shared>> -> memref<128x16xf32, #tpu.memory_space<vmem_shared>>
      %dma_wait3A_60 = arith.constant 0 : i32
      %dma_wait3A_61 = arith.constant 0 : i32
      %dma_wait3A_62 = tpu.memref_slice %arg7[%run_scoped3A_13, %dma_wait3A_60, %dma_wait3A_61] : memref<2x128x16xf32, #tpu.memory_space<vmem>> -> memref<1x128x16xf32, #tpu.memory_space<vmem>>
      %dma_wait3A_63 = tpu.memref_squeeze %dma_wait3A_62 : memref<1x128x16xf32, #tpu.memory_space<vmem>> -> memref<128x16xf32, #tpu.memory_space<vmem>>
      %dma_wait3A_64 = arith.constant 0 : i32
      %dma_wait3A_65 = arith.constant 0 : i32
      %dma_wait3A_66 = tpu.memref_slice %dma_wait3A_63[%dma_wait3A_64, %dma_wait3A_65] : memref<128x16xf32, #tpu.memory_space<vmem>> -> memref<128x16xf32, #tpu.memory_space<vmem>>
      tpu.wait_dma2 semaphore(%run_scoped3A_32 : memref<!tpu.dma_semaphore, #tpu.memory_space<semaphore_mem>>) src(%dma_wait3A_66 : memref<128x16xf32, #tpu.memory_space<vmem>>) dst(%dma_wait3A_59 : memref<128x16xf32, #tpu.memory_space<vmem_shared>>)
      tpu.yield
    }) : () -> ()
    %add3A_14 = arith.constant 256 : i32
    %add3A_15 = arith.addi %mul3A_9, %add3A_14 : i32
    %run_scoped3A_16 = arith.constant 0 : i32
    "tpu.region"() ({
      %run_scoped3A_32 = tpu.sem_alloc : memref<!tpu.dma_semaphore, #tpu.memory_space<semaphore_mem>>
      %dma_start3A = arith.constant 0 : i32
      %dma_start3A_33 = arith.constant 0 : i32
      %dma_start3A_34 = tpu.memref_slice %arg7[%run_scoped3A_16, %dma_start3A, %dma_start3A_33] : memref<2x128x16xf32, #tpu.memory_space<vmem>> -> memref<1x128x16xf32, #tpu.memory_space<vmem>>
      %dma_start3A_35 = tpu.memref_squeeze %dma_start3A_34 : memref<1x128x16xf32, #tpu.memory_space<vmem>> -> memref<128x16xf32, #tpu.memory_space<vmem>>
      %dma_start3A_36 = arith.constant 0 : i32
      %dma_start3A_37 = arith.constant 0 : i32
      %dma_start3A_38 = tpu.memref_slice %dma_start3A_35[%dma_start3A_36, %dma_start3A_37] : memref<128x16xf32, #tpu.memory_space<vmem>> -> memref<128x16xf32, #tpu.memory_space<vmem>>
      %dma_start3A_39 = arith.constant 0 : i32
      %dma_start3A_40 = tpu.memref_slice %arg4[%add3A_15, %dma_start3A_39] : memref<10112x16xf32, #tpu.memory_space<vmem_shared>> -> memref<128x16xf32, #tpu.memory_space<vmem_shared>>
      %dma_start3A_41 = arith.constant 0 : i32
      %dma_start3A_42 = tpu.memref_slice %arg4[%add3A_15, %dma_start3A_41] : memref<10112x16xf32, #tpu.memory_space<vmem_shared>> -> memref<128x16xf32, #tpu.memory_space<vmem_shared>>
      %dma_start3A_43 = arith.constant 0 : i32
      %dma_start3A_44 = arith.constant 0 : i32
      %dma_start3A_45 = tpu.memref_slice %arg7[%run_scoped3A_16, %dma_start3A_43, %dma_start3A_44] : memref<2x128x16xf32, #tpu.memory_space<vmem>> -> memref<1x128x16xf32, #tpu.memory_space<vmem>>
      %dma_start3A_46 = tpu.memref_squeeze %dma_start3A_45 : memref<1x128x16xf32, #tpu.memory_space<vmem>> -> memref<128x16xf32, #tpu.memory_space<vmem>>
      %dma_start3A_47 = arith.constant 0 : i32
      %dma_start3A_48 = arith.constant 0 : i32
      %dma_start3A_49 = tpu.memref_slice %dma_start3A_46[%dma_start3A_47, %dma_start3A_48] : memref<128x16xf32, #tpu.memory_space<vmem>> -> memref<128x16xf32, #tpu.memory_space<vmem>>
      tpu.enqueue_dma source(%dma_start3A_49 : memref<128x16xf32, #tpu.memory_space<vmem>>) target(%dma_start3A_42 : memref<128x16xf32, #tpu.memory_space<vmem_shared>>) target_semaphore(%run_scoped3A_32 : memref<!tpu.dma_semaphore, #tpu.memory_space<semaphore_mem>>)
      %dma_wait3A = arith.constant 0 : i32
      %dma_wait3A_50 = arith.constant 0 : i32
      %dma_wait3A_51 = tpu.memref_slice %arg7[%run_scoped3A_16, %dma_wait3A, %dma_wait3A_50] : memref<2x128x16xf32, #tpu.memory_space<vmem>> -> memref<1x128x16xf32, #tpu.memory_space<vmem>>
      %dma_wait3A_52 = tpu.memref_squeeze %dma_wait3A_51 : memref<1x128x16xf32, #tpu.memory_space<vmem>> -> memref<128x16xf32, #tpu.memory_space<vmem>>
      %dma_wait3A_53 = arith.constant 0 : i32
      %dma_wait3A_54 = arith.constant 0 : i32
      %dma_wait3A_55 = tpu.memref_slice %dma_wait3A_52[%dma_wait3A_53, %dma_wait3A_54] : memref<128x16xf32, #tpu.memory_space<vmem>> -> memref<128x16xf32, #tpu.memory_space<vmem>>
      %dma_wait3A_56 = arith.constant 0 : i32
      %dma_wait3A_57 = tpu.memref_slice %arg4[%add3A_15, %dma_wait3A_56] : memref<10112x16xf32, #tpu.memory_space<vmem_shared>> -> memref<128x16xf32, #tpu.memory_space<vmem_shared>>
      %dma_wait3A_58 = arith.constant 0 : i32
      %dma_wait3A_59 = tpu.memref_slice %arg4[%add3A_15, %dma_wait3A_58] : memref<10112x16xf32, #tpu.memory_space<vmem_shared>> -> memref<128x16xf32, #tpu.memory_space<vmem_shared>>
      %dma_wait3A_60 = arith.constant 0 : i32
      %dma_wait3A_61 = arith.constant 0 : i32
      %dma_wait3A_62 = tpu.memref_slice %arg7[%run_scoped3A_16, %dma_wait3A_60, %dma_wait3A_61] : memref<2x128x16xf32, #tpu.memory_space<vmem>> -> memref<1x128x16xf32, #tpu.memory_space<vmem>>
      %dma_wait3A_63 = tpu.memref_squeeze %dma_wait3A_62 : memref<1x128x16xf32, #tpu.memory_space<vmem>> -> memref<128x16xf32, #tpu.memory_space<vmem>>
      %dma_wait3A_64 = arith.constant 0 : i32
      %dma_wait3A_65 = arith.constant 0 : i32
      %dma_wait3A_66 = tpu.memref_slice %dma_wait3A_63[%dma_wait3A_64, %dma_wait3A_65] : memref<128x16xf32, #tpu.memory_space<vmem>> -> memref<128x16xf32, #tpu.memory_space<vmem>>
      tpu.wait_dma2 semaphore(%run_scoped3A_32 : memref<!tpu.dma_semaphore, #tpu.memory_space<semaphore_mem>>) src(%dma_wait3A_66 : memref<128x16xf32, #tpu.memory_space<vmem>>) dst(%dma_wait3A_59 : memref<128x16xf32, #tpu.memory_space<vmem_shared>>)
      tpu.yield
    }) : () -> ()
    %add3A_17 = arith.constant 384 : i32
    %add3A_18 = arith.addi %mul3A_9, %add3A_17 : i32
    %run_scoped3A_19 = arith.constant 0 : i32
    "tpu.region"() ({
      %run_scoped3A_32 = tpu.sem_alloc : memref<!tpu.dma_semaphore, #tpu.memory_space<semaphore_mem>>
      %dma_start3A = arith.constant 0 : i32
      %dma_start3A_33 = arith.constant 0 : i32
      %dma_start3A_34 = tpu.memref_slice %arg7[%run_scoped3A_19, %dma_start3A, %dma_start3A_33] : memref<2x128x16xf32, #tpu.memory_space<vmem>> -> memref<1x128x16xf32, #tpu.memory_space<vmem>>
      %dma_start3A_35 = tpu.memref_squeeze %dma_start3A_34 : memref<1x128x16xf32, #tpu.memory_space<vmem>> -> memref<128x16xf32, #tpu.memory_space<vmem>>
      %dma_start3A_36 = arith.constant 0 : i32
      %dma_start3A_37 = arith.constant 0 : i32
      %dma_start3A_38 = tpu.memref_slice %dma_start3A_35[%dma_start3A_36, %dma_start3A_37] : memref<128x16xf32, #tpu.memory_space<vmem>> -> memref<128x16xf32, #tpu.memory_space<vmem>>
      %dma_start3A_39 = arith.constant 0 : i32
      %dma_start3A_40 = tpu.memref_slice %arg4[%add3A_18, %dma_start3A_39] : memref<10112x16xf32, #tpu.memory_space<vmem_shared>> -> memref<128x16xf32, #tpu.memory_space<vmem_shared>>
      %dma_start3A_41 = arith.constant 0 : i32
      %dma_start3A_42 = tpu.memref_slice %arg4[%add3A_18, %dma_start3A_41] : memref<10112x16xf32, #tpu.memory_space<vmem_shared>> -> memref<128x16xf32, #tpu.memory_space<vmem_shared>>
      %dma_start3A_43 = arith.constant 0 : i32
      %dma_start3A_44 = arith.constant 0 : i32
      %dma_start3A_45 = tpu.memref_slice %arg7[%run_scoped3A_19, %dma_start3A_43, %dma_start3A_44] : memref<2x128x16xf32, #tpu.memory_space<vmem>> -> memref<1x128x16xf32, #tpu.memory_space<vmem>>
      %dma_start3A_46 = tpu.memref_squeeze %dma_start3A_45 : memref<1x128x16xf32, #tpu.memory_space<vmem>> -> memref<128x16xf32, #tpu.memory_space<vmem>>
      %dma_start3A_47 = arith.constant 0 : i32
      %dma_start3A_48 = arith.constant 0 : i32
      %dma_start3A_49 = tpu.memref_slice %dma_start3A_46[%dma_start3A_47, %dma_start3A_48] : memref<128x16xf32, #tpu.memory_space<vmem>> -> memref<128x16xf32, #tpu.memory_space<vmem>>
      tpu.enqueue_dma source(%dma_start3A_49 : memref<128x16xf32, #tpu.memory_space<vmem>>) target(%dma_start3A_42 : memref<128x16xf32, #tpu.memory_space<vmem_shared>>) target_semaphore(%run_scoped3A_32 : memref<!tpu.dma_semaphore, #tpu.memory_space<semaphore_mem>>)
      %dma_wait3A = arith.constant 0 : i32
      %dma_wait3A_50 = arith.constant 0 : i32
      %dma_wait3A_51 = tpu.memref_slice %arg7[%run_scoped3A_19, %dma_wait3A, %dma_wait3A_50] : memref<2x128x16xf32, #tpu.memory_space<vmem>> -> memref<1x128x16xf32, #tpu.memory_space<vmem>>
      %dma_wait3A_52 = tpu.memref_squeeze %dma_wait3A_51 : memref<1x128x16xf32, #tpu.memory_space<vmem>> -> memref<128x16xf32, #tpu.memory_space<vmem>>
      %dma_wait3A_53 = arith.constant 0 : i32
      %dma_wait3A_54 = arith.constant 0 : i32
      %dma_wait3A_55 = tpu.memref_slice %dma_wait3A_52[%dma_wait3A_53, %dma_wait3A_54] : memref<128x16xf32, #tpu.memory_space<vmem>> -> memref<128x16xf32, #tpu.memory_space<vmem>>
      %dma_wait3A_56 = arith.constant 0 : i32
      %dma_wait3A_57 = tpu.memref_slice %arg4[%add3A_18, %dma_wait3A_56] : memref<10112x16xf32, #tpu.memory_space<vmem_shared>> -> memref<128x16xf32, #tpu.memory_space<vmem_shared>>
      %dma_wait3A_58 = arith.constant 0 : i32
      %dma_wait3A_59 = tpu.memref_slice %arg4[%add3A_18, %dma_wait3A_58] : memref<10112x16xf32, #tpu.memory_space<vmem_shared>> -> memref<128x16xf32, #tpu.memory_space<vmem_shared>>
      %dma_wait3A_60 = arith.constant 0 : i32
      %dma_wait3A_61 = arith.constant 0 : i32
      %dma_wait3A_62 = tpu.memref_slice %arg7[%run_scoped3A_19, %dma_wait3A_60, %dma_wait3A_61] : memref<2x128x16xf32, #tpu.memory_space<vmem>> -> memref<1x128x16xf32, #tpu.memory_space<vmem>>
      %dma_wait3A_63 = tpu.memref_squeeze %dma_wait3A_62 : memref<1x128x16xf32, #tpu.memory_space<vmem>> -> memref<128x16xf32, #tpu.memory_space<vmem>>
      %dma_wait3A_64 = arith.constant 0 : i32
      %dma_wait3A_65 = arith.constant 0 : i32
      %dma_wait3A_66 = tpu.memref_slice %dma_wait3A_63[%dma_wait3A_64, %dma_wait3A_65] : memref<128x16xf32, #tpu.memory_space<vmem>> -> memref<128x16xf32, #tpu.memory_space<vmem>>
      tpu.wait_dma2 semaphore(%run_scoped3A_32 : memref<!tpu.dma_semaphore, #tpu.memory_space<semaphore_mem>>) src(%dma_wait3A_66 : memref<128x16xf32, #tpu.memory_space<vmem>>) dst(%dma_wait3A_59 : memref<128x16xf32, #tpu.memory_space<vmem_shared>>)
      tpu.yield
    }) : () -> ()
    %add3A_20 = arith.constant 512 : i32
    %add3A_21 = arith.addi %mul3A_9, %add3A_20 : i32
    %run_scoped3A_22 = arith.constant 0 : i32
    "tpu.region"() ({
      %run_scoped3A_32 = tpu.sem_alloc : memref<!tpu.dma_semaphore, #tpu.memory_space<semaphore_mem>>
      %dma_start3A = arith.constant 0 : i32
      %dma_start3A_33 = arith.constant 0 : i32
      %dma_start3A_34 = tpu.memref_slice %arg7[%run_scoped3A_22, %dma_start3A, %dma_start3A_33] : memref<2x128x16xf32, #tpu.memory_space<vmem>> -> memref<1x128x16xf32, #tpu.memory_space<vmem>>
      %dma_start3A_35 = tpu.memref_squeeze %dma_start3A_34 : memref<1x128x16xf32, #tpu.memory_space<vmem>> -> memref<128x16xf32, #tpu.memory_space<vmem>>
      %dma_start3A_36 = arith.constant 0 : i32
      %dma_start3A_37 = arith.constant 0 : i32
      %dma_start3A_38 = tpu.memref_slice %dma_start3A_35[%dma_start3A_36, %dma_start3A_37] : memref<128x16xf32, #tpu.memory_space<vmem>> -> memref<120x16xf32, #tpu.memory_space<vmem>>
      %dma_start3A_39 = arith.constant 0 : i32
      %dma_start3A_40 = tpu.memref_slice %arg4[%add3A_21, %dma_start3A_39] : memref<10112x16xf32, #tpu.memory_space<vmem_shared>> -> memref<120x16xf32, #tpu.memory_space<vmem_shared>>
      %dma_start3A_41 = arith.constant 0 : i32
      %dma_start3A_42 = tpu.memref_slice %arg4[%add3A_21, %dma_start3A_41] : memref<10112x16xf32, #tpu.memory_space<vmem_shared>> -> memref<120x16xf32, #tpu.memory_space<vmem_shared>>
      %dma_start3A_43 = arith.constant 0 : i32
      %dma_start3A_44 = arith.constant 0 : i32
      %dma_start3A_45 = tpu.memref_slice %arg7[%run_scoped3A_22, %dma_start3A_43, %dma_start3A_44] : memref<2x128x16xf32, #tpu.memory_space<vmem>> -> memref<1x128x16xf32, #tpu.memory_space<vmem>>
      %dma_start3A_46 = tpu.memref_squeeze %dma_start3A_45 : memref<1x128x16xf32, #tpu.memory_space<vmem>> -> memref<128x16xf32, #tpu.memory_space<vmem>>
      %dma_start3A_47 = arith.constant 0 : i32
      %dma_start3A_48 = arith.constant 0 : i32
      %dma_start3A_49 = tpu.memref_slice %dma_start3A_46[%dma_start3A_47, %dma_start3A_48] : memref<128x16xf32, #tpu.memory_space<vmem>> -> memref<120x16xf32, #tpu.memory_space<vmem>>
      tpu.enqueue_dma source(%dma_start3A_49 : memref<120x16xf32, #tpu.memory_space<vmem>>) target(%dma_start3A_42 : memref<120x16xf32, #tpu.memory_space<vmem_shared>>) target_semaphore(%run_scoped3A_32 : memref<!tpu.dma_semaphore, #tpu.memory_space<semaphore_mem>>)
      %dma_wait3A = arith.constant 0 : i32
      %dma_wait3A_50 = arith.constant 0 : i32
      %dma_wait3A_51 = tpu.memref_slice %arg7[%run_scoped3A_22, %dma_wait3A, %dma_wait3A_50] : memref<2x128x16xf32, #tpu.memory_space<vmem>> -> memref<1x128x16xf32, #tpu.memory_space<vmem>>
      %dma_wait3A_52 = tpu.memref_squeeze %dma_wait3A_51 : memref<1x128x16xf32, #tpu.memory_space<vmem>> -> memref<128x16xf32, #tpu.memory_space<vmem>>
      %dma_wait3A_53 = arith.constant 0 : i32
      %dma_wait3A_54 = arith.constant 0 : i32
      %dma_wait3A_55 = tpu.memref_slice %dma_wait3A_52[%dma_wait3A_53, %dma_wait3A_54] : memref<128x16xf32, #tpu.memory_space<vmem>> -> memref<120x16xf32, #tpu.memory_space<vmem>>
      %dma_wait3A_56 = arith.constant 0 : i32
      %dma_wait3A_57 = tpu.memref_slice %arg4[%add3A_21, %dma_wait3A_56] : memref<10112x16xf32, #tpu.memory_space<vmem_shared>> -> memref<120x16xf32, #tpu.memory_space<vmem_shared>>
      %dma_wait3A_58 = arith.constant 0 : i32
      %dma_wait3A_59 = tpu.memref_slice %arg4[%add3A_21, %dma_wait3A_58] : memref<10112x16xf32, #tpu.memory_space<vmem_shared>> -> memref<120x16xf32, #tpu.memory_space<vmem_shared>>
      %dma_wait3A_60 = arith.constant 0 : i32
      %dma_wait3A_61 = arith.constant 0 : i32
      %dma_wait3A_62 = tpu.memref_slice %arg7[%run_scoped3A_22, %dma_wait3A_60, %dma_wait3A_61] : memref<2x128x16xf32, #tpu.memory_space<vmem>> -> memref<1x128x16xf32, #tpu.memory_space<vmem>>
      %dma_wait3A_63 = tpu.memref_squeeze %dma_wait3A_62 : memref<1x128x16xf32, #tpu.memory_space<vmem>> -> memref<128x16xf32, #tpu.memory_space<vmem>>
      %dma_wait3A_64 = arith.constant 0 : i32
      %dma_wait3A_65 = arith.constant 0 : i32
      %dma_wait3A_66 = tpu.memref_slice %dma_wait3A_63[%dma_wait3A_64, %dma_wait3A_65] : memref<128x16xf32, #tpu.memory_space<vmem>> -> memref<120x16xf32, #tpu.memory_space<vmem>>
      tpu.wait_dma2 semaphore(%run_scoped3A_32 : memref<!tpu.dma_semaphore, #tpu.memory_space<semaphore_mem>>) src(%dma_wait3A_66 : memref<120x16xf32, #tpu.memory_space<vmem>>) dst(%dma_wait3A_59 : memref<120x16xf32, #tpu.memory_space<vmem_shared>>)
      tpu.yield
    }) : () -> ()
    %mul3A_23 = arith.constant 40 : i32
    %mul3A_24 = arith.muli %arg0, %mul3A_23 : i32
    "tpu.region"() ({
      %run_scoped3A_32 = tpu.sem_alloc : memref<!tpu.dma_semaphore, #tpu.memory_space<semaphore_mem>>
      %dma_start3A = arith.constant 0 : i32
      %dma_start3A_33 = tpu.memref_slice %arg2[%arg1, %mul3A_24, %dma_start3A] : memref<16x80x128xi32, #tpu.memory_space<hbm>> -> memref<1x40x128xi32, #tpu.memory_space<hbm>>
      %dma_start3A_34 = tpu.memref_squeeze %dma_start3A_33 : memref<1x40x128xi32, #tpu.memory_space<hbm>> -> memref<40x128xi32, #tpu.memory_space<hbm>>
      %dma_start3A_35 = arith.constant 0 : i32
      %dma_start3A_36 = tpu.memref_slice %arg2[%arg1, %mul3A_24, %dma_start3A_35] : memref<16x80x128xi32, #tpu.memory_space<hbm>> -> memref<1x40x128xi32, #tpu.memory_space<hbm>>
      %dma_start3A_37 = tpu.memref_squeeze %dma_start3A_36 : memref<1x40x128xi32, #tpu.memory_space<hbm>> -> memref<40x128xi32, #tpu.memory_space<hbm>>
      tpu.enqueue_dma source(%dma_start3A_37 : memref<40x128xi32, #tpu.memory_space<hbm>>) target(%arg5 : memref<40x128xi32, #tpu.memory_space<vmem>>) target_semaphore(%run_scoped3A_32 : memref<!tpu.dma_semaphore, #tpu.memory_space<semaphore_mem>>)
      %dma_wait3A = arith.constant 0 : i32
      %dma_wait3A_38 = tpu.memref_slice %arg2[%arg1, %mul3A_24, %dma_wait3A] : memref<16x80x128xi32, #tpu.memory_space<hbm>> -> memref<1x40x128xi32, #tpu.memory_space<hbm>>
      %dma_wait3A_39 = tpu.memref_squeeze %dma_wait3A_38 : memref<1x40x128xi32, #tpu.memory_space<hbm>> -> memref<40x128xi32, #tpu.memory_space<hbm>>
      %dma_wait3A_40 = arith.constant 0 : i32
      %dma_wait3A_41 = tpu.memref_slice %arg2[%arg1, %mul3A_24, %dma_wait3A_40] : memref<16x80x128xi32, #tpu.memory_space<hbm>> -> memref<1x40x128xi32, #tpu.memory_space<hbm>>
      %dma_wait3A_42 = tpu.memref_squeeze %dma_wait3A_41 : memref<1x40x128xi32, #tpu.memory_space<hbm>> -> memref<40x128xi32, #tpu.memory_space<hbm>>
      tpu.wait_dma2 semaphore(%run_scoped3A_32 : memref<!tpu.dma_semaphore, #tpu.memory_space<semaphore_mem>>) src(%dma_wait3A_42 : memref<40x128xi32, #tpu.memory_space<hbm>>) dst(%arg5 : memref<40x128xi32, #tpu.memory_space<vmem>>)
      tpu.yield
    }) : () -> ()
    %barrier3A = arith.constant 0 : index
    tpu.barrier barrier_id(%barrier3A)
    %scan3A_25 = arith.constant 0 : i32
    %scan3A_26 = arith.constant 0 : i32
    %scan3A_27 = arith.constant 40 : i32
    %scan3A_28 = arith.addi %scan3A_26, %scan3A_27 : i32
    %scan3A_29 = arith.constant 1 : i32
    scf.for %scan3A_32 = %scan3A_26 to %scan3A_28 step %scan3A_29  : i32 {
      "tpu.region"() ({
        %run_scoped3A_33 = tpu.sem_alloc : memref<!tpu.dma_semaphore, #tpu.memory_space<semaphore_mem>>
        %dma_start3A = arith.constant 0 : i32
        %dma_start3A_34 = tpu.memref_slice %arg5[%scan3A_32, %dma_start3A] : memref<40x128xi32, #tpu.memory_space<vmem>> -> memref<1x128xi32, #tpu.memory_space<vmem>>
        %dma_start3A_35 = tpu.memref_squeeze %dma_start3A_34 : memref<1x128xi32, #tpu.memory_space<vmem>> -> memref<128xi32, #tpu.memory_space<vmem>>
        %dma_start3A_36 = arith.constant 0 : i32
        %dma_start3A_37 = arith.constant 0 : i32
        %dma_start3A_38 = tpu.memref_slice %arg4[%dma_start3A_36, %dma_start3A_37] : memref<10112x16xf32, #tpu.memory_space<vmem_shared>> -> memref<10112x16xf32, #tpu.memory_space<vmem_shared>>
        tpu.enqueue_indirect_dma source(%arg6 : memref<128x16xf32, #tpu.memory_space<vmem>>) target(%dma_start3A_38 : memref<10112x16xf32, #tpu.memory_space<vmem_shared>>) offsets(%dma_start3A_35 : memref<128xi32, #tpu.memory_space<vmem>>) semaphore(%run_scoped3A_33 : memref<!tpu.dma_semaphore, #tpu.memory_space<semaphore_mem>>) {add = true}
        %dma_wait3A = arith.constant 0 : i32
        %dma_wait3A_39 = tpu.memref_slice %arg5[%scan3A_32, %dma_wait3A] : memref<40x128xi32, #tpu.memory_space<vmem>> -> memref<1x128xi32, #tpu.memory_space<vmem>>
        %dma_wait3A_40 = tpu.memref_squeeze %dma_wait3A_39 : memref<1x128xi32, #tpu.memory_space<vmem>> -> memref<128xi32, #tpu.memory_space<vmem>>
        %dma_wait3A_41 = arith.constant 0 : i32
        %dma_wait3A_42 = arith.constant 0 : i32
        %dma_wait3A_43 = tpu.memref_slice %arg4[%dma_wait3A_41, %dma_wait3A_42] : memref<10112x16xf32, #tpu.memory_space<vmem_shared>> -> memref<10112x16xf32, #tpu.memory_space<vmem_shared>>
        tpu.wait_indirect_dma semaphore(%run_scoped3A_33 : memref<!tpu.dma_semaphore, #tpu.memory_space<semaphore_mem>>) src(%arg6 : memref<128x16xf32, #tpu.memory_space<vmem>>) dst(%dma_wait3A_43 : memref<10112x16xf32, #tpu.memory_space<vmem_shared>>)
        tpu.yield
      }) : () -> ()
    }
    %scan3A_30 = arith.constant 40 : i32
    %barrier3A_31 = arith.constant 0 : index
    tpu.barrier barrier_id(%barrier3A_31)
    "tpu.region"() ({
      %run_scoped3A_32 = tpu.sem_alloc : memref<!tpu.dma_semaphore, #tpu.memory_space<semaphore_mem>>
      %dma_start3A = arith.constant 0 : i32
      %dma_start3A_33 = tpu.memref_slice %arg3[%arg0, %mul3A_9, %dma_start3A] : memref<2x10112x16xf32, #tpu.memory_space<hbm>> -> memref<1x632x16xf32, #tpu.memory_space<hbm>>
      %dma_start3A_34 = tpu.memref_squeeze %dma_start3A_33 : memref<1x632x16xf32, #tpu.memory_space<hbm>> -> memref<632x16xf32, #tpu.memory_space<hbm>>
      %dma_start3A_35 = arith.constant 0 : i32
      %dma_start3A_36 = tpu.memref_slice %arg4[%mul3A_9, %dma_start3A_35] : memref<10112x16xf32, #tpu.memory_space<vmem_shared>> -> memref<632x16xf32, #tpu.memory_space<vmem_shared>>
      tpu.enqueue_dma source(%dma_start3A_36 : memref<632x16xf32, #tpu.memory_space<vmem_shared>>) target(%dma_start3A_34 : memref<632x16xf32, #tpu.memory_space<hbm>>) target_semaphore(%run_scoped3A_32 : memref<!tpu.dma_semaphore, #tpu.memory_space<semaphore_mem>>)
      %dma_wait3A = arith.constant 0 : i32
      %dma_wait3A_37 = tpu.memref_slice %arg3[%arg0, %mul3A_9, %dma_wait3A] : memref<2x10112x16xf32, #tpu.memory_space<hbm>> -> memref<1x632x16xf32, #tpu.memory_space<hbm>>
      %dma_wait3A_38 = tpu.memref_squeeze %dma_wait3A_37 : memref<1x632x16xf32, #tpu.memory_space<hbm>> -> memref<632x16xf32, #tpu.memory_space<hbm>>
      %dma_wait3A_39 = arith.constant 0 : i32
      %dma_wait3A_40 = tpu.memref_slice %arg4[%mul3A_9, %dma_wait3A_39] : memref<10112x16xf32, #tpu.memory_space<vmem_shared>> -> memref<632x16xf32, #tpu.memory_space<vmem_shared>>
      tpu.wait_dma2 semaphore(%run_scoped3A_32 : memref<!tpu.dma_semaphore, #tpu.memory_space<semaphore_mem>>) src(%dma_wait3A_40 : memref<632x16xf32, #tpu.memory_space<vmem_shared>>) dst(%dma_wait3A_38 : memref<632x16xf32, #tpu.memory_space<hbm>>)
      tpu.yield
    }) : () -> ()
    return
  }
}

#map = affine_map<(d0, d1) -> (0, 0)>
#map1 = affine_map<(d0, d1) -> (0, 0, 0, 0)>
#map2 = affine_map<(d0, d1) -> (0, 0, 0)>
module attributes {stable_mosaic.version = 14 : i64} {
  func.func @sc_segsum_w128(%arg0: i32, %arg1: i32, %arg2: memref<20000x128xf32, #tpu.memory_space<hbm>>, %arg3: memref<2x16x80x128xi32, #tpu.memory_space<hbm>>, %arg4: memref<16x80x128xi32, #tpu.memory_space<hbm>>, %arg5: memref<2x10112x128xf32, #tpu.memory_space<hbm>>, %arg6: memref<10112x128xf32, #tpu.memory_space<vmem_shared>>, %arg7: memref<16x128xi32, #tpu.memory_space<vmem>>, %arg8: memref<2x128x128xf32, #tpu.memory_space<vmem>>, %arg9: memref<!tpu.dma_semaphore, #tpu.memory_space<semaphore_mem>>, %arg10: memref<!tpu.dma_semaphore, #tpu.memory_space<semaphore_mem>>, %arg11: memref<16x128xi32, #tpu.memory_space<vmem>>, %arg12: memref<!tpu.dma_semaphore, #tpu.memory_space<semaphore_mem>>, %arg13: memref<!tpu.dma_semaphore, #tpu.memory_space<semaphore_mem>>) attributes {dimension_semantics = [#tpu.dimension_semantics<core_parallel>, #tpu.dimension_semantics<subcore_parallel>], iteration_bounds = array<i64: 2, 16>, scalar_prefetch = 0 : i64, scratch_operands = 8 : i64, tpu.core_type = #tpu.core_type<sc_vector_subcore>, window_params = [{transform_indices = #map}, {transform_indices = #map1}, {transform_indices = #map2}, {transform_indices = #map2}]} {
    %scan3A = arith.constant 0 : i32
    %scan3A_0 = arith.constant 0 : i32
    %scan3A_1 = arith.constant 128 : i32
    %scan3A_2 = arith.addi %scan3A_0, %scan3A_1 : i32
    %scan3A_3 = arith.constant 1 : i32
    scf.for %scan3A_26 = %scan3A_0 to %scan3A_2 step %scan3A_3  : i32 {
      %broadcast_in_dim3A = arith.constant 0.000000e+00 : f32
      %broadcast_in_dim3A_27 = vector.broadcast %broadcast_in_dim3A : f32 to vector<16xf32>
      %swap3A = arith.constant 0 : i32
      %swap3A_28 = arith.index_cast %swap3A : i32 to index
      %swap3A_29 = arith.index_cast %scan3A_26 : i32 to index
      %swap3A_30 = arith.constant 0 : index
      %swap3A_31 = tpu.vector_load %arg8[%swap3A_28, %swap3A_29, %swap3A_30] {strides = array<i32>} : memref<2x128x128xf32, #tpu.memory_space<vmem>>, vector<1x1x16xf32>,
      %swap3A_32 = vector.shape_cast %swap3A_31 : vector<1x1x16xf32> to vector<16xf32>
      %swap3A_33 = vector.shape_cast %broadcast_in_dim3A_27 : vector<16xf32> to vector<1x1x16xf32>
      tpu.vector_store %arg8[%swap3A_28, %swap3A_29, %swap3A_30], %swap3A_33 {strides = array<i32>} : memref<2x128x128xf32, #tpu.memory_space<vmem>>, vector<1x1x16xf32>,
      %broadcast_in_dim3A_34 = arith.constant 0.000000e+00 : f32
      %broadcast_in_dim3A_35 = vector.broadcast %broadcast_in_dim3A_34 : f32 to vector<16xf32>
      %swap3A_36 = arith.constant 0 : i32
      %swap3A_37 = arith.index_cast %swap3A_36 : i32 to index
      %swap3A_38 = arith.index_cast %scan3A_26 : i32 to index
      %swap3A_39 = arith.constant 16 : index
      %swap3A_40 = tpu.vector_load %arg8[%swap3A_37, %swap3A_38, %swap3A_39] {strides = array<i32>} : memref<2x128x128xf32, #tpu.memory_space<vmem>>, vector<1x1x16xf32>,
      %swap3A_41 = vector.shape_cast %swap3A_40 : vector<1x1x16xf32> to vector<16xf32>
      %swap3A_42 = vector.shape_cast %broadcast_in_dim3A_35 : vector<16xf32> to vector<1x1x16xf32>
      tpu.vector_store %arg8[%swap3A_37, %swap3A_38, %swap3A_39], %swap3A_42 {strides = array<i32>} : memref<2x128x128xf32, #tpu.memory_space<vmem>>, vector<1x1x16xf32>,
      %broadcast_in_dim3A_43 = arith.constant 0.000000e+00 : f32
      %broadcast_in_dim3A_44 = vector.broadcast %broadcast_in_dim3A_43 : f32 to vector<16xf32>
      %swap3A_45 = arith.constant 0 : i32
      %swap3A_46 = arith.index_cast %swap3A_45 : i32 to index
      %swap3A_47 = arith.index_cast %scan3A_26 : i32 to index
      %swap3A_48 = arith.constant 32 : index
      %swap3A_49 = tpu.vector_load %arg8[%swap3A_46, %swap3A_47, %swap3A_48] {strides = array<i32>} : memref<2x128x128xf32, #tpu.memory_space<vmem>>, vector<1x1x16xf32>,
      %swap3A_50 = vector.shape_cast %swap3A_49 : vector<1x1x16xf32> to vector<16xf32>
      %swap3A_51 = vector.shape_cast %broadcast_in_dim3A_44 : vector<16xf32> to vector<1x1x16xf32>
      tpu.vector_store %arg8[%swap3A_46, %swap3A_47, %swap3A_48], %swap3A_51 {strides = array<i32>} : memref<2x128x128xf32, #tpu.memory_space<vmem>>, vector<1x1x16xf32>,
      %broadcast_in_dim3A_52 = arith.constant 0.000000e+00 : f32
      %broadcast_in_dim3A_53 = vector.broadcast %broadcast_in_dim3A_52 : f32 to vector<16xf32>
      %swap3A_54 = arith.constant 0 : i32
      %swap3A_55 = arith.index_cast %swap3A_54 : i32 to index
      %swap3A_56 = arith.index_cast %scan3A_26 : i32 to index
      %swap3A_57 = arith.constant 48 : index
      %swap3A_58 = tpu.vector_load %arg8[%swap3A_55, %swap3A_56, %swap3A_57] {strides = array<i32>} : memref<2x128x128xf32, #tpu.memory_space<vmem>>, vector<1x1x16xf32>,
      %swap3A_59 = vector.shape_cast %swap3A_58 : vector<1x1x16xf32> to vector<16xf32>
      %swap3A_60 = vector.shape_cast %broadcast_in_dim3A_53 : vector<16xf32> to vector<1x1x16xf32>
      tpu.vector_store %arg8[%swap3A_55, %swap3A_56, %swap3A_57], %swap3A_60 {strides = array<i32>} : memref<2x128x128xf32, #tpu.memory_space<vmem>>, vector<1x1x16xf32>,
      %broadcast_in_dim3A_61 = arith.constant 0.000000e+00 : f32
      %broadcast_in_dim3A_62 = vector.broadcast %broadcast_in_dim3A_61 : f32 to vector<16xf32>
      %swap3A_63 = arith.constant 0 : i32
      %swap3A_64 = arith.index_cast %swap3A_63 : i32 to index
      %swap3A_65 = arith.index_cast %scan3A_26 : i32 to index
      %swap3A_66 = arith.constant 64 : index
      %swap3A_67 = tpu.vector_load %arg8[%swap3A_64, %swap3A_65, %swap3A_66] {strides = array<i32>} : memref<2x128x128xf32, #tpu.memory_space<vmem>>, vector<1x1x16xf32>,
      %swap3A_68 = vector.shape_cast %swap3A_67 : vector<1x1x16xf32> to vector<16xf32>
      %swap3A_69 = vector.shape_cast %broadcast_in_dim3A_62 : vector<16xf32> to vector<1x1x16xf32>
      tpu.vector_store %arg8[%swap3A_64, %swap3A_65, %swap3A_66], %swap3A_69 {strides = array<i32>} : memref<2x128x128xf32, #tpu.memory_space<vmem>>, vector<1x1x16xf32>,
      %broadcast_in_dim3A_70 = arith.constant 0.000000e+00 : f32
      %broadcast_in_dim3A_71 = vector.broadcast %broadcast_in_dim3A_70 : f32 to vector<16xf32>
      %swap3A_72 = arith.constant 0 : i32
      %swap3A_73 = arith.index_cast %swap3A_72 : i32 to index
      %swap3A_74 = arith.index_cast %scan3A_26 : i32 to index
      %swap3A_75 = arith.constant 80 : index
      %swap3A_76 = tpu.vector_load %arg8[%swap3A_73, %swap3A_74, %swap3A_75] {strides = array<i32>} : memref<2x128x128xf32, #tpu.memory_space<vmem>>, vector<1x1x16xf32>,
      %swap3A_77 = vector.shape_cast %swap3A_76 : vector<1x1x16xf32> to vector<16xf32>
      %swap3A_78 = vector.shape_cast %broadcast_in_dim3A_71 : vector<16xf32> to vector<1x1x16xf32>
      tpu.vector_store %arg8[%swap3A_73, %swap3A_74, %swap3A_75], %swap3A_78 {strides = array<i32>} : memref<2x128x128xf32, #tpu.memory_space<vmem>>, vector<1x1x16xf32>,
      %broadcast_in_dim3A_79 = arith.constant 0.000000e+00 : f32
      %broadcast_in_dim3A_80 = vector.broadcast %broadcast_in_dim3A_79 : f32 to vector<16xf32>
      %swap3A_81 = arith.constant 0 : i32
      %swap3A_82 = arith.index_cast %swap3A_81 : i32 to index
      %swap3A_83 = arith.index_cast %scan3A_26 : i32 to index
      %swap3A_84 = arith.constant 96 : index
      %swap3A_85 = tpu.vector_load %arg8[%swap3A_82, %swap3A_83, %swap3A_84] {strides = array<i32>} : memref<2x128x128xf32, #tpu.memory_space<vmem>>, vector<1x1x16xf32>,
      %swap3A_86 = vector.shape_cast %swap3A_85 : vector<1x1x16xf32> to vector<16xf32>
      %swap3A_87 = vector.shape_cast %broadcast_in_dim3A_80 : vector<16xf32> to vector<1x1x16xf32>
      tpu.vector_store %arg8[%swap3A_82, %swap3A_83, %swap3A_84], %swap3A_87 {strides = array<i32>} : memref<2x128x128xf32, #tpu.memory_space<vmem>>, vector<1x1x16xf32>,
      %broadcast_in_dim3A_88 = arith.constant 0.000000e+00 : f32
      %broadcast_in_dim3A_89 = vector.broadcast %broadcast_in_dim3A_88 : f32 to vector<16xf32>
      %swap3A_90 = arith.constant 0 : i32
      %swap3A_91 = arith.index_cast %swap3A_90 : i32 to index
      %swap3A_92 = arith.index_cast %scan3A_26 : i32 to index
      %swap3A_93 = arith.constant 112 : index
      %swap3A_94 = tpu.vector_load %arg8[%swap3A_91, %swap3A_92, %swap3A_93] {strides = array<i32>} : memref<2x128x128xf32, #tpu.memory_space<vmem>>, vector<1x1x16xf32>,
      %swap3A_95 = vector.shape_cast %swap3A_94 : vector<1x1x16xf32> to vector<16xf32>
      %swap3A_96 = vector.shape_cast %broadcast_in_dim3A_89 : vector<16xf32> to vector<1x1x16xf32>
      tpu.vector_store %arg8[%swap3A_91, %swap3A_92, %swap3A_93], %swap3A_96 {strides = array<i32>} : memref<2x128x128xf32, #tpu.memory_space<vmem>>, vector<1x1x16xf32>,
    }
    %scan3A_4 = arith.constant 128 : i32
    %mul3A = arith.constant 632 : i32
    %mul3A_5 = arith.muli %arg1, %mul3A : i32
    %add3A = arith.constant 0 : i32
    %add3A_6 = arith.addi %mul3A_5, %add3A : i32
    %run_scoped3A = arith.constant 0 : i32
    "tpu.region"() ({
      %run_scoped3A_26 = tpu.sem_alloc : memref<!tpu.dma_semaphore, #tpu.memory_space<semaphore_mem>>
      %dma_start3A = arith.constant 0 : i32
      %dma_start3A_27 = arith.constant 0 : i32
      %dma_start3A_28 = tpu.memref_slice %arg8[%run_scoped3A, %dma_start3A, %dma_start3A_27] : memref<2x128x128xf32, #tpu.memory_space<vmem>> -> memref<1x128x128xf32, #tpu.memory_space<vmem>>
      %dma_start3A_29 = tpu.memref_squeeze %dma_start3A_28 : memref<1x128x128xf32, #tpu.memory_space<vmem>> -> memref<128x128xf32, #tpu.memory_space<vmem>>
      %dma_start3A_30 = arith.constant 0 : i32
      %dma_start3A_31 = arith.constant 0 : i32
      %dma_start3A_32 = tpu.memref_slice %dma_start3A_29[%dma_start3A_30, %dma_start3A_31] : memref<128x128xf32, #tpu.memory_space<vmem>> -> memref<128x128xf32, #tpu.memory_space<vmem>>
      %dma_start3A_33 = arith.constant 0 : i32
      %dma_start3A_34 = tpu.memref_slice %arg6[%add3A_6, %dma_start3A_33] : memref<10112x128xf32, #tpu.memory_space<vmem_shared>> -> memref<128x128xf32, #tpu.memory_space<vmem_shared>>
      %dma_start3A_35 = arith.constant 0 : i32
      %dma_start3A_36 = tpu.memref_slice %arg6[%add3A_6, %dma_start3A_35] : memref<10112x128xf32, #tpu.memory_space<vmem_shared>> -> memref<128x128xf32, #tpu.memory_space<vmem_shared>>
      %dma_start3A_37 = arith.constant 0 : i32
      %dma_start3A_38 = arith.constant 0 : i32
      %dma_start3A_39 = tpu.memref_slice %arg8[%run_scoped3A, %dma_start3A_37, %dma_start3A_38] : memref<2x128x128xf32, #tpu.memory_space<vmem>> -> memref<1x128x128xf32, #tpu.memory_space<vmem>>
      %dma_start3A_40 = tpu.memref_squeeze %dma_start3A_39 : memref<1x128x128xf32, #tpu.memory_space<vmem>> -> memref<128x128xf32, #tpu.memory_space<vmem>>
      %dma_start3A_41 = arith.constant 0 : i32
      %dma_start3A_42 = arith.constant 0 : i32
      %dma_start3A_43 = tpu.memref_slice %dma_start3A_40[%dma_start3A_41, %dma_start3A_42] : memref<128x128xf32, #tpu.memory_space<vmem>> -> memref<128x128xf32, #tpu.memory_space<vmem>>
      tpu.enqueue_dma source(%dma_start3A_43 : memref<128x128xf32, #tpu.memory_space<vmem>>) target(%dma_start3A_36 : memref<128x128xf32, #tpu.memory_space<vmem_shared>>) target_semaphore(%run_scoped3A_26 : memref<!tpu.dma_semaphore, #tpu.memory_space<semaphore_mem>>)
      %dma_wait3A = arith.constant 0 : i32
      %dma_wait3A_44 = arith.constant 0 : i32
      %dma_wait3A_45 = tpu.memref_slice %arg8[%run_scoped3A, %dma_wait3A, %dma_wait3A_44] : memref<2x128x128xf32, #tpu.memory_space<vmem>> -> memref<1x128x128xf32, #tpu.memory_space<vmem>>
      %dma_wait3A_46 = tpu.memref_squeeze %dma_wait3A_45 : memref<1x128x128xf32, #tpu.memory_space<vmem>> -> memref<128x128xf32, #tpu.memory_space<vmem>>
      %dma_wait3A_47 = arith.constant 0 : i32
      %dma_wait3A_48 = arith.constant 0 : i32
      %dma_wait3A_49 = tpu.memref_slice %dma_wait3A_46[%dma_wait3A_47, %dma_wait3A_48] : memref<128x128xf32, #tpu.memory_space<vmem>> -> memref<128x128xf32, #tpu.memory_space<vmem>>
      %dma_wait3A_50 = arith.constant 0 : i32
      %dma_wait3A_51 = tpu.memref_slice %arg6[%add3A_6, %dma_wait3A_50] : memref<10112x128xf32, #tpu.memory_space<vmem_shared>> -> memref<128x128xf32, #tpu.memory_space<vmem_shared>>
      %dma_wait3A_52 = arith.constant 0 : i32
      %dma_wait3A_53 = tpu.memref_slice %arg6[%add3A_6, %dma_wait3A_52] : memref<10112x128xf32, #tpu.memory_space<vmem_shared>> -> memref<128x128xf32, #tpu.memory_space<vmem_shared>>
      %dma_wait3A_54 = arith.constant 0 : i32
      %dma_wait3A_55 = arith.constant 0 : i32
      %dma_wait3A_56 = tpu.memref_slice %arg8[%run_scoped3A, %dma_wait3A_54, %dma_wait3A_55] : memref<2x128x128xf32, #tpu.memory_space<vmem>> -> memref<1x128x128xf32, #tpu.memory_space<vmem>>
      %dma_wait3A_57 = tpu.memref_squeeze %dma_wait3A_56 : memref<1x128x128xf32, #tpu.memory_space<vmem>> -> memref<128x128xf32, #tpu.memory_space<vmem>>
      %dma_wait3A_58 = arith.constant 0 : i32
      %dma_wait3A_59 = arith.constant 0 : i32
      %dma_wait3A_60 = tpu.memref_slice %dma_wait3A_57[%dma_wait3A_58, %dma_wait3A_59] : memref<128x128xf32, #tpu.memory_space<vmem>> -> memref<128x128xf32, #tpu.memory_space<vmem>>
      tpu.wait_dma2 semaphore(%run_scoped3A_26 : memref<!tpu.dma_semaphore, #tpu.memory_space<semaphore_mem>>) src(%dma_wait3A_60 : memref<128x128xf32, #tpu.memory_space<vmem>>) dst(%dma_wait3A_53 : memref<128x128xf32, #tpu.memory_space<vmem_shared>>)
      tpu.yield
    }) : () -> ()
    %add3A_7 = arith.constant 128 : i32
    %add3A_8 = arith.addi %mul3A_5, %add3A_7 : i32
    %run_scoped3A_9 = arith.constant 0 : i32
    "tpu.region"() ({
      %run_scoped3A_26 = tpu.sem_alloc : memref<!tpu.dma_semaphore, #tpu.memory_space<semaphore_mem>>
      %dma_start3A = arith.constant 0 : i32
      %dma_start3A_27 = arith.constant 0 : i32
      %dma_start3A_28 = tpu.memref_slice %arg8[%run_scoped3A_9, %dma_start3A, %dma_start3A_27] : memref<2x128x128xf32, #tpu.memory_space<vmem>> -> memref<1x128x128xf32, #tpu.memory_space<vmem>>
      %dma_start3A_29 = tpu.memref_squeeze %dma_start3A_28 : memref<1x128x128xf32, #tpu.memory_space<vmem>> -> memref<128x128xf32, #tpu.memory_space<vmem>>
      %dma_start3A_30 = arith.constant 0 : i32
      %dma_start3A_31 = arith.constant 0 : i32
      %dma_start3A_32 = tpu.memref_slice %dma_start3A_29[%dma_start3A_30, %dma_start3A_31] : memref<128x128xf32, #tpu.memory_space<vmem>> -> memref<128x128xf32, #tpu.memory_space<vmem>>
      %dma_start3A_33 = arith.constant 0 : i32
      %dma_start3A_34 = tpu.memref_slice %arg6[%add3A_8, %dma_start3A_33] : memref<10112x128xf32, #tpu.memory_space<vmem_shared>> -> memref<128x128xf32, #tpu.memory_space<vmem_shared>>
      %dma_start3A_35 = arith.constant 0 : i32
      %dma_start3A_36 = tpu.memref_slice %arg6[%add3A_8, %dma_start3A_35] : memref<10112x128xf32, #tpu.memory_space<vmem_shared>> -> memref<128x128xf32, #tpu.memory_space<vmem_shared>>
      %dma_start3A_37 = arith.constant 0 : i32
      %dma_start3A_38 = arith.constant 0 : i32
      %dma_start3A_39 = tpu.memref_slice %arg8[%run_scoped3A_9, %dma_start3A_37, %dma_start3A_38] : memref<2x128x128xf32, #tpu.memory_space<vmem>> -> memref<1x128x128xf32, #tpu.memory_space<vmem>>
      %dma_start3A_40 = tpu.memref_squeeze %dma_start3A_39 : memref<1x128x128xf32, #tpu.memory_space<vmem>> -> memref<128x128xf32, #tpu.memory_space<vmem>>
      %dma_start3A_41 = arith.constant 0 : i32
      %dma_start3A_42 = arith.constant 0 : i32
      %dma_start3A_43 = tpu.memref_slice %dma_start3A_40[%dma_start3A_41, %dma_start3A_42] : memref<128x128xf32, #tpu.memory_space<vmem>> -> memref<128x128xf32, #tpu.memory_space<vmem>>
      tpu.enqueue_dma source(%dma_start3A_43 : memref<128x128xf32, #tpu.memory_space<vmem>>) target(%dma_start3A_36 : memref<128x128xf32, #tpu.memory_space<vmem_shared>>) target_semaphore(%run_scoped3A_26 : memref<!tpu.dma_semaphore, #tpu.memory_space<semaphore_mem>>)
      %dma_wait3A = arith.constant 0 : i32
      %dma_wait3A_44 = arith.constant 0 : i32
      %dma_wait3A_45 = tpu.memref_slice %arg8[%run_scoped3A_9, %dma_wait3A, %dma_wait3A_44] : memref<2x128x128xf32, #tpu.memory_space<vmem>> -> memref<1x128x128xf32, #tpu.memory_space<vmem>>
      %dma_wait3A_46 = tpu.memref_squeeze %dma_wait3A_45 : memref<1x128x128xf32, #tpu.memory_space<vmem>> -> memref<128x128xf32, #tpu.memory_space<vmem>>
      %dma_wait3A_47 = arith.constant 0 : i32
      %dma_wait3A_48 = arith.constant 0 : i32
      %dma_wait3A_49 = tpu.memref_slice %dma_wait3A_46[%dma_wait3A_47, %dma_wait3A_48] : memref<128x128xf32, #tpu.memory_space<vmem>> -> memref<128x128xf32, #tpu.memory_space<vmem>>
      %dma_wait3A_50 = arith.constant 0 : i32
      %dma_wait3A_51 = tpu.memref_slice %arg6[%add3A_8, %dma_wait3A_50] : memref<10112x128xf32, #tpu.memory_space<vmem_shared>> -> memref<128x128xf32, #tpu.memory_space<vmem_shared>>
      %dma_wait3A_52 = arith.constant 0 : i32
      %dma_wait3A_53 = tpu.memref_slice %arg6[%add3A_8, %dma_wait3A_52] : memref<10112x128xf32, #tpu.memory_space<vmem_shared>> -> memref<128x128xf32, #tpu.memory_space<vmem_shared>>
      %dma_wait3A_54 = arith.constant 0 : i32
      %dma_wait3A_55 = arith.constant 0 : i32
      %dma_wait3A_56 = tpu.memref_slice %arg8[%run_scoped3A_9, %dma_wait3A_54, %dma_wait3A_55] : memref<2x128x128xf32, #tpu.memory_space<vmem>> -> memref<1x128x128xf32, #tpu.memory_space<vmem>>
      %dma_wait3A_57 = tpu.memref_squeeze %dma_wait3A_56 : memref<1x128x128xf32, #tpu.memory_space<vmem>> -> memref<128x128xf32, #tpu.memory_space<vmem>>
      %dma_wait3A_58 = arith.constant 0 : i32
      %dma_wait3A_59 = arith.constant 0 : i32
      %dma_wait3A_60 = tpu.memref_slice %dma_wait3A_57[%dma_wait3A_58, %dma_wait3A_59] : memref<128x128xf32, #tpu.memory_space<vmem>> -> memref<128x128xf32, #tpu.memory_space<vmem>>
      tpu.wait_dma2 semaphore(%run_scoped3A_26 : memref<!tpu.dma_semaphore, #tpu.memory_space<semaphore_mem>>) src(%dma_wait3A_60 : memref<128x128xf32, #tpu.memory_space<vmem>>) dst(%dma_wait3A_53 : memref<128x128xf32, #tpu.memory_space<vmem_shared>>)
      tpu.yield
    }) : () -> ()
    %add3A_10 = arith.constant 256 : i32
    %add3A_11 = arith.addi %mul3A_5, %add3A_10 : i32
    %run_scoped3A_12 = arith.constant 0 : i32
    "tpu.region"() ({
      %run_scoped3A_26 = tpu.sem_alloc : memref<!tpu.dma_semaphore, #tpu.memory_space<semaphore_mem>>
      %dma_start3A = arith.constant 0 : i32
      %dma_start3A_27 = arith.constant 0 : i32
      %dma_start3A_28 = tpu.memref_slice %arg8[%run_scoped3A_12, %dma_start3A, %dma_start3A_27] : memref<2x128x128xf32, #tpu.memory_space<vmem>> -> memref<1x128x128xf32, #tpu.memory_space<vmem>>
      %dma_start3A_29 = tpu.memref_squeeze %dma_start3A_28 : memref<1x128x128xf32, #tpu.memory_space<vmem>> -> memref<128x128xf32, #tpu.memory_space<vmem>>
      %dma_start3A_30 = arith.constant 0 : i32
      %dma_start3A_31 = arith.constant 0 : i32
      %dma_start3A_32 = tpu.memref_slice %dma_start3A_29[%dma_start3A_30, %dma_start3A_31] : memref<128x128xf32, #tpu.memory_space<vmem>> -> memref<128x128xf32, #tpu.memory_space<vmem>>
      %dma_start3A_33 = arith.constant 0 : i32
      %dma_start3A_34 = tpu.memref_slice %arg6[%add3A_11, %dma_start3A_33] : memref<10112x128xf32, #tpu.memory_space<vmem_shared>> -> memref<128x128xf32, #tpu.memory_space<vmem_shared>>
      %dma_start3A_35 = arith.constant 0 : i32
      %dma_start3A_36 = tpu.memref_slice %arg6[%add3A_11, %dma_start3A_35] : memref<10112x128xf32, #tpu.memory_space<vmem_shared>> -> memref<128x128xf32, #tpu.memory_space<vmem_shared>>
      %dma_start3A_37 = arith.constant 0 : i32
      %dma_start3A_38 = arith.constant 0 : i32
      %dma_start3A_39 = tpu.memref_slice %arg8[%run_scoped3A_12, %dma_start3A_37, %dma_start3A_38] : memref<2x128x128xf32, #tpu.memory_space<vmem>> -> memref<1x128x128xf32, #tpu.memory_space<vmem>>
      %dma_start3A_40 = tpu.memref_squeeze %dma_start3A_39 : memref<1x128x128xf32, #tpu.memory_space<vmem>> -> memref<128x128xf32, #tpu.memory_space<vmem>>
      %dma_start3A_41 = arith.constant 0 : i32
      %dma_start3A_42 = arith.constant 0 : i32
      %dma_start3A_43 = tpu.memref_slice %dma_start3A_40[%dma_start3A_41, %dma_start3A_42] : memref<128x128xf32, #tpu.memory_space<vmem>> -> memref<128x128xf32, #tpu.memory_space<vmem>>
      tpu.enqueue_dma source(%dma_start3A_43 : memref<128x128xf32, #tpu.memory_space<vmem>>) target(%dma_start3A_36 : memref<128x128xf32, #tpu.memory_space<vmem_shared>>) target_semaphore(%run_scoped3A_26 : memref<!tpu.dma_semaphore, #tpu.memory_space<semaphore_mem>>)
      %dma_wait3A = arith.constant 0 : i32
      %dma_wait3A_44 = arith.constant 0 : i32
      %dma_wait3A_45 = tpu.memref_slice %arg8[%run_scoped3A_12, %dma_wait3A, %dma_wait3A_44] : memref<2x128x128xf32, #tpu.memory_space<vmem>> -> memref<1x128x128xf32, #tpu.memory_space<vmem>>
      %dma_wait3A_46 = tpu.memref_squeeze %dma_wait3A_45 : memref<1x128x128xf32, #tpu.memory_space<vmem>> -> memref<128x128xf32, #tpu.memory_space<vmem>>
      %dma_wait3A_47 = arith.constant 0 : i32
      %dma_wait3A_48 = arith.constant 0 : i32
      %dma_wait3A_49 = tpu.memref_slice %dma_wait3A_46[%dma_wait3A_47, %dma_wait3A_48] : memref<128x128xf32, #tpu.memory_space<vmem>> -> memref<128x128xf32, #tpu.memory_space<vmem>>
      %dma_wait3A_50 = arith.constant 0 : i32
      %dma_wait3A_51 = tpu.memref_slice %arg6[%add3A_11, %dma_wait3A_50] : memref<10112x128xf32, #tpu.memory_space<vmem_shared>> -> memref<128x128xf32, #tpu.memory_space<vmem_shared>>
      %dma_wait3A_52 = arith.constant 0 : i32
      %dma_wait3A_53 = tpu.memref_slice %arg6[%add3A_11, %dma_wait3A_52] : memref<10112x128xf32, #tpu.memory_space<vmem_shared>> -> memref<128x128xf32, #tpu.memory_space<vmem_shared>>
      %dma_wait3A_54 = arith.constant 0 : i32
      %dma_wait3A_55 = arith.constant 0 : i32
      %dma_wait3A_56 = tpu.memref_slice %arg8[%run_scoped3A_12, %dma_wait3A_54, %dma_wait3A_55] : memref<2x128x128xf32, #tpu.memory_space<vmem>> -> memref<1x128x128xf32, #tpu.memory_space<vmem>>
      %dma_wait3A_57 = tpu.memref_squeeze %dma_wait3A_56 : memref<1x128x128xf32, #tpu.memory_space<vmem>> -> memref<128x128xf32, #tpu.memory_space<vmem>>
      %dma_wait3A_58 = arith.constant 0 : i32
      %dma_wait3A_59 = arith.constant 0 : i32
      %dma_wait3A_60 = tpu.memref_slice %dma_wait3A_57[%dma_wait3A_58, %dma_wait3A_59] : memref<128x128xf32, #tpu.memory_space<vmem>> -> memref<128x128xf32, #tpu.memory_space<vmem>>
      tpu.wait_dma2 semaphore(%run_scoped3A_26 : memref<!tpu.dma_semaphore, #tpu.memory_space<semaphore_mem>>) src(%dma_wait3A_60 : memref<128x128xf32, #tpu.memory_space<vmem>>) dst(%dma_wait3A_53 : memref<128x128xf32, #tpu.memory_space<vmem_shared>>)
      tpu.yield
    }) : () -> ()
    %add3A_13 = arith.constant 384 : i32
    %add3A_14 = arith.addi %mul3A_5, %add3A_13 : i32
    %run_scoped3A_15 = arith.constant 0 : i32
    "tpu.region"() ({
      %run_scoped3A_26 = tpu.sem_alloc : memref<!tpu.dma_semaphore, #tpu.memory_space<semaphore_mem>>
      %dma_start3A = arith.constant 0 : i32
      %dma_start3A_27 = arith.constant 0 : i32
      %dma_start3A_28 = tpu.memref_slice %arg8[%run_scoped3A_15, %dma_start3A, %dma_start3A_27] : memref<2x128x128xf32, #tpu.memory_space<vmem>> -> memref<1x128x128xf32, #tpu.memory_space<vmem>>
      %dma_start3A_29 = tpu.memref_squeeze %dma_start3A_28 : memref<1x128x128xf32, #tpu.memory_space<vmem>> -> memref<128x128xf32, #tpu.memory_space<vmem>>
      %dma_start3A_30 = arith.constant 0 : i32
      %dma_start3A_31 = arith.constant 0 : i32
      %dma_start3A_32 = tpu.memref_slice %dma_start3A_29[%dma_start3A_30, %dma_start3A_31] : memref<128x128xf32, #tpu.memory_space<vmem>> -> memref<128x128xf32, #tpu.memory_space<vmem>>
      %dma_start3A_33 = arith.constant 0 : i32
      %dma_start3A_34 = tpu.memref_slice %arg6[%add3A_14, %dma_start3A_33] : memref<10112x128xf32, #tpu.memory_space<vmem_shared>> -> memref<128x128xf32, #tpu.memory_space<vmem_shared>>
      %dma_start3A_35 = arith.constant 0 : i32
      %dma_start3A_36 = tpu.memref_slice %arg6[%add3A_14, %dma_start3A_35] : memref<10112x128xf32, #tpu.memory_space<vmem_shared>> -> memref<128x128xf32, #tpu.memory_space<vmem_shared>>
      %dma_start3A_37 = arith.constant 0 : i32
      %dma_start3A_38 = arith.constant 0 : i32
      %dma_start3A_39 = tpu.memref_slice %arg8[%run_scoped3A_15, %dma_start3A_37, %dma_start3A_38] : memref<2x128x128xf32, #tpu.memory_space<vmem>> -> memref<1x128x128xf32, #tpu.memory_space<vmem>>
      %dma_start3A_40 = tpu.memref_squeeze %dma_start3A_39 : memref<1x128x128xf32, #tpu.memory_space<vmem>> -> memref<128x128xf32, #tpu.memory_space<vmem>>
      %dma_start3A_41 = arith.constant 0 : i32
      %dma_start3A_42 = arith.constant 0 : i32
      %dma_start3A_43 = tpu.memref_slice %dma_start3A_40[%dma_start3A_41, %dma_start3A_42] : memref<128x128xf32, #tpu.memory_space<vmem>> -> memref<128x128xf32, #tpu.memory_space<vmem>>
      tpu.enqueue_dma source(%dma_start3A_43 : memref<128x128xf32, #tpu.memory_space<vmem>>) target(%dma_start3A_36 : memref<128x128xf32, #tpu.memory_space<vmem_shared>>) target_semaphore(%run_scoped3A_26 : memref<!tpu.dma_semaphore, #tpu.memory_space<semaphore_mem>>)
      %dma_wait3A = arith.constant 0 : i32
      %dma_wait3A_44 = arith.constant 0 : i32
      %dma_wait3A_45 = tpu.memref_slice %arg8[%run_scoped3A_15, %dma_wait3A, %dma_wait3A_44] : memref<2x128x128xf32, #tpu.memory_space<vmem>> -> memref<1x128x128xf32, #tpu.memory_space<vmem>>
      %dma_wait3A_46 = tpu.memref_squeeze %dma_wait3A_45 : memref<1x128x128xf32, #tpu.memory_space<vmem>> -> memref<128x128xf32, #tpu.memory_space<vmem>>
      %dma_wait3A_47 = arith.constant 0 : i32
      %dma_wait3A_48 = arith.constant 0 : i32
      %dma_wait3A_49 = tpu.memref_slice %dma_wait3A_46[%dma_wait3A_47, %dma_wait3A_48] : memref<128x128xf32, #tpu.memory_space<vmem>> -> memref<128x128xf32, #tpu.memory_space<vmem>>
      %dma_wait3A_50 = arith.constant 0 : i32
      %dma_wait3A_51 = tpu.memref_slice %arg6[%add3A_14, %dma_wait3A_50] : memref<10112x128xf32, #tpu.memory_space<vmem_shared>> -> memref<128x128xf32, #tpu.memory_space<vmem_shared>>
      %dma_wait3A_52 = arith.constant 0 : i32
      %dma_wait3A_53 = tpu.memref_slice %arg6[%add3A_14, %dma_wait3A_52] : memref<10112x128xf32, #tpu.memory_space<vmem_shared>> -> memref<128x128xf32, #tpu.memory_space<vmem_shared>>
      %dma_wait3A_54 = arith.constant 0 : i32
      %dma_wait3A_55 = arith.constant 0 : i32
      %dma_wait3A_56 = tpu.memref_slice %arg8[%run_scoped3A_15, %dma_wait3A_54, %dma_wait3A_55] : memref<2x128x128xf32, #tpu.memory_space<vmem>> -> memref<1x128x128xf32, #tpu.memory_space<vmem>>
      %dma_wait3A_57 = tpu.memref_squeeze %dma_wait3A_56 : memref<1x128x128xf32, #tpu.memory_space<vmem>> -> memref<128x128xf32, #tpu.memory_space<vmem>>
      %dma_wait3A_58 = arith.constant 0 : i32
      %dma_wait3A_59 = arith.constant 0 : i32
      %dma_wait3A_60 = tpu.memref_slice %dma_wait3A_57[%dma_wait3A_58, %dma_wait3A_59] : memref<128x128xf32, #tpu.memory_space<vmem>> -> memref<128x128xf32, #tpu.memory_space<vmem>>
      tpu.wait_dma2 semaphore(%run_scoped3A_26 : memref<!tpu.dma_semaphore, #tpu.memory_space<semaphore_mem>>) src(%dma_wait3A_60 : memref<128x128xf32, #tpu.memory_space<vmem>>) dst(%dma_wait3A_53 : memref<128x128xf32, #tpu.memory_space<vmem_shared>>)
      tpu.yield
    }) : () -> ()
    %add3A_16 = arith.constant 512 : i32
    %add3A_17 = arith.addi %mul3A_5, %add3A_16 : i32
    %run_scoped3A_18 = arith.constant 0 : i32
    "tpu.region"() ({
      %run_scoped3A_26 = tpu.sem_alloc : memref<!tpu.dma_semaphore, #tpu.memory_space<semaphore_mem>>
      %dma_start3A = arith.constant 0 : i32
      %dma_start3A_27 = arith.constant 0 : i32
      %dma_start3A_28 = tpu.memref_slice %arg8[%run_scoped3A_18, %dma_start3A, %dma_start3A_27] : memref<2x128x128xf32, #tpu.memory_space<vmem>> -> memref<1x128x128xf32, #tpu.memory_space<vmem>>
      %dma_start3A_29 = tpu.memref_squeeze %dma_start3A_28 : memref<1x128x128xf32, #tpu.memory_space<vmem>> -> memref<128x128xf32, #tpu.memory_space<vmem>>
      %dma_start3A_30 = arith.constant 0 : i32
      %dma_start3A_31 = arith.constant 0 : i32
      %dma_start3A_32 = tpu.memref_slice %dma_start3A_29[%dma_start3A_30, %dma_start3A_31] : memref<128x128xf32, #tpu.memory_space<vmem>> -> memref<120x128xf32, #tpu.memory_space<vmem>>
      %dma_start3A_33 = arith.constant 0 : i32
      %dma_start3A_34 = tpu.memref_slice %arg6[%add3A_17, %dma_start3A_33] : memref<10112x128xf32, #tpu.memory_space<vmem_shared>> -> memref<120x128xf32, #tpu.memory_space<vmem_shared>>
      %dma_start3A_35 = arith.constant 0 : i32
      %dma_start3A_36 = tpu.memref_slice %arg6[%add3A_17, %dma_start3A_35] : memref<10112x128xf32, #tpu.memory_space<vmem_shared>> -> memref<120x128xf32, #tpu.memory_space<vmem_shared>>
      %dma_start3A_37 = arith.constant 0 : i32
      %dma_start3A_38 = arith.constant 0 : i32
      %dma_start3A_39 = tpu.memref_slice %arg8[%run_scoped3A_18, %dma_start3A_37, %dma_start3A_38] : memref<2x128x128xf32, #tpu.memory_space<vmem>> -> memref<1x128x128xf32, #tpu.memory_space<vmem>>
      %dma_start3A_40 = tpu.memref_squeeze %dma_start3A_39 : memref<1x128x128xf32, #tpu.memory_space<vmem>> -> memref<128x128xf32, #tpu.memory_space<vmem>>
      %dma_start3A_41 = arith.constant 0 : i32
      %dma_start3A_42 = arith.constant 0 : i32
      %dma_start3A_43 = tpu.memref_slice %dma_start3A_40[%dma_start3A_41, %dma_start3A_42] : memref<128x128xf32, #tpu.memory_space<vmem>> -> memref<120x128xf32, #tpu.memory_space<vmem>>
      tpu.enqueue_dma source(%dma_start3A_43 : memref<120x128xf32, #tpu.memory_space<vmem>>) target(%dma_start3A_36 : memref<120x128xf32, #tpu.memory_space<vmem_shared>>) target_semaphore(%run_scoped3A_26 : memref<!tpu.dma_semaphore, #tpu.memory_space<semaphore_mem>>)
      %dma_wait3A = arith.constant 0 : i32
      %dma_wait3A_44 = arith.constant 0 : i32
      %dma_wait3A_45 = tpu.memref_slice %arg8[%run_scoped3A_18, %dma_wait3A, %dma_wait3A_44] : memref<2x128x128xf32, #tpu.memory_space<vmem>> -> memref<1x128x128xf32, #tpu.memory_space<vmem>>
      %dma_wait3A_46 = tpu.memref_squeeze %dma_wait3A_45 : memref<1x128x128xf32, #tpu.memory_space<vmem>> -> memref<128x128xf32, #tpu.memory_space<vmem>>
      %dma_wait3A_47 = arith.constant 0 : i32
      %dma_wait3A_48 = arith.constant 0 : i32
      %dma_wait3A_49 = tpu.memref_slice %dma_wait3A_46[%dma_wait3A_47, %dma_wait3A_48] : memref<128x128xf32, #tpu.memory_space<vmem>> -> memref<120x128xf32, #tpu.memory_space<vmem>>
      %dma_wait3A_50 = arith.constant 0 : i32
      %dma_wait3A_51 = tpu.memref_slice %arg6[%add3A_17, %dma_wait3A_50] : memref<10112x128xf32, #tpu.memory_space<vmem_shared>> -> memref<120x128xf32, #tpu.memory_space<vmem_shared>>
      %dma_wait3A_52 = arith.constant 0 : i32
      %dma_wait3A_53 = tpu.memref_slice %arg6[%add3A_17, %dma_wait3A_52] : memref<10112x128xf32, #tpu.memory_space<vmem_shared>> -> memref<120x128xf32, #tpu.memory_space<vmem_shared>>
      %dma_wait3A_54 = arith.constant 0 : i32
      %dma_wait3A_55 = arith.constant 0 : i32
      %dma_wait3A_56 = tpu.memref_slice %arg8[%run_scoped3A_18, %dma_wait3A_54, %dma_wait3A_55] : memref<2x128x128xf32, #tpu.memory_space<vmem>> -> memref<1x128x128xf32, #tpu.memory_space<vmem>>
      %dma_wait3A_57 = tpu.memref_squeeze %dma_wait3A_56 : memref<1x128x128xf32, #tpu.memory_space<vmem>> -> memref<128x128xf32, #tpu.memory_space<vmem>>
      %dma_wait3A_58 = arith.constant 0 : i32
      %dma_wait3A_59 = arith.constant 0 : i32
      %dma_wait3A_60 = tpu.memref_slice %dma_wait3A_57[%dma_wait3A_58, %dma_wait3A_59] : memref<128x128xf32, #tpu.memory_space<vmem>> -> memref<120x128xf32, #tpu.memory_space<vmem>>
      tpu.wait_dma2 semaphore(%run_scoped3A_26 : memref<!tpu.dma_semaphore, #tpu.memory_space<semaphore_mem>>) src(%dma_wait3A_60 : memref<120x128xf32, #tpu.memory_space<vmem>>) dst(%dma_wait3A_53 : memref<120x128xf32, #tpu.memory_space<vmem_shared>>)
      tpu.yield
    }) : () -> ()
    %barrier3A = arith.constant 0 : index
    tpu.barrier barrier_id(%barrier3A)
    %scan3A_19 = arith.constant 0 : i32
    %scan3A_20 = arith.constant 0 : i32
    %scan3A_21 = arith.constant 5 : i32
    %scan3A_22 = arith.addi %scan3A_20, %scan3A_21 : i32
    %scan3A_23 = arith.constant 1 : i32
    scf.for %scan3A_26 = %scan3A_20 to %scan3A_22 step %scan3A_23  : i32 {
      %mul3A_27 = arith.constant 16 : i32
      %mul3A_28 = arith.muli %scan3A_26, %mul3A_27 : i32
      "tpu.region"() ({
        %run_scoped3A_60 = tpu.sem_alloc : memref<!tpu.dma_semaphore, #tpu.memory_space<semaphore_mem>>
        %dma_start3A_61 = arith.constant 0 : i32
        %dma_start3A_62 = tpu.memref_slice %arg3[%arg0, %arg1, %mul3A_28, %dma_start3A_61] : memref<2x16x80x128xi32, #tpu.memory_space<hbm>> -> memref<1x1x16x128xi32, #tpu.memory_space<hbm>>
        %dma_start3A_63 = tpu.memref_squeeze %dma_start3A_62 : memref<1x1x16x128xi32, #tpu.memory_space<hbm>> -> memref<16x128xi32, #tpu.memory_space<hbm>>
        %dma_start3A_64 = arith.constant 0 : i32
        %dma_start3A_65 = tpu.memref_slice %arg3[%arg0, %arg1, %mul3A_28, %dma_start3A_64] : memref<2x16x80x128xi32, #tpu.memory_space<hbm>> -> memref<1x1x16x128xi32, #tpu.memory_space<hbm>>
        %dma_start3A_66 = tpu.memref_squeeze %dma_start3A_65 : memref<1x1x16x128xi32, #tpu.memory_space<hbm>> -> memref<16x128xi32, #tpu.memory_space<hbm>>
        tpu.enqueue_dma source(%dma_start3A_66 : memref<16x128xi32, #tpu.memory_space<hbm>>) target(%arg11 : memref<16x128xi32, #tpu.memory_space<vmem>>) target_semaphore(%run_scoped3A_60 : memref<!tpu.dma_semaphore, #tpu.memory_space<semaphore_mem>>)
        %dma_wait3A = arith.constant 0 : i32
        %dma_wait3A_67 = tpu.memref_slice %arg3[%arg0, %arg1, %mul3A_28, %dma_wait3A] : memref<2x16x80x128xi32, #tpu.memory_space<hbm>> -> memref<1x1x16x128xi32, #tpu.memory_space<hbm>>
        %dma_wait3A_68 = tpu.memref_squeeze %dma_wait3A_67 : memref<1x1x16x128xi32, #tpu.memory_space<hbm>> -> memref<16x128xi32, #tpu.memory_space<hbm>>
        %dma_wait3A_69 = arith.constant 0 : i32
        %dma_wait3A_70 = tpu.memref_slice %arg3[%arg0, %arg1, %mul3A_28, %dma_wait3A_69] : memref<2x16x80x128xi32, #tpu.memory_space<hbm>> -> memref<1x1x16x128xi32, #tpu.memory_space<hbm>>
        %dma_wait3A_71 = tpu.memref_squeeze %dma_wait3A_70 : memref<1x1x16x128xi32, #tpu.memory_space<hbm>> -> memref<16x128xi32, #tpu.memory_space<hbm>>
        tpu.wait_dma2 semaphore(%run_scoped3A_60 : memref<!tpu.dma_semaphore, #tpu.memory_space<semaphore_mem>>) src(%dma_wait3A_71 : memref<16x128xi32, #tpu.memory_space<hbm>>) dst(%arg11 : memref<16x128xi32, #tpu.memory_space<vmem>>)
        tpu.yield
      }) : () -> ()
      %mul3A_29 = arith.constant 16 : i32
      %mul3A_30 = arith.muli %scan3A_26, %mul3A_29 : i32
      "tpu.region"() ({
        %run_scoped3A_60 = tpu.sem_alloc : memref<!tpu.dma_semaphore, #tpu.memory_space<semaphore_mem>>
        %dma_start3A_61 = arith.constant 0 : i32
        %dma_start3A_62 = tpu.memref_slice %arg4[%arg1, %mul3A_30, %dma_start3A_61] : memref<16x80x128xi32, #tpu.memory_space<hbm>> -> memref<1x16x128xi32, #tpu.memory_space<hbm>>
        %dma_start3A_63 = tpu.memref_squeeze %dma_start3A_62 : memref<1x16x128xi32, #tpu.memory_space<hbm>> -> memref<16x128xi32, #tpu.memory_space<hbm>>
        %dma_start3A_64 = arith.constant 0 : i32
        %dma_start3A_65 = tpu.memref_slice %arg4[%arg1, %mul3A_30, %dma_start3A_64] : memref<16x80x128xi32, #tpu.memory_space<hbm>> -> memref<1x16x128xi32, #tpu.memory_space<hbm>>
        %dma_start3A_66 = tpu.memref_squeeze %dma_start3A_65 : memref<1x16x128xi32, #tpu.memory_space<hbm>> -> memref<16x128xi32, #tpu.memory_space<hbm>>
        tpu.enqueue_dma source(%dma_start3A_66 : memref<16x128xi32, #tpu.memory_space<hbm>>) target(%arg7 : memref<16x128xi32, #tpu.memory_space<vmem>>) target_semaphore(%run_scoped3A_60 : memref<!tpu.dma_semaphore, #tpu.memory_space<semaphore_mem>>)
        %dma_wait3A = arith.constant 0 : i32
        %dma_wait3A_67 = tpu.memref_slice %arg4[%arg1, %mul3A_30, %dma_wait3A] : memref<16x80x128xi32, #tpu.memory_space<hbm>> -> memref<1x16x128xi32, #tpu.memory_space<hbm>>
        %dma_wait3A_68 = tpu.memref_squeeze %dma_wait3A_67 : memref<1x16x128xi32, #tpu.memory_space<hbm>> -> memref<16x128xi32, #tpu.memory_space<hbm>>
        %dma_wait3A_69 = arith.constant 0 : i32
        %dma_wait3A_70 = tpu.memref_slice %arg4[%arg1, %mul3A_30, %dma_wait3A_69] : memref<16x80x128xi32, #tpu.memory_space<hbm>> -> memref<1x16x128xi32, #tpu.memory_space<hbm>>
        %dma_wait3A_71 = tpu.memref_squeeze %dma_wait3A_70 : memref<1x16x128xi32, #tpu.memory_space<hbm>> -> memref<16x128xi32, #tpu.memory_space<hbm>>
        tpu.wait_dma2 semaphore(%run_scoped3A_60 : memref<!tpu.dma_semaphore, #tpu.memory_space<semaphore_mem>>) src(%dma_wait3A_71 : memref<16x128xi32, #tpu.memory_space<hbm>>) dst(%arg7 : memref<16x128xi32, #tpu.memory_space<vmem>>)
        tpu.yield
      }) : () -> ()
      %dma_start3A = arith.constant 0 : i32
      %dma_start3A_31 = arith.constant 0 : i32
      %dma_start3A_32 = arith.constant 0 : i32
      %dma_start3A_33 = arith.constant 0 : i32
      %dma_start3A_34 = tpu.memref_slice %arg8[%dma_start3A_31, %dma_start3A_32, %dma_start3A_33] : memref<2x128x128xf32, #tpu.memory_space<vmem>> -> memref<1x128x128xf32, #tpu.memory_space<vmem>>
      %dma_start3A_35 = tpu.memref_squeeze %dma_start3A_34 : memref<1x128x128xf32, #tpu.memory_space<vmem>> -> memref<128x128xf32, #tpu.memory_space<vmem>>
      %dma_start3A_36 = arith.constant 0 : i32
      %dma_start3A_37 = tpu.memref_slice %arg11[%dma_start3A, %dma_start3A_36] : memref<16x128xi32, #tpu.memory_space<vmem>> -> memref<1x128xi32, #tpu.memory_space<vmem>>
      %dma_start3A_38 = tpu.memref_squeeze %dma_start3A_37 : memref<1x128xi32, #tpu.memory_space<vmem>> -> memref<128xi32, #tpu.memory_space<vmem>>
      %dma_start3A_39 = arith.constant 0 : i32
      %dma_start3A_40 = arith.constant 0 : i32
      %dma_start3A_41 = tpu.memref_slice %arg2[%dma_start3A_39, %dma_start3A_40] : memref<20000x128xf32, #tpu.memory_space<hbm>> -> memref<20000x128xf32, #tpu.memory_space<hbm>>
      tpu.enqueue_indirect_dma source(%dma_start3A_41 : memref<20000x128xf32, #tpu.memory_space<hbm>>) target(%dma_start3A_35 : memref<128x128xf32, #tpu.memory_space<vmem>>) offsets(%dma_start3A_38 : memref<128xi32, #tpu.memory_space<vmem>>) semaphore(%arg9 : memref<!tpu.dma_semaphore, #tpu.memory_space<semaphore_mem>>)
      %dma_start3A_42 = arith.constant 1 : i32
      %dma_start3A_43 = arith.constant 1 : i32
      %dma_start3A_44 = arith.constant 0 : i32
      %dma_start3A_45 = arith.constant 0 : i32
      %dma_start3A_46 = tpu.memref_slice %arg8[%dma_start3A_43, %dma_start3A_44, %dma_start3A_45] : memref<2x128x128xf32, #tpu.memory_space<vmem>> -> memref<1x128x128xf32, #tpu.memory_space<vmem>>
      %dma_start3A_47 = tpu.memref_squeeze %dma_start3A_46 : memref<1x128x128xf32, #tpu.memory_space<vmem>> -> memref<128x128xf32, #tpu.memory_space<vmem>>
      %dma_start3A_48 = arith.constant 0 : i32
      %dma_start3A_49 = tpu.memref_slice %arg11[%dma_start3A_42, %dma_start3A_48] : memref<16x128xi32, #tpu.memory_space<vmem>> -> memref<1x128xi32, #tpu.memory_space<vmem>>
      %dma_start3A_50 = tpu.memref_squeeze %dma_start3A_49 : memref<1x128xi32, #tpu.memory_space<vmem>> -> memref<128xi32, #tpu.memory_space<vmem>>
      %dma_start3A_51 = arith.constant 0 : i32
      %dma_start3A_52 = arith.constant 0 : i32
      %dma_start3A_53 = tpu.memref_slice %arg2[%dma_start3A_51, %dma_start3A_52] : memref<20000x128xf32, #tpu.memory_space<hbm>> -> memref<20000x128xf32, #tpu.memory_space<hbm>>
      tpu.enqueue_indirect_dma source(%dma_start3A_53 : memref<20000x128xf32, #tpu.memory_space<hbm>>) target(%dma_start3A_47 : memref<128x128xf32, #tpu.memory_space<vmem>>) offsets(%dma_start3A_50 : memref<128xi32, #tpu.memory_space<vmem>>) semaphore(%arg10 : memref<!tpu.dma_semaphore, #tpu.memory_space<semaphore_mem>>)
      %scan3A_54 = arith.constant 0 : i32
      %scan3A_55 = arith.constant 0 : i32
      %scan3A_56 = arith.constant 8 : i32
      %scan3A_57 = arith.addi %scan3A_55, %scan3A_56 : i32
      %scan3A_58 = arith.constant 1 : i32
      scf.for %scan3A_60 = %scan3A_55 to %scan3A_57 step %scan3A_58  : i32 {
        %mul3A_61 = arith.constant 2 : i32
        %mul3A_62 = arith.muli %scan3A_60, %mul3A_61 : i32
        %add3A_63 = arith.constant 0 : i32
        %add3A_64 = arith.addi %mul3A_62, %add3A_63 : i32
        %dma_wait3A = arith.constant 0 : i32
        %dma_wait3A_65 = arith.constant 0 : i32
        %dma_wait3A_66 = arith.constant 0 : i32
        %dma_wait3A_67 = tpu.memref_slice %arg8[%dma_wait3A, %dma_wait3A_65, %dma_wait3A_66] : memref<2x128x128xf32, #tpu.memory_space<vmem>> -> memref<1x128x128xf32, #tpu.memory_space<vmem>>
        %dma_wait3A_68 = tpu.memref_squeeze %dma_wait3A_67 : memref<1x128x128xf32, #tpu.memory_space<vmem>> -> memref<128x128xf32, #tpu.memory_space<vmem>>
        %dma_wait3A_69 = arith.constant 0 : i32
        %dma_wait3A_70 = tpu.memref_slice %arg11[%add3A_64, %dma_wait3A_69] : memref<16x128xi32, #tpu.memory_space<vmem>> -> memref<1x128xi32, #tpu.memory_space<vmem>>
        %dma_wait3A_71 = tpu.memref_squeeze %dma_wait3A_70 : memref<1x128xi32, #tpu.memory_space<vmem>> -> memref<128xi32, #tpu.memory_space<vmem>>
        %dma_wait3A_72 = arith.constant 0 : i32
        %dma_wait3A_73 = arith.constant 0 : i32
        %dma_wait3A_74 = tpu.memref_slice %arg2[%dma_wait3A_72, %dma_wait3A_73] : memref<20000x128xf32, #tpu.memory_space<hbm>> -> memref<20000x128xf32, #tpu.memory_space<hbm>>
        tpu.wait_indirect_dma semaphore(%arg9 : memref<!tpu.dma_semaphore, #tpu.memory_space<semaphore_mem>>) src(%dma_wait3A_74 : memref<20000x128xf32, #tpu.memory_space<hbm>>) dst(%dma_wait3A_68 : memref<128x128xf32, #tpu.memory_space<vmem>>)
        %dma_start3A_75 = arith.constant 0 : i32
        %dma_start3A_76 = arith.constant 0 : i32
        %dma_start3A_77 = arith.constant 0 : i32
        %dma_start3A_78 = tpu.memref_slice %arg8[%dma_start3A_75, %dma_start3A_76, %dma_start3A_77] : memref<2x128x128xf32, #tpu.memory_space<vmem>> -> memref<1x128x128xf32, #tpu.memory_space<vmem>>
        %dma_start3A_79 = tpu.memref_squeeze %dma_start3A_78 : memref<1x128x128xf32, #tpu.memory_space<vmem>> -> memref<128x128xf32, #tpu.memory_space<vmem>>
        %dma_start3A_80 = arith.constant 0 : i32
        %dma_start3A_81 = tpu.memref_slice %arg7[%add3A_64, %dma_start3A_80] : memref<16x128xi32, #tpu.memory_space<vmem>> -> memref<1x128xi32, #tpu.memory_space<vmem>>
        %dma_start3A_82 = tpu.memref_squeeze %dma_start3A_81 : memref<1x128xi32, #tpu.memory_space<vmem>> -> memref<128xi32, #tpu.memory_space<vmem>>
        %dma_start3A_83 = arith.constant 0 : i32
        %dma_start3A_84 = arith.constant 0 : i32
        %dma_start3A_85 = tpu.memref_slice %arg6[%dma_start3A_83, %dma_start3A_84] : memref<10112x128xf32, #tpu.memory_space<vmem_shared>> -> memref<10112x128xf32, #tpu.memory_space<vmem_shared>>
        tpu.enqueue_indirect_dma source(%dma_start3A_79 : memref<128x128xf32, #tpu.memory_space<vmem>>) target(%dma_start3A_85 : memref<10112x128xf32, #tpu.memory_space<vmem_shared>>) offsets(%dma_start3A_82 : memref<128xi32, #tpu.memory_space<vmem>>) semaphore(%arg12 : memref<!tpu.dma_semaphore, #tpu.memory_space<semaphore_mem>>) {add = true}
        %dma_wait3A_86 = arith.constant 0 : i32
        %dma_wait3A_87 = arith.constant 0 : i32
        %dma_wait3A_88 = arith.constant 0 : i32
        %dma_wait3A_89 = tpu.memref_slice %arg8[%dma_wait3A_86, %dma_wait3A_87, %dma_wait3A_88] : memref<2x128x128xf32, #tpu.memory_space<vmem>> -> memref<1x128x128xf32, #tpu.memory_space<vmem>>
        %dma_wait3A_90 = tpu.memref_squeeze %dma_wait3A_89 : memref<1x128x128xf32, #tpu.memory_space<vmem>> -> memref<128x128xf32, #tpu.memory_space<vmem>>
        %dma_wait3A_91 = arith.constant 0 : i32
        %dma_wait3A_92 = tpu.memref_slice %arg7[%add3A_64, %dma_wait3A_91] : memref<16x128xi32, #tpu.memory_space<vmem>> -> memref<1x128xi32, #tpu.memory_space<vmem>>
        %dma_wait3A_93 = tpu.memref_squeeze %dma_wait3A_92 : memref<1x128xi32, #tpu.memory_space<vmem>> -> memref<128xi32, #tpu.memory_space<vmem>>
        %dma_wait3A_94 = arith.constant 0 : i32
        %dma_wait3A_95 = arith.constant 0 : i32
        %dma_wait3A_96 = tpu.memref_slice %arg6[%dma_wait3A_94, %dma_wait3A_95] : memref<10112x128xf32, #tpu.memory_space<vmem_shared>> -> memref<10112x128xf32, #tpu.memory_space<vmem_shared>>
        tpu.wait_indirect_dma semaphore(%arg12 : memref<!tpu.dma_semaphore, #tpu.memory_space<semaphore_mem>>) src(%dma_wait3A_90 : memref<128x128xf32, #tpu.memory_space<vmem>>) dst(%dma_wait3A_96 : memref<10112x128xf32, #tpu.memory_space<vmem_shared>>)
        %add3A_97 = arith.constant 2 : i32
        %add3A_98 = arith.addi %add3A_64, %add3A_97 : i32
        %lt3A = arith.constant 16 : i32
        %lt3A_99 = arith.cmpi slt, %add3A_98, %lt3A : i32
        %convert_element_type3A = arith.extui %lt3A_99 : i1 to i32
        %cond3A = arith.constant 0 : i32
        %cond3A_100 = arith.cmpi ne, %convert_element_type3A, %cond3A : i32
        scf.if %cond3A_100 {
          %dma_start3A_145 = arith.constant 0 : i32
          %dma_start3A_146 = arith.constant 0 : i32
          %dma_start3A_147 = arith.constant 0 : i32
          %dma_start3A_148 = tpu.memref_slice %arg8[%dma_start3A_145, %dma_start3A_146, %dma_start3A_147] : memref<2x128x128xf32, #tpu.memory_space<vmem>> -> memref<1x128x128xf32, #tpu.memory_space<vmem>>
          %dma_start3A_149 = tpu.memref_squeeze %dma_start3A_148 : memref<1x128x128xf32, #tpu.memory_space<vmem>> -> memref<128x128xf32, #tpu.memory_space<vmem>>
          %dma_start3A_150 = arith.constant 0 : i32
          %dma_start3A_151 = tpu.memref_slice %arg11[%add3A_98, %dma_start3A_150] : memref<16x128xi32, #tpu.memory_space<vmem>> -> memref<1x128xi32, #tpu.memory_space<vmem>>
          %dma_start3A_152 = tpu.memref_squeeze %dma_start3A_151 : memref<1x128xi32, #tpu.memory_space<vmem>> -> memref<128xi32, #tpu.memory_space<vmem>>
          %dma_start3A_153 = arith.constant 0 : i32
          %dma_start3A_154 = arith.constant 0 : i32
          %dma_start3A_155 = tpu.memref_slice %arg2[%dma_start3A_153, %dma_start3A_154] : memref<20000x128xf32, #tpu.memory_space<hbm>> -> memref<20000x128xf32, #tpu.memory_space<hbm>>
          tpu.enqueue_indirect_dma source(%dma_start3A_155 : memref<20000x128xf32, #tpu.memory_space<hbm>>) target(%dma_start3A_149 : memref<128x128xf32, #tpu.memory_space<vmem>>) offsets(%dma_start3A_152 : memref<128xi32, #tpu.memory_space<vmem>>) semaphore(%arg9 : memref<!tpu.dma_semaphore, #tpu.memory_space<semaphore_mem>>)
        } else {
        }
        %mul3A_101 = arith.constant 2 : i32
        %mul3A_102 = arith.muli %scan3A_60, %mul3A_101 : i32
        %add3A_103 = arith.constant 1 : i32
        %add3A_104 = arith.addi %mul3A_102, %add3A_103 : i32
        %dma_wait3A_105 = arith.constant 1 : i32
        %dma_wait3A_106 = arith.constant 0 : i32
        %dma_wait3A_107 = arith.constant 0 : i32
        %dma_wait3A_108 = tpu.memref_slice %arg8[%dma_wait3A_105, %dma_wait3A_106, %dma_wait3A_107] : memref<2x128x128xf32, #tpu.memory_space<vmem>> -> memref<1x128x128xf32, #tpu.memory_space<vmem>>
        %dma_wait3A_109 = tpu.memref_squeeze %dma_wait3A_108 : memref<1x128x128xf32, #tpu.memory_space<vmem>> -> memref<128x128xf32, #tpu.memory_space<vmem>>
        %dma_wait3A_110 = arith.constant 0 : i32
        %dma_wait3A_111 = tpu.memref_slice %arg11[%add3A_104, %dma_wait3A_110] : memref<16x128xi32, #tpu.memory_space<vmem>> -> memref<1x128xi32, #tpu.memory_space<vmem>>
        %dma_wait3A_112 = tpu.memref_squeeze %dma_wait3A_111 : memref<1x128xi32, #tpu.memory_space<vmem>> -> memref<128xi32, #tpu.memory_space<vmem>>
        %dma_wait3A_113 = arith.constant 0 : i32
        %dma_wait3A_114 = arith.constant 0 : i32
        %dma_wait3A_115 = tpu.memref_slice %arg2[%dma_wait3A_113, %dma_wait3A_114] : memref<20000x128xf32, #tpu.memory_space<hbm>> -> memref<20000x128xf32, #tpu.memory_space<hbm>>
        tpu.wait_indirect_dma semaphore(%arg10 : memref<!tpu.dma_semaphore, #tpu.memory_space<semaphore_mem>>) src(%dma_wait3A_115 : memref<20000x128xf32, #tpu.memory_space<hbm>>) dst(%dma_wait3A_109 : memref<128x128xf32, #tpu.memory_space<vmem>>)
        %dma_start3A_116 = arith.constant 1 : i32
        %dma_start3A_117 = arith.constant 0 : i32
        %dma_start3A_118 = arith.constant 0 : i32
        %dma_start3A_119 = tpu.memref_slice %arg8[%dma_start3A_116, %dma_start3A_117, %dma_start3A_118] : memref<2x128x128xf32, #tpu.memory_space<vmem>> -> memref<1x128x128xf32, #tpu.memory_space<vmem>>
        %dma_start3A_120 = tpu.memref_squeeze %dma_start3A_119 : memref<1x128x128xf32, #tpu.memory_space<vmem>> -> memref<128x128xf32, #tpu.memory_space<vmem>>
        %dma_start3A_121 = arith.constant 0 : i32
        %dma_start3A_122 = tpu.memref_slice %arg7[%add3A_104, %dma_start3A_121] : memref<16x128xi32, #tpu.memory_space<vmem>> -> memref<1x128xi32, #tpu.memory_space<vmem>>
        %dma_start3A_123 = tpu.memref_squeeze %dma_start3A_122 : memref<1x128xi32, #tpu.memory_space<vmem>> -> memref<128xi32, #tpu.memory_space<vmem>>
        %dma_start3A_124 = arith.constant 0 : i32
        %dma_start3A_125 = arith.constant 0 : i32
        %dma_start3A_126 = tpu.memref_slice %arg6[%dma_start3A_124, %dma_start3A_125] : memref<10112x128xf32, #tpu.memory_space<vmem_shared>> -> memref<10112x128xf32, #tpu.memory_space<vmem_shared>>
        tpu.enqueue_indirect_dma source(%dma_start3A_120 : memref<128x128xf32, #tpu.memory_space<vmem>>) target(%dma_start3A_126 : memref<10112x128xf32, #tpu.memory_space<vmem_shared>>) offsets(%dma_start3A_123 : memref<128xi32, #tpu.memory_space<vmem>>) semaphore(%arg13 : memref<!tpu.dma_semaphore, #tpu.memory_space<semaphore_mem>>) {add = true}
        %dma_wait3A_127 = arith.constant 1 : i32
        %dma_wait3A_128 = arith.constant 0 : i32
        %dma_wait3A_129 = arith.constant 0 : i32
        %dma_wait3A_130 = tpu.memref_slice %arg8[%dma_wait3A_127, %dma_wait3A_128, %dma_wait3A_129] : memref<2x128x128xf32, #tpu.memory_space<vmem>> -> memref<1x128x128xf32, #tpu.memory_space<vmem>>
        %dma_wait3A_131 = tpu.memref_squeeze %dma_wait3A_130 : memref<1x128x128xf32, #tpu.memory_space<vmem>> -> memref<128x128xf32, #tpu.memory_space<vmem>>
        %dma_wait3A_132 = arith.constant 0 : i32
        %dma_wait3A_133 = tpu.memref_slice %arg7[%add3A_104, %dma_wait3A_132] : memref<16x128xi32, #tpu.memory_space<vmem>> -> memref<1x128xi32, #tpu.memory_space<vmem>>
        %dma_wait3A_134 = tpu.memref_squeeze %dma_wait3A_133 : memref<1x128xi32, #tpu.memory_space<vmem>> -> memref<128xi32, #tpu.memory_space<vmem>>
        %dma_wait3A_135 = arith.constant 0 : i32
        %dma_wait3A_136 = arith.constant 0 : i32
        %dma_wait3A_137 = tpu.memref_slice %arg6[%dma_wait3A_135, %dma_wait3A_136] : memref<10112x128xf32, #tpu.memory_space<vmem_shared>> -> memref<10112x128xf32, #tpu.memory_space<vmem_shared>>
        tpu.wait_indirect_dma semaphore(%arg13 : memref<!tpu.dma_semaphore, #tpu.memory_space<semaphore_mem>>) src(%dma_wait3A_131 : memref<128x128xf32, #tpu.memory_space<vmem>>) dst(%dma_wait3A_137 : memref<10112x128xf32, #tpu.memory_space<vmem_shared>>)
        %add3A_138 = arith.constant 2 : i32
        %add3A_139 = arith.addi %add3A_104, %add3A_138 : i32
        %lt3A_140 = arith.constant 16 : i32
        %lt3A_141 = arith.cmpi slt, %add3A_139, %lt3A_140 : i32
        %convert_element_type3A_142 = arith.extui %lt3A_141 : i1 to i32
        %cond3A_143 = arith.constant 0 : i32
        %cond3A_144 = arith.cmpi ne, %convert_element_type3A_142, %cond3A_143 : i32
        scf.if %cond3A_144 {
          %dma_start3A_145 = arith.constant 1 : i32
          %dma_start3A_146 = arith.constant 0 : i32
          %dma_start3A_147 = arith.constant 0 : i32
          %dma_start3A_148 = tpu.memref_slice %arg8[%dma_start3A_145, %dma_start3A_146, %dma_start3A_147] : memref<2x128x128xf32, #tpu.memory_space<vmem>> -> memref<1x128x128xf32, #tpu.memory_space<vmem>>
          %dma_start3A_149 = tpu.memref_squeeze %dma_start3A_148 : memref<1x128x128xf32, #tpu.memory_space<vmem>> -> memref<128x128xf32, #tpu.memory_space<vmem>>
          %dma_start3A_150 = arith.constant 0 : i32
          %dma_start3A_151 = tpu.memref_slice %arg11[%add3A_139, %dma_start3A_150] : memref<16x128xi32, #tpu.memory_space<vmem>> -> memref<1x128xi32, #tpu.memory_space<vmem>>
          %dma_start3A_152 = tpu.memref_squeeze %dma_start3A_151 : memref<1x128xi32, #tpu.memory_space<vmem>> -> memref<128xi32, #tpu.memory_space<vmem>>
          %dma_start3A_153 = arith.constant 0 : i32
          %dma_start3A_154 = arith.constant 0 : i32
          %dma_start3A_155 = tpu.memref_slice %arg2[%dma_start3A_153, %dma_start3A_154] : memref<20000x128xf32, #tpu.memory_space<hbm>> -> memref<20000x128xf32, #tpu.memory_space<hbm>>
          tpu.enqueue_indirect_dma source(%dma_start3A_155 : memref<20000x128xf32, #tpu.memory_space<hbm>>) target(%dma_start3A_149 : memref<128x128xf32, #tpu.memory_space<vmem>>) offsets(%dma_start3A_152 : memref<128xi32, #tpu.memory_space<vmem>>) semaphore(%arg10 : memref<!tpu.dma_semaphore, #tpu.memory_space<semaphore_mem>>)
        } else {
        }
      }
      %scan3A_59 = arith.constant 8 : i32
    }
    %scan3A_24 = arith.constant 5 : i32
    %barrier3A_25 = arith.constant 0 : index
    tpu.barrier barrier_id(%barrier3A_25)
    "tpu.region"() ({
      %run_scoped3A_26 = tpu.sem_alloc : memref<!tpu.dma_semaphore, #tpu.memory_space<semaphore_mem>>
      %dma_start3A = arith.constant 0 : i32
      %dma_start3A_27 = tpu.memref_slice %arg5[%arg0, %mul3A_5, %dma_start3A] : memref<2x10112x128xf32, #tpu.memory_space<hbm>> -> memref<1x632x128xf32, #tpu.memory_space<hbm>>
      %dma_start3A_28 = tpu.memref_squeeze %dma_start3A_27 : memref<1x632x128xf32, #tpu.memory_space<hbm>> -> memref<632x128xf32, #tpu.memory_space<hbm>>
      %dma_start3A_29 = arith.constant 0 : i32
      %dma_start3A_30 = tpu.memref_slice %arg6[%mul3A_5, %dma_start3A_29] : memref<10112x128xf32, #tpu.memory_space<vmem_shared>> -> memref<632x128xf32, #tpu.memory_space<vmem_shared>>
      tpu.enqueue_dma source(%dma_start3A_30 : memref<632x128xf32, #tpu.memory_space<vmem_shared>>) target(%dma_start3A_28 : memref<632x128xf32, #tpu.memory_space<hbm>>) target_semaphore(%run_scoped3A_26 : memref<!tpu.dma_semaphore, #tpu.memory_space<semaphore_mem>>)
      %dma_wait3A = arith.constant 0 : i32
      %dma_wait3A_31 = tpu.memref_slice %arg5[%arg0, %mul3A_5, %dma_wait3A] : memref<2x10112x128xf32, #tpu.memory_space<hbm>> -> memref<1x632x128xf32, #tpu.memory_space<hbm>>
      %dma_wait3A_32 = tpu.memref_squeeze %dma_wait3A_31 : memref<1x632x128xf32, #tpu.memory_space<hbm>> -> memref<632x128xf32, #tpu.memory_space<hbm>>
      %dma_wait3A_33 = arith.constant 0 : i32
      %dma_wait3A_34 = tpu.memref_slice %arg6[%mul3A_5, %dma_wait3A_33] : memref<10112x128xf32, #tpu.memory_space<vmem_shared>> -> memref<632x128xf32, #tpu.memory_space<vmem_shared>>
      tpu.wait_dma2 semaphore(%run_scoped3A_26 : memref<!tpu.dma_semaphore, #tpu.memory_space<semaphore_mem>>) src(%dma_wait3A_34 : memref<632x128xf32, #tpu.memory_space<vmem_shared>>) dst(%dma_wait3A_32 : memref<632x128xf32, #tpu.memory_space<hbm>>)
      tpu.yield
    }) : () -> ()
    return
  }
}

#map = affine_map<(d0, d1) -> (0, 0)>
#map1 = affine_map<(d0, d1) -> (0, 0, 0, 0)>
#map2 = affine_map<(d0, d1) -> (0, 0, 0)>
module attributes {stable_mosaic.version = 14 : i64} {
  func.func @sc_segsum_w128(%arg0: i32, %arg1: i32, %arg2: memref<20000x128xf32, #tpu.memory_space<hbm>>, %arg3: memref<2x16x80x128xi32, #tpu.memory_space<hbm>>, %arg4: memref<16x80x128xi32, #tpu.memory_space<hbm>>, %arg5: memref<2x10112x128xf32, #tpu.memory_space<hbm>>, %arg6: memref<10112x128xf32, #tpu.memory_space<vmem_shared>>, %arg7: memref<16x128xi32, #tpu.memory_space<vmem>>, %arg8: memref<2x128x128xf32, #tpu.memory_space<vmem>>, %arg9: memref<!tpu.dma_semaphore, #tpu.memory_space<semaphore_mem>>, %arg10: memref<!tpu.dma_semaphore, #tpu.memory_space<semaphore_mem>>, %arg11: memref<16x128xi32, #tpu.memory_space<vmem>>, %arg12: memref<!tpu.dma_semaphore, #tpu.memory_space<semaphore_mem>>, %arg13: memref<!tpu.dma_semaphore, #tpu.memory_space<semaphore_mem>>) attributes {dimension_semantics = [#tpu.dimension_semantics<core_parallel>, #tpu.dimension_semantics<subcore_parallel>], iteration_bounds = array<i64: 2, 16>, scalar_prefetch = 0 : i64, scratch_operands = 8 : i64, tpu.core_type = #tpu.core_type<sc_vector_subcore>, window_params = [{transform_indices = #map}, {transform_indices = #map1}, {transform_indices = #map2}, {transform_indices = #map2}]} {
    %scan3A = arith.constant 0 : i32
    %scan3A_0 = arith.constant 0 : i32
    %scan3A_1 = arith.constant 128 : i32
    %scan3A_2 = arith.addi %scan3A_0, %scan3A_1 : i32
    %scan3A_3 = arith.constant 1 : i32
    scf.for %scan3A_26 = %scan3A_0 to %scan3A_2 step %scan3A_3  : i32 {
      %broadcast_in_dim3A = arith.constant 0.000000e+00 : f32
      %broadcast_in_dim3A_27 = vector.broadcast %broadcast_in_dim3A : f32 to vector<16xf32>
      %swap3A = arith.constant 0 : i32
      %swap3A_28 = arith.index_cast %swap3A : i32 to index
      %swap3A_29 = arith.index_cast %scan3A_26 : i32 to index
      %swap3A_30 = arith.constant 0 : index
      %swap3A_31 = tpu.vector_load %arg8[%swap3A_28, %swap3A_29, %swap3A_30] {strides = array<i32>} : memref<2x128x128xf32, #tpu.memory_space<vmem>>, vector<1x1x16xf32>,
      %swap3A_32 = vector.shape_cast %swap3A_31 : vector<1x1x16xf32> to vector<16xf32>
      %swap3A_33 = vector.shape_cast %broadcast_in_dim3A_27 : vector<16xf32> to vector<1x1x16xf32>
      tpu.vector_store %arg8[%swap3A_28, %swap3A_29, %swap3A_30], %swap3A_33 {strides = array<i32>} : memref<2x128x128xf32, #tpu.memory_space<vmem>>, vector<1x1x16xf32>,
      %broadcast_in_dim3A_34 = arith.constant 0.000000e+00 : f32
      %broadcast_in_dim3A_35 = vector.broadcast %broadcast_in_dim3A_34 : f32 to vector<16xf32>
      %swap3A_36 = arith.constant 0 : i32
      %swap3A_37 = arith.index_cast %swap3A_36 : i32 to index
      %swap3A_38 = arith.index_cast %scan3A_26 : i32 to index
      %swap3A_39 = arith.constant 16 : index
      %swap3A_40 = tpu.vector_load %arg8[%swap3A_37, %swap3A_38, %swap3A_39] {strides = array<i32>} : memref<2x128x128xf32, #tpu.memory_space<vmem>>, vector<1x1x16xf32>,
      %swap3A_41 = vector.shape_cast %swap3A_40 : vector<1x1x16xf32> to vector<16xf32>
      %swap3A_42 = vector.shape_cast %broadcast_in_dim3A_35 : vector<16xf32> to vector<1x1x16xf32>
      tpu.vector_store %arg8[%swap3A_37, %swap3A_38, %swap3A_39], %swap3A_42 {strides = array<i32>} : memref<2x128x128xf32, #tpu.memory_space<vmem>>, vector<1x1x16xf32>,
      %broadcast_in_dim3A_43 = arith.constant 0.000000e+00 : f32
      %broadcast_in_dim3A_44 = vector.broadcast %broadcast_in_dim3A_43 : f32 to vector<16xf32>
      %swap3A_45 = arith.constant 0 : i32
      %swap3A_46 = arith.index_cast %swap3A_45 : i32 to index
      %swap3A_47 = arith.index_cast %scan3A_26 : i32 to index
      %swap3A_48 = arith.constant 32 : index
      %swap3A_49 = tpu.vector_load %arg8[%swap3A_46, %swap3A_47, %swap3A_48] {strides = array<i32>} : memref<2x128x128xf32, #tpu.memory_space<vmem>>, vector<1x1x16xf32>,
      %swap3A_50 = vector.shape_cast %swap3A_49 : vector<1x1x16xf32> to vector<16xf32>
      %swap3A_51 = vector.shape_cast %broadcast_in_dim3A_44 : vector<16xf32> to vector<1x1x16xf32>
      tpu.vector_store %arg8[%swap3A_46, %swap3A_47, %swap3A_48], %swap3A_51 {strides = array<i32>} : memref<2x128x128xf32, #tpu.memory_space<vmem>>, vector<1x1x16xf32>,
      %broadcast_in_dim3A_52 = arith.constant 0.000000e+00 : f32
      %broadcast_in_dim3A_53 = vector.broadcast %broadcast_in_dim3A_52 : f32 to vector<16xf32>
      %swap3A_54 = arith.constant 0 : i32
      %swap3A_55 = arith.index_cast %swap3A_54 : i32 to index
      %swap3A_56 = arith.index_cast %scan3A_26 : i32 to index
      %swap3A_57 = arith.constant 48 : index
      %swap3A_58 = tpu.vector_load %arg8[%swap3A_55, %swap3A_56, %swap3A_57] {strides = array<i32>} : memref<2x128x128xf32, #tpu.memory_space<vmem>>, vector<1x1x16xf32>,
      %swap3A_59 = vector.shape_cast %swap3A_58 : vector<1x1x16xf32> to vector<16xf32>
      %swap3A_60 = vector.shape_cast %broadcast_in_dim3A_53 : vector<16xf32> to vector<1x1x16xf32>
      tpu.vector_store %arg8[%swap3A_55, %swap3A_56, %swap3A_57], %swap3A_60 {strides = array<i32>} : memref<2x128x128xf32, #tpu.memory_space<vmem>>, vector<1x1x16xf32>,
      %broadcast_in_dim3A_61 = arith.constant 0.000000e+00 : f32
      %broadcast_in_dim3A_62 = vector.broadcast %broadcast_in_dim3A_61 : f32 to vector<16xf32>
      %swap3A_63 = arith.constant 0 : i32
      %swap3A_64 = arith.index_cast %swap3A_63 : i32 to index
      %swap3A_65 = arith.index_cast %scan3A_26 : i32 to index
      %swap3A_66 = arith.constant 64 : index
      %swap3A_67 = tpu.vector_load %arg8[%swap3A_64, %swap3A_65, %swap3A_66] {strides = array<i32>} : memref<2x128x128xf32, #tpu.memory_space<vmem>>, vector<1x1x16xf32>,
      %swap3A_68 = vector.shape_cast %swap3A_67 : vector<1x1x16xf32> to vector<16xf32>
      %swap3A_69 = vector.shape_cast %broadcast_in_dim3A_62 : vector<16xf32> to vector<1x1x16xf32>
      tpu.vector_store %arg8[%swap3A_64, %swap3A_65, %swap3A_66], %swap3A_69 {strides = array<i32>} : memref<2x128x128xf32, #tpu.memory_space<vmem>>, vector<1x1x16xf32>,
      %broadcast_in_dim3A_70 = arith.constant 0.000000e+00 : f32
      %broadcast_in_dim3A_71 = vector.broadcast %broadcast_in_dim3A_70 : f32 to vector<16xf32>
      %swap3A_72 = arith.constant 0 : i32
      %swap3A_73 = arith.index_cast %swap3A_72 : i32 to index
      %swap3A_74 = arith.index_cast %scan3A_26 : i32 to index
      %swap3A_75 = arith.constant 80 : index
      %swap3A_76 = tpu.vector_load %arg8[%swap3A_73, %swap3A_74, %swap3A_75] {strides = array<i32>} : memref<2x128x128xf32, #tpu.memory_space<vmem>>, vector<1x1x16xf32>,
      %swap3A_77 = vector.shape_cast %swap3A_76 : vector<1x1x16xf32> to vector<16xf32>
      %swap3A_78 = vector.shape_cast %broadcast_in_dim3A_71 : vector<16xf32> to vector<1x1x16xf32>
      tpu.vector_store %arg8[%swap3A_73, %swap3A_74, %swap3A_75], %swap3A_78 {strides = array<i32>} : memref<2x128x128xf32, #tpu.memory_space<vmem>>, vector<1x1x16xf32>,
      %broadcast_in_dim3A_79 = arith.constant 0.000000e+00 : f32
      %broadcast_in_dim3A_80 = vector.broadcast %broadcast_in_dim3A_79 : f32 to vector<16xf32>
      %swap3A_81 = arith.constant 0 : i32
      %swap3A_82 = arith.index_cast %swap3A_81 : i32 to index
      %swap3A_83 = arith.index_cast %scan3A_26 : i32 to index
      %swap3A_84 = arith.constant 96 : index
      %swap3A_85 = tpu.vector_load %arg8[%swap3A_82, %swap3A_83, %swap3A_84] {strides = array<i32>} : memref<2x128x128xf32, #tpu.memory_space<vmem>>, vector<1x1x16xf32>,
      %swap3A_86 = vector.shape_cast %swap3A_85 : vector<1x1x16xf32> to vector<16xf32>
      %swap3A_87 = vector.shape_cast %broadcast_in_dim3A_80 : vector<16xf32> to vector<1x1x16xf32>
      tpu.vector_store %arg8[%swap3A_82, %swap3A_83, %swap3A_84], %swap3A_87 {strides = array<i32>} : memref<2x128x128xf32, #tpu.memory_space<vmem>>, vector<1x1x16xf32>,
      %broadcast_in_dim3A_88 = arith.constant 0.000000e+00 : f32
      %broadcast_in_dim3A_89 = vector.broadcast %broadcast_in_dim3A_88 : f32 to vector<16xf32>
      %swap3A_90 = arith.constant 0 : i32
      %swap3A_91 = arith.index_cast %swap3A_90 : i32 to index
      %swap3A_92 = arith.index_cast %scan3A_26 : i32 to index
      %swap3A_93 = arith.constant 112 : index
      %swap3A_94 = tpu.vector_load %arg8[%swap3A_91, %swap3A_92, %swap3A_93] {strides = array<i32>} : memref<2x128x128xf32, #tpu.memory_space<vmem>>, vector<1x1x16xf32>,
      %swap3A_95 = vector.shape_cast %swap3A_94 : vector<1x1x16xf32> to vector<16xf32>
      %swap3A_96 = vector.shape_cast %broadcast_in_dim3A_89 : vector<16xf32> to vector<1x1x16xf32>
      tpu.vector_store %arg8[%swap3A_91, %swap3A_92, %swap3A_93], %swap3A_96 {strides = array<i32>} : memref<2x128x128xf32, #tpu.memory_space<vmem>>, vector<1x1x16xf32>,
    }
    %scan3A_4 = arith.constant 128 : i32
    %mul3A = arith.constant 632 : i32
    %mul3A_5 = arith.muli %arg1, %mul3A : i32
    %add3A = arith.constant 0 : i32
    %add3A_6 = arith.addi %mul3A_5, %add3A : i32
    %run_scoped3A = arith.constant 0 : i32
    "tpu.region"() ({
      %run_scoped3A_26 = tpu.sem_alloc : memref<!tpu.dma_semaphore, #tpu.memory_space<semaphore_mem>>
      %dma_start3A = arith.constant 0 : i32
      %dma_start3A_27 = arith.constant 0 : i32
      %dma_start3A_28 = tpu.memref_slice %arg8[%run_scoped3A, %dma_start3A, %dma_start3A_27] : memref<2x128x128xf32, #tpu.memory_space<vmem>> -> memref<1x128x128xf32, #tpu.memory_space<vmem>>
      %dma_start3A_29 = tpu.memref_squeeze %dma_start3A_28 : memref<1x128x128xf32, #tpu.memory_space<vmem>> -> memref<128x128xf32, #tpu.memory_space<vmem>>
      %dma_start3A_30 = arith.constant 0 : i32
      %dma_start3A_31 = arith.constant 0 : i32
      %dma_start3A_32 = tpu.memref_slice %dma_start3A_29[%dma_start3A_30, %dma_start3A_31] : memref<128x128xf32, #tpu.memory_space<vmem>> -> memref<128x128xf32, #tpu.memory_space<vmem>>
      %dma_start3A_33 = arith.constant 0 : i32
      %dma_start3A_34 = tpu.memref_slice %arg6[%add3A_6, %dma_start3A_33] : memref<10112x128xf32, #tpu.memory_space<vmem_shared>> -> memref<128x128xf32, #tpu.memory_space<vmem_shared>>
      %dma_start3A_35 = arith.constant 0 : i32
      %dma_start3A_36 = tpu.memref_slice %arg6[%add3A_6, %dma_start3A_35] : memref<10112x128xf32, #tpu.memory_space<vmem_shared>> -> memref<128x128xf32, #tpu.memory_space<vmem_shared>>
      %dma_start3A_37 = arith.constant 0 : i32
      %dma_start3A_38 = arith.constant 0 : i32
      %dma_start3A_39 = tpu.memref_slice %arg8[%run_scoped3A, %dma_start3A_37, %dma_start3A_38] : memref<2x128x128xf32, #tpu.memory_space<vmem>> -> memref<1x128x128xf32, #tpu.memory_space<vmem>>
      %dma_start3A_40 = tpu.memref_squeeze %dma_start3A_39 : memref<1x128x128xf32, #tpu.memory_space<vmem>> -> memref<128x128xf32, #tpu.memory_space<vmem>>
      %dma_start3A_41 = arith.constant 0 : i32
      %dma_start3A_42 = arith.constant 0 : i32
      %dma_start3A_43 = tpu.memref_slice %dma_start3A_40[%dma_start3A_41, %dma_start3A_42] : memref<128x128xf32, #tpu.memory_space<vmem>> -> memref<128x128xf32, #tpu.memory_space<vmem>>
      tpu.enqueue_dma source(%dma_start3A_43 : memref<128x128xf32, #tpu.memory_space<vmem>>) target(%dma_start3A_36 : memref<128x128xf32, #tpu.memory_space<vmem_shared>>) target_semaphore(%run_scoped3A_26 : memref<!tpu.dma_semaphore, #tpu.memory_space<semaphore_mem>>)
      %dma_wait3A = arith.constant 0 : i32
      %dma_wait3A_44 = arith.constant 0 : i32
      %dma_wait3A_45 = tpu.memref_slice %arg8[%run_scoped3A, %dma_wait3A, %dma_wait3A_44] : memref<2x128x128xf32, #tpu.memory_space<vmem>> -> memref<1x128x128xf32, #tpu.memory_space<vmem>>
      %dma_wait3A_46 = tpu.memref_squeeze %dma_wait3A_45 : memref<1x128x128xf32, #tpu.memory_space<vmem>> -> memref<128x128xf32, #tpu.memory_space<vmem>>
      %dma_wait3A_47 = arith.constant 0 : i32
      %dma_wait3A_48 = arith.constant 0 : i32
      %dma_wait3A_49 = tpu.memref_slice %dma_wait3A_46[%dma_wait3A_47, %dma_wait3A_48] : memref<128x128xf32, #tpu.memory_space<vmem>> -> memref<128x128xf32, #tpu.memory_space<vmem>>
      %dma_wait3A_50 = arith.constant 0 : i32
      %dma_wait3A_51 = tpu.memref_slice %arg6[%add3A_6, %dma_wait3A_50] : memref<10112x128xf32, #tpu.memory_space<vmem_shared>> -> memref<128x128xf32, #tpu.memory_space<vmem_shared>>
      %dma_wait3A_52 = arith.constant 0 : i32
      %dma_wait3A_53 = tpu.memref_slice %arg6[%add3A_6, %dma_wait3A_52] : memref<10112x128xf32, #tpu.memory_space<vmem_shared>> -> memref<128x128xf32, #tpu.memory_space<vmem_shared>>
      %dma_wait3A_54 = arith.constant 0 : i32
      %dma_wait3A_55 = arith.constant 0 : i32
      %dma_wait3A_56 = tpu.memref_slice %arg8[%run_scoped3A, %dma_wait3A_54, %dma_wait3A_55] : memref<2x128x128xf32, #tpu.memory_space<vmem>> -> memref<1x128x128xf32, #tpu.memory_space<vmem>>
      %dma_wait3A_57 = tpu.memref_squeeze %dma_wait3A_56 : memref<1x128x128xf32, #tpu.memory_space<vmem>> -> memref<128x128xf32, #tpu.memory_space<vmem>>
      %dma_wait3A_58 = arith.constant 0 : i32
      %dma_wait3A_59 = arith.constant 0 : i32
      %dma_wait3A_60 = tpu.memref_slice %dma_wait3A_57[%dma_wait3A_58, %dma_wait3A_59] : memref<128x128xf32, #tpu.memory_space<vmem>> -> memref<128x128xf32, #tpu.memory_space<vmem>>
      tpu.wait_dma2 semaphore(%run_scoped3A_26 : memref<!tpu.dma_semaphore, #tpu.memory_space<semaphore_mem>>) src(%dma_wait3A_60 : memref<128x128xf32, #tpu.memory_space<vmem>>) dst(%dma_wait3A_53 : memref<128x128xf32, #tpu.memory_space<vmem_shared>>)
      tpu.yield
    }) : () -> ()
    %add3A_7 = arith.constant 128 : i32
    %add3A_8 = arith.addi %mul3A_5, %add3A_7 : i32
    %run_scoped3A_9 = arith.constant 0 : i32
    "tpu.region"() ({
      %run_scoped3A_26 = tpu.sem_alloc : memref<!tpu.dma_semaphore, #tpu.memory_space<semaphore_mem>>
      %dma_start3A = arith.constant 0 : i32
      %dma_start3A_27 = arith.constant 0 : i32
      %dma_start3A_28 = tpu.memref_slice %arg8[%run_scoped3A_9, %dma_start3A, %dma_start3A_27] : memref<2x128x128xf32, #tpu.memory_space<vmem>> -> memref<1x128x128xf32, #tpu.memory_space<vmem>>
      %dma_start3A_29 = tpu.memref_squeeze %dma_start3A_28 : memref<1x128x128xf32, #tpu.memory_space<vmem>> -> memref<128x128xf32, #tpu.memory_space<vmem>>
      %dma_start3A_30 = arith.constant 0 : i32
      %dma_start3A_31 = arith.constant 0 : i32
      %dma_start3A_32 = tpu.memref_slice %dma_start3A_29[%dma_start3A_30, %dma_start3A_31] : memref<128x128xf32, #tpu.memory_space<vmem>> -> memref<128x128xf32, #tpu.memory_space<vmem>>
      %dma_start3A_33 = arith.constant 0 : i32
      %dma_start3A_34 = tpu.memref_slice %arg6[%add3A_8, %dma_start3A_33] : memref<10112x128xf32, #tpu.memory_space<vmem_shared>> -> memref<128x128xf32, #tpu.memory_space<vmem_shared>>
      %dma_start3A_35 = arith.constant 0 : i32
      %dma_start3A_36 = tpu.memref_slice %arg6[%add3A_8, %dma_start3A_35] : memref<10112x128xf32, #tpu.memory_space<vmem_shared>> -> memref<128x128xf32, #tpu.memory_space<vmem_shared>>
      %dma_start3A_37 = arith.constant 0 : i32
      %dma_start3A_38 = arith.constant 0 : i32
      %dma_start3A_39 = tpu.memref_slice %arg8[%run_scoped3A_9, %dma_start3A_37, %dma_start3A_38] : memref<2x128x128xf32, #tpu.memory_space<vmem>> -> memref<1x128x128xf32, #tpu.memory_space<vmem>>
      %dma_start3A_40 = tpu.memref_squeeze %dma_start3A_39 : memref<1x128x128xf32, #tpu.memory_space<vmem>> -> memref<128x128xf32, #tpu.memory_space<vmem>>
      %dma_start3A_41 = arith.constant 0 : i32
      %dma_start3A_42 = arith.constant 0 : i32
      %dma_start3A_43 = tpu.memref_slice %dma_start3A_40[%dma_start3A_41, %dma_start3A_42] : memref<128x128xf32, #tpu.memory_space<vmem>> -> memref<128x128xf32, #tpu.memory_space<vmem>>
      tpu.enqueue_dma source(%dma_start3A_43 : memref<128x128xf32, #tpu.memory_space<vmem>>) target(%dma_start3A_36 : memref<128x128xf32, #tpu.memory_space<vmem_shared>>) target_semaphore(%run_scoped3A_26 : memref<!tpu.dma_semaphore, #tpu.memory_space<semaphore_mem>>)
      %dma_wait3A = arith.constant 0 : i32
      %dma_wait3A_44 = arith.constant 0 : i32
      %dma_wait3A_45 = tpu.memref_slice %arg8[%run_scoped3A_9, %dma_wait3A, %dma_wait3A_44] : memref<2x128x128xf32, #tpu.memory_space<vmem>> -> memref<1x128x128xf32, #tpu.memory_space<vmem>>
      %dma_wait3A_46 = tpu.memref_squeeze %dma_wait3A_45 : memref<1x128x128xf32, #tpu.memory_space<vmem>> -> memref<128x128xf32, #tpu.memory_space<vmem>>
      %dma_wait3A_47 = arith.constant 0 : i32
      %dma_wait3A_48 = arith.constant 0 : i32
      %dma_wait3A_49 = tpu.memref_slice %dma_wait3A_46[%dma_wait3A_47, %dma_wait3A_48] : memref<128x128xf32, #tpu.memory_space<vmem>> -> memref<128x128xf32, #tpu.memory_space<vmem>>
      %dma_wait3A_50 = arith.constant 0 : i32
      %dma_wait3A_51 = tpu.memref_slice %arg6[%add3A_8, %dma_wait3A_50] : memref<10112x128xf32, #tpu.memory_space<vmem_shared>> -> memref<128x128xf32, #tpu.memory_space<vmem_shared>>
      %dma_wait3A_52 = arith.constant 0 : i32
      %dma_wait3A_53 = tpu.memref_slice %arg6[%add3A_8, %dma_wait3A_52] : memref<10112x128xf32, #tpu.memory_space<vmem_shared>> -> memref<128x128xf32, #tpu.memory_space<vmem_shared>>
      %dma_wait3A_54 = arith.constant 0 : i32
      %dma_wait3A_55 = arith.constant 0 : i32
      %dma_wait3A_56 = tpu.memref_slice %arg8[%run_scoped3A_9, %dma_wait3A_54, %dma_wait3A_55] : memref<2x128x128xf32, #tpu.memory_space<vmem>> -> memref<1x128x128xf32, #tpu.memory_space<vmem>>
      %dma_wait3A_57 = tpu.memref_squeeze %dma_wait3A_56 : memref<1x128x128xf32, #tpu.memory_space<vmem>> -> memref<128x128xf32, #tpu.memory_space<vmem>>
      %dma_wait3A_58 = arith.constant 0 : i32
      %dma_wait3A_59 = arith.constant 0 : i32
      %dma_wait3A_60 = tpu.memref_slice %dma_wait3A_57[%dma_wait3A_58, %dma_wait3A_59] : memref<128x128xf32, #tpu.memory_space<vmem>> -> memref<128x128xf32, #tpu.memory_space<vmem>>
      tpu.wait_dma2 semaphore(%run_scoped3A_26 : memref<!tpu.dma_semaphore, #tpu.memory_space<semaphore_mem>>) src(%dma_wait3A_60 : memref<128x128xf32, #tpu.memory_space<vmem>>) dst(%dma_wait3A_53 : memref<128x128xf32, #tpu.memory_space<vmem_shared>>)
      tpu.yield
    }) : () -> ()
    %add3A_10 = arith.constant 256 : i32
    %add3A_11 = arith.addi %mul3A_5, %add3A_10 : i32
    %run_scoped3A_12 = arith.constant 0 : i32
    "tpu.region"() ({
      %run_scoped3A_26 = tpu.sem_alloc : memref<!tpu.dma_semaphore, #tpu.memory_space<semaphore_mem>>
      %dma_start3A = arith.constant 0 : i32
      %dma_start3A_27 = arith.constant 0 : i32
      %dma_start3A_28 = tpu.memref_slice %arg8[%run_scoped3A_12, %dma_start3A, %dma_start3A_27] : memref<2x128x128xf32, #tpu.memory_space<vmem>> -> memref<1x128x128xf32, #tpu.memory_space<vmem>>
      %dma_start3A_29 = tpu.memref_squeeze %dma_start3A_28 : memref<1x128x128xf32, #tpu.memory_space<vmem>> -> memref<128x128xf32, #tpu.memory_space<vmem>>
      %dma_start3A_30 = arith.constant 0 : i32
      %dma_start3A_31 = arith.constant 0 : i32
      %dma_start3A_32 = tpu.memref_slice %dma_start3A_29[%dma_start3A_30, %dma_start3A_31] : memref<128x128xf32, #tpu.memory_space<vmem>> -> memref<128x128xf32, #tpu.memory_space<vmem>>
      %dma_start3A_33 = arith.constant 0 : i32
      %dma_start3A_34 = tpu.memref_slice %arg6[%add3A_11, %dma_start3A_33] : memref<10112x128xf32, #tpu.memory_space<vmem_shared>> -> memref<128x128xf32, #tpu.memory_space<vmem_shared>>
      %dma_start3A_35 = arith.constant 0 : i32
      %dma_start3A_36 = tpu.memref_slice %arg6[%add3A_11, %dma_start3A_35] : memref<10112x128xf32, #tpu.memory_space<vmem_shared>> -> memref<128x128xf32, #tpu.memory_space<vmem_shared>>
      %dma_start3A_37 = arith.constant 0 : i32
      %dma_start3A_38 = arith.constant 0 : i32
      %dma_start3A_39 = tpu.memref_slice %arg8[%run_scoped3A_12, %dma_start3A_37, %dma_start3A_38] : memref<2x128x128xf32, #tpu.memory_space<vmem>> -> memref<1x128x128xf32, #tpu.memory_space<vmem>>
      %dma_start3A_40 = tpu.memref_squeeze %dma_start3A_39 : memref<1x128x128xf32, #tpu.memory_space<vmem>> -> memref<128x128xf32, #tpu.memory_space<vmem>>
      %dma_start3A_41 = arith.constant 0 : i32
      %dma_start3A_42 = arith.constant 0 : i32
      %dma_start3A_43 = tpu.memref_slice %dma_start3A_40[%dma_start3A_41, %dma_start3A_42] : memref<128x128xf32, #tpu.memory_space<vmem>> -> memref<128x128xf32, #tpu.memory_space<vmem>>
      tpu.enqueue_dma source(%dma_start3A_43 : memref<128x128xf32, #tpu.memory_space<vmem>>) target(%dma_start3A_36 : memref<128x128xf32, #tpu.memory_space<vmem_shared>>) target_semaphore(%run_scoped3A_26 : memref<!tpu.dma_semaphore, #tpu.memory_space<semaphore_mem>>)
      %dma_wait3A = arith.constant 0 : i32
      %dma_wait3A_44 = arith.constant 0 : i32
      %dma_wait3A_45 = tpu.memref_slice %arg8[%run_scoped3A_12, %dma_wait3A, %dma_wait3A_44] : memref<2x128x128xf32, #tpu.memory_space<vmem>> -> memref<1x128x128xf32, #tpu.memory_space<vmem>>
      %dma_wait3A_46 = tpu.memref_squeeze %dma_wait3A_45 : memref<1x128x128xf32, #tpu.memory_space<vmem>> -> memref<128x128xf32, #tpu.memory_space<vmem>>
      %dma_wait3A_47 = arith.constant 0 : i32
      %dma_wait3A_48 = arith.constant 0 : i32
      %dma_wait3A_49 = tpu.memref_slice %dma_wait3A_46[%dma_wait3A_47, %dma_wait3A_48] : memref<128x128xf32, #tpu.memory_space<vmem>> -> memref<128x128xf32, #tpu.memory_space<vmem>>
      %dma_wait3A_50 = arith.constant 0 : i32
      %dma_wait3A_51 = tpu.memref_slice %arg6[%add3A_11, %dma_wait3A_50] : memref<10112x128xf32, #tpu.memory_space<vmem_shared>> -> memref<128x128xf32, #tpu.memory_space<vmem_shared>>
      %dma_wait3A_52 = arith.constant 0 : i32
      %dma_wait3A_53 = tpu.memref_slice %arg6[%add3A_11, %dma_wait3A_52] : memref<10112x128xf32, #tpu.memory_space<vmem_shared>> -> memref<128x128xf32, #tpu.memory_space<vmem_shared>>
      %dma_wait3A_54 = arith.constant 0 : i32
      %dma_wait3A_55 = arith.constant 0 : i32
      %dma_wait3A_56 = tpu.memref_slice %arg8[%run_scoped3A_12, %dma_wait3A_54, %dma_wait3A_55] : memref<2x128x128xf32, #tpu.memory_space<vmem>> -> memref<1x128x128xf32, #tpu.memory_space<vmem>>
      %dma_wait3A_57 = tpu.memref_squeeze %dma_wait3A_56 : memref<1x128x128xf32, #tpu.memory_space<vmem>> -> memref<128x128xf32, #tpu.memory_space<vmem>>
      %dma_wait3A_58 = arith.constant 0 : i32
      %dma_wait3A_59 = arith.constant 0 : i32
      %dma_wait3A_60 = tpu.memref_slice %dma_wait3A_57[%dma_wait3A_58, %dma_wait3A_59] : memref<128x128xf32, #tpu.memory_space<vmem>> -> memref<128x128xf32, #tpu.memory_space<vmem>>
      tpu.wait_dma2 semaphore(%run_scoped3A_26 : memref<!tpu.dma_semaphore, #tpu.memory_space<semaphore_mem>>) src(%dma_wait3A_60 : memref<128x128xf32, #tpu.memory_space<vmem>>) dst(%dma_wait3A_53 : memref<128x128xf32, #tpu.memory_space<vmem_shared>>)
      tpu.yield
    }) : () -> ()
    %add3A_13 = arith.constant 384 : i32
    %add3A_14 = arith.addi %mul3A_5, %add3A_13 : i32
    %run_scoped3A_15 = arith.constant 0 : i32
    "tpu.region"() ({
      %run_scoped3A_26 = tpu.sem_alloc : memref<!tpu.dma_semaphore, #tpu.memory_space<semaphore_mem>>
      %dma_start3A = arith.constant 0 : i32
      %dma_start3A_27 = arith.constant 0 : i32
      %dma_start3A_28 = tpu.memref_slice %arg8[%run_scoped3A_15, %dma_start3A, %dma_start3A_27] : memref<2x128x128xf32, #tpu.memory_space<vmem>> -> memref<1x128x128xf32, #tpu.memory_space<vmem>>
      %dma_start3A_29 = tpu.memref_squeeze %dma_start3A_28 : memref<1x128x128xf32, #tpu.memory_space<vmem>> -> memref<128x128xf32, #tpu.memory_space<vmem>>
      %dma_start3A_30 = arith.constant 0 : i32
      %dma_start3A_31 = arith.constant 0 : i32
      %dma_start3A_32 = tpu.memref_slice %dma_start3A_29[%dma_start3A_30, %dma_start3A_31] : memref<128x128xf32, #tpu.memory_space<vmem>> -> memref<128x128xf32, #tpu.memory_space<vmem>>
      %dma_start3A_33 = arith.constant 0 : i32
      %dma_start3A_34 = tpu.memref_slice %arg6[%add3A_14, %dma_start3A_33] : memref<10112x128xf32, #tpu.memory_space<vmem_shared>> -> memref<128x128xf32, #tpu.memory_space<vmem_shared>>
      %dma_start3A_35 = arith.constant 0 : i32
      %dma_start3A_36 = tpu.memref_slice %arg6[%add3A_14, %dma_start3A_35] : memref<10112x128xf32, #tpu.memory_space<vmem_shared>> -> memref<128x128xf32, #tpu.memory_space<vmem_shared>>
      %dma_start3A_37 = arith.constant 0 : i32
      %dma_start3A_38 = arith.constant 0 : i32
      %dma_start3A_39 = tpu.memref_slice %arg8[%run_scoped3A_15, %dma_start3A_37, %dma_start3A_38] : memref<2x128x128xf32, #tpu.memory_space<vmem>> -> memref<1x128x128xf32, #tpu.memory_space<vmem>>
      %dma_start3A_40 = tpu.memref_squeeze %dma_start3A_39 : memref<1x128x128xf32, #tpu.memory_space<vmem>> -> memref<128x128xf32, #tpu.memory_space<vmem>>
      %dma_start3A_41 = arith.constant 0 : i32
      %dma_start3A_42 = arith.constant 0 : i32
      %dma_start3A_43 = tpu.memref_slice %dma_start3A_40[%dma_start3A_41, %dma_start3A_42] : memref<128x128xf32, #tpu.memory_space<vmem>> -> memref<128x128xf32, #tpu.memory_space<vmem>>
      tpu.enqueue_dma source(%dma_start3A_43 : memref<128x128xf32, #tpu.memory_space<vmem>>) target(%dma_start3A_36 : memref<128x128xf32, #tpu.memory_space<vmem_shared>>) target_semaphore(%run_scoped3A_26 : memref<!tpu.dma_semaphore, #tpu.memory_space<semaphore_mem>>)
      %dma_wait3A = arith.constant 0 : i32
      %dma_wait3A_44 = arith.constant 0 : i32
      %dma_wait3A_45 = tpu.memref_slice %arg8[%run_scoped3A_15, %dma_wait3A, %dma_wait3A_44] : memref<2x128x128xf32, #tpu.memory_space<vmem>> -> memref<1x128x128xf32, #tpu.memory_space<vmem>>
      %dma_wait3A_46 = tpu.memref_squeeze %dma_wait3A_45 : memref<1x128x128xf32, #tpu.memory_space<vmem>> -> memref<128x128xf32, #tpu.memory_space<vmem>>
      %dma_wait3A_47 = arith.constant 0 : i32
      %dma_wait3A_48 = arith.constant 0 : i32
      %dma_wait3A_49 = tpu.memref_slice %dma_wait3A_46[%dma_wait3A_47, %dma_wait3A_48] : memref<128x128xf32, #tpu.memory_space<vmem>> -> memref<128x128xf32, #tpu.memory_space<vmem>>
      %dma_wait3A_50 = arith.constant 0 : i32
      %dma_wait3A_51 = tpu.memref_slice %arg6[%add3A_14, %dma_wait3A_50] : memref<10112x128xf32, #tpu.memory_space<vmem_shared>> -> memref<128x128xf32, #tpu.memory_space<vmem_shared>>
      %dma_wait3A_52 = arith.constant 0 : i32
      %dma_wait3A_53 = tpu.memref_slice %arg6[%add3A_14, %dma_wait3A_52] : memref<10112x128xf32, #tpu.memory_space<vmem_shared>> -> memref<128x128xf32, #tpu.memory_space<vmem_shared>>
      %dma_wait3A_54 = arith.constant 0 : i32
      %dma_wait3A_55 = arith.constant 0 : i32
      %dma_wait3A_56 = tpu.memref_slice %arg8[%run_scoped3A_15, %dma_wait3A_54, %dma_wait3A_55] : memref<2x128x128xf32, #tpu.memory_space<vmem>> -> memref<1x128x128xf32, #tpu.memory_space<vmem>>
      %dma_wait3A_57 = tpu.memref_squeeze %dma_wait3A_56 : memref<1x128x128xf32, #tpu.memory_space<vmem>> -> memref<128x128xf32, #tpu.memory_space<vmem>>
      %dma_wait3A_58 = arith.constant 0 : i32
      %dma_wait3A_59 = arith.constant 0 : i32
      %dma_wait3A_60 = tpu.memref_slice %dma_wait3A_57[%dma_wait3A_58, %dma_wait3A_59] : memref<128x128xf32, #tpu.memory_space<vmem>> -> memref<128x128xf32, #tpu.memory_space<vmem>>
      tpu.wait_dma2 semaphore(%run_scoped3A_26 : memref<!tpu.dma_semaphore, #tpu.memory_space<semaphore_mem>>) src(%dma_wait3A_60 : memref<128x128xf32, #tpu.memory_space<vmem>>) dst(%dma_wait3A_53 : memref<128x128xf32, #tpu.memory_space<vmem_shared>>)
      tpu.yield
    }) : () -> ()
    %add3A_16 = arith.constant 512 : i32
    %add3A_17 = arith.addi %mul3A_5, %add3A_16 : i32
    %run_scoped3A_18 = arith.constant 0 : i32
    "tpu.region"() ({
      %run_scoped3A_26 = tpu.sem_alloc : memref<!tpu.dma_semaphore, #tpu.memory_space<semaphore_mem>>
      %dma_start3A = arith.constant 0 : i32
      %dma_start3A_27 = arith.constant 0 : i32
      %dma_start3A_28 = tpu.memref_slice %arg8[%run_scoped3A_18, %dma_start3A, %dma_start3A_27] : memref<2x128x128xf32, #tpu.memory_space<vmem>> -> memref<1x128x128xf32, #tpu.memory_space<vmem>>
      %dma_start3A_29 = tpu.memref_squeeze %dma_start3A_28 : memref<1x128x128xf32, #tpu.memory_space<vmem>> -> memref<128x128xf32, #tpu.memory_space<vmem>>
      %dma_start3A_30 = arith.constant 0 : i32
      %dma_start3A_31 = arith.constant 0 : i32
      %dma_start3A_32 = tpu.memref_slice %dma_start3A_29[%dma_start3A_30, %dma_start3A_31] : memref<128x128xf32, #tpu.memory_space<vmem>> -> memref<120x128xf32, #tpu.memory_space<vmem>>
      %dma_start3A_33 = arith.constant 0 : i32
      %dma_start3A_34 = tpu.memref_slice %arg6[%add3A_17, %dma_start3A_33] : memref<10112x128xf32, #tpu.memory_space<vmem_shared>> -> memref<120x128xf32, #tpu.memory_space<vmem_shared>>
      %dma_start3A_35 = arith.constant 0 : i32
      %dma_start3A_36 = tpu.memref_slice %arg6[%add3A_17, %dma_start3A_35] : memref<10112x128xf32, #tpu.memory_space<vmem_shared>> -> memref<120x128xf32, #tpu.memory_space<vmem_shared>>
      %dma_start3A_37 = arith.constant 0 : i32
      %dma_start3A_38 = arith.constant 0 : i32
      %dma_start3A_39 = tpu.memref_slice %arg8[%run_scoped3A_18, %dma_start3A_37, %dma_start3A_38] : memref<2x128x128xf32, #tpu.memory_space<vmem>> -> memref<1x128x128xf32, #tpu.memory_space<vmem>>
      %dma_start3A_40 = tpu.memref_squeeze %dma_start3A_39 : memref<1x128x128xf32, #tpu.memory_space<vmem>> -> memref<128x128xf32, #tpu.memory_space<vmem>>
      %dma_start3A_41 = arith.constant 0 : i32
      %dma_start3A_42 = arith.constant 0 : i32
      %dma_start3A_43 = tpu.memref_slice %dma_start3A_40[%dma_start3A_41, %dma_start3A_42] : memref<128x128xf32, #tpu.memory_space<vmem>> -> memref<120x128xf32, #tpu.memory_space<vmem>>
      tpu.enqueue_dma source(%dma_start3A_43 : memref<120x128xf32, #tpu.memory_space<vmem>>) target(%dma_start3A_36 : memref<120x128xf32, #tpu.memory_space<vmem_shared>>) target_semaphore(%run_scoped3A_26 : memref<!tpu.dma_semaphore, #tpu.memory_space<semaphore_mem>>)
      %dma_wait3A = arith.constant 0 : i32
      %dma_wait3A_44 = arith.constant 0 : i32
      %dma_wait3A_45 = tpu.memref_slice %arg8[%run_scoped3A_18, %dma_wait3A, %dma_wait3A_44] : memref<2x128x128xf32, #tpu.memory_space<vmem>> -> memref<1x128x128xf32, #tpu.memory_space<vmem>>
      %dma_wait3A_46 = tpu.memref_squeeze %dma_wait3A_45 : memref<1x128x128xf32, #tpu.memory_space<vmem>> -> memref<128x128xf32, #tpu.memory_space<vmem>>
      %dma_wait3A_47 = arith.constant 0 : i32
      %dma_wait3A_48 = arith.constant 0 : i32
      %dma_wait3A_49 = tpu.memref_slice %dma_wait3A_46[%dma_wait3A_47, %dma_wait3A_48] : memref<128x128xf32, #tpu.memory_space<vmem>> -> memref<120x128xf32, #tpu.memory_space<vmem>>
      %dma_wait3A_50 = arith.constant 0 : i32
      %dma_wait3A_51 = tpu.memref_slice %arg6[%add3A_17, %dma_wait3A_50] : memref<10112x128xf32, #tpu.memory_space<vmem_shared>> -> memref<120x128xf32, #tpu.memory_space<vmem_shared>>
      %dma_wait3A_52 = arith.constant 0 : i32
      %dma_wait3A_53 = tpu.memref_slice %arg6[%add3A_17, %dma_wait3A_52] : memref<10112x128xf32, #tpu.memory_space<vmem_shared>> -> memref<120x128xf32, #tpu.memory_space<vmem_shared>>
      %dma_wait3A_54 = arith.constant 0 : i32
      %dma_wait3A_55 = arith.constant 0 : i32
      %dma_wait3A_56 = tpu.memref_slice %arg8[%run_scoped3A_18, %dma_wait3A_54, %dma_wait3A_55] : memref<2x128x128xf32, #tpu.memory_space<vmem>> -> memref<1x128x128xf32, #tpu.memory_space<vmem>>
      %dma_wait3A_57 = tpu.memref_squeeze %dma_wait3A_56 : memref<1x128x128xf32, #tpu.memory_space<vmem>> -> memref<128x128xf32, #tpu.memory_space<vmem>>
      %dma_wait3A_58 = arith.constant 0 : i32
      %dma_wait3A_59 = arith.constant 0 : i32
      %dma_wait3A_60 = tpu.memref_slice %dma_wait3A_57[%dma_wait3A_58, %dma_wait3A_59] : memref<128x128xf32, #tpu.memory_space<vmem>> -> memref<120x128xf32, #tpu.memory_space<vmem>>
      tpu.wait_dma2 semaphore(%run_scoped3A_26 : memref<!tpu.dma_semaphore, #tpu.memory_space<semaphore_mem>>) src(%dma_wait3A_60 : memref<120x128xf32, #tpu.memory_space<vmem>>) dst(%dma_wait3A_53 : memref<120x128xf32, #tpu.memory_space<vmem_shared>>)
      tpu.yield
    }) : () -> ()
    %barrier3A = arith.constant 0 : index
    tpu.barrier barrier_id(%barrier3A)
    %scan3A_19 = arith.constant 0 : i32
    %scan3A_20 = arith.constant 0 : i32
    %scan3A_21 = arith.constant 5 : i32
    %scan3A_22 = arith.addi %scan3A_20, %scan3A_21 : i32
    %scan3A_23 = arith.constant 1 : i32
    scf.for %scan3A_26 = %scan3A_20 to %scan3A_22 step %scan3A_23  : i32 {
      %mul3A_27 = arith.constant 16 : i32
      %mul3A_28 = arith.muli %scan3A_26, %mul3A_27 : i32
      "tpu.region"() ({
        %run_scoped3A_60 = tpu.sem_alloc : memref<!tpu.dma_semaphore, #tpu.memory_space<semaphore_mem>>
        %dma_start3A_61 = arith.constant 0 : i32
        %dma_start3A_62 = tpu.memref_slice %arg3[%arg0, %arg1, %mul3A_28, %dma_start3A_61] : memref<2x16x80x128xi32, #tpu.memory_space<hbm>> -> memref<1x1x16x128xi32, #tpu.memory_space<hbm>>
        %dma_start3A_63 = tpu.memref_squeeze %dma_start3A_62 : memref<1x1x16x128xi32, #tpu.memory_space<hbm>> -> memref<16x128xi32, #tpu.memory_space<hbm>>
        %dma_start3A_64 = arith.constant 0 : i32
        %dma_start3A_65 = tpu.memref_slice %arg3[%arg0, %arg1, %mul3A_28, %dma_start3A_64] : memref<2x16x80x128xi32, #tpu.memory_space<hbm>> -> memref<1x1x16x128xi32, #tpu.memory_space<hbm>>
        %dma_start3A_66 = tpu.memref_squeeze %dma_start3A_65 : memref<1x1x16x128xi32, #tpu.memory_space<hbm>> -> memref<16x128xi32, #tpu.memory_space<hbm>>
        tpu.enqueue_dma source(%dma_start3A_66 : memref<16x128xi32, #tpu.memory_space<hbm>>) target(%arg11 : memref<16x128xi32, #tpu.memory_space<vmem>>) target_semaphore(%run_scoped3A_60 : memref<!tpu.dma_semaphore, #tpu.memory_space<semaphore_mem>>)
        %dma_wait3A = arith.constant 0 : i32
        %dma_wait3A_67 = tpu.memref_slice %arg3[%arg0, %arg1, %mul3A_28, %dma_wait3A] : memref<2x16x80x128xi32, #tpu.memory_space<hbm>> -> memref<1x1x16x128xi32, #tpu.memory_space<hbm>>
        %dma_wait3A_68 = tpu.memref_squeeze %dma_wait3A_67 : memref<1x1x16x128xi32, #tpu.memory_space<hbm>> -> memref<16x128xi32, #tpu.memory_space<hbm>>
        %dma_wait3A_69 = arith.constant 0 : i32
        %dma_wait3A_70 = tpu.memref_slice %arg3[%arg0, %arg1, %mul3A_28, %dma_wait3A_69] : memref<2x16x80x128xi32, #tpu.memory_space<hbm>> -> memref<1x1x16x128xi32, #tpu.memory_space<hbm>>
        %dma_wait3A_71 = tpu.memref_squeeze %dma_wait3A_70 : memref<1x1x16x128xi32, #tpu.memory_space<hbm>> -> memref<16x128xi32, #tpu.memory_space<hbm>>
        tpu.wait_dma2 semaphore(%run_scoped3A_60 : memref<!tpu.dma_semaphore, #tpu.memory_space<semaphore_mem>>) src(%dma_wait3A_71 : memref<16x128xi32, #tpu.memory_space<hbm>>) dst(%arg11 : memref<16x128xi32, #tpu.memory_space<vmem>>)
        tpu.yield
      }) : () -> ()
      %mul3A_29 = arith.constant 16 : i32
      %mul3A_30 = arith.muli %scan3A_26, %mul3A_29 : i32
      "tpu.region"() ({
        %run_scoped3A_60 = tpu.sem_alloc : memref<!tpu.dma_semaphore, #tpu.memory_space<semaphore_mem>>
        %dma_start3A_61 = arith.constant 0 : i32
        %dma_start3A_62 = tpu.memref_slice %arg4[%arg1, %mul3A_30, %dma_start3A_61] : memref<16x80x128xi32, #tpu.memory_space<hbm>> -> memref<1x16x128xi32, #tpu.memory_space<hbm>>
        %dma_start3A_63 = tpu.memref_squeeze %dma_start3A_62 : memref<1x16x128xi32, #tpu.memory_space<hbm>> -> memref<16x128xi32, #tpu.memory_space<hbm>>
        %dma_start3A_64 = arith.constant 0 : i32
        %dma_start3A_65 = tpu.memref_slice %arg4[%arg1, %mul3A_30, %dma_start3A_64] : memref<16x80x128xi32, #tpu.memory_space<hbm>> -> memref<1x16x128xi32, #tpu.memory_space<hbm>>
        %dma_start3A_66 = tpu.memref_squeeze %dma_start3A_65 : memref<1x16x128xi32, #tpu.memory_space<hbm>> -> memref<16x128xi32, #tpu.memory_space<hbm>>
        tpu.enqueue_dma source(%dma_start3A_66 : memref<16x128xi32, #tpu.memory_space<hbm>>) target(%arg7 : memref<16x128xi32, #tpu.memory_space<vmem>>) target_semaphore(%run_scoped3A_60 : memref<!tpu.dma_semaphore, #tpu.memory_space<semaphore_mem>>)
        %dma_wait3A = arith.constant 0 : i32
        %dma_wait3A_67 = tpu.memref_slice %arg4[%arg1, %mul3A_30, %dma_wait3A] : memref<16x80x128xi32, #tpu.memory_space<hbm>> -> memref<1x16x128xi32, #tpu.memory_space<hbm>>
        %dma_wait3A_68 = tpu.memref_squeeze %dma_wait3A_67 : memref<1x16x128xi32, #tpu.memory_space<hbm>> -> memref<16x128xi32, #tpu.memory_space<hbm>>
        %dma_wait3A_69 = arith.constant 0 : i32
        %dma_wait3A_70 = tpu.memref_slice %arg4[%arg1, %mul3A_30, %dma_wait3A_69] : memref<16x80x128xi32, #tpu.memory_space<hbm>> -> memref<1x16x128xi32, #tpu.memory_space<hbm>>
        %dma_wait3A_71 = tpu.memref_squeeze %dma_wait3A_70 : memref<1x16x128xi32, #tpu.memory_space<hbm>> -> memref<16x128xi32, #tpu.memory_space<hbm>>
        tpu.wait_dma2 semaphore(%run_scoped3A_60 : memref<!tpu.dma_semaphore, #tpu.memory_space<semaphore_mem>>) src(%dma_wait3A_71 : memref<16x128xi32, #tpu.memory_space<hbm>>) dst(%arg7 : memref<16x128xi32, #tpu.memory_space<vmem>>)
        tpu.yield
      }) : () -> ()
      %dma_start3A = arith.constant 0 : i32
      %dma_start3A_31 = arith.constant 0 : i32
      %dma_start3A_32 = arith.constant 0 : i32
      %dma_start3A_33 = arith.constant 0 : i32
      %dma_start3A_34 = tpu.memref_slice %arg8[%dma_start3A_31, %dma_start3A_32, %dma_start3A_33] : memref<2x128x128xf32, #tpu.memory_space<vmem>> -> memref<1x128x128xf32, #tpu.memory_space<vmem>>
      %dma_start3A_35 = tpu.memref_squeeze %dma_start3A_34 : memref<1x128x128xf32, #tpu.memory_space<vmem>> -> memref<128x128xf32, #tpu.memory_space<vmem>>
      %dma_start3A_36 = arith.constant 0 : i32
      %dma_start3A_37 = tpu.memref_slice %arg11[%dma_start3A, %dma_start3A_36] : memref<16x128xi32, #tpu.memory_space<vmem>> -> memref<1x128xi32, #tpu.memory_space<vmem>>
      %dma_start3A_38 = tpu.memref_squeeze %dma_start3A_37 : memref<1x128xi32, #tpu.memory_space<vmem>> -> memref<128xi32, #tpu.memory_space<vmem>>
      %dma_start3A_39 = arith.constant 0 : i32
      %dma_start3A_40 = arith.constant 0 : i32
      %dma_start3A_41 = tpu.memref_slice %arg2[%dma_start3A_39, %dma_start3A_40] : memref<20000x128xf32, #tpu.memory_space<hbm>> -> memref<20000x128xf32, #tpu.memory_space<hbm>>
      tpu.enqueue_indirect_dma source(%dma_start3A_41 : memref<20000x128xf32, #tpu.memory_space<hbm>>) target(%dma_start3A_35 : memref<128x128xf32, #tpu.memory_space<vmem>>) offsets(%dma_start3A_38 : memref<128xi32, #tpu.memory_space<vmem>>) semaphore(%arg9 : memref<!tpu.dma_semaphore, #tpu.memory_space<semaphore_mem>>)
      %dma_start3A_42 = arith.constant 1 : i32
      %dma_start3A_43 = arith.constant 1 : i32
      %dma_start3A_44 = arith.constant 0 : i32
      %dma_start3A_45 = arith.constant 0 : i32
      %dma_start3A_46 = tpu.memref_slice %arg8[%dma_start3A_43, %dma_start3A_44, %dma_start3A_45] : memref<2x128x128xf32, #tpu.memory_space<vmem>> -> memref<1x128x128xf32, #tpu.memory_space<vmem>>
      %dma_start3A_47 = tpu.memref_squeeze %dma_start3A_46 : memref<1x128x128xf32, #tpu.memory_space<vmem>> -> memref<128x128xf32, #tpu.memory_space<vmem>>
      %dma_start3A_48 = arith.constant 0 : i32
      %dma_start3A_49 = tpu.memref_slice %arg11[%dma_start3A_42, %dma_start3A_48] : memref<16x128xi32, #tpu.memory_space<vmem>> -> memref<1x128xi32, #tpu.memory_space<vmem>>
      %dma_start3A_50 = tpu.memref_squeeze %dma_start3A_49 : memref<1x128xi32, #tpu.memory_space<vmem>> -> memref<128xi32, #tpu.memory_space<vmem>>
      %dma_start3A_51 = arith.constant 0 : i32
      %dma_start3A_52 = arith.constant 0 : i32
      %dma_start3A_53 = tpu.memref_slice %arg2[%dma_start3A_51, %dma_start3A_52] : memref<20000x128xf32, #tpu.memory_space<hbm>> -> memref<20000x128xf32, #tpu.memory_space<hbm>>
      tpu.enqueue_indirect_dma source(%dma_start3A_53 : memref<20000x128xf32, #tpu.memory_space<hbm>>) target(%dma_start3A_47 : memref<128x128xf32, #tpu.memory_space<vmem>>) offsets(%dma_start3A_50 : memref<128xi32, #tpu.memory_space<vmem>>) semaphore(%arg10 : memref<!tpu.dma_semaphore, #tpu.memory_space<semaphore_mem>>)
      %scan3A_54 = arith.constant 0 : i32
      %scan3A_55 = arith.constant 0 : i32
      %scan3A_56 = arith.constant 8 : i32
      %scan3A_57 = arith.addi %scan3A_55, %scan3A_56 : i32
      %scan3A_58 = arith.constant 1 : i32
      scf.for %scan3A_60 = %scan3A_55 to %scan3A_57 step %scan3A_58  : i32 {
        %mul3A_61 = arith.constant 2 : i32
        %mul3A_62 = arith.muli %scan3A_60, %mul3A_61 : i32
        %add3A_63 = arith.constant 0 : i32
        %add3A_64 = arith.addi %mul3A_62, %add3A_63 : i32
        %dma_wait3A = arith.constant 0 : i32
        %dma_wait3A_65 = arith.constant 0 : i32
        %dma_wait3A_66 = arith.constant 0 : i32
        %dma_wait3A_67 = tpu.memref_slice %arg8[%dma_wait3A, %dma_wait3A_65, %dma_wait3A_66] : memref<2x128x128xf32, #tpu.memory_space<vmem>> -> memref<1x128x128xf32, #tpu.memory_space<vmem>>
        %dma_wait3A_68 = tpu.memref_squeeze %dma_wait3A_67 : memref<1x128x128xf32, #tpu.memory_space<vmem>> -> memref<128x128xf32, #tpu.memory_space<vmem>>
        %dma_wait3A_69 = arith.constant 0 : i32
        %dma_wait3A_70 = tpu.memref_slice %arg11[%add3A_64, %dma_wait3A_69] : memref<16x128xi32, #tpu.memory_space<vmem>> -> memref<1x128xi32, #tpu.memory_space<vmem>>
        %dma_wait3A_71 = tpu.memref_squeeze %dma_wait3A_70 : memref<1x128xi32, #tpu.memory_space<vmem>> -> memref<128xi32, #tpu.memory_space<vmem>>
        %dma_wait3A_72 = arith.constant 0 : i32
        %dma_wait3A_73 = arith.constant 0 : i32
        %dma_wait3A_74 = tpu.memref_slice %arg2[%dma_wait3A_72, %dma_wait3A_73] : memref<20000x128xf32, #tpu.memory_space<hbm>> -> memref<20000x128xf32, #tpu.memory_space<hbm>>
        tpu.wait_indirect_dma semaphore(%arg9 : memref<!tpu.dma_semaphore, #tpu.memory_space<semaphore_mem>>) src(%dma_wait3A_74 : memref<20000x128xf32, #tpu.memory_space<hbm>>) dst(%dma_wait3A_68 : memref<128x128xf32, #tpu.memory_space<vmem>>)
        %dma_start3A_75 = arith.constant 0 : i32
        %dma_start3A_76 = arith.constant 0 : i32
        %dma_start3A_77 = arith.constant 0 : i32
        %dma_start3A_78 = tpu.memref_slice %arg8[%dma_start3A_75, %dma_start3A_76, %dma_start3A_77] : memref<2x128x128xf32, #tpu.memory_space<vmem>> -> memref<1x128x128xf32, #tpu.memory_space<vmem>>
        %dma_start3A_79 = tpu.memref_squeeze %dma_start3A_78 : memref<1x128x128xf32, #tpu.memory_space<vmem>> -> memref<128x128xf32, #tpu.memory_space<vmem>>
        %dma_start3A_80 = arith.constant 0 : i32
        %dma_start3A_81 = tpu.memref_slice %arg7[%add3A_64, %dma_start3A_80] : memref<16x128xi32, #tpu.memory_space<vmem>> -> memref<1x128xi32, #tpu.memory_space<vmem>>
        %dma_start3A_82 = tpu.memref_squeeze %dma_start3A_81 : memref<1x128xi32, #tpu.memory_space<vmem>> -> memref<128xi32, #tpu.memory_space<vmem>>
        %dma_start3A_83 = arith.constant 0 : i32
        %dma_start3A_84 = arith.constant 0 : i32
        %dma_start3A_85 = tpu.memref_slice %arg6[%dma_start3A_83, %dma_start3A_84] : memref<10112x128xf32, #tpu.memory_space<vmem_shared>> -> memref<10112x128xf32, #tpu.memory_space<vmem_shared>>
        tpu.enqueue_indirect_dma source(%dma_start3A_79 : memref<128x128xf32, #tpu.memory_space<vmem>>) target(%dma_start3A_85 : memref<10112x128xf32, #tpu.memory_space<vmem_shared>>) offsets(%dma_start3A_82 : memref<128xi32, #tpu.memory_space<vmem>>) semaphore(%arg12 : memref<!tpu.dma_semaphore, #tpu.memory_space<semaphore_mem>>) {add = true}
        %dma_wait3A_86 = arith.constant 0 : i32
        %dma_wait3A_87 = arith.constant 0 : i32
        %dma_wait3A_88 = arith.constant 0 : i32
        %dma_wait3A_89 = tpu.memref_slice %arg8[%dma_wait3A_86, %dma_wait3A_87, %dma_wait3A_88] : memref<2x128x128xf32, #tpu.memory_space<vmem>> -> memref<1x128x128xf32, #tpu.memory_space<vmem>>
        %dma_wait3A_90 = tpu.memref_squeeze %dma_wait3A_89 : memref<1x128x128xf32, #tpu.memory_space<vmem>> -> memref<128x128xf32, #tpu.memory_space<vmem>>
        %dma_wait3A_91 = arith.constant 0 : i32
        %dma_wait3A_92 = tpu.memref_slice %arg7[%add3A_64, %dma_wait3A_91] : memref<16x128xi32, #tpu.memory_space<vmem>> -> memref<1x128xi32, #tpu.memory_space<vmem>>
        %dma_wait3A_93 = tpu.memref_squeeze %dma_wait3A_92 : memref<1x128xi32, #tpu.memory_space<vmem>> -> memref<128xi32, #tpu.memory_space<vmem>>
        %dma_wait3A_94 = arith.constant 0 : i32
        %dma_wait3A_95 = arith.constant 0 : i32
        %dma_wait3A_96 = tpu.memref_slice %arg6[%dma_wait3A_94, %dma_wait3A_95] : memref<10112x128xf32, #tpu.memory_space<vmem_shared>> -> memref<10112x128xf32, #tpu.memory_space<vmem_shared>>
        tpu.wait_indirect_dma semaphore(%arg12 : memref<!tpu.dma_semaphore, #tpu.memory_space<semaphore_mem>>) src(%dma_wait3A_90 : memref<128x128xf32, #tpu.memory_space<vmem>>) dst(%dma_wait3A_96 : memref<10112x128xf32, #tpu.memory_space<vmem_shared>>)
        %add3A_97 = arith.constant 2 : i32
        %add3A_98 = arith.addi %add3A_64, %add3A_97 : i32
        %lt3A = arith.constant 16 : i32
        %lt3A_99 = arith.cmpi slt, %add3A_98, %lt3A : i32
        %convert_element_type3A = arith.extui %lt3A_99 : i1 to i32
        %cond3A = arith.constant 0 : i32
        %cond3A_100 = arith.cmpi ne, %convert_element_type3A, %cond3A : i32
        scf.if %cond3A_100 {
          %dma_start3A_145 = arith.constant 0 : i32
          %dma_start3A_146 = arith.constant 0 : i32
          %dma_start3A_147 = arith.constant 0 : i32
          %dma_start3A_148 = tpu.memref_slice %arg8[%dma_start3A_145, %dma_start3A_146, %dma_start3A_147] : memref<2x128x128xf32, #tpu.memory_space<vmem>> -> memref<1x128x128xf32, #tpu.memory_space<vmem>>
          %dma_start3A_149 = tpu.memref_squeeze %dma_start3A_148 : memref<1x128x128xf32, #tpu.memory_space<vmem>> -> memref<128x128xf32, #tpu.memory_space<vmem>>
          %dma_start3A_150 = arith.constant 0 : i32
          %dma_start3A_151 = tpu.memref_slice %arg11[%add3A_98, %dma_start3A_150] : memref<16x128xi32, #tpu.memory_space<vmem>> -> memref<1x128xi32, #tpu.memory_space<vmem>>
          %dma_start3A_152 = tpu.memref_squeeze %dma_start3A_151 : memref<1x128xi32, #tpu.memory_space<vmem>> -> memref<128xi32, #tpu.memory_space<vmem>>
          %dma_start3A_153 = arith.constant 0 : i32
          %dma_start3A_154 = arith.constant 0 : i32
          %dma_start3A_155 = tpu.memref_slice %arg2[%dma_start3A_153, %dma_start3A_154] : memref<20000x128xf32, #tpu.memory_space<hbm>> -> memref<20000x128xf32, #tpu.memory_space<hbm>>
          tpu.enqueue_indirect_dma source(%dma_start3A_155 : memref<20000x128xf32, #tpu.memory_space<hbm>>) target(%dma_start3A_149 : memref<128x128xf32, #tpu.memory_space<vmem>>) offsets(%dma_start3A_152 : memref<128xi32, #tpu.memory_space<vmem>>) semaphore(%arg9 : memref<!tpu.dma_semaphore, #tpu.memory_space<semaphore_mem>>)
        } else {
        }
        %mul3A_101 = arith.constant 2 : i32
        %mul3A_102 = arith.muli %scan3A_60, %mul3A_101 : i32
        %add3A_103 = arith.constant 1 : i32
        %add3A_104 = arith.addi %mul3A_102, %add3A_103 : i32
        %dma_wait3A_105 = arith.constant 1 : i32
        %dma_wait3A_106 = arith.constant 0 : i32
        %dma_wait3A_107 = arith.constant 0 : i32
        %dma_wait3A_108 = tpu.memref_slice %arg8[%dma_wait3A_105, %dma_wait3A_106, %dma_wait3A_107] : memref<2x128x128xf32, #tpu.memory_space<vmem>> -> memref<1x128x128xf32, #tpu.memory_space<vmem>>
        %dma_wait3A_109 = tpu.memref_squeeze %dma_wait3A_108 : memref<1x128x128xf32, #tpu.memory_space<vmem>> -> memref<128x128xf32, #tpu.memory_space<vmem>>
        %dma_wait3A_110 = arith.constant 0 : i32
        %dma_wait3A_111 = tpu.memref_slice %arg11[%add3A_104, %dma_wait3A_110] : memref<16x128xi32, #tpu.memory_space<vmem>> -> memref<1x128xi32, #tpu.memory_space<vmem>>
        %dma_wait3A_112 = tpu.memref_squeeze %dma_wait3A_111 : memref<1x128xi32, #tpu.memory_space<vmem>> -> memref<128xi32, #tpu.memory_space<vmem>>
        %dma_wait3A_113 = arith.constant 0 : i32
        %dma_wait3A_114 = arith.constant 0 : i32
        %dma_wait3A_115 = tpu.memref_slice %arg2[%dma_wait3A_113, %dma_wait3A_114] : memref<20000x128xf32, #tpu.memory_space<hbm>> -> memref<20000x128xf32, #tpu.memory_space<hbm>>
        tpu.wait_indirect_dma semaphore(%arg10 : memref<!tpu.dma_semaphore, #tpu.memory_space<semaphore_mem>>) src(%dma_wait3A_115 : memref<20000x128xf32, #tpu.memory_space<hbm>>) dst(%dma_wait3A_109 : memref<128x128xf32, #tpu.memory_space<vmem>>)
        %dma_start3A_116 = arith.constant 1 : i32
        %dma_start3A_117 = arith.constant 0 : i32
        %dma_start3A_118 = arith.constant 0 : i32
        %dma_start3A_119 = tpu.memref_slice %arg8[%dma_start3A_116, %dma_start3A_117, %dma_start3A_118] : memref<2x128x128xf32, #tpu.memory_space<vmem>> -> memref<1x128x128xf32, #tpu.memory_space<vmem>>
        %dma_start3A_120 = tpu.memref_squeeze %dma_start3A_119 : memref<1x128x128xf32, #tpu.memory_space<vmem>> -> memref<128x128xf32, #tpu.memory_space<vmem>>
        %dma_start3A_121 = arith.constant 0 : i32
        %dma_start3A_122 = tpu.memref_slice %arg7[%add3A_104, %dma_start3A_121] : memref<16x128xi32, #tpu.memory_space<vmem>> -> memref<1x128xi32, #tpu.memory_space<vmem>>
        %dma_start3A_123 = tpu.memref_squeeze %dma_start3A_122 : memref<1x128xi32, #tpu.memory_space<vmem>> -> memref<128xi32, #tpu.memory_space<vmem>>
        %dma_start3A_124 = arith.constant 0 : i32
        %dma_start3A_125 = arith.constant 0 : i32
        %dma_start3A_126 = tpu.memref_slice %arg6[%dma_start3A_124, %dma_start3A_125] : memref<10112x128xf32, #tpu.memory_space<vmem_shared>> -> memref<10112x128xf32, #tpu.memory_space<vmem_shared>>
        tpu.enqueue_indirect_dma source(%dma_start3A_120 : memref<128x128xf32, #tpu.memory_space<vmem>>) target(%dma_start3A_126 : memref<10112x128xf32, #tpu.memory_space<vmem_shared>>) offsets(%dma_start3A_123 : memref<128xi32, #tpu.memory_space<vmem>>) semaphore(%arg13 : memref<!tpu.dma_semaphore, #tpu.memory_space<semaphore_mem>>) {add = true}
        %dma_wait3A_127 = arith.constant 1 : i32
        %dma_wait3A_128 = arith.constant 0 : i32
        %dma_wait3A_129 = arith.constant 0 : i32
        %dma_wait3A_130 = tpu.memref_slice %arg8[%dma_wait3A_127, %dma_wait3A_128, %dma_wait3A_129] : memref<2x128x128xf32, #tpu.memory_space<vmem>> -> memref<1x128x128xf32, #tpu.memory_space<vmem>>
        %dma_wait3A_131 = tpu.memref_squeeze %dma_wait3A_130 : memref<1x128x128xf32, #tpu.memory_space<vmem>> -> memref<128x128xf32, #tpu.memory_space<vmem>>
        %dma_wait3A_132 = arith.constant 0 : i32
        %dma_wait3A_133 = tpu.memref_slice %arg7[%add3A_104, %dma_wait3A_132] : memref<16x128xi32, #tpu.memory_space<vmem>> -> memref<1x128xi32, #tpu.memory_space<vmem>>
        %dma_wait3A_134 = tpu.memref_squeeze %dma_wait3A_133 : memref<1x128xi32, #tpu.memory_space<vmem>> -> memref<128xi32, #tpu.memory_space<vmem>>
        %dma_wait3A_135 = arith.constant 0 : i32
        %dma_wait3A_136 = arith.constant 0 : i32
        %dma_wait3A_137 = tpu.memref_slice %arg6[%dma_wait3A_135, %dma_wait3A_136] : memref<10112x128xf32, #tpu.memory_space<vmem_shared>> -> memref<10112x128xf32, #tpu.memory_space<vmem_shared>>
        tpu.wait_indirect_dma semaphore(%arg13 : memref<!tpu.dma_semaphore, #tpu.memory_space<semaphore_mem>>) src(%dma_wait3A_131 : memref<128x128xf32, #tpu.memory_space<vmem>>) dst(%dma_wait3A_137 : memref<10112x128xf32, #tpu.memory_space<vmem_shared>>)
        %add3A_138 = arith.constant 2 : i32
        %add3A_139 = arith.addi %add3A_104, %add3A_138 : i32
        %lt3A_140 = arith.constant 16 : i32
        %lt3A_141 = arith.cmpi slt, %add3A_139, %lt3A_140 : i32
        %convert_element_type3A_142 = arith.extui %lt3A_141 : i1 to i32
        %cond3A_143 = arith.constant 0 : i32
        %cond3A_144 = arith.cmpi ne, %convert_element_type3A_142, %cond3A_143 : i32
        scf.if %cond3A_144 {
          %dma_start3A_145 = arith.constant 1 : i32
          %dma_start3A_146 = arith.constant 0 : i32
          %dma_start3A_147 = arith.constant 0 : i32
          %dma_start3A_148 = tpu.memref_slice %arg8[%dma_start3A_145, %dma_start3A_146, %dma_start3A_147] : memref<2x128x128xf32, #tpu.memory_space<vmem>> -> memref<1x128x128xf32, #tpu.memory_space<vmem>>
          %dma_start3A_149 = tpu.memref_squeeze %dma_start3A_148 : memref<1x128x128xf32, #tpu.memory_space<vmem>> -> memref<128x128xf32, #tpu.memory_space<vmem>>
          %dma_start3A_150 = arith.constant 0 : i32
          %dma_start3A_151 = tpu.memref_slice %arg11[%add3A_139, %dma_start3A_150] : memref<16x128xi32, #tpu.memory_space<vmem>> -> memref<1x128xi32, #tpu.memory_space<vmem>>
          %dma_start3A_152 = tpu.memref_squeeze %dma_start3A_151 : memref<1x128xi32, #tpu.memory_space<vmem>> -> memref<128xi32, #tpu.memory_space<vmem>>
          %dma_start3A_153 = arith.constant 0 : i32
          %dma_start3A_154 = arith.constant 0 : i32
          %dma_start3A_155 = tpu.memref_slice %arg2[%dma_start3A_153, %dma_start3A_154] : memref<20000x128xf32, #tpu.memory_space<hbm>> -> memref<20000x128xf32, #tpu.memory_space<hbm>>
          tpu.enqueue_indirect_dma source(%dma_start3A_155 : memref<20000x128xf32, #tpu.memory_space<hbm>>) target(%dma_start3A_149 : memref<128x128xf32, #tpu.memory_space<vmem>>) offsets(%dma_start3A_152 : memref<128xi32, #tpu.memory_space<vmem>>) semaphore(%arg10 : memref<!tpu.dma_semaphore, #tpu.memory_space<semaphore_mem>>)
        } else {
        }
      }
      %scan3A_59 = arith.constant 8 : i32
    }
    %scan3A_24 = arith.constant 5 : i32
    %barrier3A_25 = arith.constant 0 : index
    tpu.barrier barrier_id(%barrier3A_25)
    "tpu.region"() ({
      %run_scoped3A_26 = tpu.sem_alloc : memref<!tpu.dma_semaphore, #tpu.memory_space<semaphore_mem>>
      %dma_start3A = arith.constant 0 : i32
      %dma_start3A_27 = tpu.memref_slice %arg5[%arg0, %mul3A_5, %dma_start3A] : memref<2x10112x128xf32, #tpu.memory_space<hbm>> -> memref<1x632x128xf32, #tpu.memory_space<hbm>>
      %dma_start3A_28 = tpu.memref_squeeze %dma_start3A_27 : memref<1x632x128xf32, #tpu.memory_space<hbm>> -> memref<632x128xf32, #tpu.memory_space<hbm>>
      %dma_start3A_29 = arith.constant 0 : i32
      %dma_start3A_30 = tpu.memref_slice %arg6[%mul3A_5, %dma_start3A_29] : memref<10112x128xf32, #tpu.memory_space<vmem_shared>> -> memref<632x128xf32, #tpu.memory_space<vmem_shared>>
      tpu.enqueue_dma source(%dma_start3A_30 : memref<632x128xf32, #tpu.memory_space<vmem_shared>>) target(%dma_start3A_28 : memref<632x128xf32, #tpu.memory_space<hbm>>) target_semaphore(%run_scoped3A_26 : memref<!tpu.dma_semaphore, #tpu.memory_space<semaphore_mem>>)
      %dma_wait3A = arith.constant 0 : i32
      %dma_wait3A_31 = tpu.memref_slice %arg5[%arg0, %mul3A_5, %dma_wait3A] : memref<2x10112x128xf32, #tpu.memory_space<hbm>> -> memref<1x632x128xf32, #tpu.memory_space<hbm>>
      %dma_wait3A_32 = tpu.memref_squeeze %dma_wait3A_31 : memref<1x632x128xf32, #tpu.memory_space<hbm>> -> memref<632x128xf32, #tpu.memory_space<hbm>>
      %dma_wait3A_33 = arith.constant 0 : i32
      %dma_wait3A_34 = tpu.memref_slice %arg6[%mul3A_5, %dma_wait3A_33] : memref<10112x128xf32, #tpu.memory_space<vmem_shared>> -> memref<632x128xf32, #tpu.memory_space<vmem_shared>>
      tpu.wait_dma2 semaphore(%run_scoped3A_26 : memref<!tpu.dma_semaphore, #tpu.memory_space<semaphore_mem>>) src(%dma_wait3A_34 : memref<632x128xf32, #tpu.memory_space<vmem_shared>>) dst(%dma_wait3A_32 : memref<632x128xf32, #tpu.memory_space<hbm>>)
      tpu.yield
    }) : () -> ()
    return
  }
}

#map = affine_map<(d0, d1) -> (0, 0)>
#map1 = affine_map<(d0, d1) -> (0, 0, 0, 0)>
#map2 = affine_map<(d0, d1) -> (0, 0, 0)>
module attributes {stable_mosaic.version = 14 : i64} {
  func.func @sc_segsum_w32(%arg0: i32, %arg1: i32, %arg2: memref<20000x32xf32, #tpu.memory_space<hbm>>, %arg3: memref<2x16x80x128xi32, #tpu.memory_space<hbm>>, %arg4: memref<16x80x128xi32, #tpu.memory_space<hbm>>, %arg5: memref<2x10112x32xf32, #tpu.memory_space<hbm>>, %arg6: memref<10112x32xf32, #tpu.memory_space<vmem_shared>>, %arg7: memref<16x128xi32, #tpu.memory_space<vmem>>, %arg8: memref<2x128x32xf32, #tpu.memory_space<vmem>>, %arg9: memref<!tpu.dma_semaphore, #tpu.memory_space<semaphore_mem>>, %arg10: memref<!tpu.dma_semaphore, #tpu.memory_space<semaphore_mem>>, %arg11: memref<16x128xi32, #tpu.memory_space<vmem>>, %arg12: memref<!tpu.dma_semaphore, #tpu.memory_space<semaphore_mem>>, %arg13: memref<!tpu.dma_semaphore, #tpu.memory_space<semaphore_mem>>) attributes {dimension_semantics = [#tpu.dimension_semantics<core_parallel>, #tpu.dimension_semantics<subcore_parallel>], iteration_bounds = array<i64: 2, 16>, scalar_prefetch = 0 : i64, scratch_operands = 8 : i64, tpu.core_type = #tpu.core_type<sc_vector_subcore>, window_params = [{transform_indices = #map}, {transform_indices = #map1}, {transform_indices = #map2}, {transform_indices = #map2}]} {
    %scan3A = arith.constant 0 : i32
    %scan3A_0 = arith.constant 0 : i32
    %scan3A_1 = arith.constant 128 : i32
    %scan3A_2 = arith.addi %scan3A_0, %scan3A_1 : i32
    %scan3A_3 = arith.constant 1 : i32
    scf.for %scan3A_26 = %scan3A_0 to %scan3A_2 step %scan3A_3  : i32 {
      %broadcast_in_dim3A = arith.constant 0.000000e+00 : f32
      %broadcast_in_dim3A_27 = vector.broadcast %broadcast_in_dim3A : f32 to vector<16xf32>
      %swap3A = arith.constant 0 : i32
      %swap3A_28 = arith.index_cast %swap3A : i32 to index
      %swap3A_29 = arith.index_cast %scan3A_26 : i32 to index
      %swap3A_30 = arith.constant 0 : index
      %swap3A_31 = tpu.vector_load %arg8[%swap3A_28, %swap3A_29, %swap3A_30] {strides = array<i32>} : memref<2x128x32xf32, #tpu.memory_space<vmem>>, vector<1x1x16xf32>,
      %swap3A_32 = vector.shape_cast %swap3A_31 : vector<1x1x16xf32> to vector<16xf32>
      %swap3A_33 = vector.shape_cast %broadcast_in_dim3A_27 : vector<16xf32> to vector<1x1x16xf32>
      tpu.vector_store %arg8[%swap3A_28, %swap3A_29, %swap3A_30], %swap3A_33 {strides = array<i32>} : memref<2x128x32xf32, #tpu.memory_space<vmem>>, vector<1x1x16xf32>,
      %broadcast_in_dim3A_34 = arith.constant 0.000000e+00 : f32
      %broadcast_in_dim3A_35 = vector.broadcast %broadcast_in_dim3A_34 : f32 to vector<16xf32>
      %swap3A_36 = arith.constant 0 : i32
      %swap3A_37 = arith.index_cast %swap3A_36 : i32 to index
      %swap3A_38 = arith.index_cast %scan3A_26 : i32 to index
      %swap3A_39 = arith.constant 16 : index
      %swap3A_40 = tpu.vector_load %arg8[%swap3A_37, %swap3A_38, %swap3A_39] {strides = array<i32>} : memref<2x128x32xf32, #tpu.memory_space<vmem>>, vector<1x1x16xf32>,
      %swap3A_41 = vector.shape_cast %swap3A_40 : vector<1x1x16xf32> to vector<16xf32>
      %swap3A_42 = vector.shape_cast %broadcast_in_dim3A_35 : vector<16xf32> to vector<1x1x16xf32>
      tpu.vector_store %arg8[%swap3A_37, %swap3A_38, %swap3A_39], %swap3A_42 {strides = array<i32>} : memref<2x128x32xf32, #tpu.memory_space<vmem>>, vector<1x1x16xf32>,
    }
    %scan3A_4 = arith.constant 128 : i32
    %mul3A = arith.constant 632 : i32
    %mul3A_5 = arith.muli %arg1, %mul3A : i32
    %add3A = arith.constant 0 : i32
    %add3A_6 = arith.addi %mul3A_5, %add3A : i32
    %run_scoped3A = arith.constant 0 : i32
    "tpu.region"() ({
      %run_scoped3A_26 = tpu.sem_alloc : memref<!tpu.dma_semaphore, #tpu.memory_space<semaphore_mem>>
      %dma_start3A = arith.constant 0 : i32
      %dma_start3A_27 = arith.constant 0 : i32
      %dma_start3A_28 = tpu.memref_slice %arg8[%run_scoped3A, %dma_start3A, %dma_start3A_27] : memref<2x128x32xf32, #tpu.memory_space<vmem>> -> memref<1x128x32xf32, #tpu.memory_space<vmem>>
      %dma_start3A_29 = tpu.memref_squeeze %dma_start3A_28 : memref<1x128x32xf32, #tpu.memory_space<vmem>> -> memref<128x32xf32, #tpu.memory_space<vmem>>
      %dma_start3A_30 = arith.constant 0 : i32
      %dma_start3A_31 = arith.constant 0 : i32
      %dma_start3A_32 = tpu.memref_slice %dma_start3A_29[%dma_start3A_30, %dma_start3A_31] : memref<128x32xf32, #tpu.memory_space<vmem>> -> memref<128x32xf32, #tpu.memory_space<vmem>>
      %dma_start3A_33 = arith.constant 0 : i32
      %dma_start3A_34 = tpu.memref_slice %arg6[%add3A_6, %dma_start3A_33] : memref<10112x32xf32, #tpu.memory_space<vmem_shared>> -> memref<128x32xf32, #tpu.memory_space<vmem_shared>>
      %dma_start3A_35 = arith.constant 0 : i32
      %dma_start3A_36 = tpu.memref_slice %arg6[%add3A_6, %dma_start3A_35] : memref<10112x32xf32, #tpu.memory_space<vmem_shared>> -> memref<128x32xf32, #tpu.memory_space<vmem_shared>>
      %dma_start3A_37 = arith.constant 0 : i32
      %dma_start3A_38 = arith.constant 0 : i32
      %dma_start3A_39 = tpu.memref_slice %arg8[%run_scoped3A, %dma_start3A_37, %dma_start3A_38] : memref<2x128x32xf32, #tpu.memory_space<vmem>> -> memref<1x128x32xf32, #tpu.memory_space<vmem>>
      %dma_start3A_40 = tpu.memref_squeeze %dma_start3A_39 : memref<1x128x32xf32, #tpu.memory_space<vmem>> -> memref<128x32xf32, #tpu.memory_space<vmem>>
      %dma_start3A_41 = arith.constant 0 : i32
      %dma_start3A_42 = arith.constant 0 : i32
      %dma_start3A_43 = tpu.memref_slice %dma_start3A_40[%dma_start3A_41, %dma_start3A_42] : memref<128x32xf32, #tpu.memory_space<vmem>> -> memref<128x32xf32, #tpu.memory_space<vmem>>
      tpu.enqueue_dma source(%dma_start3A_43 : memref<128x32xf32, #tpu.memory_space<vmem>>) target(%dma_start3A_36 : memref<128x32xf32, #tpu.memory_space<vmem_shared>>) target_semaphore(%run_scoped3A_26 : memref<!tpu.dma_semaphore, #tpu.memory_space<semaphore_mem>>)
      %dma_wait3A = arith.constant 0 : i32
      %dma_wait3A_44 = arith.constant 0 : i32
      %dma_wait3A_45 = tpu.memref_slice %arg8[%run_scoped3A, %dma_wait3A, %dma_wait3A_44] : memref<2x128x32xf32, #tpu.memory_space<vmem>> -> memref<1x128x32xf32, #tpu.memory_space<vmem>>
      %dma_wait3A_46 = tpu.memref_squeeze %dma_wait3A_45 : memref<1x128x32xf32, #tpu.memory_space<vmem>> -> memref<128x32xf32, #tpu.memory_space<vmem>>
      %dma_wait3A_47 = arith.constant 0 : i32
      %dma_wait3A_48 = arith.constant 0 : i32
      %dma_wait3A_49 = tpu.memref_slice %dma_wait3A_46[%dma_wait3A_47, %dma_wait3A_48] : memref<128x32xf32, #tpu.memory_space<vmem>> -> memref<128x32xf32, #tpu.memory_space<vmem>>
      %dma_wait3A_50 = arith.constant 0 : i32
      %dma_wait3A_51 = tpu.memref_slice %arg6[%add3A_6, %dma_wait3A_50] : memref<10112x32xf32, #tpu.memory_space<vmem_shared>> -> memref<128x32xf32, #tpu.memory_space<vmem_shared>>
      %dma_wait3A_52 = arith.constant 0 : i32
      %dma_wait3A_53 = tpu.memref_slice %arg6[%add3A_6, %dma_wait3A_52] : memref<10112x32xf32, #tpu.memory_space<vmem_shared>> -> memref<128x32xf32, #tpu.memory_space<vmem_shared>>
      %dma_wait3A_54 = arith.constant 0 : i32
      %dma_wait3A_55 = arith.constant 0 : i32
      %dma_wait3A_56 = tpu.memref_slice %arg8[%run_scoped3A, %dma_wait3A_54, %dma_wait3A_55] : memref<2x128x32xf32, #tpu.memory_space<vmem>> -> memref<1x128x32xf32, #tpu.memory_space<vmem>>
      %dma_wait3A_57 = tpu.memref_squeeze %dma_wait3A_56 : memref<1x128x32xf32, #tpu.memory_space<vmem>> -> memref<128x32xf32, #tpu.memory_space<vmem>>
      %dma_wait3A_58 = arith.constant 0 : i32
      %dma_wait3A_59 = arith.constant 0 : i32
      %dma_wait3A_60 = tpu.memref_slice %dma_wait3A_57[%dma_wait3A_58, %dma_wait3A_59] : memref<128x32xf32, #tpu.memory_space<vmem>> -> memref<128x32xf32, #tpu.memory_space<vmem>>
      tpu.wait_dma2 semaphore(%run_scoped3A_26 : memref<!tpu.dma_semaphore, #tpu.memory_space<semaphore_mem>>) src(%dma_wait3A_60 : memref<128x32xf32, #tpu.memory_space<vmem>>) dst(%dma_wait3A_53 : memref<128x32xf32, #tpu.memory_space<vmem_shared>>)
      tpu.yield
    }) : () -> ()
    %add3A_7 = arith.constant 128 : i32
    %add3A_8 = arith.addi %mul3A_5, %add3A_7 : i32
    %run_scoped3A_9 = arith.constant 0 : i32
    "tpu.region"() ({
      %run_scoped3A_26 = tpu.sem_alloc : memref<!tpu.dma_semaphore, #tpu.memory_space<semaphore_mem>>
      %dma_start3A = arith.constant 0 : i32
      %dma_start3A_27 = arith.constant 0 : i32
      %dma_start3A_28 = tpu.memref_slice %arg8[%run_scoped3A_9, %dma_start3A, %dma_start3A_27] : memref<2x128x32xf32, #tpu.memory_space<vmem>> -> memref<1x128x32xf32, #tpu.memory_space<vmem>>
      %dma_start3A_29 = tpu.memref_squeeze %dma_start3A_28 : memref<1x128x32xf32, #tpu.memory_space<vmem>> -> memref<128x32xf32, #tpu.memory_space<vmem>>
      %dma_start3A_30 = arith.constant 0 : i32
      %dma_start3A_31 = arith.constant 0 : i32
      %dma_start3A_32 = tpu.memref_slice %dma_start3A_29[%dma_start3A_30, %dma_start3A_31] : memref<128x32xf32, #tpu.memory_space<vmem>> -> memref<128x32xf32, #tpu.memory_space<vmem>>
      %dma_start3A_33 = arith.constant 0 : i32
      %dma_start3A_34 = tpu.memref_slice %arg6[%add3A_8, %dma_start3A_33] : memref<10112x32xf32, #tpu.memory_space<vmem_shared>> -> memref<128x32xf32, #tpu.memory_space<vmem_shared>>
      %dma_start3A_35 = arith.constant 0 : i32
      %dma_start3A_36 = tpu.memref_slice %arg6[%add3A_8, %dma_start3A_35] : memref<10112x32xf32, #tpu.memory_space<vmem_shared>> -> memref<128x32xf32, #tpu.memory_space<vmem_shared>>
      %dma_start3A_37 = arith.constant 0 : i32
      %dma_start3A_38 = arith.constant 0 : i32
      %dma_start3A_39 = tpu.memref_slice %arg8[%run_scoped3A_9, %dma_start3A_37, %dma_start3A_38] : memref<2x128x32xf32, #tpu.memory_space<vmem>> -> memref<1x128x32xf32, #tpu.memory_space<vmem>>
      %dma_start3A_40 = tpu.memref_squeeze %dma_start3A_39 : memref<1x128x32xf32, #tpu.memory_space<vmem>> -> memref<128x32xf32, #tpu.memory_space<vmem>>
      %dma_start3A_41 = arith.constant 0 : i32
      %dma_start3A_42 = arith.constant 0 : i32
      %dma_start3A_43 = tpu.memref_slice %dma_start3A_40[%dma_start3A_41, %dma_start3A_42] : memref<128x32xf32, #tpu.memory_space<vmem>> -> memref<128x32xf32, #tpu.memory_space<vmem>>
      tpu.enqueue_dma source(%dma_start3A_43 : memref<128x32xf32, #tpu.memory_space<vmem>>) target(%dma_start3A_36 : memref<128x32xf32, #tpu.memory_space<vmem_shared>>) target_semaphore(%run_scoped3A_26 : memref<!tpu.dma_semaphore, #tpu.memory_space<semaphore_mem>>)
      %dma_wait3A = arith.constant 0 : i32
      %dma_wait3A_44 = arith.constant 0 : i32
      %dma_wait3A_45 = tpu.memref_slice %arg8[%run_scoped3A_9, %dma_wait3A, %dma_wait3A_44] : memref<2x128x32xf32, #tpu.memory_space<vmem>> -> memref<1x128x32xf32, #tpu.memory_space<vmem>>
      %dma_wait3A_46 = tpu.memref_squeeze %dma_wait3A_45 : memref<1x128x32xf32, #tpu.memory_space<vmem>> -> memref<128x32xf32, #tpu.memory_space<vmem>>
      %dma_wait3A_47 = arith.constant 0 : i32
      %dma_wait3A_48 = arith.constant 0 : i32
      %dma_wait3A_49 = tpu.memref_slice %dma_wait3A_46[%dma_wait3A_47, %dma_wait3A_48] : memref<128x32xf32, #tpu.memory_space<vmem>> -> memref<128x32xf32, #tpu.memory_space<vmem>>
      %dma_wait3A_50 = arith.constant 0 : i32
      %dma_wait3A_51 = tpu.memref_slice %arg6[%add3A_8, %dma_wait3A_50] : memref<10112x32xf32, #tpu.memory_space<vmem_shared>> -> memref<128x32xf32, #tpu.memory_space<vmem_shared>>
      %dma_wait3A_52 = arith.constant 0 : i32
      %dma_wait3A_53 = tpu.memref_slice %arg6[%add3A_8, %dma_wait3A_52] : memref<10112x32xf32, #tpu.memory_space<vmem_shared>> -> memref<128x32xf32, #tpu.memory_space<vmem_shared>>
      %dma_wait3A_54 = arith.constant 0 : i32
      %dma_wait3A_55 = arith.constant 0 : i32
      %dma_wait3A_56 = tpu.memref_slice %arg8[%run_scoped3A_9, %dma_wait3A_54, %dma_wait3A_55] : memref<2x128x32xf32, #tpu.memory_space<vmem>> -> memref<1x128x32xf32, #tpu.memory_space<vmem>>
      %dma_wait3A_57 = tpu.memref_squeeze %dma_wait3A_56 : memref<1x128x32xf32, #tpu.memory_space<vmem>> -> memref<128x32xf32, #tpu.memory_space<vmem>>
      %dma_wait3A_58 = arith.constant 0 : i32
      %dma_wait3A_59 = arith.constant 0 : i32
      %dma_wait3A_60 = tpu.memref_slice %dma_wait3A_57[%dma_wait3A_58, %dma_wait3A_59] : memref<128x32xf32, #tpu.memory_space<vmem>> -> memref<128x32xf32, #tpu.memory_space<vmem>>
      tpu.wait_dma2 semaphore(%run_scoped3A_26 : memref<!tpu.dma_semaphore, #tpu.memory_space<semaphore_mem>>) src(%dma_wait3A_60 : memref<128x32xf32, #tpu.memory_space<vmem>>) dst(%dma_wait3A_53 : memref<128x32xf32, #tpu.memory_space<vmem_shared>>)
      tpu.yield
    }) : () -> ()
    %add3A_10 = arith.constant 256 : i32
    %add3A_11 = arith.addi %mul3A_5, %add3A_10 : i32
    %run_scoped3A_12 = arith.constant 0 : i32
    "tpu.region"() ({
      %run_scoped3A_26 = tpu.sem_alloc : memref<!tpu.dma_semaphore, #tpu.memory_space<semaphore_mem>>
      %dma_start3A = arith.constant 0 : i32
      %dma_start3A_27 = arith.constant 0 : i32
      %dma_start3A_28 = tpu.memref_slice %arg8[%run_scoped3A_12, %dma_start3A, %dma_start3A_27] : memref<2x128x32xf32, #tpu.memory_space<vmem>> -> memref<1x128x32xf32, #tpu.memory_space<vmem>>
      %dma_start3A_29 = tpu.memref_squeeze %dma_start3A_28 : memref<1x128x32xf32, #tpu.memory_space<vmem>> -> memref<128x32xf32, #tpu.memory_space<vmem>>
      %dma_start3A_30 = arith.constant 0 : i32
      %dma_start3A_31 = arith.constant 0 : i32
      %dma_start3A_32 = tpu.memref_slice %dma_start3A_29[%dma_start3A_30, %dma_start3A_31] : memref<128x32xf32, #tpu.memory_space<vmem>> -> memref<128x32xf32, #tpu.memory_space<vmem>>
      %dma_start3A_33 = arith.constant 0 : i32
      %dma_start3A_34 = tpu.memref_slice %arg6[%add3A_11, %dma_start3A_33] : memref<10112x32xf32, #tpu.memory_space<vmem_shared>> -> memref<128x32xf32, #tpu.memory_space<vmem_shared>>
      %dma_start3A_35 = arith.constant 0 : i32
      %dma_start3A_36 = tpu.memref_slice %arg6[%add3A_11, %dma_start3A_35] : memref<10112x32xf32, #tpu.memory_space<vmem_shared>> -> memref<128x32xf32, #tpu.memory_space<vmem_shared>>
      %dma_start3A_37 = arith.constant 0 : i32
      %dma_start3A_38 = arith.constant 0 : i32
      %dma_start3A_39 = tpu.memref_slice %arg8[%run_scoped3A_12, %dma_start3A_37, %dma_start3A_38] : memref<2x128x32xf32, #tpu.memory_space<vmem>> -> memref<1x128x32xf32, #tpu.memory_space<vmem>>
      %dma_start3A_40 = tpu.memref_squeeze %dma_start3A_39 : memref<1x128x32xf32, #tpu.memory_space<vmem>> -> memref<128x32xf32, #tpu.memory_space<vmem>>
      %dma_start3A_41 = arith.constant 0 : i32
      %dma_start3A_42 = arith.constant 0 : i32
      %dma_start3A_43 = tpu.memref_slice %dma_start3A_40[%dma_start3A_41, %dma_start3A_42] : memref<128x32xf32, #tpu.memory_space<vmem>> -> memref<128x32xf32, #tpu.memory_space<vmem>>
      tpu.enqueue_dma source(%dma_start3A_43 : memref<128x32xf32, #tpu.memory_space<vmem>>) target(%dma_start3A_36 : memref<128x32xf32, #tpu.memory_space<vmem_shared>>) target_semaphore(%run_scoped3A_26 : memref<!tpu.dma_semaphore, #tpu.memory_space<semaphore_mem>>)
      %dma_wait3A = arith.constant 0 : i32
      %dma_wait3A_44 = arith.constant 0 : i32
      %dma_wait3A_45 = tpu.memref_slice %arg8[%run_scoped3A_12, %dma_wait3A, %dma_wait3A_44] : memref<2x128x32xf32, #tpu.memory_space<vmem>> -> memref<1x128x32xf32, #tpu.memory_space<vmem>>
      %dma_wait3A_46 = tpu.memref_squeeze %dma_wait3A_45 : memref<1x128x32xf32, #tpu.memory_space<vmem>> -> memref<128x32xf32, #tpu.memory_space<vmem>>
      %dma_wait3A_47 = arith.constant 0 : i32
      %dma_wait3A_48 = arith.constant 0 : i32
      %dma_wait3A_49 = tpu.memref_slice %dma_wait3A_46[%dma_wait3A_47, %dma_wait3A_48] : memref<128x32xf32, #tpu.memory_space<vmem>> -> memref<128x32xf32, #tpu.memory_space<vmem>>
      %dma_wait3A_50 = arith.constant 0 : i32
      %dma_wait3A_51 = tpu.memref_slice %arg6[%add3A_11, %dma_wait3A_50] : memref<10112x32xf32, #tpu.memory_space<vmem_shared>> -> memref<128x32xf32, #tpu.memory_space<vmem_shared>>
      %dma_wait3A_52 = arith.constant 0 : i32
      %dma_wait3A_53 = tpu.memref_slice %arg6[%add3A_11, %dma_wait3A_52] : memref<10112x32xf32, #tpu.memory_space<vmem_shared>> -> memref<128x32xf32, #tpu.memory_space<vmem_shared>>
      %dma_wait3A_54 = arith.constant 0 : i32
      %dma_wait3A_55 = arith.constant 0 : i32
      %dma_wait3A_56 = tpu.memref_slice %arg8[%run_scoped3A_12, %dma_wait3A_54, %dma_wait3A_55] : memref<2x128x32xf32, #tpu.memory_space<vmem>> -> memref<1x128x32xf32, #tpu.memory_space<vmem>>
      %dma_wait3A_57 = tpu.memref_squeeze %dma_wait3A_56 : memref<1x128x32xf32, #tpu.memory_space<vmem>> -> memref<128x32xf32, #tpu.memory_space<vmem>>
      %dma_wait3A_58 = arith.constant 0 : i32
      %dma_wait3A_59 = arith.constant 0 : i32
      %dma_wait3A_60 = tpu.memref_slice %dma_wait3A_57[%dma_wait3A_58, %dma_wait3A_59] : memref<128x32xf32, #tpu.memory_space<vmem>> -> memref<128x32xf32, #tpu.memory_space<vmem>>
      tpu.wait_dma2 semaphore(%run_scoped3A_26 : memref<!tpu.dma_semaphore, #tpu.memory_space<semaphore_mem>>) src(%dma_wait3A_60 : memref<128x32xf32, #tpu.memory_space<vmem>>) dst(%dma_wait3A_53 : memref<128x32xf32, #tpu.memory_space<vmem_shared>>)
      tpu.yield
    }) : () -> ()
    %add3A_13 = arith.constant 384 : i32
    %add3A_14 = arith.addi %mul3A_5, %add3A_13 : i32
    %run_scoped3A_15 = arith.constant 0 : i32
    "tpu.region"() ({
      %run_scoped3A_26 = tpu.sem_alloc : memref<!tpu.dma_semaphore, #tpu.memory_space<semaphore_mem>>
      %dma_start3A = arith.constant 0 : i32
      %dma_start3A_27 = arith.constant 0 : i32
      %dma_start3A_28 = tpu.memref_slice %arg8[%run_scoped3A_15, %dma_start3A, %dma_start3A_27] : memref<2x128x32xf32, #tpu.memory_space<vmem>> -> memref<1x128x32xf32, #tpu.memory_space<vmem>>
      %dma_start3A_29 = tpu.memref_squeeze %dma_start3A_28 : memref<1x128x32xf32, #tpu.memory_space<vmem>> -> memref<128x32xf32, #tpu.memory_space<vmem>>
      %dma_start3A_30 = arith.constant 0 : i32
      %dma_start3A_31 = arith.constant 0 : i32
      %dma_start3A_32 = tpu.memref_slice %dma_start3A_29[%dma_start3A_30, %dma_start3A_31] : memref<128x32xf32, #tpu.memory_space<vmem>> -> memref<128x32xf32, #tpu.memory_space<vmem>>
      %dma_start3A_33 = arith.constant 0 : i32
      %dma_start3A_34 = tpu.memref_slice %arg6[%add3A_14, %dma_start3A_33] : memref<10112x32xf32, #tpu.memory_space<vmem_shared>> -> memref<128x32xf32, #tpu.memory_space<vmem_shared>>
      %dma_start3A_35 = arith.constant 0 : i32
      %dma_start3A_36 = tpu.memref_slice %arg6[%add3A_14, %dma_start3A_35] : memref<10112x32xf32, #tpu.memory_space<vmem_shared>> -> memref<128x32xf32, #tpu.memory_space<vmem_shared>>
      %dma_start3A_37 = arith.constant 0 : i32
      %dma_start3A_38 = arith.constant 0 : i32
      %dma_start3A_39 = tpu.memref_slice %arg8[%run_scoped3A_15, %dma_start3A_37, %dma_start3A_38] : memref<2x128x32xf32, #tpu.memory_space<vmem>> -> memref<1x128x32xf32, #tpu.memory_space<vmem>>
      %dma_start3A_40 = tpu.memref_squeeze %dma_start3A_39 : memref<1x128x32xf32, #tpu.memory_space<vmem>> -> memref<128x32xf32, #tpu.memory_space<vmem>>
      %dma_start3A_41 = arith.constant 0 : i32
      %dma_start3A_42 = arith.constant 0 : i32
      %dma_start3A_43 = tpu.memref_slice %dma_start3A_40[%dma_start3A_41, %dma_start3A_42] : memref<128x32xf32, #tpu.memory_space<vmem>> -> memref<128x32xf32, #tpu.memory_space<vmem>>
      tpu.enqueue_dma source(%dma_start3A_43 : memref<128x32xf32, #tpu.memory_space<vmem>>) target(%dma_start3A_36 : memref<128x32xf32, #tpu.memory_space<vmem_shared>>) target_semaphore(%run_scoped3A_26 : memref<!tpu.dma_semaphore, #tpu.memory_space<semaphore_mem>>)
      %dma_wait3A = arith.constant 0 : i32
      %dma_wait3A_44 = arith.constant 0 : i32
      %dma_wait3A_45 = tpu.memref_slice %arg8[%run_scoped3A_15, %dma_wait3A, %dma_wait3A_44] : memref<2x128x32xf32, #tpu.memory_space<vmem>> -> memref<1x128x32xf32, #tpu.memory_space<vmem>>
      %dma_wait3A_46 = tpu.memref_squeeze %dma_wait3A_45 : memref<1x128x32xf32, #tpu.memory_space<vmem>> -> memref<128x32xf32, #tpu.memory_space<vmem>>
      %dma_wait3A_47 = arith.constant 0 : i32
      %dma_wait3A_48 = arith.constant 0 : i32
      %dma_wait3A_49 = tpu.memref_slice %dma_wait3A_46[%dma_wait3A_47, %dma_wait3A_48] : memref<128x32xf32, #tpu.memory_space<vmem>> -> memref<128x32xf32, #tpu.memory_space<vmem>>
      %dma_wait3A_50 = arith.constant 0 : i32
      %dma_wait3A_51 = tpu.memref_slice %arg6[%add3A_14, %dma_wait3A_50] : memref<10112x32xf32, #tpu.memory_space<vmem_shared>> -> memref<128x32xf32, #tpu.memory_space<vmem_shared>>
      %dma_wait3A_52 = arith.constant 0 : i32
      %dma_wait3A_53 = tpu.memref_slice %arg6[%add3A_14, %dma_wait3A_52] : memref<10112x32xf32, #tpu.memory_space<vmem_shared>> -> memref<128x32xf32, #tpu.memory_space<vmem_shared>>
      %dma_wait3A_54 = arith.constant 0 : i32
      %dma_wait3A_55 = arith.constant 0 : i32
      %dma_wait3A_56 = tpu.memref_slice %arg8[%run_scoped3A_15, %dma_wait3A_54, %dma_wait3A_55] : memref<2x128x32xf32, #tpu.memory_space<vmem>> -> memref<1x128x32xf32, #tpu.memory_space<vmem>>
      %dma_wait3A_57 = tpu.memref_squeeze %dma_wait3A_56 : memref<1x128x32xf32, #tpu.memory_space<vmem>> -> memref<128x32xf32, #tpu.memory_space<vmem>>
      %dma_wait3A_58 = arith.constant 0 : i32
      %dma_wait3A_59 = arith.constant 0 : i32
      %dma_wait3A_60 = tpu.memref_slice %dma_wait3A_57[%dma_wait3A_58, %dma_wait3A_59] : memref<128x32xf32, #tpu.memory_space<vmem>> -> memref<128x32xf32, #tpu.memory_space<vmem>>
      tpu.wait_dma2 semaphore(%run_scoped3A_26 : memref<!tpu.dma_semaphore, #tpu.memory_space<semaphore_mem>>) src(%dma_wait3A_60 : memref<128x32xf32, #tpu.memory_space<vmem>>) dst(%dma_wait3A_53 : memref<128x32xf32, #tpu.memory_space<vmem_shared>>)
      tpu.yield
    }) : () -> ()
    %add3A_16 = arith.constant 512 : i32
    %add3A_17 = arith.addi %mul3A_5, %add3A_16 : i32
    %run_scoped3A_18 = arith.constant 0 : i32
    "tpu.region"() ({
      %run_scoped3A_26 = tpu.sem_alloc : memref<!tpu.dma_semaphore, #tpu.memory_space<semaphore_mem>>
      %dma_start3A = arith.constant 0 : i32
      %dma_start3A_27 = arith.constant 0 : i32
      %dma_start3A_28 = tpu.memref_slice %arg8[%run_scoped3A_18, %dma_start3A, %dma_start3A_27] : memref<2x128x32xf32, #tpu.memory_space<vmem>> -> memref<1x128x32xf32, #tpu.memory_space<vmem>>
      %dma_start3A_29 = tpu.memref_squeeze %dma_start3A_28 : memref<1x128x32xf32, #tpu.memory_space<vmem>> -> memref<128x32xf32, #tpu.memory_space<vmem>>
      %dma_start3A_30 = arith.constant 0 : i32
      %dma_start3A_31 = arith.constant 0 : i32
      %dma_start3A_32 = tpu.memref_slice %dma_start3A_29[%dma_start3A_30, %dma_start3A_31] : memref<128x32xf32, #tpu.memory_space<vmem>> -> memref<120x32xf32, #tpu.memory_space<vmem>>
      %dma_start3A_33 = arith.constant 0 : i32
      %dma_start3A_34 = tpu.memref_slice %arg6[%add3A_17, %dma_start3A_33] : memref<10112x32xf32, #tpu.memory_space<vmem_shared>> -> memref<120x32xf32, #tpu.memory_space<vmem_shared>>
      %dma_start3A_35 = arith.constant 0 : i32
      %dma_start3A_36 = tpu.memref_slice %arg6[%add3A_17, %dma_start3A_35] : memref<10112x32xf32, #tpu.memory_space<vmem_shared>> -> memref<120x32xf32, #tpu.memory_space<vmem_shared>>
      %dma_start3A_37 = arith.constant 0 : i32
      %dma_start3A_38 = arith.constant 0 : i32
      %dma_start3A_39 = tpu.memref_slice %arg8[%run_scoped3A_18, %dma_start3A_37, %dma_start3A_38] : memref<2x128x32xf32, #tpu.memory_space<vmem>> -> memref<1x128x32xf32, #tpu.memory_space<vmem>>
      %dma_start3A_40 = tpu.memref_squeeze %dma_start3A_39 : memref<1x128x32xf32, #tpu.memory_space<vmem>> -> memref<128x32xf32, #tpu.memory_space<vmem>>
      %dma_start3A_41 = arith.constant 0 : i32
      %dma_start3A_42 = arith.constant 0 : i32
      %dma_start3A_43 = tpu.memref_slice %dma_start3A_40[%dma_start3A_41, %dma_start3A_42] : memref<128x32xf32, #tpu.memory_space<vmem>> -> memref<120x32xf32, #tpu.memory_space<vmem>>
      tpu.enqueue_dma source(%dma_start3A_43 : memref<120x32xf32, #tpu.memory_space<vmem>>) target(%dma_start3A_36 : memref<120x32xf32, #tpu.memory_space<vmem_shared>>) target_semaphore(%run_scoped3A_26 : memref<!tpu.dma_semaphore, #tpu.memory_space<semaphore_mem>>)
      %dma_wait3A = arith.constant 0 : i32
      %dma_wait3A_44 = arith.constant 0 : i32
      %dma_wait3A_45 = tpu.memref_slice %arg8[%run_scoped3A_18, %dma_wait3A, %dma_wait3A_44] : memref<2x128x32xf32, #tpu.memory_space<vmem>> -> memref<1x128x32xf32, #tpu.memory_space<vmem>>
      %dma_wait3A_46 = tpu.memref_squeeze %dma_wait3A_45 : memref<1x128x32xf32, #tpu.memory_space<vmem>> -> memref<128x32xf32, #tpu.memory_space<vmem>>
      %dma_wait3A_47 = arith.constant 0 : i32
      %dma_wait3A_48 = arith.constant 0 : i32
      %dma_wait3A_49 = tpu.memref_slice %dma_wait3A_46[%dma_wait3A_47, %dma_wait3A_48] : memref<128x32xf32, #tpu.memory_space<vmem>> -> memref<120x32xf32, #tpu.memory_space<vmem>>
      %dma_wait3A_50 = arith.constant 0 : i32
      %dma_wait3A_51 = tpu.memref_slice %arg6[%add3A_17, %dma_wait3A_50] : memref<10112x32xf32, #tpu.memory_space<vmem_shared>> -> memref<120x32xf32, #tpu.memory_space<vmem_shared>>
      %dma_wait3A_52 = arith.constant 0 : i32
      %dma_wait3A_53 = tpu.memref_slice %arg6[%add3A_17, %dma_wait3A_52] : memref<10112x32xf32, #tpu.memory_space<vmem_shared>> -> memref<120x32xf32, #tpu.memory_space<vmem_shared>>
      %dma_wait3A_54 = arith.constant 0 : i32
      %dma_wait3A_55 = arith.constant 0 : i32
      %dma_wait3A_56 = tpu.memref_slice %arg8[%run_scoped3A_18, %dma_wait3A_54, %dma_wait3A_55] : memref<2x128x32xf32, #tpu.memory_space<vmem>> -> memref<1x128x32xf32, #tpu.memory_space<vmem>>
      %dma_wait3A_57 = tpu.memref_squeeze %dma_wait3A_56 : memref<1x128x32xf32, #tpu.memory_space<vmem>> -> memref<128x32xf32, #tpu.memory_space<vmem>>
      %dma_wait3A_58 = arith.constant 0 : i32
      %dma_wait3A_59 = arith.constant 0 : i32
      %dma_wait3A_60 = tpu.memref_slice %dma_wait3A_57[%dma_wait3A_58, %dma_wait3A_59] : memref<128x32xf32, #tpu.memory_space<vmem>> -> memref<120x32xf32, #tpu.memory_space<vmem>>
      tpu.wait_dma2 semaphore(%run_scoped3A_26 : memref<!tpu.dma_semaphore, #tpu.memory_space<semaphore_mem>>) src(%dma_wait3A_60 : memref<120x32xf32, #tpu.memory_space<vmem>>) dst(%dma_wait3A_53 : memref<120x32xf32, #tpu.memory_space<vmem_shared>>)
      tpu.yield
    }) : () -> ()
    %barrier3A = arith.constant 0 : index
    tpu.barrier barrier_id(%barrier3A)
    %scan3A_19 = arith.constant 0 : i32
    %scan3A_20 = arith.constant 0 : i32
    %scan3A_21 = arith.constant 5 : i32
    %scan3A_22 = arith.addi %scan3A_20, %scan3A_21 : i32
    %scan3A_23 = arith.constant 1 : i32
    scf.for %scan3A_26 = %scan3A_20 to %scan3A_22 step %scan3A_23  : i32 {
      %mul3A_27 = arith.constant 16 : i32
      %mul3A_28 = arith.muli %scan3A_26, %mul3A_27 : i32
      "tpu.region"() ({
        %run_scoped3A_60 = tpu.sem_alloc : memref<!tpu.dma_semaphore, #tpu.memory_space<semaphore_mem>>
        %dma_start3A_61 = arith.constant 0 : i32
        %dma_start3A_62 = tpu.memref_slice %arg3[%arg0, %arg1, %mul3A_28, %dma_start3A_61] : memref<2x16x80x128xi32, #tpu.memory_space<hbm>> -> memref<1x1x16x128xi32, #tpu.memory_space<hbm>>
        %dma_start3A_63 = tpu.memref_squeeze %dma_start3A_62 : memref<1x1x16x128xi32, #tpu.memory_space<hbm>> -> memref<16x128xi32, #tpu.memory_space<hbm>>
        %dma_start3A_64 = arith.constant 0 : i32
        %dma_start3A_65 = tpu.memref_slice %arg3[%arg0, %arg1, %mul3A_28, %dma_start3A_64] : memref<2x16x80x128xi32, #tpu.memory_space<hbm>> -> memref<1x1x16x128xi32, #tpu.memory_space<hbm>>
        %dma_start3A_66 = tpu.memref_squeeze %dma_start3A_65 : memref<1x1x16x128xi32, #tpu.memory_space<hbm>> -> memref<16x128xi32, #tpu.memory_space<hbm>>
        tpu.enqueue_dma source(%dma_start3A_66 : memref<16x128xi32, #tpu.memory_space<hbm>>) target(%arg11 : memref<16x128xi32, #tpu.memory_space<vmem>>) target_semaphore(%run_scoped3A_60 : memref<!tpu.dma_semaphore, #tpu.memory_space<semaphore_mem>>)
        %dma_wait3A = arith.constant 0 : i32
        %dma_wait3A_67 = tpu.memref_slice %arg3[%arg0, %arg1, %mul3A_28, %dma_wait3A] : memref<2x16x80x128xi32, #tpu.memory_space<hbm>> -> memref<1x1x16x128xi32, #tpu.memory_space<hbm>>
        %dma_wait3A_68 = tpu.memref_squeeze %dma_wait3A_67 : memref<1x1x16x128xi32, #tpu.memory_space<hbm>> -> memref<16x128xi32, #tpu.memory_space<hbm>>
        %dma_wait3A_69 = arith.constant 0 : i32
        %dma_wait3A_70 = tpu.memref_slice %arg3[%arg0, %arg1, %mul3A_28, %dma_wait3A_69] : memref<2x16x80x128xi32, #tpu.memory_space<hbm>> -> memref<1x1x16x128xi32, #tpu.memory_space<hbm>>
        %dma_wait3A_71 = tpu.memref_squeeze %dma_wait3A_70 : memref<1x1x16x128xi32, #tpu.memory_space<hbm>> -> memref<16x128xi32, #tpu.memory_space<hbm>>
        tpu.wait_dma2 semaphore(%run_scoped3A_60 : memref<!tpu.dma_semaphore, #tpu.memory_space<semaphore_mem>>) src(%dma_wait3A_71 : memref<16x128xi32, #tpu.memory_space<hbm>>) dst(%arg11 : memref<16x128xi32, #tpu.memory_space<vmem>>)
        tpu.yield
      }) : () -> ()
      %mul3A_29 = arith.constant 16 : i32
      %mul3A_30 = arith.muli %scan3A_26, %mul3A_29 : i32
      "tpu.region"() ({
        %run_scoped3A_60 = tpu.sem_alloc : memref<!tpu.dma_semaphore, #tpu.memory_space<semaphore_mem>>
        %dma_start3A_61 = arith.constant 0 : i32
        %dma_start3A_62 = tpu.memref_slice %arg4[%arg1, %mul3A_30, %dma_start3A_61] : memref<16x80x128xi32, #tpu.memory_space<hbm>> -> memref<1x16x128xi32, #tpu.memory_space<hbm>>
        %dma_start3A_63 = tpu.memref_squeeze %dma_start3A_62 : memref<1x16x128xi32, #tpu.memory_space<hbm>> -> memref<16x128xi32, #tpu.memory_space<hbm>>
        %dma_start3A_64 = arith.constant 0 : i32
        %dma_start3A_65 = tpu.memref_slice %arg4[%arg1, %mul3A_30, %dma_start3A_64] : memref<16x80x128xi32, #tpu.memory_space<hbm>> -> memref<1x16x128xi32, #tpu.memory_space<hbm>>
        %dma_start3A_66 = tpu.memref_squeeze %dma_start3A_65 : memref<1x16x128xi32, #tpu.memory_space<hbm>> -> memref<16x128xi32, #tpu.memory_space<hbm>>
        tpu.enqueue_dma source(%dma_start3A_66 : memref<16x128xi32, #tpu.memory_space<hbm>>) target(%arg7 : memref<16x128xi32, #tpu.memory_space<vmem>>) target_semaphore(%run_scoped3A_60 : memref<!tpu.dma_semaphore, #tpu.memory_space<semaphore_mem>>)
        %dma_wait3A = arith.constant 0 : i32
        %dma_wait3A_67 = tpu.memref_slice %arg4[%arg1, %mul3A_30, %dma_wait3A] : memref<16x80x128xi32, #tpu.memory_space<hbm>> -> memref<1x16x128xi32, #tpu.memory_space<hbm>>
        %dma_wait3A_68 = tpu.memref_squeeze %dma_wait3A_67 : memref<1x16x128xi32, #tpu.memory_space<hbm>> -> memref<16x128xi32, #tpu.memory_space<hbm>>
        %dma_wait3A_69 = arith.constant 0 : i32
        %dma_wait3A_70 = tpu.memref_slice %arg4[%arg1, %mul3A_30, %dma_wait3A_69] : memref<16x80x128xi32, #tpu.memory_space<hbm>> -> memref<1x16x128xi32, #tpu.memory_space<hbm>>
        %dma_wait3A_71 = tpu.memref_squeeze %dma_wait3A_70 : memref<1x16x128xi32, #tpu.memory_space<hbm>> -> memref<16x128xi32, #tpu.memory_space<hbm>>
        tpu.wait_dma2 semaphore(%run_scoped3A_60 : memref<!tpu.dma_semaphore, #tpu.memory_space<semaphore_mem>>) src(%dma_wait3A_71 : memref<16x128xi32, #tpu.memory_space<hbm>>) dst(%arg7 : memref<16x128xi32, #tpu.memory_space<vmem>>)
        tpu.yield
      }) : () -> ()
      %dma_start3A = arith.constant 0 : i32
      %dma_start3A_31 = arith.constant 0 : i32
      %dma_start3A_32 = arith.constant 0 : i32
      %dma_start3A_33 = arith.constant 0 : i32
      %dma_start3A_34 = tpu.memref_slice %arg8[%dma_start3A_31, %dma_start3A_32, %dma_start3A_33] : memref<2x128x32xf32, #tpu.memory_space<vmem>> -> memref<1x128x32xf32, #tpu.memory_space<vmem>>
      %dma_start3A_35 = tpu.memref_squeeze %dma_start3A_34 : memref<1x128x32xf32, #tpu.memory_space<vmem>> -> memref<128x32xf32, #tpu.memory_space<vmem>>
      %dma_start3A_36 = arith.constant 0 : i32
      %dma_start3A_37 = tpu.memref_slice %arg11[%dma_start3A, %dma_start3A_36] : memref<16x128xi32, #tpu.memory_space<vmem>> -> memref<1x128xi32, #tpu.memory_space<vmem>>
      %dma_start3A_38 = tpu.memref_squeeze %dma_start3A_37 : memref<1x128xi32, #tpu.memory_space<vmem>> -> memref<128xi32, #tpu.memory_space<vmem>>
      %dma_start3A_39 = arith.constant 0 : i32
      %dma_start3A_40 = arith.constant 0 : i32
      %dma_start3A_41 = tpu.memref_slice %arg2[%dma_start3A_39, %dma_start3A_40] : memref<20000x32xf32, #tpu.memory_space<hbm>> -> memref<20000x32xf32, #tpu.memory_space<hbm>>
      tpu.enqueue_indirect_dma source(%dma_start3A_41 : memref<20000x32xf32, #tpu.memory_space<hbm>>) target(%dma_start3A_35 : memref<128x32xf32, #tpu.memory_space<vmem>>) offsets(%dma_start3A_38 : memref<128xi32, #tpu.memory_space<vmem>>) semaphore(%arg9 : memref<!tpu.dma_semaphore, #tpu.memory_space<semaphore_mem>>)
      %dma_start3A_42 = arith.constant 1 : i32
      %dma_start3A_43 = arith.constant 1 : i32
      %dma_start3A_44 = arith.constant 0 : i32
      %dma_start3A_45 = arith.constant 0 : i32
      %dma_start3A_46 = tpu.memref_slice %arg8[%dma_start3A_43, %dma_start3A_44, %dma_start3A_45] : memref<2x128x32xf32, #tpu.memory_space<vmem>> -> memref<1x128x32xf32, #tpu.memory_space<vmem>>
      %dma_start3A_47 = tpu.memref_squeeze %dma_start3A_46 : memref<1x128x32xf32, #tpu.memory_space<vmem>> -> memref<128x32xf32, #tpu.memory_space<vmem>>
      %dma_start3A_48 = arith.constant 0 : i32
      %dma_start3A_49 = tpu.memref_slice %arg11[%dma_start3A_42, %dma_start3A_48] : memref<16x128xi32, #tpu.memory_space<vmem>> -> memref<1x128xi32, #tpu.memory_space<vmem>>
      %dma_start3A_50 = tpu.memref_squeeze %dma_start3A_49 : memref<1x128xi32, #tpu.memory_space<vmem>> -> memref<128xi32, #tpu.memory_space<vmem>>
      %dma_start3A_51 = arith.constant 0 : i32
      %dma_start3A_52 = arith.constant 0 : i32
      %dma_start3A_53 = tpu.memref_slice %arg2[%dma_start3A_51, %dma_start3A_52] : memref<20000x32xf32, #tpu.memory_space<hbm>> -> memref<20000x32xf32, #tpu.memory_space<hbm>>
      tpu.enqueue_indirect_dma source(%dma_start3A_53 : memref<20000x32xf32, #tpu.memory_space<hbm>>) target(%dma_start3A_47 : memref<128x32xf32, #tpu.memory_space<vmem>>) offsets(%dma_start3A_50 : memref<128xi32, #tpu.memory_space<vmem>>) semaphore(%arg10 : memref<!tpu.dma_semaphore, #tpu.memory_space<semaphore_mem>>)
      %scan3A_54 = arith.constant 0 : i32
      %scan3A_55 = arith.constant 0 : i32
      %scan3A_56 = arith.constant 8 : i32
      %scan3A_57 = arith.addi %scan3A_55, %scan3A_56 : i32
      %scan3A_58 = arith.constant 1 : i32
      scf.for %scan3A_60 = %scan3A_55 to %scan3A_57 step %scan3A_58  : i32 {
        %mul3A_61 = arith.constant 2 : i32
        %mul3A_62 = arith.muli %scan3A_60, %mul3A_61 : i32
        %add3A_63 = arith.constant 0 : i32
        %add3A_64 = arith.addi %mul3A_62, %add3A_63 : i32
        %dma_wait3A = arith.constant 0 : i32
        %dma_wait3A_65 = arith.constant 0 : i32
        %dma_wait3A_66 = arith.constant 0 : i32
        %dma_wait3A_67 = tpu.memref_slice %arg8[%dma_wait3A, %dma_wait3A_65, %dma_wait3A_66] : memref<2x128x32xf32, #tpu.memory_space<vmem>> -> memref<1x128x32xf32, #tpu.memory_space<vmem>>
        %dma_wait3A_68 = tpu.memref_squeeze %dma_wait3A_67 : memref<1x128x32xf32, #tpu.memory_space<vmem>> -> memref<128x32xf32, #tpu.memory_space<vmem>>
        %dma_wait3A_69 = arith.constant 0 : i32
        %dma_wait3A_70 = tpu.memref_slice %arg11[%add3A_64, %dma_wait3A_69] : memref<16x128xi32, #tpu.memory_space<vmem>> -> memref<1x128xi32, #tpu.memory_space<vmem>>
        %dma_wait3A_71 = tpu.memref_squeeze %dma_wait3A_70 : memref<1x128xi32, #tpu.memory_space<vmem>> -> memref<128xi32, #tpu.memory_space<vmem>>
        %dma_wait3A_72 = arith.constant 0 : i32
        %dma_wait3A_73 = arith.constant 0 : i32
        %dma_wait3A_74 = tpu.memref_slice %arg2[%dma_wait3A_72, %dma_wait3A_73] : memref<20000x32xf32, #tpu.memory_space<hbm>> -> memref<20000x32xf32, #tpu.memory_space<hbm>>
        tpu.wait_indirect_dma semaphore(%arg9 : memref<!tpu.dma_semaphore, #tpu.memory_space<semaphore_mem>>) src(%dma_wait3A_74 : memref<20000x32xf32, #tpu.memory_space<hbm>>) dst(%dma_wait3A_68 : memref<128x32xf32, #tpu.memory_space<vmem>>)
        %dma_start3A_75 = arith.constant 0 : i32
        %dma_start3A_76 = arith.constant 0 : i32
        %dma_start3A_77 = arith.constant 0 : i32
        %dma_start3A_78 = tpu.memref_slice %arg8[%dma_start3A_75, %dma_start3A_76, %dma_start3A_77] : memref<2x128x32xf32, #tpu.memory_space<vmem>> -> memref<1x128x32xf32, #tpu.memory_space<vmem>>
        %dma_start3A_79 = tpu.memref_squeeze %dma_start3A_78 : memref<1x128x32xf32, #tpu.memory_space<vmem>> -> memref<128x32xf32, #tpu.memory_space<vmem>>
        %dma_start3A_80 = arith.constant 0 : i32
        %dma_start3A_81 = tpu.memref_slice %arg7[%add3A_64, %dma_start3A_80] : memref<16x128xi32, #tpu.memory_space<vmem>> -> memref<1x128xi32, #tpu.memory_space<vmem>>
        %dma_start3A_82 = tpu.memref_squeeze %dma_start3A_81 : memref<1x128xi32, #tpu.memory_space<vmem>> -> memref<128xi32, #tpu.memory_space<vmem>>
        %dma_start3A_83 = arith.constant 0 : i32
        %dma_start3A_84 = arith.constant 0 : i32
        %dma_start3A_85 = tpu.memref_slice %arg6[%dma_start3A_83, %dma_start3A_84] : memref<10112x32xf32, #tpu.memory_space<vmem_shared>> -> memref<10112x32xf32, #tpu.memory_space<vmem_shared>>
        tpu.enqueue_indirect_dma source(%dma_start3A_79 : memref<128x32xf32, #tpu.memory_space<vmem>>) target(%dma_start3A_85 : memref<10112x32xf32, #tpu.memory_space<vmem_shared>>) offsets(%dma_start3A_82 : memref<128xi32, #tpu.memory_space<vmem>>) semaphore(%arg12 : memref<!tpu.dma_semaphore, #tpu.memory_space<semaphore_mem>>) {add = true}
        %dma_wait3A_86 = arith.constant 0 : i32
        %dma_wait3A_87 = arith.constant 0 : i32
        %dma_wait3A_88 = arith.constant 0 : i32
        %dma_wait3A_89 = tpu.memref_slice %arg8[%dma_wait3A_86, %dma_wait3A_87, %dma_wait3A_88] : memref<2x128x32xf32, #tpu.memory_space<vmem>> -> memref<1x128x32xf32, #tpu.memory_space<vmem>>
        %dma_wait3A_90 = tpu.memref_squeeze %dma_wait3A_89 : memref<1x128x32xf32, #tpu.memory_space<vmem>> -> memref<128x32xf32, #tpu.memory_space<vmem>>
        %dma_wait3A_91 = arith.constant 0 : i32
        %dma_wait3A_92 = tpu.memref_slice %arg7[%add3A_64, %dma_wait3A_91] : memref<16x128xi32, #tpu.memory_space<vmem>> -> memref<1x128xi32, #tpu.memory_space<vmem>>
        %dma_wait3A_93 = tpu.memref_squeeze %dma_wait3A_92 : memref<1x128xi32, #tpu.memory_space<vmem>> -> memref<128xi32, #tpu.memory_space<vmem>>
        %dma_wait3A_94 = arith.constant 0 : i32
        %dma_wait3A_95 = arith.constant 0 : i32
        %dma_wait3A_96 = tpu.memref_slice %arg6[%dma_wait3A_94, %dma_wait3A_95] : memref<10112x32xf32, #tpu.memory_space<vmem_shared>> -> memref<10112x32xf32, #tpu.memory_space<vmem_shared>>
        tpu.wait_indirect_dma semaphore(%arg12 : memref<!tpu.dma_semaphore, #tpu.memory_space<semaphore_mem>>) src(%dma_wait3A_90 : memref<128x32xf32, #tpu.memory_space<vmem>>) dst(%dma_wait3A_96 : memref<10112x32xf32, #tpu.memory_space<vmem_shared>>)
        %add3A_97 = arith.constant 2 : i32
        %add3A_98 = arith.addi %add3A_64, %add3A_97 : i32
        %lt3A = arith.constant 16 : i32
        %lt3A_99 = arith.cmpi slt, %add3A_98, %lt3A : i32
        %convert_element_type3A = arith.extui %lt3A_99 : i1 to i32
        %cond3A = arith.constant 0 : i32
        %cond3A_100 = arith.cmpi ne, %convert_element_type3A, %cond3A : i32
        scf.if %cond3A_100 {
          %dma_start3A_145 = arith.constant 0 : i32
          %dma_start3A_146 = arith.constant 0 : i32
          %dma_start3A_147 = arith.constant 0 : i32
          %dma_start3A_148 = tpu.memref_slice %arg8[%dma_start3A_145, %dma_start3A_146, %dma_start3A_147] : memref<2x128x32xf32, #tpu.memory_space<vmem>> -> memref<1x128x32xf32, #tpu.memory_space<vmem>>
          %dma_start3A_149 = tpu.memref_squeeze %dma_start3A_148 : memref<1x128x32xf32, #tpu.memory_space<vmem>> -> memref<128x32xf32, #tpu.memory_space<vmem>>
          %dma_start3A_150 = arith.constant 0 : i32
          %dma_start3A_151 = tpu.memref_slice %arg11[%add3A_98, %dma_start3A_150] : memref<16x128xi32, #tpu.memory_space<vmem>> -> memref<1x128xi32, #tpu.memory_space<vmem>>
          %dma_start3A_152 = tpu.memref_squeeze %dma_start3A_151 : memref<1x128xi32, #tpu.memory_space<vmem>> -> memref<128xi32, #tpu.memory_space<vmem>>
          %dma_start3A_153 = arith.constant 0 : i32
          %dma_start3A_154 = arith.constant 0 : i32
          %dma_start3A_155 = tpu.memref_slice %arg2[%dma_start3A_153, %dma_start3A_154] : memref<20000x32xf32, #tpu.memory_space<hbm>> -> memref<20000x32xf32, #tpu.memory_space<hbm>>
          tpu.enqueue_indirect_dma source(%dma_start3A_155 : memref<20000x32xf32, #tpu.memory_space<hbm>>) target(%dma_start3A_149 : memref<128x32xf32, #tpu.memory_space<vmem>>) offsets(%dma_start3A_152 : memref<128xi32, #tpu.memory_space<vmem>>) semaphore(%arg9 : memref<!tpu.dma_semaphore, #tpu.memory_space<semaphore_mem>>)
        } else {
        }
        %mul3A_101 = arith.constant 2 : i32
        %mul3A_102 = arith.muli %scan3A_60, %mul3A_101 : i32
        %add3A_103 = arith.constant 1 : i32
        %add3A_104 = arith.addi %mul3A_102, %add3A_103 : i32
        %dma_wait3A_105 = arith.constant 1 : i32
        %dma_wait3A_106 = arith.constant 0 : i32
        %dma_wait3A_107 = arith.constant 0 : i32
        %dma_wait3A_108 = tpu.memref_slice %arg8[%dma_wait3A_105, %dma_wait3A_106, %dma_wait3A_107] : memref<2x128x32xf32, #tpu.memory_space<vmem>> -> memref<1x128x32xf32, #tpu.memory_space<vmem>>
        %dma_wait3A_109 = tpu.memref_squeeze %dma_wait3A_108 : memref<1x128x32xf32, #tpu.memory_space<vmem>> -> memref<128x32xf32, #tpu.memory_space<vmem>>
        %dma_wait3A_110 = arith.constant 0 : i32
        %dma_wait3A_111 = tpu.memref_slice %arg11[%add3A_104, %dma_wait3A_110] : memref<16x128xi32, #tpu.memory_space<vmem>> -> memref<1x128xi32, #tpu.memory_space<vmem>>
        %dma_wait3A_112 = tpu.memref_squeeze %dma_wait3A_111 : memref<1x128xi32, #tpu.memory_space<vmem>> -> memref<128xi32, #tpu.memory_space<vmem>>
        %dma_wait3A_113 = arith.constant 0 : i32
        %dma_wait3A_114 = arith.constant 0 : i32
        %dma_wait3A_115 = tpu.memref_slice %arg2[%dma_wait3A_113, %dma_wait3A_114] : memref<20000x32xf32, #tpu.memory_space<hbm>> -> memref<20000x32xf32, #tpu.memory_space<hbm>>
        tpu.wait_indirect_dma semaphore(%arg10 : memref<!tpu.dma_semaphore, #tpu.memory_space<semaphore_mem>>) src(%dma_wait3A_115 : memref<20000x32xf32, #tpu.memory_space<hbm>>) dst(%dma_wait3A_109 : memref<128x32xf32, #tpu.memory_space<vmem>>)
        %dma_start3A_116 = arith.constant 1 : i32
        %dma_start3A_117 = arith.constant 0 : i32
        %dma_start3A_118 = arith.constant 0 : i32
        %dma_start3A_119 = tpu.memref_slice %arg8[%dma_start3A_116, %dma_start3A_117, %dma_start3A_118] : memref<2x128x32xf32, #tpu.memory_space<vmem>> -> memref<1x128x32xf32, #tpu.memory_space<vmem>>
        %dma_start3A_120 = tpu.memref_squeeze %dma_start3A_119 : memref<1x128x32xf32, #tpu.memory_space<vmem>> -> memref<128x32xf32, #tpu.memory_space<vmem>>
        %dma_start3A_121 = arith.constant 0 : i32
        %dma_start3A_122 = tpu.memref_slice %arg7[%add3A_104, %dma_start3A_121] : memref<16x128xi32, #tpu.memory_space<vmem>> -> memref<1x128xi32, #tpu.memory_space<vmem>>
        %dma_start3A_123 = tpu.memref_squeeze %dma_start3A_122 : memref<1x128xi32, #tpu.memory_space<vmem>> -> memref<128xi32, #tpu.memory_space<vmem>>
        %dma_start3A_124 = arith.constant 0 : i32
        %dma_start3A_125 = arith.constant 0 : i32
        %dma_start3A_126 = tpu.memref_slice %arg6[%dma_start3A_124, %dma_start3A_125] : memref<10112x32xf32, #tpu.memory_space<vmem_shared>> -> memref<10112x32xf32, #tpu.memory_space<vmem_shared>>
        tpu.enqueue_indirect_dma source(%dma_start3A_120 : memref<128x32xf32, #tpu.memory_space<vmem>>) target(%dma_start3A_126 : memref<10112x32xf32, #tpu.memory_space<vmem_shared>>) offsets(%dma_start3A_123 : memref<128xi32, #tpu.memory_space<vmem>>) semaphore(%arg13 : memref<!tpu.dma_semaphore, #tpu.memory_space<semaphore_mem>>) {add = true}
        %dma_wait3A_127 = arith.constant 1 : i32
        %dma_wait3A_128 = arith.constant 0 : i32
        %dma_wait3A_129 = arith.constant 0 : i32
        %dma_wait3A_130 = tpu.memref_slice %arg8[%dma_wait3A_127, %dma_wait3A_128, %dma_wait3A_129] : memref<2x128x32xf32, #tpu.memory_space<vmem>> -> memref<1x128x32xf32, #tpu.memory_space<vmem>>
        %dma_wait3A_131 = tpu.memref_squeeze %dma_wait3A_130 : memref<1x128x32xf32, #tpu.memory_space<vmem>> -> memref<128x32xf32, #tpu.memory_space<vmem>>
        %dma_wait3A_132 = arith.constant 0 : i32
        %dma_wait3A_133 = tpu.memref_slice %arg7[%add3A_104, %dma_wait3A_132] : memref<16x128xi32, #tpu.memory_space<vmem>> -> memref<1x128xi32, #tpu.memory_space<vmem>>
        %dma_wait3A_134 = tpu.memref_squeeze %dma_wait3A_133 : memref<1x128xi32, #tpu.memory_space<vmem>> -> memref<128xi32, #tpu.memory_space<vmem>>
        %dma_wait3A_135 = arith.constant 0 : i32
        %dma_wait3A_136 = arith.constant 0 : i32
        %dma_wait3A_137 = tpu.memref_slice %arg6[%dma_wait3A_135, %dma_wait3A_136] : memref<10112x32xf32, #tpu.memory_space<vmem_shared>> -> memref<10112x32xf32, #tpu.memory_space<vmem_shared>>
        tpu.wait_indirect_dma semaphore(%arg13 : memref<!tpu.dma_semaphore, #tpu.memory_space<semaphore_mem>>) src(%dma_wait3A_131 : memref<128x32xf32, #tpu.memory_space<vmem>>) dst(%dma_wait3A_137 : memref<10112x32xf32, #tpu.memory_space<vmem_shared>>)
        %add3A_138 = arith.constant 2 : i32
        %add3A_139 = arith.addi %add3A_104, %add3A_138 : i32
        %lt3A_140 = arith.constant 16 : i32
        %lt3A_141 = arith.cmpi slt, %add3A_139, %lt3A_140 : i32
        %convert_element_type3A_142 = arith.extui %lt3A_141 : i1 to i32
        %cond3A_143 = arith.constant 0 : i32
        %cond3A_144 = arith.cmpi ne, %convert_element_type3A_142, %cond3A_143 : i32
        scf.if %cond3A_144 {
          %dma_start3A_145 = arith.constant 1 : i32
          %dma_start3A_146 = arith.constant 0 : i32
          %dma_start3A_147 = arith.constant 0 : i32
          %dma_start3A_148 = tpu.memref_slice %arg8[%dma_start3A_145, %dma_start3A_146, %dma_start3A_147] : memref<2x128x32xf32, #tpu.memory_space<vmem>> -> memref<1x128x32xf32, #tpu.memory_space<vmem>>
          %dma_start3A_149 = tpu.memref_squeeze %dma_start3A_148 : memref<1x128x32xf32, #tpu.memory_space<vmem>> -> memref<128x32xf32, #tpu.memory_space<vmem>>
          %dma_start3A_150 = arith.constant 0 : i32
          %dma_start3A_151 = tpu.memref_slice %arg11[%add3A_139, %dma_start3A_150] : memref<16x128xi32, #tpu.memory_space<vmem>> -> memref<1x128xi32, #tpu.memory_space<vmem>>
          %dma_start3A_152 = tpu.memref_squeeze %dma_start3A_151 : memref<1x128xi32, #tpu.memory_space<vmem>> -> memref<128xi32, #tpu.memory_space<vmem>>
          %dma_start3A_153 = arith.constant 0 : i32
          %dma_start3A_154 = arith.constant 0 : i32
          %dma_start3A_155 = tpu.memref_slice %arg2[%dma_start3A_153, %dma_start3A_154] : memref<20000x32xf32, #tpu.memory_space<hbm>> -> memref<20000x32xf32, #tpu.memory_space<hbm>>
          tpu.enqueue_indirect_dma source(%dma_start3A_155 : memref<20000x32xf32, #tpu.memory_space<hbm>>) target(%dma_start3A_149 : memref<128x32xf32, #tpu.memory_space<vmem>>) offsets(%dma_start3A_152 : memref<128xi32, #tpu.memory_space<vmem>>) semaphore(%arg10 : memref<!tpu.dma_semaphore, #tpu.memory_space<semaphore_mem>>)
        } else {
        }
      }
      %scan3A_59 = arith.constant 8 : i32
    }
    %scan3A_24 = arith.constant 5 : i32
    %barrier3A_25 = arith.constant 0 : index
    tpu.barrier barrier_id(%barrier3A_25)
    "tpu.region"() ({
      %run_scoped3A_26 = tpu.sem_alloc : memref<!tpu.dma_semaphore, #tpu.memory_space<semaphore_mem>>
      %dma_start3A = arith.constant 0 : i32
      %dma_start3A_27 = tpu.memref_slice %arg5[%arg0, %mul3A_5, %dma_start3A] : memref<2x10112x32xf32, #tpu.memory_space<hbm>> -> memref<1x632x32xf32, #tpu.memory_space<hbm>>
      %dma_start3A_28 = tpu.memref_squeeze %dma_start3A_27 : memref<1x632x32xf32, #tpu.memory_space<hbm>> -> memref<632x32xf32, #tpu.memory_space<hbm>>
      %dma_start3A_29 = arith.constant 0 : i32
      %dma_start3A_30 = tpu.memref_slice %arg6[%mul3A_5, %dma_start3A_29] : memref<10112x32xf32, #tpu.memory_space<vmem_shared>> -> memref<632x32xf32, #tpu.memory_space<vmem_shared>>
      tpu.enqueue_dma source(%dma_start3A_30 : memref<632x32xf32, #tpu.memory_space<vmem_shared>>) target(%dma_start3A_28 : memref<632x32xf32, #tpu.memory_space<hbm>>) target_semaphore(%run_scoped3A_26 : memref<!tpu.dma_semaphore, #tpu.memory_space<semaphore_mem>>)
      %dma_wait3A = arith.constant 0 : i32
      %dma_wait3A_31 = tpu.memref_slice %arg5[%arg0, %mul3A_5, %dma_wait3A] : memref<2x10112x32xf32, #tpu.memory_space<hbm>> -> memref<1x632x32xf32, #tpu.memory_space<hbm>>
      %dma_wait3A_32 = tpu.memref_squeeze %dma_wait3A_31 : memref<1x632x32xf32, #tpu.memory_space<hbm>> -> memref<632x32xf32, #tpu.memory_space<hbm>>
      %dma_wait3A_33 = arith.constant 0 : i32
      %dma_wait3A_34 = tpu.memref_slice %arg6[%mul3A_5, %dma_wait3A_33] : memref<10112x32xf32, #tpu.memory_space<vmem_shared>> -> memref<632x32xf32, #tpu.memory_space<vmem_shared>>
      tpu.wait_dma2 semaphore(%run_scoped3A_26 : memref<!tpu.dma_semaphore, #tpu.memory_space<semaphore_mem>>) src(%dma_wait3A_34 : memref<632x32xf32, #tpu.memory_space<vmem_shared>>) dst(%dma_wait3A_32 : memref<632x32xf32, #tpu.memory_space<hbm>>)
      tpu.yield
    }) : () -> ()
    return
  }
}

module attributes {stable_mosaic.version = 14 : i64} {
  func.func @_tc1_body(%arg0: i32, %arg1: memref<1000x256xf32, #tpu.memory_space<vmem>>, %arg2: memref<2x1000x128xf32, #tpu.memory_space<vmem>>, %arg3: memref<2x1000x16xf32, #tpu.memory_space<vmem>>, %arg4: memref<256x256xf32, #tpu.memory_space<vmem>>, %arg5: memref<1x256xf32, #tpu.memory_space<vmem>>, %arg6: memref<2x1000x128xf32, #tpu.memory_space<vmem>>) attributes {dimension_semantics = [#tpu.dimension_semantics<arbitrary>], iteration_bounds = array<i64: 10>, scalar_prefetch = 0 : i64, scratch_operands = 0 : i64, tpu.core_type = #tpu.core_type<tc>, window_params = [{transform_indices = @transform_0, window_bounds = array<i64: 1000, 256>}, {transform_indices = @transform_1, window_bounds = array<i64: 2, 1000, 128>}, {transform_indices = @transform_2, window_bounds = array<i64: 2, 1000, 16>}, {pipeline_mode = #tpu.pipeline_mode<synchronous>, transform_indices = @transform_3, window_bounds = array<i64: 256, 256>}, {pipeline_mode = #tpu.pipeline_mode<synchronous>, transform_indices = @transform_4, window_bounds = array<i64: 1, 256>}, {transform_indices = @transform_5, window_bounds = array<i64: 2, 1000, 128>}]} {
    %get3A = arith.constant 0 : index
    %get3A_0 = arith.constant 0 : index
    %get3A_1 = arith.constant 0 : index
    %get3A_2 = vector.load %arg3[%get3A, %get3A_0, %get3A_1] : memref<2x1000x16xf32, #tpu.memory_space<vmem>>, vector<2x1000x16xf32>
    %slice3A = vector.extract_strided_slice %get3A_2 {offsets = [0, 0, 0], sizes = [1, 1000, 1], strides = [1, 1, 1]} : vector<2x1000x16xf32> to vector<1x1000x1xf32>
    %squeeze3A = vector.shape_cast %slice3A : vector<1x1000x1xf32> to vector<1000x1xf32>
    %slice3A_3 = vector.extract_strided_slice %get3A_2 {offsets = [1, 0, 0], sizes = [1, 1000, 1], strides = [1, 1, 1]} : vector<2x1000x16xf32> to vector<1x1000x1xf32>
    %squeeze3A_4 = vector.shape_cast %slice3A_3 : vector<1x1000x1xf32> to vector<1000x1xf32>
    %add3A = arith.addf %squeeze3A, %squeeze3A_4 : vector<1000x1xf32>
    %max3A = arith.constant 1.000000e+00 : f32
    %max3A_5 = vector.broadcast %max3A : f32 to vector<1000x1xf32>
    %max3A_6 = arith.maximumf %add3A, %max3A_5 : vector<1000x1xf32>
    %div3A = arith.constant 1.000000e+00 : f32
    %div3A_7 = vector.broadcast %div3A : f32 to vector<1000x1xf32>
    %div3A_8 = arith.divf %div3A_7, %max3A_6 : vector<1000x1xf32>
    %get3A_9 = arith.constant 0 : index
    %get3A_10 = arith.constant 0 : index
    %get3A_11 = arith.constant 0 : index
    %get3A_12 = vector.load %arg2[%get3A_9, %get3A_10, %get3A_11] : memref<2x1000x128xf32, #tpu.memory_space<vmem>>, vector<1x1000x128xf32>
    %get3A_13 = vector.shape_cast %get3A_12 : vector<1x1000x128xf32> to vector<1000x128xf32>
    %get3A_14 = arith.constant 1 : index
    %get3A_15 = arith.constant 0 : index
    %get3A_16 = arith.constant 0 : index
    %get3A_17 = vector.load %arg2[%get3A_14, %get3A_15, %get3A_16] : memref<2x1000x128xf32, #tpu.memory_space<vmem>>, vector<1x1000x128xf32>
    %get3A_18 = vector.shape_cast %get3A_17 : vector<1x1000x128xf32> to vector<1000x128xf32>
    %concatenate3A = tpu.concatenate %get3A_13, %get3A_18 in 1 : vector<1000x128xf32>, vector<1000x128xf32> -> vector<1000x256xf32>
    %get3A_19 = arith.constant 0 : index
    %get3A_20 = arith.constant 0 : index
    %get3A_21 = vector.load %arg1[%get3A_19, %get3A_20] : memref<1000x256xf32, #tpu.memory_space<vmem>>, vector<1000x256xf32>
    %mul3A = vector.broadcast %div3A_8 : vector<1000x1xf32> to vector<1000x256xf32>
    %mul3A_22 = arith.mulf %concatenate3A, %mul3A : vector<1000x256xf32>
    %add3A_23 = arith.addf %get3A_21, %mul3A_22 : vector<1000x256xf32>
    %get3A_24 = arith.constant 0 : index
    %get3A_25 = arith.constant 0 : index
    %get3A_26 = vector.load %arg4[%get3A_24, %get3A_25] : memref<256x256xf32, #tpu.memory_space<vmem>>, vector<256x256xf32>
    %dot_general3A = arith.constant dense<0.000000e+00> : vector<1000x256xf32>
    %dot_general3A_27 = tpu.matmul %add3A_23, %get3A_26, %dot_general3A {dimension_numbers = #tpu.dot_dimension_numbers<[1], [0], [0], [1], [0, 0, 1, 1], [], []>, transpose_lhs_hint = false} : vector<1000x256xf32>, vector<256x256xf32>, vector<1000x256xf32> -> vector<1000x256xf32>
    %get3A_28 = arith.constant 0 : index
    %get3A_29 = arith.constant 0 : index
    %get3A_30 = vector.load %arg5[%get3A_28, %get3A_29] : memref<1x256xf32, #tpu.memory_space<vmem>>, vector<1x256xf32>
    %add3A_31 = vector.broadcast %get3A_30 : vector<1x256xf32> to vector<1000x256xf32>
    %add3A_32 = arith.addf %dot_general3A_27, %add3A_31 : vector<1000x256xf32>
    %max3A_33 = arith.constant 0.000000e+00 : f32
    %max3A_34 = vector.broadcast %max3A_33 : f32 to vector<1000x256xf32>
    %max3A_35 = arith.maximumf %add3A_32, %max3A_34 : vector<1000x256xf32>
    %slice3A_36 = vector.extract_strided_slice %max3A_35 {offsets = [0, 0], sizes = [1000, 128], strides = [1, 1]} : vector<1000x256xf32> to vector<1000x128xf32>
    %swap3A = arith.constant 0 : index
    %swap3A_37 = arith.constant 0 : index
    %swap3A_38 = arith.constant 0 : index
    %swap3A_39 = vector.load %arg6[%swap3A, %swap3A_37, %swap3A_38] : memref<2x1000x128xf32, #tpu.memory_space<vmem>>, vector<1x1000x128xf32>
    %swap3A_40 = vector.shape_cast %swap3A_39 : vector<1x1000x128xf32> to vector<1000x128xf32>
    %swap3A_41 = vector.shape_cast %slice3A_36 : vector<1000x128xf32> to vector<1x1000x128xf32>
    tpu.vector_store %arg6[%swap3A, %swap3A_37, %swap3A_38], %swap3A_41 {strides = array<i32>} : memref<2x1000x128xf32, #tpu.memory_space<vmem>>, vector<1x1000x128xf32>,
    %slice3A_42 = vector.extract_strided_slice %max3A_35 {offsets = [0, 128], sizes = [1000, 128], strides = [1, 1]} : vector<1000x256xf32> to vector<1000x128xf32>
    %swap3A_43 = arith.constant 1 : index
    %swap3A_44 = arith.constant 0 : index
    %swap3A_45 = arith.constant 0 : index
    %swap3A_46 = vector.load %arg6[%swap3A_43, %swap3A_44, %swap3A_45] : memref<2x1000x128xf32, #tpu.memory_space<vmem>>, vector<1x1000x128xf32>
    %swap3A_47 = vector.shape_cast %swap3A_46 : vector<1x1000x128xf32> to vector<1000x128xf32>
    %swap3A_48 = vector.shape_cast %slice3A_42 : vector<1000x128xf32> to vector<1x1000x128xf32>
    tpu.vector_store %arg6[%swap3A_43, %swap3A_44, %swap3A_45], %swap3A_48 {strides = array<i32>} : memref<2x1000x128xf32, #tpu.memory_space<vmem>>, vector<1x1000x128xf32>,
    return
  }
  func.func @transform_0(%arg0: i32) -> (i32, i32) {
    %c0_i32 = arith.constant 0 : i32
    %c0_i32_0 = arith.constant 0 : i32
    return %arg0, %c0_i32 : i32, i32
  }
  func.func @transform_1(%arg0: i32) -> (i32, i32, i32) {
    %c0_i32 = arith.constant 0 : i32
    %c0_i32_0 = arith.constant 0 : i32
    %c0_i32_1 = arith.constant 0 : i32
    return %c0_i32, %arg0, %c0_i32_0 : i32, i32, i32
  }
  func.func @transform_2(%arg0: i32) -> (i32, i32, i32) {
    %c0_i32 = arith.constant 0 : i32
    %c0_i32_0 = arith.constant 0 : i32
    %c0_i32_1 = arith.constant 0 : i32
    return %c0_i32, %arg0, %c0_i32_0 : i32, i32, i32
  }
  func.func @transform_3(%arg0: i32) -> (i32, i32) {
    %c0_i32 = arith.constant 0 : i32
    %c0_i32_0 = arith.constant 0 : i32
    %c0_i32_1 = arith.constant 0 : i32
    return %c0_i32, %c0_i32_0 : i32, i32
  }
  func.func @transform_4(%arg0: i32) -> (i32, i32) {
    %c0_i32 = arith.constant 0 : i32
    %c0_i32_0 = arith.constant 0 : i32
    %c0_i32_1 = arith.constant 0 : i32
    return %c0_i32, %c0_i32_0 : i32, i32
  }
  func.func @transform_5(%arg0: i32) -> (i32, i32, i32) {
    %c0_i32 = arith.constant 0 : i32
    %c0_i32_0 = arith.constant 0 : i32
    %c0_i32_1 = arith.constant 0 : i32
    return %c0_i32, %arg0, %c0_i32_0 : i32, i32, i32
  }
}

module attributes {stable_mosaic.version = 14 : i64} {
  func.func @_tc2_body(%arg0: i32, %arg1: memref<2x1000x128xf32, #tpu.memory_space<vmem>>, %arg2: memref<2x1000x128xf32, #tpu.memory_space<vmem>>, %arg3: memref<2x1000x16xf32, #tpu.memory_space<vmem>>, %arg4: memref<256x256xf32, #tpu.memory_space<vmem>>, %arg5: memref<1x256xf32, #tpu.memory_space<vmem>>, %arg6: memref<256x64xf32, #tpu.memory_space<vmem>>, %arg7: memref<2x1000x32xf32, #tpu.memory_space<vmem>>) attributes {dimension_semantics = [#tpu.dimension_semantics<arbitrary>], iteration_bounds = array<i64: 10>, scalar_prefetch = 0 : i64, scratch_operands = 0 : i64, tpu.core_type = #tpu.core_type<tc>, window_params = [{transform_indices = @transform_0, window_bounds = array<i64: 2, 1000, 128>}, {transform_indices = @transform_1, window_bounds = array<i64: 2, 1000, 128>}, {transform_indices = @transform_2, window_bounds = array<i64: 2, 1000, 16>}, {pipeline_mode = #tpu.pipeline_mode<synchronous>, transform_indices = @transform_3, window_bounds = array<i64: 256, 256>}, {pipeline_mode = #tpu.pipeline_mode<synchronous>, transform_indices = @transform_4, window_bounds = array<i64: 1, 256>}, {pipeline_mode = #tpu.pipeline_mode<synchronous>, transform_indices = @transform_5, window_bounds = array<i64: 256, 64>}, {transform_indices = @transform_6, window_bounds = array<i64: 2, 1000, 32>}]} {
    %get3A = arith.constant 0 : index
    %get3A_0 = arith.constant 0 : index
    %get3A_1 = arith.constant 0 : index
    %get3A_2 = vector.load %arg3[%get3A, %get3A_0, %get3A_1] : memref<2x1000x16xf32, #tpu.memory_space<vmem>>, vector<2x1000x16xf32>
    %slice3A = vector.extract_strided_slice %get3A_2 {offsets = [0, 0, 0], sizes = [1, 1000, 1], strides = [1, 1, 1]} : vector<2x1000x16xf32> to vector<1x1000x1xf32>
    %squeeze3A = vector.shape_cast %slice3A : vector<1x1000x1xf32> to vector<1000x1xf32>
    %slice3A_3 = vector.extract_strided_slice %get3A_2 {offsets = [1, 0, 0], sizes = [1, 1000, 1], strides = [1, 1, 1]} : vector<2x1000x16xf32> to vector<1x1000x1xf32>
    %squeeze3A_4 = vector.shape_cast %slice3A_3 : vector<1x1000x1xf32> to vector<1000x1xf32>
    %add3A = arith.addf %squeeze3A, %squeeze3A_4 : vector<1000x1xf32>
    %max3A = arith.constant 1.000000e+00 : f32
    %max3A_5 = vector.broadcast %max3A : f32 to vector<1000x1xf32>
    %max3A_6 = arith.maximumf %add3A, %max3A_5 : vector<1000x1xf32>
    %div3A = arith.constant 1.000000e+00 : f32
    %div3A_7 = vector.broadcast %div3A : f32 to vector<1000x1xf32>
    %div3A_8 = arith.divf %div3A_7, %max3A_6 : vector<1000x1xf32>
    %get3A_9 = arith.constant 0 : index
    %get3A_10 = arith.constant 0 : index
    %get3A_11 = arith.constant 0 : index
    %get3A_12 = vector.load %arg1[%get3A_9, %get3A_10, %get3A_11] : memref<2x1000x128xf32, #tpu.memory_space<vmem>>, vector<1x1000x128xf32>
    %get3A_13 = vector.shape_cast %get3A_12 : vector<1x1000x128xf32> to vector<1000x128xf32>
    %get3A_14 = arith.constant 1 : index
    %get3A_15 = arith.constant 0 : index
    %get3A_16 = arith.constant 0 : index
    %get3A_17 = vector.load %arg1[%get3A_14, %get3A_15, %get3A_16] : memref<2x1000x128xf32, #tpu.memory_space<vmem>>, vector<1x1000x128xf32>
    %get3A_18 = vector.shape_cast %get3A_17 : vector<1x1000x128xf32> to vector<1000x128xf32>
    %concatenate3A = tpu.concatenate %get3A_13, %get3A_18 in 1 : vector<1000x128xf32>, vector<1000x128xf32> -> vector<1000x256xf32>
    %get3A_19 = arith.constant 0 : index
    %get3A_20 = arith.constant 0 : index
    %get3A_21 = arith.constant 0 : index
    %get3A_22 = vector.load %arg2[%get3A_19, %get3A_20, %get3A_21] : memref<2x1000x128xf32, #tpu.memory_space<vmem>>, vector<1x1000x128xf32>
    %get3A_23 = vector.shape_cast %get3A_22 : vector<1x1000x128xf32> to vector<1000x128xf32>
    %get3A_24 = arith.constant 1 : index
    %get3A_25 = arith.constant 0 : index
    %get3A_26 = arith.constant 0 : index
    %get3A_27 = vector.load %arg2[%get3A_24, %get3A_25, %get3A_26] : memref<2x1000x128xf32, #tpu.memory_space<vmem>>, vector<1x1000x128xf32>
    %get3A_28 = vector.shape_cast %get3A_27 : vector<1x1000x128xf32> to vector<1000x128xf32>
    %concatenate3A_29 = tpu.concatenate %get3A_23, %get3A_28 in 1 : vector<1000x128xf32>, vector<1000x128xf32> -> vector<1000x256xf32>
    %mul3A = vector.broadcast %div3A_8 : vector<1000x1xf32> to vector<1000x256xf32>
    %mul3A_30 = arith.mulf %concatenate3A_29, %mul3A : vector<1000x256xf32>
    %add3A_31 = arith.addf %concatenate3A, %mul3A_30 : vector<1000x256xf32>
    %get3A_32 = arith.constant 0 : index
    %get3A_33 = arith.constant 0 : index
    %get3A_34 = vector.load %arg4[%get3A_32, %get3A_33] : memref<256x256xf32, #tpu.memory_space<vmem>>, vector<256x256xf32>
    %dot_general3A = arith.constant dense<0.000000e+00> : vector<1000x256xf32>
    %dot_general3A_35 = tpu.matmul %add3A_31, %get3A_34, %dot_general3A {dimension_numbers = #tpu.dot_dimension_numbers<[1], [0], [0], [1], [0, 0, 1, 1], [], []>, transpose_lhs_hint = false} : vector<1000x256xf32>, vector<256x256xf32>, vector<1000x256xf32> -> vector<1000x256xf32>
    %get3A_36 = arith.constant 0 : index
    %get3A_37 = arith.constant 0 : index
    %get3A_38 = vector.load %arg5[%get3A_36, %get3A_37] : memref<1x256xf32, #tpu.memory_space<vmem>>, vector<1x256xf32>
    %add3A_39 = vector.broadcast %get3A_38 : vector<1x256xf32> to vector<1000x256xf32>
    %add3A_40 = arith.addf %dot_general3A_35, %add3A_39 : vector<1000x256xf32>
    %max3A_41 = arith.constant 0.000000e+00 : f32
    %max3A_42 = vector.broadcast %max3A_41 : f32 to vector<1000x256xf32>
    %max3A_43 = arith.maximumf %add3A_40, %max3A_42 : vector<1000x256xf32>
    %get3A_44 = arith.constant 0 : index
    %get3A_45 = arith.constant 0 : index
    %get3A_46 = vector.load %arg6[%get3A_44, %get3A_45] : memref<256x64xf32, #tpu.memory_space<vmem>>, vector<256x64xf32>
    %dot_general3A_47 = arith.constant dense<0.000000e+00> : vector<1000x64xf32>
    %dot_general3A_48 = tpu.matmul %max3A_43, %get3A_46, %dot_general3A_47 {dimension_numbers = #tpu.dot_dimension_numbers<[1], [0], [0], [1], [0, 0, 1, 1], [], []>, transpose_lhs_hint = false} : vector<1000x256xf32>, vector<256x64xf32>, vector<1000x64xf32> -> vector<1000x64xf32>
    %slice3A_49 = vector.extract_strided_slice %dot_general3A_48 {offsets = [0, 0], sizes = [1000, 32], strides = [1, 1]} : vector<1000x64xf32> to vector<1000x32xf32>
    %swap3A = arith.constant 0 : index
    %swap3A_50 = arith.constant 0 : index
    %swap3A_51 = arith.constant 0 : index
    %swap3A_52 = vector.load %arg7[%swap3A, %swap3A_50, %swap3A_51] : memref<2x1000x32xf32, #tpu.memory_space<vmem>>, vector<1x1000x32xf32>
    %swap3A_53 = vector.shape_cast %swap3A_52 : vector<1x1000x32xf32> to vector<1000x32xf32>
    %swap3A_54 = vector.shape_cast %slice3A_49 : vector<1000x32xf32> to vector<1x1000x32xf32>
    tpu.vector_store %arg7[%swap3A, %swap3A_50, %swap3A_51], %swap3A_54 {strides = array<i32>} : memref<2x1000x32xf32, #tpu.memory_space<vmem>>, vector<1x1000x32xf32>,
    %slice3A_55 = vector.extract_strided_slice %dot_general3A_48 {offsets = [0, 32], sizes = [1000, 32], strides = [1, 1]} : vector<1000x64xf32> to vector<1000x32xf32>
    %swap3A_56 = arith.constant 1 : index
    %swap3A_57 = arith.constant 0 : index
    %swap3A_58 = arith.constant 0 : index
    %swap3A_59 = vector.load %arg7[%swap3A_56, %swap3A_57, %swap3A_58] : memref<2x1000x32xf32, #tpu.memory_space<vmem>>, vector<1x1000x32xf32>
    %swap3A_60 = vector.shape_cast %swap3A_59 : vector<1x1000x32xf32> to vector<1000x32xf32>
    %swap3A_61 = vector.shape_cast %slice3A_55 : vector<1000x32xf32> to vector<1x1000x32xf32>
    tpu.vector_store %arg7[%swap3A_56, %swap3A_57, %swap3A_58], %swap3A_61 {strides = array<i32>} : memref<2x1000x32xf32, #tpu.memory_space<vmem>>, vector<1x1000x32xf32>,
    return
  }
  func.func @transform_0(%arg0: i32) -> (i32, i32, i32) {
    %c0_i32 = arith.constant 0 : i32
    %c0_i32_0 = arith.constant 0 : i32
    %c0_i32_1 = arith.constant 0 : i32
    return %c0_i32, %arg0, %c0_i32_0 : i32, i32, i32
  }
  func.func @transform_1(%arg0: i32) -> (i32, i32, i32) {
    %c0_i32 = arith.constant 0 : i32
    %c0_i32_0 = arith.constant 0 : i32
    %c0_i32_1 = arith.constant 0 : i32
    return %c0_i32, %arg0, %c0_i32_0 : i32, i32, i32
  }
  func.func @transform_2(%arg0: i32) -> (i32, i32, i32) {
    %c0_i32 = arith.constant 0 : i32
    %c0_i32_0 = arith.constant 0 : i32
    %c0_i32_1 = arith.constant 0 : i32
    return %c0_i32, %arg0, %c0_i32_0 : i32, i32, i32
  }
  func.func @transform_3(%arg0: i32) -> (i32, i32) {
    %c0_i32 = arith.constant 0 : i32
    %c0_i32_0 = arith.constant 0 : i32
    %c0_i32_1 = arith.constant 0 : i32
    return %c0_i32, %c0_i32_0 : i32, i32
  }
  func.func @transform_4(%arg0: i32) -> (i32, i32) {
    %c0_i32 = arith.constant 0 : i32
    %c0_i32_0 = arith.constant 0 : i32
    %c0_i32_1 = arith.constant 0 : i32
    return %c0_i32, %c0_i32_0 : i32, i32
  }
  func.func @transform_5(%arg0: i32) -> (i32, i32) {
    %c0_i32 = arith.constant 0 : i32
    %c0_i32_0 = arith.constant 0 : i32
    %c0_i32_1 = arith.constant 0 : i32
    return %c0_i32, %c0_i32_0 : i32, i32
  }
  func.func @transform_6(%arg0: i32) -> (i32, i32, i32) {
    %c0_i32 = arith.constant 0 : i32
    %c0_i32_0 = arith.constant 0 : i32
    %c0_i32_1 = arith.constant 0 : i32
    return %c0_i32, %arg0, %c0_i32_0 : i32, i32, i32
  }
}

module attributes {stable_mosaic.version = 14 : i64} {
  func.func @_tc3_body(%arg0: i32, %arg1: memref<2x1000x32xf32, #tpu.memory_space<vmem>>, %arg2: memref<2x1000x32xf32, #tpu.memory_space<vmem>>, %arg3: memref<2x1000x16xf32, #tpu.memory_space<vmem>>, %arg4: memref<1x64xf32, #tpu.memory_space<vmem>>, %arg5: memref<1000x64xf32, #tpu.memory_space<vmem>>) attributes {dimension_semantics = [#tpu.dimension_semantics<arbitrary>], iteration_bounds = array<i64: 10>, scalar_prefetch = 0 : i64, scratch_operands = 0 : i64, tpu.core_type = #tpu.core_type<tc>, window_params = [{transform_indices = @transform_0, window_bounds = array<i64: 2, 1000, 32>}, {transform_indices = @transform_1, window_bounds = array<i64: 2, 1000, 32>}, {transform_indices = @transform_2, window_bounds = array<i64: 2, 1000, 16>}, {pipeline_mode = #tpu.pipeline_mode<synchronous>, transform_indices = @transform_3, window_bounds = array<i64: 1, 64>}, {transform_indices = @transform_4, window_bounds = array<i64: 1000, 64>}]} {
    %get3A = arith.constant 0 : index
    %get3A_0 = arith.constant 0 : index
    %get3A_1 = arith.constant 0 : index
    %get3A_2 = vector.load %arg3[%get3A, %get3A_0, %get3A_1] : memref<2x1000x16xf32, #tpu.memory_space<vmem>>, vector<2x1000x16xf32>
    %slice3A = vector.extract_strided_slice %get3A_2 {offsets = [0, 0, 0], sizes = [1, 1000, 1], strides = [1, 1, 1]} : vector<2x1000x16xf32> to vector<1x1000x1xf32>
    %squeeze3A = vector.shape_cast %slice3A : vector<1x1000x1xf32> to vector<1000x1xf32>
    %slice3A_3 = vector.extract_strided_slice %get3A_2 {offsets = [1, 0, 0], sizes = [1, 1000, 1], strides = [1, 1, 1]} : vector<2x1000x16xf32> to vector<1x1000x1xf32>
    %squeeze3A_4 = vector.shape_cast %slice3A_3 : vector<1x1000x1xf32> to vector<1000x1xf32>
    %add3A = arith.addf %squeeze3A, %squeeze3A_4 : vector<1000x1xf32>
    %max3A = arith.constant 1.000000e+00 : f32
    %max3A_5 = vector.broadcast %max3A : f32 to vector<1000x1xf32>
    %max3A_6 = arith.maximumf %add3A, %max3A_5 : vector<1000x1xf32>
    %div3A = arith.constant 1.000000e+00 : f32
    %div3A_7 = vector.broadcast %div3A : f32 to vector<1000x1xf32>
    %div3A_8 = arith.divf %div3A_7, %max3A_6 : vector<1000x1xf32>
    %get3A_9 = arith.constant 0 : index
    %get3A_10 = arith.constant 0 : index
    %get3A_11 = arith.constant 0 : index
    %get3A_12 = vector.load %arg1[%get3A_9, %get3A_10, %get3A_11] : memref<2x1000x32xf32, #tpu.memory_space<vmem>>, vector<1x1000x32xf32>
    %get3A_13 = vector.shape_cast %get3A_12 : vector<1x1000x32xf32> to vector<1000x32xf32>
    %get3A_14 = arith.constant 1 : index
    %get3A_15 = arith.constant 0 : index
    %get3A_16 = arith.constant 0 : index
    %get3A_17 = vector.load %arg1[%get3A_14, %get3A_15, %get3A_16] : memref<2x1000x32xf32, #tpu.memory_space<vmem>>, vector<1x1000x32xf32>
    %get3A_18 = vector.shape_cast %get3A_17 : vector<1x1000x32xf32> to vector<1000x32xf32>
    %concatenate3A = tpu.concatenate %get3A_13, %get3A_18 in 1 : vector<1000x32xf32>, vector<1000x32xf32> -> vector<1000x64xf32>
    %get3A_19 = arith.constant 0 : index
    %get3A_20 = arith.constant 0 : index
    %get3A_21 = arith.constant 0 : index
    %get3A_22 = vector.load %arg2[%get3A_19, %get3A_20, %get3A_21] : memref<2x1000x32xf32, #tpu.memory_space<vmem>>, vector<1x1000x32xf32>
    %get3A_23 = vector.shape_cast %get3A_22 : vector<1x1000x32xf32> to vector<1000x32xf32>
    %get3A_24 = arith.constant 1 : index
    %get3A_25 = arith.constant 0 : index
    %get3A_26 = arith.constant 0 : index
    %get3A_27 = vector.load %arg2[%get3A_24, %get3A_25, %get3A_26] : memref<2x1000x32xf32, #tpu.memory_space<vmem>>, vector<1x1000x32xf32>
    %get3A_28 = vector.shape_cast %get3A_27 : vector<1x1000x32xf32> to vector<1000x32xf32>
    %concatenate3A_29 = tpu.concatenate %get3A_23, %get3A_28 in 1 : vector<1000x32xf32>, vector<1000x32xf32> -> vector<1000x64xf32>
    %mul3A = vector.broadcast %div3A_8 : vector<1000x1xf32> to vector<1000x64xf32>
    %mul3A_30 = arith.mulf %concatenate3A_29, %mul3A : vector<1000x64xf32>
    %add3A_31 = arith.addf %concatenate3A, %mul3A_30 : vector<1000x64xf32>
    %get3A_32 = arith.constant 0 : index
    %get3A_33 = arith.constant 0 : index
    %get3A_34 = vector.load %arg4[%get3A_32, %get3A_33] : memref<1x64xf32, #tpu.memory_space<vmem>>, vector<1x64xf32>
    %add3A_35 = vector.broadcast %get3A_34 : vector<1x64xf32> to vector<1000x64xf32>
    %add3A_36 = arith.addf %add3A_31, %add3A_35 : vector<1000x64xf32>
    %swap3A = arith.constant 0 : index
    %swap3A_37 = arith.constant 0 : index
    %swap3A_38 = vector.load %arg5[%swap3A, %swap3A_37] : memref<1000x64xf32, #tpu.memory_space<vmem>>, vector<1000x64xf32>
    tpu.vector_store %arg5[%swap3A, %swap3A_37], %add3A_36 {strides = array<i32>} : memref<1000x64xf32, #tpu.memory_space<vmem>>, vector<1000x64xf32>,
    return
  }
  func.func @transform_0(%arg0: i32) -> (i32, i32, i32) {
    %c0_i32 = arith.constant 0 : i32
    %c0_i32_0 = arith.constant 0 : i32
    %c0_i32_1 = arith.constant 0 : i32
    return %c0_i32, %arg0, %c0_i32_0 : i32, i32, i32
  }
  func.func @transform_1(%arg0: i32) -> (i32, i32, i32) {
    %c0_i32 = arith.constant 0 : i32
    %c0_i32_0 = arith.constant 0 : i32
    %c0_i32_1 = arith.constant 0 : i32
    return %c0_i32, %arg0, %c0_i32_0 : i32, i32, i32
  }
  func.func @transform_2(%arg0: i32) -> (i32, i32, i32) {
    %c0_i32 = arith.constant 0 : i32
    %c0_i32_0 = arith.constant 0 : i32
    %c0_i32_1 = arith.constant 0 : i32
    return %c0_i32, %arg0, %c0_i32_0 : i32, i32, i32
  }
  func.func @transform_3(%arg0: i32) -> (i32, i32) {
    %c0_i32 = arith.constant 0 : i32
    %c0_i32_0 = arith.constant 0 : i32
    %c0_i32_1 = arith.constant 0 : i32
    return %c0_i32, %c0_i32_0 : i32, i32
  }
  func.func @transform_4(%arg0: i32) -> (i32, i32) {
    %c0_i32 = arith.constant 0 : i32
    %c0_i32_0 = arith.constant 0 : i32
    return %arg0, %c0_i32 : i32, i32
  }
}

</mosaic_0001>

<sc_bundles>
// kernel: sc_degree.3.cloned.1.call-start
scs
__scs_entry_jumppad:
0x0: {  	(pc) =	sbr.rel $0x88, $3  }
0x1: {  	(tag) =	ssettag $0x0;
	lr =	simm.s32 $0x1  }
0x2: {  	[smem:$0x3F99] =	sst lr;
	_ =	strace $0xD0000000  }
0x3: {  	_ = 	snop  }
0x4: {  	_ = 	snop  }
0x5: {  	_ = 	snop  }
0x6: {  	_ = 	snop  }
0x7: {  	_ = 	snop  }
__scs_overlays_trampoline_lowered:
0x8: {  	[smem:$0x3FA8] =	sst s0  }
0x9: {  	[smem:$0x3FA9] =	sst s1  }
0xa: {  	[smem:$0x3FAA] =	sst s2  }
0xb: {  	[smem:$0x3FAB] =	sst s3  }
0xc: {  	[smem:$0x3FAC] =	sst s4  }
0xd: {  	[smem:$0x3FAD] =	sst s5  }
0xe: {  	[smem:$0x3FAE] =	sst s6  }
0xf: {  	[smem:$0x3FAF] =	sst s7  }
0x10: {  	[smem:$0x3FB0] =	sst s8  }
0x11: {  	[smem:$0x3FB1] =	sst s9;
	s0 =	simm.s32 @!p0 $0x0  }
0x12: {  	s1 =	sld [smem:$0x3F97];
	s0 =	simm.s32 @p0 $0x1  }
0x13: {  	[smem:$0x3FB2] =	sst s0;
	s0 =	simm.s32 @!p1 $0x0  }
0x14: {  	s2 =	sld [smem:$0x3F96];
	s0 =	simm.s32 @p1 $0x1  }
0x15: {  	[smem:$0x3FB3] =	sst s0;
	s0 =	simm.s32 @!p2 $0x0  }
0x16: {  	s3 =	sld [smem:$0x3FDB];
	s0 =	simm.s32 @p2 $0x1  }
0x17: {  	s4 =	simm.s32 $0x1BF5;
	[smem:$0x3FB5] =	sst s0  }
0x18: {  	s0 =	sld [smem:$0x3F98];
	_ =	swait.ge [sflag:s4], $0x0  }
0x19: {  	s7 =	sld [smem:$0x3F99]  }
0x1a: {  	s8 =	sadd.s32 $0xFFFFE003, lr  }
0x1b: {  	s9 =	sadd.s32 $0xFFFFFEF7, lr;
	s5 =	simm.s32 $0xFFFFFFFF;
	p2 =	slt.u32 s8, $0xFFFFF086  }
0x1c: {  	p1 =	slt.u32 s9, $0xF7A;
	s5 =	simm.s32 @!p2 $0x0  }
0x1d: {  	s5 =	simm.s32 @p1 $0x1;
	p0 =	seq.s32 s7, s2  }
0x1e: {  	s7 =	smul.u32 @!p0 $0xF7A, s2;
	p2 =	seq.s32 @!p0 s5, $0x0  }
0x1f: {  	s9 =	smul.u32 $0xF7A, s1;
	s8 =	simm.s32 @!p0 $0x1BF5;
	p2 =	por !p2, p0  }
0x20: {  	[sflag:s8] =	ssyncset.s32 @!p0 $0xFFFFF086;
	s6 =	sadd.s32 @!p0 s3, s7;
	s7 =	simm.s32 @!p0 $0x108  }
0x21: {  	s3 =	sadd.s32 s3, s9;
	s6 =	sadd.s32 @!p0 $0x88, s6;
	s7 =	simm.s32 @p2 $0x1082  }
0x22: {  	[simem:s7], [sflag:s8] =	dma.local @!p0 [hbm:s6], $0xF7A  }
0x23: {  	s9 =	sor.u32 $0xD0000000, s2;
	s6 =	simm.s32 $0x108;
	_ =	swait.ge @!p0 [sflag:s8], $0x0  }
0x24: {  	s3 =	sadd.s32 $0x88, s3;
	s6 =	simm.s32 @!p1 $0x1082;
	[sflag:s4] =	ssyncset.s32 $0xFFFFF086  }
0x25: {  	[simem:s6], [sflag:s4] =	dma.local [hbm:s3], $0xF7A  }
0x26: {  	[smem:$0x3F99] =	sst s1;
	(tag) =	ssettag s2;
	_ =	strace s9  }
0x27: {  	s1 =	sld [smem:$0x3FA9]  }
0x28: {  	s2 =	sld [smem:$0x3FAA]  }
0x29: {  	s4 =	sld [smem:$0x3FAC]  }
0x2a: {  	p0 =	seq.s32 s5, $0x0;
	s5 =	sld [smem:$0x3FAD]  }
0x2b: {  	s6 =	sld [smem:$0x3FAE]  }
0x2c: {  	s7 =	sld [smem:$0x3FAF]  }
0x2d: {  	s3 =	simm.s32 $0x108;
	s8 =	sld [smem:$0x3FB0]  }
0x2e: {  	s3 =	simm.s32 @!p0 $0x1082;
	s9 =	sld [smem:$0x3FB1]  }
0x2f: {  	lr =	sadd.s32 s0, s3;
	s0 =	sld [smem:$0x3FA8]  }
0x30: {  	s3 =	sld [smem:$0x3FAB]  }
0x31: {  	[smem:$0x3FB4] =	sst s10  }
0x32: {  	s10 =	sld [smem:$0x3FB2];
	_ =	sdelay $0x3  }
0x33: {  	p0 =	seq.s32 s10, $0x1;
	s10 =	sld [smem:$0x3FB4];
	_ =	sdelay $0x3  }
0x34: {  	[smem:$0x3FB4] =	sst s10  }
0x35: {  	s10 =	sld [smem:$0x3FB3];
	_ =	sdelay $0x3  }
0x36: {  	p1 =	seq.s32 s10, $0x1;
	s10 =	sld [smem:$0x3FB4];
	_ =	sdelay $0x3  }
0x37: {  	[smem:$0x3FB4] =	sst s10  }
0x38: {  	s10 =	sld [smem:$0x3FB5]  }
0x39: {  	_ = 	snop;
	(pc) =	sbr.ind lr, $3  }
0x3a: {  	_ = 	snop  }
0x3b: {  	_ = 	snop  }
0x3c: {  	p2 =	seq.s32 s10, $0x1;
	s10 =	sld [smem:$0x3FB4]  }
0x3d: {  	_ =	shalt  }
0x3e: {  	_ =	shalt  }
0x3f: {  	_ =	shalt  }
0x40: {  	_ =	shalt  }
0x41: {  	_ =	shalt  }
0x42: {  	_ =	shalt  }
0x43: {  	_ =	shalt  }
0x44: {  	_ =	shalt  }
0x45: {  	_ =	shalt  }
0x46: {  	_ =	shalt  }
0x47: {  	_ =	shalt  }
0x48: {  	_ =	shalt  }
0x49: {  	_ =	shalt  }
0x4a: {  	_ =	shalt  }
0x4b: {  	_ =	shalt  }
0x4c: {  	_ =	shalt  }
0x4d: {  	_ =	shalt  }
0x4e: {  	_ =	shalt  }
0x4f: {  	_ =	shalt  }
0x50: {  	_ =	shalt  }
0x51: {  	_ =	shalt  }
0x52: {  	_ =	shalt  }
0x53: {  	_ =	shalt  }
0x54: {  	_ =	shalt  }
0x55: {  	_ =	shalt  }
0x56: {  	_ =	shalt  }
0x57: {  	_ =	shalt  }
0x58: {  	_ =	shalt  }
0x59: {  	_ =	shalt  }
0x5a: {  	_ =	shalt  }
0x5b: {  	_ =	shalt  }
0x5c: {  	_ =	shalt  }
0x5d: {  	_ =	shalt  }
0x5e: {  	_ =	shalt  }
0x5f: {  	_ =	shalt  }
0x60: {  	_ =	shalt  }
0x61: {  	_ =	shalt  }
0x62: {  	_ =	shalt  }
0x63: {  	_ =	shalt  }
0x64: {  	_ =	shalt  }
0x65: {  	_ =	shalt  }
0x66: {  	_ =	shalt  }
0x67: {  	_ =	shalt  }
0x68: {  	_ =	shalt  }
0x69: {  	_ =	shalt  }
0x6a: {  	_ =	shalt  }
0x6b: {  	_ =	shalt  }
0x6c: {  	_ =	shalt  }
0x6d: {  	_ =	shalt  }
0x6e: {  	_ =	shalt  }
0x6f: {  	_ =	shalt  }
0x70: {  	_ =	shalt  }
0x71: {  	_ =	shalt  }
0x72: {  	_ =	shalt  }
0x73: {  	_ =	shalt  }
0x74: {  	_ =	shalt  }
0x75: {  	_ =	shalt  }
0x76: {  	_ =	shalt  }
0x77: {  	_ =	shalt  }
0x78: {  	_ =	shalt  }
0x79: {  	_ =	shalt  }
0x7a: {  	_ =	shalt  }
0x7b: {  	_ =	shalt  }
0x7c: {  	_ =	shalt  }
0x7d: {  	_ =	shalt  }
0x7e: {  	_ =	shalt  }
0x7f: {  	_ =	shalt  }
0x80: {  	_ =	shalt  }
0x81: {  	_ =	shalt  }
0x82: {  	_ =	shalt  }
0x83: {  	_ =	shalt  }
0x84: {  	_ =	shalt  }
0x85: {  	_ =	shalt  }
0x86: {  	_ =	shalt  }
0x87: {  	_ =	shalt  }
.Lfunc_end0:
.L_simem_size_0:
called_computation_lowered:
.L_overlay_start_0:
0x88: {  	s2 =	sld [smem:$0x3FD9]  }
0x89: {  	s3 =	sld [smem:$0x3FFE];
	_ =	sdelay $0x1  }
0x8a: {  	s1 =	srdreg.scid  }
0x8b: {  	s0 =	sand.u32 $0x1, s1  }
0x8c: {  	s16 =	sshll.u32 s0, $0xA;
	s2 =	sadd.s32 s3, s2  }
0x8d: {  	s2 =	sadd.s32 s2, s16  }
0x8e: {  	[smem:$0x3FC0] =	sst s2  }
0x8f: {  	_ = 	snop  }
0x90: {  	(tm) =	ssettm $0x1  }
0x91: {  	s17 =	sld [smem:$0x3FFB];
	_ =	sdelay $0x3  }
0x92: {  	_ =	strace s17  }
0x93: {  	s2 =	sld [smem:$0x3FFC];
	_ =	sdelay $0x3  }
0x94: {  	_ =	strace s2  }
0x95: {  	s2 =	sld [smem:$0x3FFD];
	_ =	sdelay $0x3  }
0x96: {  	_ =	strace s2  }
0x97: {  	_ =	strace $0x8FFFFFFF  }
0x98: {  	s18 =	sld [smem:$0x3FDB];
	_ =	sdelay $0x1  }
0x99: {  	s19 =	simm.s32 $_scs_section_size  }
0x9a: {  	s4 =	simm.s32 $_size__tile_overlayer_lowered;
	s5 =	simm.s32 $_tile_overlayer_lowered  }
0x9b: {  	s22 =	simm.s32 $0x1BFF;
	s21 =	sshll.u32 s5, $0x1;
	s2 =	sadd.s32 s19, s18  }
0x9c: {  	s6 =	simm.s32 $0x0;
	s20 =	sshll.u32 s4, $0x1;
	s4 =	sadd.s32 s21, s2  }
0x9d: {  	[timem:s6], [sflag:s22] =	dma.local [hbm:s4], s20  }
0x9e: {  	_ =	swait.ge [sflag:s22], s20  }
0x9f: {  	s3 =	ssub.s32 $0x0, s20;
	[sflag:s22] =	ssyncset.done $0x0  }
0xa0: {  	[sflag:s22] =	ssyncadd.s32 s3;
	_ =	sdelay $0x1  }
0xa1: {  	s23 =	simm.s32 $0x1B8B  }
0xa2: {  	_ =	swait.ge [sflag:s23], $0x1  }
0xa3: {  	[sflag:s23] =	ssyncset.done $0x0  }
0xa4: {  	s25 =	simm.s32 $0x1B8E;
	s24 =	sld [smem:$0x3FFE];
	[sflag:s23] =	ssyncadd.s32 $0xFFFFFFFF  }
0xa5: {  	s26 =	simm.s32 $execute0_lowered;
	[smem:$0x3FD2] =	sst s25  }
0xa6: {  	s4 =	sshll.u32 s26, $0x1;
	_ =	strace $0x80000046;
	[dreg:$0x1] =	wrdreg $0xFFFFFFFF  }
0xa7: {  	s28 =	simm.s32 $_size_execute0_lowered;
	s2 =	sadd.s32 s2, s4;
	[dreg:$0x0] =	wrdreg $0x0  }
0xa8: {  	s4 =	sshll.u32 s28, $0x1;
	[dreg:$0x2] =	wrdreg s2  }
0xa9: {  	[dreg:$0x3] =	wrdreg s4  }
0xaa: {  	[dreg:$0x4] =	wrdreg $0xC0  }
0xab: {  	_ =	task [dreg:s6], $0x5FFFF  }
0xac: {  	[dreg:$0x1] =	wrdreg $0xFFFFFFFF  }
0xad: {  	[dreg:$0x0] =	wrdreg $0x60  }
0xae: {  	[dreg:$0x2] =	wrdreg s24  }
0xaf: {  	[dreg:$0x3] =	wrdreg $0x0  }
0xb0: {  	[dreg:$0x4] =	wrdreg $0x9  }
0xb1: {  	_ =	task.clear_ibuf [dreg:s6], $0x5FFFF;
	_ =	strace $0x90000046  }
0xb2: {  	s29 =	simm.s32 $0x9;
	_ =	strace $0x80000048  }
0xb3: {  	_ =	swait.ge [sflag:s29], $0x1  }
0xb4: {  	[sflag:s29] =	ssyncadd.s32 $0xFFFFFFFF  }
0xb5: {  	_ =	strace $0x90000048  }
0xb6: {  	_ =	sfence  }
0xb7: {  	s30 =	sld [smem:$0x0];
	_ =	sdelay $0x2  }
0xb8: {  	s31 =	sshll.u32 s1, $0xD;
	s1 =	sshrl.u32 s1, $0x2  }
0xb9: {  	s3 =	sand.u32 $0x4000, s31;
	s1 =	sadd.s32 s1, s30  }
0xba: {  	s0 =	sor.u32 s3, s0;
	s1 =	sshll.u32 s1, $0x11  }
0xbb: {  	s0 =	sor.u32 s1, s0  }
0xbc: {  	s0 =	sadd.s32 $0x8F2B, s0  }
0xbd: {  	[sflag:s0] =	ssyncadd.remote.s32 $0x1  }
0xbe: {  	_ =	sfence.sel $0xFFFF  }
0xbf: {  	[dreg:$0x0] =	wrdreg $0xFFFFFFFF;
	(pc) =	sbr.abs _section_cstart, $3  }
0xc0: {  	[dreg:$0x1] =	wrdreg $0xFFFFFFFF  }
0xc1: {  	_ =	task.clear_ibuf [dreg:s6], $0x2FFFF;
	_ =	strace $0x9FFFFFFF  }
0xc2: {  	(tm) =	ssettm $0x7FFFFFFF  }
0xc3: {  	_ =	shalt  }
tec
execute0_lowered:
.L_overlay_start_1:
0x0: {  	(tag) =	ssettag $0x1  }
0x1: {  	s1 =	srdreg.scid;
	s4 =	rddreg [dreg:$0x0]  }
0x2: {  	s0 =	stileid.u32;
	s2 =	rddreg [dreg:$0x1];
	s3 =	simm.s32 $0x0  }
0x3: {  	s13 =	simm.s32 $0x1;
	s14 =	simm.s32 $0x2780;
	s6 =	smul.u32 $0x2800, s0  }
0x4: {  	s15 =	simm.s32 $0x80;
	s16 =	simm.s32 $0x3B80;
	s8 =	smul.u32 $0x2780, s0  }
0x5: {  	s5 =	sand.u32 $0x1, s1;
	s1 =	rddreg [dreg:$0x2];
	s26 =	smul.u32 $0x9E00, s0  }
0x6: {  	[smem:$0x7FF] =	sst s3;
	s17 =	sshll.u32 s0, $0x6;
	s7 =	smul.u32 $0x1400, s5  }
0x7: {  	s9 =	smul.u32 $0x27800, s5;
	_ =	strace $0x80000047;
	s5 =	ssub.s32 $0x2, s5  }
0x8: {  	s17 =	sor.u32 $0x1C01, s17;
	s29 =	sshrl.u32 s5, $0x1;
	s30 =	sshrl.u32 s26, $0x2  }
0x9: {  	s6 =	sadd.s32 s7, s6;
	s25 =	sadd.s32 s8, s9;
	s12 =	ssub.s32 s5, s29  }
0xa: {  	s31 =	sadd.s32 s30, s2;
	s6 =	sshrl.u32 s6, $0x3;
	s28 =	sshrl.u32 s25, $0x3  }
0xb: {  	s5 =	sadd.s32 $0x800, s31;
	s7 =	sadd.s32 $0x1800, s31;
	s10 =	sadd.s32 s6, s4  }
0xc: {  	s11 =	sadd.s32 s28, s4;
	s4 =	sadd.s32 s8, s2;
	s6 =	sadd.s32 $0x1000, s31  }
0xd: {  	vm0 =	vcmask $0x300;
	v0 =	vimm.f32 $0.0e+00;
	s8 =	sadd.s32 $0x2000, s31;
	s9 =	sadd.s32 $0x1400, s10;
	s10 =	sadd.s32 $0x6400, s11  }
0xe: {  	v1 =	vsel vm0, $0x3F800000, v0;
	s11 =	smax.u32 s12, $0x1;
	s12 =	simm.s32 $0x4380;
	s18 =	sshrl.u32 s4, $0x3  }
.LBB2_1:
0xf: {  	s19 =	simm.s32 $0x40;
	s20 =	simm.s32 $0x0  }
.LBB2_2:
0x10: {  	p0 =	sne.s32 s19, $0x1FC0;
	[tilespmem:s20+$0x3B80] =	vst v1;
	s21 =	smov.u32 s19;
	s19 =	sadd.s32 $0x40, s19  }
.Ltmp0:
0x11: {  	[tilespmem:s20+$0x4380] =	vst v0;
	(pc) =	sbr.rel @p0 .LBB2_2-.Ltmp0, $2  }
0x12: {  	_ =	sdelay $0x2  }
0x13: {  	s20 =	sshra.s32 s21, $0x2  }
0x14: {  	[tilespmem:s20+$0x3B80] =	vst v1  }
0x15: {  	[tilespmem:s20+$0x4380] =	vst v0  }
0x16: {  	[spmem:s4] =	stream.linear.scatter [tilespmem:s12], [sflag:$0x1], $0x800, $0x38;
	[tilespmem:$0x5380] =	vst v63  }
0x17: {  	_ =	swait.ge [sflag:s13], $0x800  }
0x18: {  	[sflag:s13] =	ssyncset.done $0x0  }
0x19: {  	[sflag:s13] =	ssyncadd.s32 $0xFFFFF800  }
0x1a: {  	[spmem:s5] =	stream.linear.scatter [tilespmem:s12], [sflag:$0x1], $0x800, $0x38;
	[tilespmem:$0x5380] =	vst v63  }
0x1b: {  	_ =	swait.ge [sflag:s13], $0x800  }
0x1c: {  	[sflag:s13] =	ssyncset.done $0x0  }
0x1d: {  	[sflag:s13] =	ssyncadd.s32 $0xFFFFF800  }
0x1e: {  	[spmem:s6] =	stream.linear.scatter [tilespmem:s12], [sflag:$0x1], $0x800, $0x38;
	[tilespmem:$0x5380] =	vst v63  }
0x1f: {  	_ =	swait.ge [sflag:s13], $0x800  }
0x20: {  	[sflag:s13] =	ssyncset.done $0x0  }
0x21: {  	[sflag:s13] =	ssyncadd.s32 $0xFFFFF800  }
0x22: {  	[spmem:s7] =	stream.linear.scatter [tilespmem:s12], [sflag:$0x1], $0x800, $0x38;
	[tilespmem:$0x5380] =	vst v63  }
0x23: {  	_ =	swait.ge [sflag:s13], $0x800  }
0x24: {  	[sflag:s13] =	ssyncset.done $0x0  }
0x25: {  	[sflag:s13] =	ssyncadd.s32 $0xFFFFF800  }
0x26: {  	[spmem:s8] =	stream.linear.scatter [tilespmem:s12], [sflag:$0x1], $0x780, $0x38;
	[tilespmem:$0x5380] =	vst v63  }
0x27: {  	_ =	swait.ge [sflag:s13], $0x780  }
0x28: {  	[sflag:s13] =	ssyncset.done $0x0  }
0x29: {  	s19 =	simm.s32 $0x0;
	[sflag:s13] =	ssyncadd.s32 $0xFFFFF880  }
0x2a: {  	[tilespmem:s14], [sflag:$0x1] =	stream.linear.gather [hbm4b:s9+s19], $0x1400, $0x38;
	[tilespmem:$0x5380] =	vst v63  }
0x2b: {  	_ =	swait.ge [sflag:s13], $0x1400  }
0x2c: {  	[sflag:s13] =	ssyncset.done $0x0  }
0x2d: {  	[sflag:s13] =	ssyncadd.s32 $0xFFFFEC00  }
0x2e: {  	s31 =	simm.s32 $0x2780;
	[bflag:$0x0] =	sbarrier.arrive $0xFFFF  }
0x2f: {  	[spmem:s2] =	stream.indirect.scatter.add.f32 [tilespmem:s16], [sflag:$0x1], $0x10, s31, s15, $0xb8;
	[tilespmem:$0x5380] =	vst v63  }
0x30: {  	s19 =	simm.s32 $0x200;
	_ =	swait.ge [sflag:s13], $0x800  }
.LBB2_4:
0x31: {  	s20 =	sshra.s32 s19, $0x2;
	[sflag:s13] =	ssyncset.done $0x0;
	p0 =	sne.s32 s19, $0x4E00  }
.Ltmp1:
0x32: {  	s20 =	sadd.s32 $0x2780, s20;
	[sflag:s13] =	ssyncadd.s32 $0xFFFFF800;
	(pc) =	sbr.rel @p0 .LBB2_4-.Ltmp1, $3  }
0x33: {  	[spmem:s2] =	stream.indirect.scatter.add.f32 [tilespmem:s16], [sflag:$0x1], $0x10, s20, s15, $0xb8;
	[tilespmem:$0x5380] =	vst v63  }
0x34: {  	s19 =	sadd.s32 $0x200, s19;
	_ =	sdelay $0x1  }
0x35: {  	_ =	swait.ge [sflag:s13], $0x800  }
0x36: {  	[sflag:s13] =	ssyncset.done $0x0;
	s3 =	sadd.s32 $0x1, s3  }
0x37: {  	[sflag:s13] =	ssyncadd.s32 $0xFFFFF800;
	p0 =	sne.s32 s3, s11  }
.Ltmp2:
0x38: {  	[bflag:$0x0] =	sbarrier.arrive $0xFFFF;
	(pc) =	sbr.rel @p0 .LBB2_1-.Ltmp2, $4  }
0x39: {  	[hbm:s10], [sflag:s17] =	dma.local [spmem:s18], $0x4F0  }
0x3a: {  	_ =	swait.ge [sflag:s13], $0x4F0  }
0x3b: {  	[sflag:s13] =	ssyncset.done $0x0  }
0x3c: {  	[sflag:s13] =	ssyncadd.s32 $0xFFFFFB10  }
0x3d: {  	_ =	sfence.sel $0x180000  }
0x3e: {  	[bflag:$0x0] =	sbarrier.arrive $0xFFFF  }
0x3f: {  	p0 =	sne.s32 s0, $0x0;
	_ =	strace $0x90000047  }
0x40: {  	s0 =	sadd.s32 @!p0 $0x100000, s1;
	[bflag:$0x2] =	sbarrier.arrive $0xFFFF  }
0x41: {  	[sflag:s0] =	ssyncadd.tile.s32 @!p0 $0x1;
	_ =	shalt  }
.Lfunc_end2:
_tile_overlayer_lowered:
.L_overlay_start_2:
0x42: {  	(tag) =	ssettag $0x2  }
0x43: {  	s0 =	rddreg [dreg:$0x0];
	s2 =	stileid.u32  }
0x44: {  	s1 =	rddreg [dreg:$0x1];
	p0 =	sne.s32 s2, $0x0  }
0x45: {  	s3 =	rddreg [dreg:$0x2];
	[bflag:$0x3] =	sbarrier.arrive $0xFFFF;
	s2 =	simm.s32 @!p0 $0x1C01  }
0x46: {  	[timem:s3], [sflag:s2] =	dma.local @!p0 [hbm:s0], s1  }
0x47: {  	s0 =	simm.s32 @!p0 $0x1  }
0x48: {  	_ =	swait.ge @!p0 [sflag:s0], s1  }
0x49: {  	s1 =	ssub.s32 @!p0 $0x0, s1;
	[sflag:s0] =	ssyncset.done @!p0 $0x0  }
0x4a: {  	[sflag:s0] =	ssyncadd.s32 @!p0 s1  }
0x4b: {  	[bflag:$0x3] =	sbarrier.arrive $0xFFFF  }
0x4c: {  	_ =	shalt  }

// kernel: sc_segsum_w128.4.cloned.1.call-start
scs
__scs_entry_jumppad:
0x0: {  	(pc) =	sbr.rel $0x88, $3  }
0x1: {  	(tag) =	ssettag $0x0;
	lr =	simm.s32 $0x1  }
0x2: {  	[smem:$0x3F99] =	sst lr;
	_ =	strace $0xD0000000  }
0x3: {  	_ = 	snop  }
0x4: {  	_ = 	snop  }
0x5: {  	_ = 	snop  }
0x6: {  	_ = 	snop  }
0x7: {  	_ = 	snop  }
__scs_overlays_trampoline_lowered:
0x8: {  	[smem:$0x3FA8] =	sst s0  }
0x9: {  	[smem:$0x3FA9] =	sst s1  }
0xa: {  	[smem:$0x3FAA] =	sst s2  }
0xb: {  	[smem:$0x3FAB] =	sst s3  }
0xc: {  	[smem:$0x3FAC] =	sst s4  }
0xd: {  	[smem:$0x3FAD] =	sst s5  }
0xe: {  	[smem:$0x3FAE] =	sst s6  }
0xf: {  	[smem:$0x3FAF] =	sst s7  }
0x10: {  	[smem:$0x3FB0] =	sst s8  }
0x11: {  	[smem:$0x3FB1] =	sst s9;
	s0 =	simm.s32 @!p0 $0x0  }
0x12: {  	s1 =	sld [smem:$0x3F97];
	s0 =	simm.s32 @p0 $0x1  }
0x13: {  	[smem:$0x3FB2] =	sst s0;
	s0 =	simm.s32 @!p1 $0x0  }
0x14: {  	s2 =	sld [smem:$0x3F96];
	s0 =	simm.s32 @p1 $0x1  }
0x15: {  	[smem:$0x3FB3] =	sst s0;
	s0 =	simm.s32 @!p2 $0x0  }
0x16: {  	s3 =	sld [smem:$0x3FDB];
	s0 =	simm.s32 @p2 $0x1  }
0x17: {  	s4 =	simm.s32 $0x1BF5;
	[smem:$0x3FB5] =	sst s0  }
0x18: {  	s0 =	sld [smem:$0x3F98];
	_ =	swait.ge [sflag:s4], $0x0  }
0x19: {  	s7 =	sld [smem:$0x3F99]  }
0x1a: {  	s8 =	sadd.s32 $0xFFFFE003, lr  }
0x1b: {  	s9 =	sadd.s32 $0xFFFFFEF7, lr;
	s5 =	simm.s32 $0xFFFFFFFF;
	p2 =	slt.u32 s8, $0xFFFFF086  }
0x1c: {  	p1 =	slt.u32 s9, $0xF7A;
	s5 =	simm.s32 @!p2 $0x0  }
0x1d: {  	s5 =	simm.s32 @p1 $0x1;
	p0 =	seq.s32 s7, s2  }
0x1e: {  	s7 =	smul.u32 @!p0 $0xF7A, s2;
	p2 =	seq.s32 @!p0 s5, $0x0  }
0x1f: {  	s9 =	smul.u32 $0xF7A, s1;
	s8 =	simm.s32 @!p0 $0x1BF5;
	p2 =	por !p2, p0  }
0x20: {  	[sflag:s8] =	ssyncset.s32 @!p0 $0xFFFFF086;
	s6 =	sadd.s32 @!p0 s3, s7;
	s7 =	simm.s32 @!p0 $0x108  }
0x21: {  	s3 =	sadd.s32 s3, s9;
	s6 =	sadd.s32 @!p0 $0x88, s6;
	s7 =	simm.s32 @p2 $0x1082  }
0x22: {  	[simem:s7], [sflag:s8] =	dma.local @!p0 [hbm:s6], $0xF7A  }
0x23: {  	s9 =	sor.u32 $0xD0000000, s2;
	s6 =	simm.s32 $0x108;
	_ =	swait.ge @!p0 [sflag:s8], $0x0  }
0x24: {  	s3 =	sadd.s32 $0x88, s3;
	s6 =	simm.s32 @!p1 $0x1082;
	[sflag:s4] =	ssyncset.s32 $0xFFFFF086  }
0x25: {  	[simem:s6], [sflag:s4] =	dma.local [hbm:s3], $0xF7A  }
0x26: {  	[smem:$0x3F99] =	sst s1;
	(tag) =	ssettag s2;
	_ =	strace s9  }
0x27: {  	s1 =	sld [smem:$0x3FA9]  }
0x28: {  	s2 =	sld [smem:$0x3FAA]  }
0x29: {  	s4 =	sld [smem:$0x3FAC]  }
0x2a: {  	p0 =	seq.s32 s5, $0x0;
	s5 =	sld [smem:$0x3FAD]  }
0x2b: {  	s6 =	sld [smem:$0x3FAE]  }
0x2c: {  	s7 =	sld [smem:$0x3FAF]  }
0x2d: {  	s3 =	simm.s32 $0x108;
	s8 =	sld [smem:$0x3FB0]  }
0x2e: {  	s3 =	simm.s32 @!p0 $0x1082;
	s9 =	sld [smem:$0x3FB1]  }
0x2f: {  	lr =	sadd.s32 s0, s3;
	s0 =	sld [smem:$0x3FA8]  }
0x30: {  	s3 =	sld [smem:$0x3FAB]  }
0x31: {  	[smem:$0x3FB4] =	sst s10  }
0x32: {  	s10 =	sld [smem:$0x3FB2];
	_ =	sdelay $0x3  }
0x33: {  	p0 =	seq.s32 s10, $0x1;
	s10 =	sld [smem:$0x3FB4];
	_ =	sdelay $0x3  }
0x34: {  	[smem:$0x3FB4] =	sst s10  }
0x35: {  	s10 =	sld [smem:$0x3FB3];
	_ =	sdelay $0x3  }
0x36: {  	p1 =	seq.s32 s10, $0x1;
	s10 =	sld [smem:$0x3FB4];
	_ =	sdelay $0x3  }
0x37: {  	[smem:$0x3FB4] =	sst s10  }
0x38: {  	s10 =	sld [smem:$0x3FB5]  }
0x39: {  	_ = 	snop;
	(pc) =	sbr.ind lr, $3  }
0x3a: {  	_ = 	snop  }
0x3b: {  	_ = 	snop  }
0x3c: {  	p2 =	seq.s32 s10, $0x1;
	s10 =	sld [smem:$0x3FB4]  }
0x3d: {  	_ =	shalt  }
0x3e: {  	_ =	shalt  }
0x3f: {  	_ =	shalt  }
0x40: {  	_ =	shalt  }
0x41: {  	_ =	shalt  }
0x42: {  	_ =	shalt  }
0x43: {  	_ =	shalt  }
0x44: {  	_ =	shalt  }
0x45: {  	_ =	shalt  }
0x46: {  	_ =	shalt  }
0x47: {  	_ =	shalt  }
0x48: {  	_ =	shalt  }
0x49: {  	_ =	shalt  }
0x4a: {  	_ =	shalt  }
0x4b: {  	_ =	shalt  }
0x4c: {  	_ =	shalt  }
0x4d: {  	_ =	shalt  }
0x4e: {  	_ =	shalt  }
0x4f: {  	_ =	shalt  }
0x50: {  	_ =	shalt  }
0x51: {  	_ =	shalt  }
0x52: {  	_ =	shalt  }
0x53: {  	_ =	shalt  }
0x54: {  	_ =	shalt  }
0x55: {  	_ =	shalt  }
0x56: {  	_ =	shalt  }
0x57: {  	_ =	shalt  }
0x58: {  	_ =	shalt  }
0x59: {  	_ =	shalt  }
0x5a: {  	_ =	shalt  }
0x5b: {  	_ =	shalt  }
0x5c: {  	_ =	shalt  }
0x5d: {  	_ =	shalt  }
0x5e: {  	_ =	shalt  }
0x5f: {  	_ =	shalt  }
0x60: {  	_ =	shalt  }
0x61: {  	_ =	shalt  }
0x62: {  	_ =	shalt  }
0x63: {  	_ =	shalt  }
0x64: {  	_ =	shalt  }
0x65: {  	_ =	shalt  }
0x66: {  	_ =	shalt  }
0x67: {  	_ =	shalt  }
0x68: {  	_ =	shalt  }
0x69: {  	_ =	shalt  }
0x6a: {  	_ =	shalt  }
0x6b: {  	_ =	shalt  }
0x6c: {  	_ =	shalt  }
0x6d: {  	_ =	shalt  }
0x6e: {  	_ =	shalt  }
0x6f: {  	_ =	shalt  }
0x70: {  	_ =	shalt  }
0x71: {  	_ =	shalt  }
0x72: {  	_ =	shalt  }
0x73: {  	_ =	shalt  }
0x74: {  	_ =	shalt  }
0x75: {  	_ =	shalt  }
0x76: {  	_ =	shalt  }
0x77: {  	_ =	shalt  }
0x78: {  	_ =	shalt  }
0x79: {  	_ =	shalt  }
0x7a: {  	_ =	shalt  }
0x7b: {  	_ =	shalt  }
0x7c: {  	_ =	shalt  }
0x7d: {  	_ =	shalt  }
0x7e: {  	_ =	shalt  }
0x7f: {  	_ =	shalt  }
0x80: {  	_ =	shalt  }
0x81: {  	_ =	shalt  }
0x82: {  	_ =	shalt  }
0x83: {  	_ =	shalt  }
0x84: {  	_ =	shalt  }
0x85: {  	_ =	shalt  }
0x86: {  	_ =	shalt  }
0x87: {  	_ =	shalt  }
.Lfunc_end0:
.L_simem_size_0:
called_computation.1_lowered:
.L_overlay_start_0:
0x88: {  	s2 =	sld [smem:$0x3FD9]  }
0x89: {  	s3 =	sld [smem:$0x3FFE];
	_ =	sdelay $0x1  }
0x8a: {  	s1 =	srdreg.scid  }
0x8b: {  	s0 =	sand.u32 $0x1, s1  }
0x8c: {  	s17 =	sshll.u32 s0, $0xA;
	s2 =	sadd.s32 s3, s2  }
0x8d: {  	s2 =	sadd.s32 s2, s17  }
0x8e: {  	[smem:$0x3FC0] =	sst s2  }
0x8f: {  	_ = 	snop  }
0x90: {  	(tm) =	ssettm $0x1  }
0x91: {  	s18 =	sld [smem:$0x3FFB];
	_ =	sdelay $0x3  }
0x92: {  	_ =	strace s18  }
0x93: {  	s2 =	sld [smem:$0x3FFC];
	_ =	sdelay $0x3  }
0x94: {  	_ =	strace s2  }
0x95: {  	s2 =	sld [smem:$0x3FFD];
	_ =	sdelay $0x3  }
0x96: {  	_ =	strace s2  }
0x97: {  	_ =	strace $0x8FFFFFFF  }
0x98: {  	s19 =	sld [smem:$0x3FDB];
	_ =	sdelay $0x1  }
0x99: {  	s20 =	simm.s32 $_scs_section_size  }
0x9a: {  	s4 =	simm.s32 $_size__tile_overlayer_lowered;
	s5 =	simm.s32 $_tile_overlayer_lowered  }
0x9b: {  	s6 =	simm.s32 $0x1BFF;
	s21 =	sshll.u32 s5, $0x1;
	s3 =	sadd.s32 s20, s19  }
0x9c: {  	s22 =	simm.s32 $0x0;
	s4 =	sshll.u32 s4, $0x1;
	s5 =	sadd.s32 s21, s3  }
0x9d: {  	[timem:s22], [sflag:s6] =	dma.local [hbm:s5], s4  }
0x9e: {  	_ =	swait.ge [sflag:s6], s4  }
0x9f: {  	s4 =	ssub.s32 $0x0, s4;
	[sflag:s6] =	ssyncset.done $0x0  }
0xa0: {  	[sflag:s6] =	ssyncadd.s32 s4;
	_ =	sdelay $0x1  }
0xa1: {  	s23 =	simm.s32 $0x1B8B  }
0xa2: {  	_ =	swait.ge [sflag:s23], $0x1  }
0xa3: {  	[sflag:s23] =	ssyncset.done $0x0  }
0xa4: {  	[sflag:s23] =	ssyncadd.s32 $0xFFFFFFFF  }
0xa5: {  	s4 =	sld [smem:$0x0]  }
0xa6: {  	s5 =	sand.u32 $0xFFFFFFFE, s1  }
0xa7: {  	p0 =	sne.s32 s1, s5  }
0xa8: {  	s5 =	sshll.u32 @p0 s5, $0xE  }
0xa9: {  	s5 =	sadd.s32 @p0 $0x11B8D, s5;
	s6 =	sshll.u32 @p0 s4, $0x11  }
0xaa: {  	s5 =	sor.u32 @p0 s6, s5  }
0xab: {  	[sflag:s5] =	ssyncadd.remote.s32 @p0 $0x1;
	_ =	sdelay $0x1  }
0xac: {  	s5 =	simm.s32 @p0 $0x1B8D  }
0xad: {  	_ =	swait.eq @p0 [sflag:s5], $0x1  }
0xae: {  	[sflag:s5] =	ssyncadd.s32 @p0 $0xFFFFFFFF  }
0xaf: {  	s6 =	sshll.u32 @!p0 s1, $0xE  }
0xb0: {  	s6 =	sor.u32 @!p0 $0x4000, s6;
	s5 =	simm.s32 @!p0 $0x1B8D  }
0xb1: {  	s4 =	sshll.u32 @!p0 s4, $0x11;
	s6 =	sadd.s32 @!p0 $0x11B8D, s6;
	_ =	swait.eq @!p0 [sflag:s5], $0x1  }
0xb2: {  	s4 =	sor.u32 @!p0 s4, s6;
	[sflag:s5] =	ssyncadd.s32 @!p0 $0xFFFFFFFF  }
0xb3: {  	s25 =	simm.s32 $0x1B8E;
	s24 =	sld [smem:$0x3FFE];
	[sflag:s4] =	ssyncadd.remote.s32 @!p0 $0x1  }
0xb4: {  	s26 =	simm.s32 $execute0_lowered;
	[smem:$0x3FD2] =	sst s25  }
0xb5: {  	s5 =	sshll.u32 s26, $0x1;
	_ =	strace $0x80000049;
	[dreg:$0x1] =	wrdreg $0xFFFFFFFF  }
0xb6: {  	s28 =	simm.s32 $_size_execute0_lowered;
	s3 =	sadd.s32 s3, s5;
	[dreg:$0x0] =	wrdreg $0x0  }
0xb7: {  	s5 =	sshll.u32 s28, $0x1;
	[dreg:$0x2] =	wrdreg s3  }
0xb8: {  	[dreg:$0x3] =	wrdreg s5  }
0xb9: {  	[dreg:$0x4] =	wrdreg $0xC0  }
0xba: {  	_ =	task [dreg:s22], $0x5FFFF  }
0xbb: {  	[dreg:$0x1] =	wrdreg $0xFFFFFFFF  }
0xbc: {  	[dreg:$0x0] =	wrdreg $0x60  }
0xbd: {  	[dreg:$0x2] =	wrdreg s24  }
0xbe: {  	[dreg:$0x3] =	wrdreg $0x0  }
0xbf: {  	[dreg:$0x4] =	wrdreg $0xA  }
0xc0: {  	_ =	task.clear_ibuf [dreg:s22], $0x5FFFF;
	_ =	strace $0x90000049  }
0xc1: {  	s29 =	simm.s32 $0xA;
	_ =	strace $0x8000004B  }
0xc2: {  	_ =	swait.ge [sflag:s29], $0x1  }
0xc3: {  	[sflag:s29] =	ssyncadd.s32 $0xFFFFFFFF  }
0xc4: {  	_ =	strace $0x9000004B  }
0xc5: {  	_ =	sfence  }
0xc6: {  	s30 =	sld [smem:$0x0];
	_ =	sdelay $0x2  }
0xc7: {  	s31 =	sshll.u32 s1, $0xD;
	s1 =	sshrl.u32 s1, $0x2  }
0xc8: {  	s4 =	sand.u32 $0x4000, s31;
	s1 =	sadd.s32 s1, s30  }
0xc9: {  	s0 =	sor.u32 s4, s0;
	s1 =	sshll.u32 s1, $0x11  }
0xca: {  	s0 =	sor.u32 s1, s0  }
0xcb: {  	s0 =	sadd.s32 $0x8F2B, s0  }
0xcc: {  	[sflag:s0] =	ssyncadd.remote.s32 $0x1  }
0xcd: {  	_ =	sfence.sel $0xFFFF  }
0xce: {  	[dreg:$0x0] =	wrdreg $0xFFFFFFFF;
	(pc) =	sbr.abs _section_cstart, $3  }
0xcf: {  	[dreg:$0x1] =	wrdreg $0xFFFFFFFF  }
0xd0: {  	_ =	task.clear_ibuf [dreg:s22], $0x2FFFF;
	_ =	strace $0x9FFFFFFF  }
0xd1: {  	(tm) =	ssettm $0x7FFFFFFF  }
tec
execute0_lowered:
.L_overlay_start_1:
0x0: {  	(tag) =	ssettag $0x1  }
0x1: {  	s9 =	stileid.u32  }
0x2: {  	s0 =	srdreg.scid;
	s5 =	smul.u32 $0x2800, s9  }
0x3: {  	s1 =	rddreg [dreg:$0x0];
	s7 =	smul.u32 $0x13C00, s9  }
0x4: {  	s2 =	rddreg [dreg:$0x1];
	s3 =	simm.s32 $0x0;
	s8 =	smul.u32 $0x500, s9  }
0x5: {  	[smem:$0x7FF] =	sst s3;
	s26 =	smul.u32 $0x4F000, s9;
	s9 =	simm.s32 $0x1C500  }
0x6: {  	s11 =	simm.s32 $0x13C80;
	_ =	strace $0x8000004A;
	[dreg:$0x6] =	wrdreg s9  }
0x7: {  	s13 =	simm.s32 $0x1C580;
	s15 =	simm.s32 $0x13D00;
	[dreg:$0x7] =	wrdreg s11  }
0x8: {  	s16 =	simm.s32 $0x1C600;
	s17 =	simm.s32 $0x13D80;
	[dreg:$0x8] =	wrdreg s13  }
0x9: {  	s18 =	simm.s32 $0x1C680;
	s19 =	simm.s32 $0x13E00;
	[dreg:$0x9] =	wrdreg s15  }
0xa: {  	s20 =	simm.s32 $0x1C700;
	s21 =	simm.s32 $0x13E80;
	[dreg:$0xa] =	wrdreg s16  }
0xb: {  	s22 =	simm.s32 $0x1C780;
	s23 =	simm.s32 $0x13F00;
	[dreg:$0xb] =	wrdreg s17  }
0xc: {  	s28 =	simm.s32 $0x1CA00;
	s29 =	simm.s32 $0x14180;
	[dreg:$0xc] =	wrdreg s18  }
0xd: {  	s30 =	simm.s32 $0x1CA80;
	s0 =	sand.u32 $0x1, s0;
	[dreg:$0xd] =	wrdreg s19  }
0xe: {  	s31 =	simm.s32 $0x14200;
	s4 =	smul.u32 $0x28000, s0;
	[dreg:$0xe] =	wrdreg s20  }
0xf: {  	s6 =	smul.u32 $0x13C000, s0;
	s0 =	ssub.s32 $0x2, s0;
	[dreg:$0xf] =	wrdreg s21  }
0x10: {  	s13 =	simm.s32 $0x5;
	s15 =	simm.s32 $0x13C00;
	[dreg:$0x10] =	wrdreg s22  }
0x11: {  	s16 =	simm.s32 $0x80;
	s17 =	simm.s32 $0x18400;
	[dreg:$0x11] =	wrdreg s23  }
0x12: {  	s18 =	simm.s32 $0x1;
	s19 =	simm.s32 $0x3;
	s20 =	simm.s32 $0x2  }
0x13: {  	s21 =	simm.s32 $0x4;
	s24 =	sadd.s32 s8, s1;
	s25 =	sshrl.u32 s0, $0x1  }
0x14: {  	s8 =	simm.s32 $0x1C480;
	s4 =	sadd.s32 s4, s5;
	s6 =	sadd.s32 s7, s6  }
0x15: {  	s0 =	ssub.s32 s0, s25;
	s7 =	sshrl.u32 s26, $0x2;
	[dreg:$0x5] =	wrdreg s8  }
0x16: {  	s25 =	simm.s32 $0x13F80;
	s26 =	simm.s32 $0x1C880;
	s5 =	sshrl.u32 s4, $0x3  }
0x17: {  	s4 =	sadd.s32 $0x1A200, s1;
	s6 =	sshrl.u32 s6, $0x3;
	[dreg:$0x13] =	wrdreg s25  }
0x18: {  	s0 =	smax.u32 s0, $0x1;
	[dreg:$0x14] =	wrdreg s26;
	s5 =	sadd.s32 s5, s1  }
0x19: {  	s1 =	sadd.s32 s6, s1;
	s6 =	sadd.s32 $0x1400, s24;
	[dreg:$0x1b] =	wrdreg s0  }
0x1a: {  	s22 =	simm.s32 $0x14000;
	s24 =	simm.s32 $0x1C800;
	[dreg:$0x4] =	wrdreg s6  }
0x1b: {  	s23 =	simm.s32 $0x1C900;
	s5 =	sadd.s32 $0x10200, s5;
	[dreg:$0x12] =	wrdreg s24  }
0x1c: {  	s9 =	simm.s32 $0x0;
	s6 =	sadd.s32 s7, s2;
	[dreg:$0x3] =	wrdreg s5  }
0x1d: {  	s8 =	simm.s32 $0x14380;
	s1 =	sadd.s32 $0x68400, s1;
	[dreg:$0x15] =	wrdreg s6  }
0x1e: {  	s25 =	simm.s32 $0x1C980;
	s10 =	sadd.s32 $0x4000, s6;
	[dreg:$0x1a] =	wrdreg s1  }
0x1f: {  	s26 =	simm.s32 $0x14100;
	s12 =	sadd.s32 $0x8000, s6;
	[dreg:$0x16] =	wrdreg s10  }
0x20: {  	s0 =	simm.s32 $0x14280;
	s14 =	sadd.s32 $0xC000, s6;
	[dreg:$0x17] =	wrdreg s12  }
0x21: {  	s24 =	simm.s32 $0x14080;
	s6 =	sadd.s32 $0x10000, s6;
	[dreg:$0x18] =	wrdreg s14  }
0x22: {  	s7 =	simm.s32 $0x14300;
	s1 =	simm.s32 $0x1CB00;
	[dreg:$0x19] =	wrdreg s6  }
0x23: {  	v0 =	vimm.f32 $0.0e+00;
	s12 =	simm.s32 $0x14400;
	s14 =	simm.s32 $0x1C400;
	s6 =	simm.s32 $0x1CB80  }
.LBB2_1:
0x24: {  	s10 =	simm.s32 $0x0;
	s11 =	simm.s32 $0x200  }
.LBB2_2:
0x25: {  	p0 =	sne.s32 s11, $0xFE00;
	[tilespmem:s10+$0x14470] =	vst v0  }
0x26: {  	[tilespmem:s10+$0x14400] =	vst v0  }
0x27: {  	[tilespmem:s10+$0x14410] =	vst v0  }
.Ltmp0:
0x28: {  	[tilespmem:s10+$0x14420] =	vst v0;
	(pc) =	sbr.rel @p0 .LBB2_2-.Ltmp0, $4  }
0x29: {  	[tilespmem:s10+$0x14430] =	vst v0  }
0x2a: {  	[tilespmem:s10+$0x14440] =	vst v0  }
0x2b: {  	[tilespmem:s10+$0x14450] =	vst v0  }
0x2c: {  	[tilespmem:s10+$0x14460] =	vst v0;
	s10 =	sshra.s32 s11, $0x2;
	s11 =	sadd.s32 $0x200, s11  }
0x2d: {  	[tilespmem:s10+$0x14470] =	vst v0  }
0x2e: {  	[tilespmem:s10+$0x14400] =	vst v0  }
0x2f: {  	[tilespmem:s10+$0x14410] =	vst v0  }
0x30: {  	[tilespmem:s10+$0x14420] =	vst v0  }
0x31: {  	[tilespmem:s10+$0x14430] =	vst v0  }
0x32: {  	[tilespmem:s10+$0x14440] =	vst v0  }
0x33: {  	[dreg:$0x1c] =	wrdreg s9;
	[tilespmem:s10+$0x14450] =	vst v0  }
0x34: {  	[tilespmem:s10+$0x14460] =	vst v0;
	s5 =	rddreg [dreg:$0x15]  }
0x35: {  	[spmem:s5] =	stream.linear.scatter [tilespmem:s12], [sflag:$0x5], $0x4000, $0x38;
	[tilespmem:$0x1CC00] =	vst v63  }
0x36: {  	_ =	swait.ge [sflag:s13], $0x4000  }
0x37: {  	[sflag:s13] =	ssyncset.done $0x0  }
0x38: {  	s11 =	rddreg [dreg:$0x16];
	[sflag:s13] =	ssyncadd.s32 $0xFFFFC000  }
0x39: {  	[spmem:s11] =	stream.linear.scatter [tilespmem:s12], [sflag:$0x5], $0x4000, $0x38;
	[tilespmem:$0x1CC00] =	vst v63  }
0x3a: {  	_ =	swait.ge [sflag:s13], $0x4000  }
0x3b: {  	[sflag:s13] =	ssyncset.done $0x0  }
0x3c: {  	s9 =	rddreg [dreg:$0x17];
	[sflag:s13] =	ssyncadd.s32 $0xFFFFC000  }
0x3d: {  	[spmem:s9] =	stream.linear.scatter [tilespmem:s12], [sflag:$0x5], $0x4000, $0x38;
	[tilespmem:$0x1CC00] =	vst v63  }
0x3e: {  	_ =	swait.ge [sflag:s13], $0x4000  }
0x3f: {  	[sflag:s13] =	ssyncset.done $0x0  }
0x40: {  	s10 =	rddreg [dreg:$0x18];
	[sflag:s13] =	ssyncadd.s32 $0xFFFFC000  }
0x41: {  	[spmem:s10] =	stream.linear.scatter [tilespmem:s12], [sflag:$0x5], $0x4000, $0x38;
	[tilespmem:$0x1CC00] =	vst v63  }
0x42: {  	_ =	swait.ge [sflag:s13], $0x4000  }
0x43: {  	[sflag:s13] =	ssyncset.done $0x0  }
0x44: {  	s11 =	rddreg [dreg:$0x19];
	[sflag:s13] =	ssyncadd.s32 $0xFFFFC000  }
0x45: {  	[spmem:s11] =	stream.linear.scatter [tilespmem:s12], [sflag:$0x5], $0x3C00, $0x38;
	[tilespmem:$0x1CC00] =	vst v63  }
0x46: {  	_ =	swait.ge [sflag:s13], $0x3C00  }
0x47: {  	[sflag:s13] =	ssyncset.done $0x0  }
0x48: {  	[sflag:s13] =	ssyncadd.s32 $0xFFFFC400  }
0x49: {  	[bflag:$0x0] =	sbarrier.arrive $0xFFFF  }
0x4a: {  	s9 =	rddreg [dreg:$0x3]  }
0x4b: {  	s5 =	sadd.s32 $0x0, s9  }
0x4c: {  	[tilespmem:s14], [sflag:$0x5] =	stream.linear.gather [hbm4b:s5+s3], $0x800, $0x38;
	[tilespmem:$0x1CC00] =	vst v63  }
0x4d: {  	_ =	swait.ge [sflag:s13], $0x800  }
0x4e: {  	s10 =	rddreg [dreg:$0x4];
	[sflag:s13] =	ssyncset.done $0x0  }
0x4f: {  	[sflag:s13] =	ssyncadd.s32 $0xFFFFF800;
	s5 =	sadd.s32 $0x0, s10  }
0x50: {  	[tilespmem:s15], [sflag:$0x5] =	stream.linear.gather [hbm4b:s5+s3], $0x800, $0x38;
	[tilespmem:$0x1CC00] =	vst v63  }
0x51: {  	_ =	swait.ge [sflag:s13], $0x800  }
0x52: {  	[sflag:s13] =	ssyncset.done $0x0  }
0x53: {  	[sflag:s13] =	ssyncadd.s32 $0xFFFFF800  }
0x54: {  	[tilespmem:s12], [sflag:$0x1] =	stream.indirect.gather [hbm4b:s4+s16], $0x80, s14, s16, $0xb8;
	[tilespmem:$0x1CC00] =	vst v63  }
0x55: {  	s11 =	rddreg [dreg:$0x5]  }
0x56: {  	[tilespmem:s17], [sflag:$0x2] =	stream.indirect.gather [hbm4b:s4+s16], $0x80, s11, s16, $0xb8;
	[tilespmem:$0x1CC00] =	vst v63  }
0x57: {  	_ =	swait.ge [sflag:s18], $0x4000  }
0x58: {  	[sflag:s18] =	ssyncset.done $0x0  }
0x59: {  	[sflag:s18] =	ssyncadd.s32 $0xFFFFC000  }
0x5a: {  	[spmem:s2] =	stream.indirect.scatter.add.f32 [tilespmem:s12], [sflag:$0x3], $0x80, s15, s16, $0xb8;
	[tilespmem:$0x1CC00] =	vst v63  }
0x5b: {  	_ =	swait.ge [sflag:s19], $0x4000  }
0x5c: {  	[sflag:s19] =	ssyncset.done $0x0  }
0x5d: {  	s9 =	rddreg [dreg:$0x6];
	[sflag:s19] =	ssyncadd.s32 $0xFFFFC000  }
0x5e: {  	[tilespmem:s12], [sflag:$0x1] =	stream.indirect.gather [hbm4b:s4+s16], $0x80, s9, s16, $0xb8;
	[tilespmem:$0x1CC00] =	vst v63  }
0x5f: {  	_ =	swait.ge [sflag:s20], $0x4000  }
0x60: {  	[sflag:s20] =	ssyncset.done $0x0  }
0x61: {  	s10 =	rddreg [dreg:$0x7];
	[sflag:s20] =	ssyncadd.s32 $0xFFFFC000  }
0x62: {  	[spmem:s2] =	stream.indirect.scatter.add.f32 [tilespmem:s17], [sflag:$0x4], $0x80, s10, s16, $0xb8;
	[tilespmem:$0x1CC00] =	vst v63  }
0x63: {  	_ =	swait.ge [sflag:s21], $0x4000  }
0x64: {  	[sflag:s21] =	ssyncset.done $0x0  }
0x65: {  	s11 =	rddreg [dreg:$0x8];
	[sflag:s21] =	ssyncadd.s32 $0xFFFFC000  }
0x66: {  	[tilespmem:s17], [sflag:$0x2] =	stream.indirect.gather [hbm4b:s4+s16], $0x80, s11, s16, $0xb8;
	[tilespmem:$0x1CC00] =	vst v63  }
0x67: {  	_ =	swait.ge [sflag:s18], $0x4000  }
0x68: {  	[sflag:s18] =	ssyncset.done $0x0  }
0x69: {  	s9 =	rddreg [dreg:$0x9];
	[sflag:s18] =	ssyncadd.s32 $0xFFFFC000  }
0x6a: {  	[spmem:s2] =	stream.indirect.scatter.add.f32 [tilespmem:s12], [sflag:$0x3], $0x80, s9, s16, $0xb8;
	[tilespmem:$0x1CC00] =	vst v63  }
0x6b: {  	_ =	swait.ge [sflag:s19], $0x4000  }
0x6c: {  	[sflag:s19] =	ssyncset.done $0x0  }
0x6d: {  	s10 =	rddreg [dreg:$0xa];
	[sflag:s19] =	ssyncadd.s32 $0xFFFFC000  }
0x6e: {  	[tilespmem:s12], [sflag:$0x1] =	stream.indirect.gather [hbm4b:s4+s16], $0x80, s10, s16, $0xb8;
	[tilespmem:$0x1CC00] =	vst v63  }
0x6f: {  	_ =	swait.ge [sflag:s20], $0x4000  }
0x70: {  	[sflag:s20] =	ssyncset.done $0x0  }
0x71: {  	s11 =	rddreg [dreg:$0xb];
	[sflag:s20] =	ssyncadd.s32 $0xFFFFC000  }
0x72: {  	[spmem:s2] =	stream.indirect.scatter.add.f32 [tilespmem:s17], [sflag:$0x4], $0x80, s11, s16, $0xb8;
	[tilespmem:$0x1CC00] =	vst v63  }
0x73: {  	_ =	swait.ge [sflag:s21], $0x4000  }
0x74: {  	[sflag:s21] =	ssyncset.done $0x0  }
0x75: {  	s9 =	rddreg [dreg:$0xc];
	[sflag:s21] =	ssyncadd.s32 $0xFFFFC000  }
0x76: {  	[tilespmem:s17], [sflag:$0x2] =	stream.indirect.gather [hbm4b:s4+s16], $0x80, s9, s16, $0xb8;
	[tilespmem:$0x1CC00] =	vst v63  }
0x77: {  	_ =	swait.ge [sflag:s18], $0x4000  }
0x78: {  	[sflag:s18] =	ssyncset.done $0x0  }
0x79: {  	s10 =	rddreg [dreg:$0xd];
	[sflag:s18] =	ssyncadd.s32 $0xFFFFC000  }
0x7a: {  	[spmem:s2] =	stream.indirect.scatter.add.f32 [tilespmem:s12], [sflag:$0x3], $0x80, s10, s16, $0xb8;
	[tilespmem:$0x1CC00] =	vst v63  }
0x7b: {  	_ =	swait.ge [sflag:s19], $0x4000  }
0x7c: {  	[sflag:s19] =	ssyncset.done $0x0  }
0x7d: {  	s11 =	rddreg [dreg:$0xe];
	[sflag:s19] =	ssyncadd.s32 $0xFFFFC000  }
0x7e: {  	[tilespmem:s12], [sflag:$0x1] =	stream.indirect.gather [hbm4b:s4+s16], $0x80, s11, s16, $0xb8;
	[tilespmem:$0x1CC00] =	vst v63  }
0x7f: {  	_ =	swait.ge [sflag:s20], $0x4000  }
0x80: {  	[sflag:s20] =	ssyncset.done $0x0  }
0x81: {  	s9 =	rddreg [dreg:$0xf];
	[sflag:s20] =	ssyncadd.s32 $0xFFFFC000  }
0x82: {  	[spmem:s2] =	stream.indirect.scatter.add.f32 [tilespmem:s17], [sflag:$0x4], $0x80, s9, s16, $0xb8;
	[tilespmem:$0x1CC00] =	vst v63  }
0x83: {  	_ =	swait.ge [sflag:s21], $0x4000  }
0x84: {  	[sflag:s21] =	ssyncset.done $0x0  }
0x85: {  	s10 =	rddreg [dreg:$0x10];
	[sflag:s21] =	ssyncadd.s32 $0xFFFFC000  }
0x86: {  	[tilespmem:s17], [sflag:$0x2] =	stream.indirect.gather [hbm4b:s4+s16], $0x80, s10, s16, $0xb8;
	[tilespmem:$0x1CC00] =	vst v63  }
0x87: {  	_ =	swait.ge [sflag:s18], $0x4000  }
0x88: {  	[sflag:s18] =	ssyncset.done $0x0  }
0x89: {  	s11 =	rddreg [dreg:$0x11];
	[sflag:s18] =	ssyncadd.s32 $0xFFFFC000  }
0x8a: {  	[spmem:s2] =	stream.indirect.scatter.add.f32 [tilespmem:s12], [sflag:$0x3], $0x80, s11, s16, $0xb8;
	[tilespmem:$0x1CC00] =	vst v63  }
0x8b: {  	_ =	swait.ge [sflag:s19], $0x4000  }
0x8c: {  	[sflag:s19] =	ssyncset.done $0x0  }
0x8d: {  	s9 =	rddreg [dreg:$0x12];
	[sflag:s19] =	ssyncadd.s32 $0xFFFFC000  }
0x8e: {  	[tilespmem:s12], [sflag:$0x1] =	stream.indirect.gather [hbm4b:s4+s16], $0x80, s9, s16, $0xb8;
	[tilespmem:$0x1CC00] =	vst v63  }
0x8f: {  	_ =	swait.ge [sflag:s20], $0x4000  }
0x90: {  	[sflag:s20] =	ssyncset.done $0x0  }
0x91: {  	s10 =	rddreg [dreg:$0x13];
	[sflag:s20] =	ssyncadd.s32 $0xFFFFC000  }
0x92: {  	[spmem:s2] =	stream.indirect.scatter.add.f32 [tilespmem:s17], [sflag:$0x4], $0x80, s10, s16, $0xb8;
	[tilespmem:$0x1CC00] =	vst v63  }
0x93: {  	_ =	swait.ge [sflag:s21], $0x4000  }
0x94: {  	[sflag:s21] =	ssyncset.done $0x0  }
0x95: {  	s11 =	rddreg [dreg:$0x14];
	[sflag:s21] =	ssyncadd.s32 $0xFFFFC000  }
0x96: {  	[tilespmem:s17], [sflag:$0x2] =	stream.indirect.gather [hbm4b:s4+s16], $0x80, s11, s16, $0xb8;
	[tilespmem:$0x1CC00] =	vst v63  }
0x97: {  	_ =	swait.ge [sflag:s18], $0x4000  }
0x98: {  	[sflag:s18] =	ssyncset.done $0x0  }
0x99: {  	[sflag:s18] =	ssyncadd.s32 $0xFFFFC000  }
0x9a: {  	[spmem:s2] =	stream.indirect.scatter.add.f32 [tilespmem:s12], [sflag:$0x3], $0x80, s22, s16, $0xb8;
	[tilespmem:$0x1CC00] =	vst v63  }
0x9b: {  	_ =	swait.ge [sflag:s19], $0x4000  }
0x9c: {  	[sflag:s19] =	ssyncset.done $0x0  }
0x9d: {  	[sflag:s19] =	ssyncadd.s32 $0xFFFFC000  }
0x9e: {  	[tilespmem:s12], [sflag:$0x1] =	stream.indirect.gather [hbm4b:s4+s16], $0x80, s23, s16, $0xb8;
	[tilespmem:$0x1CC00] =	vst v63  }
0x9f: {  	_ =	swait.ge [sflag:s20], $0x4000  }
0xa0: {  	[sflag:s20] =	ssyncset.done $0x0  }
0xa1: {  	[sflag:s20] =	ssyncadd.s32 $0xFFFFC000  }
0xa2: {  	[spmem:s2] =	stream.indirect.scatter.add.f32 [tilespmem:s17], [sflag:$0x4], $0x80, s24, s16, $0xb8;
	[tilespmem:$0x1CC00] =	vst v63  }
0xa3: {  	_ =	swait.ge [sflag:s21], $0x4000  }
0xa4: {  	[sflag:s21] =	ssyncset.done $0x0  }
0xa5: {  	[sflag:s21] =	ssyncadd.s32 $0xFFFFC000  }
0xa6: {  	[tilespmem:s17], [sflag:$0x2] =	stream.indirect.gather [hbm4b:s4+s16], $0x80, s25, s16, $0xb8;
	[tilespmem:$0x1CC00] =	vst v63  }
0xa7: {  	_ =	swait.ge [sflag:s18], $0x4000  }
0xa8: {  	[sflag:s18] =	ssyncset.done $0x0  }
0xa9: {  	[sflag:s18] =	ssyncadd.s32 $0xFFFFC000  }
0xaa: {  	[spmem:s2] =	stream.indirect.scatter.add.f32 [tilespmem:s12], [sflag:$0x3], $0x80, s26, s16, $0xb8;
	[tilespmem:$0x1CC00] =	vst v63  }
0xab: {  	_ =	swait.ge [sflag:s19], $0x4000  }
0xac: {  	[sflag:s19] =	ssyncset.done $0x0  }
0xad: {  	[sflag:s19] =	ssyncadd.s32 $0xFFFFC000  }
0xae: {  	[tilespmem:s12], [sflag:$0x1] =	stream.indirect.gather [hbm4b:s4+s16], $0x80, s28, s16, $0xb8;
	[tilespmem:$0x1CC00] =	vst v63  }
0xaf: {  	_ =	swait.ge [sflag:s20], $0x4000  }
0xb0: {  	[sflag:s20] =	ssyncset.done $0x0  }
0xb1: {  	[sflag:s20] =	ssyncadd.s32 $0xFFFFC000  }
0xb2: {  	[spmem:s2] =	stream.indirect.scatter.add.f32 [tilespmem:s17], [sflag:$0x4], $0x80, s29, s16, $0xb8;
	[tilespmem:$0x1CC00] =	vst v63  }
0xb3: {  	_ =	swait.ge [sflag:s21], $0x4000  }
0xb4: {  	[sflag:s21] =	ssyncset.done $0x0  }
0xb5: {  	[sflag:s21] =	ssyncadd.s32 $0xFFFFC000  }
0xb6: {  	[tilespmem:s17], [sflag:$0x2] =	stream.indirect.gather [hbm4b:s4+s16], $0x80, s30, s16, $0xb8;
	[tilespmem:$0x1CC00] =	vst v63  }
0xb7: {  	_ =	swait.ge [sflag:s18], $0x4000  }
0xb8: {  	[sflag:s18] =	ssyncset.done $0x0  }
0xb9: {  	[sflag:s18] =	ssyncadd.s32 $0xFFFFC000  }
0xba: {  	[spmem:s2] =	stream.indirect.scatter.add.f32 [tilespmem:s12], [sflag:$0x3], $0x80, s31, s16, $0xb8;
	[tilespmem:$0x1CC00] =	vst v63  }
0xbb: {  	_ =	swait.ge [sflag:s19], $0x4000  }
0xbc: {  	[sflag:s19] =	ssyncset.done $0x0  }
0xbd: {  	[sflag:s19] =	ssyncadd.s32 $0xFFFFC000  }
0xbe: {  	[tilespmem:s12], [sflag:$0x1] =	stream.indirect.gather [hbm4b:s4+s16], $0x80, s1, s16, $0xb8;
	[tilespmem:$0x1CC00] =	vst v63  }
0xbf: {  	_ =	swait.ge [sflag:s20], $0x4000  }
0xc0: {  	[sflag:s20] =	ssyncset.done $0x0  }
0xc1: {  	[sflag:s20] =	ssyncadd.s32 $0xFFFFC000  }
0xc2: {  	[spmem:s2] =	stream.indirect.scatter.add.f32 [tilespmem:s17], [sflag:$0x4], $0x80, s0, s16, $0xb8;
	[tilespmem:$0x1CC00] =	vst v63  }
0xc3: {  	_ =	swait.ge [sflag:s21], $0x4000  }
0xc4: {  	[sflag:s21] =	ssyncset.done $0x0  }
0xc5: {  	[sflag:s21] =	ssyncadd.s32 $0xFFFFC000  }
0xc6: {  	[tilespmem:s17], [sflag:$0x2] =	stream.indirect.gather [hbm4b:s4+s16], $0x80, s6, s16, $0xb8;
	[tilespmem:$0x1CC00] =	vst v63  }
0xc7: {  	_ =	swait.ge [sflag:s18], $0x4000  }
0xc8: {  	[sflag:s18] =	ssyncset.done $0x0  }
0xc9: {  	[sflag:s18] =	ssyncadd.s32 $0xFFFFC000  }
0xca: {  	[spmem:s2] =	stream.indirect.scatter.add.f32 [tilespmem:s12], [sflag:$0x3], $0x80, s7, s16, $0xb8;
	[tilespmem:$0x1CC00] =	vst v63  }
0xcb: {  	_ =	swait.ge [sflag:s19], $0x4000  }
0xcc: {  	[sflag:s19] =	ssyncset.done $0x0  }
0xcd: {  	[sflag:s19] =	ssyncadd.s32 $0xFFFFC000  }
0xce: {  	_ =	swait.ge [sflag:s20], $0x4000  }
0xcf: {  	[sflag:s20] =	ssyncset.done $0x0  }
0xd0: {  	[sflag:s20] =	ssyncadd.s32 $0xFFFFC000  }
0xd1: {  	[spmem:s2] =	stream.indirect.scatter.add.f32 [tilespmem:s17], [sflag:$0x4], $0x80, s8, s16, $0xb8;
	[tilespmem:$0x1CC00] =	vst v63  }
0xd2: {  	s10 =	simm.s32 $0x100;
	_ =	swait.ge [sflag:s21], $0x4000  }
0xd3: {  	s11 =	simm.s32 $0x200;
	s5 =	rddreg [dreg:$0x3];
	[sflag:s21] =	ssyncset.done $0x0  }
.LBB2_4:
0xd4: {  	[sflag:s21] =	ssyncadd.s32 $0xFFFFC000;
	s5 =	sadd.s32 s10, s5  }
0xd5: {  	[tilespmem:s14], [sflag:$0x5] =	stream.linear.gather [hbm4b:s5+s3], $0x800, $0x38;
	[tilespmem:$0x1CC00] =	vst v63  }
0xd6: {  	_ =	swait.ge [sflag:s13], $0x800  }
0xd7: {  	s5 =	rddreg [dreg:$0x4];
	[sflag:s13] =	ssyncset.done $0x0  }
0xd8: {  	[sflag:s13] =	ssyncadd.s32 $0xFFFFF800;
	s5 =	sadd.s32 s10, s5  }
0xd9: {  	[tilespmem:s15], [sflag:$0x5] =	stream.linear.gather [hbm4b:s5+s3], $0x800, $0x38;
	[tilespmem:$0x1CC00] =	vst v63  }
0xda: {  	_ =	swait.ge [sflag:s13], $0x800  }
0xdb: {  	[sflag:s13] =	ssyncset.done $0x0  }
0xdc: {  	s9 =	smov.u32 s11;
	[sflag:s13] =	ssyncadd.s32 $0xFFFFF800  }
0xdd: {  	[tilespmem:s12], [sflag:$0x1] =	stream.indirect.gather [hbm4b:s4+s16], $0x80, s14, s16, $0xb8;
	[tilespmem:$0x1CC00] =	vst v63  }
0xde: {  	s10 =	smov.u32 s9;
	s9 =	rddreg [dreg:$0x5]  }
0xdf: {  	[tilespmem:s17], [sflag:$0x2] =	stream.indirect.gather [hbm4b:s4+s16], $0x80, s9, s16, $0xb8;
	[tilespmem:$0x1CC00] =	vst v63  }
0xe0: {  	_ =	swait.ge [sflag:s18], $0x4000  }
0xe1: {  	[sflag:s18] =	ssyncset.done $0x0  }
0xe2: {  	[sflag:s18] =	ssyncadd.s32 $0xFFFFC000  }
0xe3: {  	[spmem:s2] =	stream.indirect.scatter.add.f32 [tilespmem:s12], [sflag:$0x3], $0x80, s15, s16, $0xb8;
	[tilespmem:$0x1CC00] =	vst v63  }
0xe4: {  	_ =	swait.ge [sflag:s19], $0x4000  }
0xe5: {  	[sflag:s19] =	ssyncset.done $0x0  }
0xe6: {  	s9 =	rddreg [dreg:$0x6];
	[sflag:s19] =	ssyncadd.s32 $0xFFFFC000  }
0xe7: {  	[tilespmem:s12], [sflag:$0x1] =	stream.indirect.gather [hbm4b:s4+s16], $0x80, s9, s16, $0xb8;
	[tilespmem:$0x1CC00] =	vst v63  }
0xe8: {  	_ =	swait.ge [sflag:s20], $0x4000  }
0xe9: {  	[sflag:s20] =	ssyncset.done $0x0  }
0xea: {  	s9 =	rddreg [dreg:$0x7];
	[sflag:s20] =	ssyncadd.s32 $0xFFFFC000  }
0xeb: {  	[spmem:s2] =	stream.indirect.scatter.add.f32 [tilespmem:s17], [sflag:$0x4], $0x80, s9, s16, $0xb8;
	[tilespmem:$0x1CC00] =	vst v63  }
0xec: {  	_ =	swait.ge [sflag:s21], $0x4000  }
0xed: {  	[sflag:s21] =	ssyncset.done $0x0  }
0xee: {  	s9 =	rddreg [dreg:$0x8];
	[sflag:s21] =	ssyncadd.s32 $0xFFFFC000  }
0xef: {  	[tilespmem:s17], [sflag:$0x2] =	stream.indirect.gather [hbm4b:s4+s16], $0x80, s9, s16, $0xb8;
	[tilespmem:$0x1CC00] =	vst v63  }
0xf0: {  	_ =	swait.ge [sflag:s18], $0x4000  }
0xf1: {  	[sflag:s18] =	ssyncset.done $0x0  }
0xf2: {  	s9 =	rddreg [dreg:$0x9];
	[sflag:s18] =	ssyncadd.s32 $0xFFFFC000  }
0xf3: {  	[spmem:s2] =	stream.indirect.scatter.add.f32 [tilespmem:s12], [sflag:$0x3], $0x80, s9, s16, $0xb8;
	[tilespmem:$0x1CC00] =	vst v63  }
0xf4: {  	_ =	swait.ge [sflag:s19], $0x4000  }
0xf5: {  	[sflag:s19] =	ssyncset.done $0x0  }
0xf6: {  	s9 =	rddreg [dreg:$0xa];
	[sflag:s19] =	ssyncadd.s32 $0xFFFFC000  }
0xf7: {  	[tilespmem:s12], [sflag:$0x1] =	stream.indirect.gather [hbm4b:s4+s16], $0x80, s9, s16, $0xb8;
	[tilespmem:$0x1CC00] =	vst v63  }
0xf8: {  	_ =	swait.ge [sflag:s20], $0x4000  }
0xf9: {  	[sflag:s20] =	ssyncset.done $0x0  }
0xfa: {  	s9 =	rddreg [dreg:$0xb];
	[sflag:s20] =	ssyncadd.s32 $0xFFFFC000  }
0xfb: {  	[spmem:s2] =	stream.indirect.scatter.add.f32 [tilespmem:s17], [sflag:$0x4], $0x80, s9, s16, $0xb8;
	[tilespmem:$0x1CC00] =	vst v63  }
0xfc: {  	_ =	swait.ge [sflag:s21], $0x4000  }
0xfd: {  	[sflag:s21] =	ssyncset.done $0x0  }
0xfe: {  	s9 =	rddreg [dreg:$0xc];
	[sflag:s21] =	ssyncadd.s32 $0xFFFFC000  }
0xff: {  	[tilespmem:s17], [sflag:$0x2] =	stream.indirect.gather [hbm4b:s4+s16], $0x80, s9, s16, $0xb8;
	[tilespmem:$0x1CC00] =	vst v63  }
0x100: {  	_ =	swait.ge [sflag:s18], $0x4000  }
0x101: {  	[sflag:s18] =	ssyncset.done $0x0  }
0x102: {  	s9 =	rddreg [dreg:$0xd];
	[sflag:s18] =	ssyncadd.s32 $0xFFFFC000  }
0x103: {  	[spmem:s2] =	stream.indirect.scatter.add.f32 [tilespmem:s12], [sflag:$0x3], $0x80, s9, s16, $0xb8;
	[tilespmem:$0x1CC00] =	vst v63  }
0x104: {  	_ =	swait.ge [sflag:s19], $0x4000  }
0x105: {  	[sflag:s19] =	ssyncset.done $0x0  }
0x106: {  	s9 =	rddreg [dreg:$0xe];
	[sflag:s19] =	ssyncadd.s32 $0xFFFFC000  }
0x107: {  	[tilespmem:s12], [sflag:$0x1] =	stream.indirect.gather [hbm4b:s4+s16], $0x80, s9, s16, $0xb8;
	[tilespmem:$0x1CC00] =	vst v63  }
0x108: {  	_ =	swait.ge [sflag:s20], $0x4000  }
0x109: {  	[sflag:s20] =	ssyncset.done $0x0  }
0x10a: {  	s9 =	rddreg [dreg:$0xf];
	[sflag:s20] =	ssyncadd.s32 $0xFFFFC000  }
0x10b: {  	[spmem:s2] =	stream.indirect.scatter.add.f32 [tilespmem:s17], [sflag:$0x4], $0x80, s9, s16, $0xb8;
	[tilespmem:$0x1CC00] =	vst v63  }
0x10c: {  	_ =	swait.ge [sflag:s21], $0x4000  }
0x10d: {  	[sflag:s21] =	ssyncset.done $0x0  }
0x10e: {  	s9 =	rddreg [dreg:$0x10];
	[sflag:s21] =	ssyncadd.s32 $0xFFFFC000  }
0x10f: {  	[tilespmem:s17], [sflag:$0x2] =	stream.indirect.gather [hbm4b:s4+s16], $0x80, s9, s16, $0xb8;
	[tilespmem:$0x1CC00] =	vst v63  }
0x110: {  	_ =	swait.ge [sflag:s18], $0x4000  }
0x111: {  	[sflag:s18] =	ssyncset.done $0x0  }
0x112: {  	s9 =	rddreg [dreg:$0x11];
	[sflag:s18] =	ssyncadd.s32 $0xFFFFC000  }
0x113: {  	[spmem:s2] =	stream.indirect.scatter.add.f32 [tilespmem:s12], [sflag:$0x3], $0x80, s9, s16, $0xb8;
	[tilespmem:$0x1CC00] =	vst v63  }
0x114: {  	_ =	swait.ge [sflag:s19], $0x4000  }
0x115: {  	[sflag:s19] =	ssyncset.done $0x0  }
0x116: {  	s9 =	rddreg [dreg:$0x12];
	[sflag:s19] =	ssyncadd.s32 $0xFFFFC000  }
0x117: {  	[tilespmem:s12], [sflag:$0x1] =	stream.indirect.gather [hbm4b:s4+s16], $0x80, s9, s16, $0xb8;
	[tilespmem:$0x1CC00] =	vst v63  }
0x118: {  	_ =	swait.ge [sflag:s20], $0x4000  }
0x119: {  	[sflag:s20] =	ssyncset.done $0x0  }
0x11a: {  	s9 =	rddreg [dreg:$0x13];
	[sflag:s20] =	ssyncadd.s32 $0xFFFFC000  }
0x11b: {  	[spmem:s2] =	stream.indirect.scatter.add.f32 [tilespmem:s17], [sflag:$0x4], $0x80, s9, s16, $0xb8;
	[tilespmem:$0x1CC00] =	vst v63  }
0x11c: {  	_ =	swait.ge [sflag:s21], $0x4000  }
0x11d: {  	[sflag:s21] =	ssyncset.done $0x0  }
0x11e: {  	s9 =	rddreg [dreg:$0x14];
	[sflag:s21] =	ssyncadd.s32 $0xFFFFC000  }
0x11f: {  	[tilespmem:s17], [sflag:$0x2] =	stream.indirect.gather [hbm4b:s4+s16], $0x80, s9, s16, $0xb8;
	[tilespmem:$0x1CC00] =	vst v63  }
0x120: {  	_ =	swait.ge [sflag:s18], $0x4000  }
0x121: {  	[sflag:s18] =	ssyncset.done $0x0  }
0x122: {  	[sflag:s18] =	ssyncadd.s32 $0xFFFFC000  }
0x123: {  	[spmem:s2] =	stream.indirect.scatter.add.f32 [tilespmem:s12], [sflag:$0x3], $0x80, s22, s16, $0xb8;
	[tilespmem:$0x1CC00] =	vst v63  }
0x124: {  	_ =	swait.ge [sflag:s19], $0x4000  }
0x125: {  	[sflag:s19] =	ssyncset.done $0x0  }
0x126: {  	[sflag:s19] =	ssyncadd.s32 $0xFFFFC000  }
0x127: {  	[tilespmem:s12], [sflag:$0x1] =	stream.indirect.gather [hbm4b:s4+s16], $0x80, s23, s16, $0xb8;
	[tilespmem:$0x1CC00] =	vst v63  }
0x128: {  	_ =	swait.ge [sflag:s20], $0x4000  }
0x129: {  	[sflag:s20] =	ssyncset.done $0x0  }
0x12a: {  	[sflag:s20] =	ssyncadd.s32 $0xFFFFC000  }
0x12b: {  	[spmem:s2] =	stream.indirect.scatter.add.f32 [tilespmem:s17], [sflag:$0x4], $0x80, s24, s16, $0xb8;
	[tilespmem:$0x1CC00] =	vst v63  }
0x12c: {  	_ =	swait.ge [sflag:s21], $0x4000  }
0x12d: {  	[sflag:s21] =	ssyncset.done $0x0  }
0x12e: {  	[sflag:s21] =	ssyncadd.s32 $0xFFFFC000  }
0x12f: {  	[tilespmem:s17], [sflag:$0x2] =	stream.indirect.gather [hbm4b:s4+s16], $0x80, s25, s16, $0xb8;
	[tilespmem:$0x1CC00] =	vst v63  }
0x130: {  	_ =	swait.ge [sflag:s18], $0x4000  }
0x131: {  	[sflag:s18] =	ssyncset.done $0x0  }
0x132: {  	[sflag:s18] =	ssyncadd.s32 $0xFFFFC000  }
0x133: {  	[spmem:s2] =	stream.indirect.scatter.add.f32 [tilespmem:s12], [sflag:$0x3], $0x80, s26, s16, $0xb8;
	[tilespmem:$0x1CC00] =	vst v63  }
0x134: {  	_ =	swait.ge [sflag:s19], $0x4000  }
0x135: {  	[sflag:s19] =	ssyncset.done $0x0  }
0x136: {  	[sflag:s19] =	ssyncadd.s32 $0xFFFFC000  }
0x137: {  	[tilespmem:s12], [sflag:$0x1] =	stream.indirect.gather [hbm4b:s4+s16], $0x80, s28, s16, $0xb8;
	[tilespmem:$0x1CC00] =	vst v63  }
0x138: {  	_ =	swait.ge [sflag:s20], $0x4000  }
0x139: {  	[sflag:s20] =	ssyncset.done $0x0  }
0x13a: {  	[sflag:s20] =	ssyncadd.s32 $0xFFFFC000  }
0x13b: {  	[spmem:s2] =	stream.indirect.scatter.add.f32 [tilespmem:s17], [sflag:$0x4], $0x80, s29, s16, $0xb8;
	[tilespmem:$0x1CC00] =	vst v63  }
0x13c: {  	_ =	swait.ge [sflag:s21], $0x4000  }
0x13d: {  	[sflag:s21] =	ssyncset.done $0x0  }
0x13e: {  	[sflag:s21] =	ssyncadd.s32 $0xFFFFC000  }
0x13f: {  	[tilespmem:s17], [sflag:$0x2] =	stream.indirect.gather [hbm4b:s4+s16], $0x80, s30, s16, $0xb8;
	[tilespmem:$0x1CC00] =	vst v63  }
0x140: {  	_ =	swait.ge [sflag:s18], $0x4000  }
0x141: {  	[sflag:s18] =	ssyncset.done $0x0  }
0x142: {  	[sflag:s18] =	ssyncadd.s32 $0xFFFFC000  }
0x143: {  	[spmem:s2] =	stream.indirect.scatter.add.f32 [tilespmem:s12], [sflag:$0x3], $0x80, s31, s16, $0xb8;
	[tilespmem:$0x1CC00] =	vst v63  }
0x144: {  	_ =	swait.ge [sflag:s19], $0x4000  }
0x145: {  	[sflag:s19] =	ssyncset.done $0x0  }
0x146: {  	[sflag:s19] =	ssyncadd.s32 $0xFFFFC000  }
0x147: {  	[tilespmem:s12], [sflag:$0x1] =	stream.indirect.gather [hbm4b:s4+s16], $0x80, s1, s16, $0xb8;
	[tilespmem:$0x1CC00] =	vst v63  }
0x148: {  	_ =	swait.ge [sflag:s20], $0x4000  }
0x149: {  	[sflag:s20] =	ssyncset.done $0x0  }
0x14a: {  	[sflag:s20] =	ssyncadd.s32 $0xFFFFC000  }
0x14b: {  	[spmem:s2] =	stream.indirect.scatter.add.f32 [tilespmem:s17], [sflag:$0x4], $0x80, s0, s16, $0xb8;
	[tilespmem:$0x1CC00] =	vst v63  }
0x14c: {  	_ =	swait.ge [sflag:s21], $0x4000  }
0x14d: {  	[sflag:s21] =	ssyncset.done $0x0  }
0x14e: {  	[sflag:s21] =	ssyncadd.s32 $0xFFFFC000  }
0x14f: {  	[tilespmem:s17], [sflag:$0x2] =	stream.indirect.gather [hbm4b:s4+s16], $0x80, s6, s16, $0xb8;
	[tilespmem:$0x1CC00] =	vst v63  }
0x150: {  	_ =	swait.ge [sflag:s18], $0x4000  }
0x151: {  	[sflag:s18] =	ssyncset.done $0x0  }
0x152: {  	[sflag:s18] =	ssyncadd.s32 $0xFFFFC000  }
0x153: {  	[spmem:s2] =	stream.indirect.scatter.add.f32 [tilespmem:s12], [sflag:$0x3], $0x80, s7, s16, $0xb8;
	[tilespmem:$0x1CC00] =	vst v63  }
0x154: {  	_ =	swait.ge [sflag:s19], $0x4000  }
0x155: {  	[sflag:s19] =	ssyncset.done $0x0  }
0x156: {  	[sflag:s19] =	ssyncadd.s32 $0xFFFFC000  }
0x157: {  	p0 =	sne.s32 s11, $0x400;
	_ =	swait.ge [sflag:s20], $0x4000  }
.Ltmp1:
0x158: {  	[sflag:s20] =	ssyncset.done $0x0;
	(pc) =	sbr.rel @p0 .LBB2_4-.Ltmp1, $4  }
0x159: {  	[sflag:s20] =	ssyncadd.s32 $0xFFFFC000  }
0x15a: {  	[spmem:s2] =	stream.indirect.scatter.add.f32 [tilespmem:s17], [sflag:$0x4], $0x80, s8, s16, $0xb8;
	[tilespmem:$0x1CC00] =	vst v63  }
0x15b: {  	_ =	swait.ge [sflag:s21], $0x4000  }
0x15c: {  	s11 =	sadd.s32 $0x100, s11;
	s5 =	rddreg [dreg:$0x3];
	[sflag:s21] =	ssyncset.done $0x0  }
0x15d: {  	[sflag:s21] =	ssyncadd.s32 $0xFFFFC000;
	s5 =	sadd.s32 s10, s5  }
0x15e: {  	[tilespmem:s14], [sflag:$0x5] =	stream.linear.gather [hbm4b:s5+s3], $0x800, $0x38;
	[tilespmem:$0x1CC00] =	vst v63  }
0x15f: {  	_ =	swait.ge [sflag:s13], $0x800  }
0x160: {  	s11 =	rddreg [dreg:$0x4];
	[sflag:s13] =	ssyncset.done $0x0  }
0x161: {  	[sflag:s13] =	ssyncadd.s32 $0xFFFFF800;
	s5 =	sadd.s32 s10, s11  }
0x162: {  	[tilespmem:s15], [sflag:$0x5] =	stream.linear.gather [hbm4b:s5+s3], $0x800, $0x38;
	[tilespmem:$0x1CC00] =	vst v63  }
0x163: {  	_ =	swait.ge [sflag:s13], $0x800  }
0x164: {  	[sflag:s13] =	ssyncset.done $0x0  }
0x165: {  	[sflag:s13] =	ssyncadd.s32 $0xFFFFF800  }
0x166: {  	[tilespmem:s12], [sflag:$0x1] =	stream.indirect.gather [hbm4b:s4+s16], $0x80, s14, s16, $0xb8;
	[tilespmem:$0x1CC00] =	vst v63  }
0x167: {  	s9 =	rddreg [dreg:$0x5]  }
0x168: {  	[tilespmem:s17], [sflag:$0x2] =	stream.indirect.gather [hbm4b:s4+s16], $0x80, s9, s16, $0xb8;
	[tilespmem:$0x1CC00] =	vst v63  }
0x169: {  	_ =	swait.ge [sflag:s18], $0x4000  }
0x16a: {  	[sflag:s18] =	ssyncset.done $0x0  }
0x16b: {  	[sflag:s18] =	ssyncadd.s32 $0xFFFFC000  }
0x16c: {  	[spmem:s2] =	stream.indirect.scatter.add.f32 [tilespmem:s12], [sflag:$0x3], $0x80, s15, s16, $0xb8;
	[tilespmem:$0x1CC00] =	vst v63  }
0x16d: {  	_ =	swait.ge [sflag:s19], $0x4000  }
0x16e: {  	[sflag:s19] =	ssyncset.done $0x0  }
0x16f: {  	s10 =	rddreg [dreg:$0x6];
	[sflag:s19] =	ssyncadd.s32 $0xFFFFC000  }
0x170: {  	[tilespmem:s12], [sflag:$0x1] =	stream.indirect.gather [hbm4b:s4+s16], $0x80, s10, s16, $0xb8;
	[tilespmem:$0x1CC00] =	vst v63  }
0x171: {  	_ =	swait.ge [sflag:s20], $0x4000  }
0x172: {  	[sflag:s20] =	ssyncset.done $0x0  }
0x173: {  	s11 =	rddreg [dreg:$0x7];
	[sflag:s20] =	ssyncadd.s32 $0xFFFFC000  }
0x174: {  	[spmem:s2] =	stream.indirect.scatter.add.f32 [tilespmem:s17], [sflag:$0x4], $0x80, s11, s16, $0xb8;
	[tilespmem:$0x1CC00] =	vst v63  }
0x175: {  	_ =	swait.ge [sflag:s21], $0x4000  }
0x176: {  	[sflag:s21] =	ssyncset.done $0x0  }
0x177: {  	s9 =	rddreg [dreg:$0x8];
	[sflag:s21] =	ssyncadd.s32 $0xFFFFC000  }
0x178: {  	[tilespmem:s17], [sflag:$0x2] =	stream.indirect.gather [hbm4b:s4+s16], $0x80, s9, s16, $0xb8;
	[tilespmem:$0x1CC00] =	vst v63  }
0x179: {  	_ =	swait.ge [sflag:s18], $0x4000  }
0x17a: {  	[sflag:s18] =	ssyncset.done $0x0  }
0x17b: {  	s10 =	rddreg [dreg:$0x9];
	[sflag:s18] =	ssyncadd.s32 $0xFFFFC000  }
0x17c: {  	[spmem:s2] =	stream.indirect.scatter.add.f32 [tilespmem:s12], [sflag:$0x3], $0x80, s10, s16, $0xb8;
	[tilespmem:$0x1CC00] =	vst v63  }
0x17d: {  	_ =	swait.ge [sflag:s19], $0x4000  }
0x17e: {  	[sflag:s19] =	ssyncset.done $0x0  }
0x17f: {  	s11 =	rddreg [dreg:$0xa];
	[sflag:s19] =	ssyncadd.s32 $0xFFFFC000  }
0x180: {  	[tilespmem:s12], [sflag:$0x1] =	stream.indirect.gather [hbm4b:s4+s16], $0x80, s11, s16, $0xb8;
	[tilespmem:$0x1CC00] =	vst v63  }
0x181: {  	_ =	swait.ge [sflag:s20], $0x4000  }
0x182: {  	[sflag:s20] =	ssyncset.done $0x0  }
0x183: {  	s9 =	rddreg [dreg:$0xb];
	[sflag:s20] =	ssyncadd.s32 $0xFFFFC000  }
0x184: {  	[spmem:s2] =	stream.indirect.scatter.add.f32 [tilespmem:s17], [sflag:$0x4], $0x80, s9, s16, $0xb8;
	[tilespmem:$0x1CC00] =	vst v63  }
0x185: {  	_ =	swait.ge [sflag:s21], $0x4000  }
0x186: {  	[sflag:s21] =	ssyncset.done $0x0  }
0x187: {  	s10 =	rddreg [dreg:$0xc];
	[sflag:s21] =	ssyncadd.s32 $0xFFFFC000  }
0x188: {  	[tilespmem:s17], [sflag:$0x2] =	stream.indirect.gather [hbm4b:s4+s16], $0x80, s10, s16, $0xb8;
	[tilespmem:$0x1CC00] =	vst v63  }
0x189: {  	_ =	swait.ge [sflag:s18], $0x4000  }
0x18a: {  	[sflag:s18] =	ssyncset.done $0x0  }
0x18b: {  	s11 =	rddreg [dreg:$0xd];
	[sflag:s18] =	ssyncadd.s32 $0xFFFFC000  }
0x18c: {  	[spmem:s2] =	stream.indirect.scatter.add.f32 [tilespmem:s12], [sflag:$0x3], $0x80, s11, s16, $0xb8;
	[tilespmem:$0x1CC00] =	vst v63  }
0x18d: {  	_ =	swait.ge [sflag:s19], $0x4000  }
0x18e: {  	[sflag:s19] =	ssyncset.done $0x0  }
0x18f: {  	s9 =	rddreg [dreg:$0xe];
	[sflag:s19] =	ssyncadd.s32 $0xFFFFC000  }
0x190: {  	[tilespmem:s12], [sflag:$0x1] =	stream.indirect.gather [hbm4b:s4+s16], $0x80, s9, s16, $0xb8;
	[tilespmem:$0x1CC00] =	vst v63  }
0x191: {  	_ =	swait.ge [sflag:s20], $0x4000  }
0x192: {  	[sflag:s20] =	ssyncset.done $0x0  }
0x193: {  	s10 =	rddreg [dreg:$0xf];
	[sflag:s20] =	ssyncadd.s32 $0xFFFFC000  }
0x194: {  	[spmem:s2] =	stream.indirect.scatter.add.f32 [tilespmem:s17], [sflag:$0x4], $0x80, s10, s16, $0xb8;
	[tilespmem:$0x1CC00] =	vst v63  }
0x195: {  	_ =	swait.ge [sflag:s21], $0x4000  }
0x196: {  	[sflag:s21] =	ssyncset.done $0x0  }
0x197: {  	s11 =	rddreg [dreg:$0x10];
	[sflag:s21] =	ssyncadd.s32 $0xFFFFC000  }
0x198: {  	[tilespmem:s17], [sflag:$0x2] =	stream.indirect.gather [hbm4b:s4+s16], $0x80, s11, s16, $0xb8;
	[tilespmem:$0x1CC00] =	vst v63  }
0x199: {  	_ =	swait.ge [sflag:s18], $0x4000  }
0x19a: {  	[sflag:s18] =	ssyncset.done $0x0  }
0x19b: {  	s9 =	rddreg [dreg:$0x11];
	[sflag:s18] =	ssyncadd.s32 $0xFFFFC000  }
0x19c: {  	[spmem:s2] =	stream.indirect.scatter.add.f32 [tilespmem:s12], [sflag:$0x3], $0x80, s9, s16, $0xb8;
	[tilespmem:$0x1CC00] =	vst v63  }
0x19d: {  	_ =	swait.ge [sflag:s19], $0x4000  }
0x19e: {  	[sflag:s19] =	ssyncset.done $0x0  }
0x19f: {  	s10 =	rddreg [dreg:$0x12];
	[sflag:s19] =	ssyncadd.s32 $0xFFFFC000  }
0x1a0: {  	[tilespmem:s12], [sflag:$0x1] =	stream.indirect.gather [hbm4b:s4+s16], $0x80, s10, s16, $0xb8;
	[tilespmem:$0x1CC00] =	vst v63  }
0x1a1: {  	_ =	swait.ge [sflag:s20], $0x4000  }
0x1a2: {  	[sflag:s20] =	ssyncset.done $0x0  }
0x1a3: {  	s11 =	rddreg [dreg:$0x13];
	[sflag:s20] =	ssyncadd.s32 $0xFFFFC000  }
0x1a4: {  	[spmem:s2] =	stream.indirect.scatter.add.f32 [tilespmem:s17], [sflag:$0x4], $0x80, s11, s16, $0xb8;
	[tilespmem:$0x1CC00] =	vst v63  }
0x1a5: {  	_ =	swait.ge [sflag:s21], $0x4000  }
0x1a6: {  	[sflag:s21] =	ssyncset.done $0x0  }
0x1a7: {  	s9 =	rddreg [dreg:$0x14];
	[sflag:s21] =	ssyncadd.s32 $0xFFFFC000  }
0x1a8: {  	[tilespmem:s17], [sflag:$0x2] =	stream.indirect.gather [hbm4b:s4+s16], $0x80, s9, s16, $0xb8;
	[tilespmem:$0x1CC00] =	vst v63  }
0x1a9: {  	_ =	swait.ge [sflag:s18], $0x4000  }
0x1aa: {  	[sflag:s18] =	ssyncset.done $0x0  }
0x1ab: {  	[sflag:s18] =	ssyncadd.s32 $0xFFFFC000  }
0x1ac: {  	[spmem:s2] =	stream.indirect.scatter.add.f32 [tilespmem:s12], [sflag:$0x3], $0x80, s22, s16, $0xb8;
	[tilespmem:$0x1CC00] =	vst v63  }
0x1ad: {  	_ =	swait.ge [sflag:s19], $0x4000  }
0x1ae: {  	[sflag:s19] =	ssyncset.done $0x0  }
0x1af: {  	[sflag:s19] =	ssyncadd.s32 $0xFFFFC000  }
0x1b0: {  	[tilespmem:s12], [sflag:$0x1] =	stream.indirect.gather [hbm4b:s4+s16], $0x80, s23, s16, $0xb8;
	[tilespmem:$0x1CC00] =	vst v63  }
0x1b1: {  	_ =	swait.ge [sflag:s20], $0x4000  }
0x1b2: {  	[sflag:s20] =	ssyncset.done $0x0  }
0x1b3: {  	[sflag:s20] =	ssyncadd.s32 $0xFFFFC000  }
0x1b4: {  	[spmem:s2] =	stream.indirect.scatter.add.f32 [tilespmem:s17], [sflag:$0x4], $0x80, s24, s16, $0xb8;
	[tilespmem:$0x1CC00] =	vst v63  }
0x1b5: {  	_ =	swait.ge [sflag:s21], $0x4000  }
0x1b6: {  	[sflag:s21] =	ssyncset.done $0x0  }
0x1b7: {  	[sflag:s21] =	ssyncadd.s32 $0xFFFFC000  }
0x1b8: {  	[tilespmem:s17], [sflag:$0x2] =	stream.indirect.gather [hbm4b:s4+s16], $0x80, s25, s16, $0xb8;
	[tilespmem:$0x1CC00] =	vst v63  }
0x1b9: {  	_ =	swait.ge [sflag:s18], $0x4000  }
0x1ba: {  	[sflag:s18] =	ssyncset.done $0x0  }
0x1bb: {  	[sflag:s18] =	ssyncadd.s32 $0xFFFFC000  }
0x1bc: {  	[spmem:s2] =	stream.indirect.scatter.add.f32 [tilespmem:s12], [sflag:$0x3], $0x80, s26, s16, $0xb8;
	[tilespmem:$0x1CC00] =	vst v63  }
0x1bd: {  	_ =	swait.ge [sflag:s19], $0x4000  }
0x1be: {  	[sflag:s19] =	ssyncset.done $0x0  }
0x1bf: {  	[sflag:s19] =	ssyncadd.s32 $0xFFFFC000  }
0x1c0: {  	[tilespmem:s12], [sflag:$0x1] =	stream.indirect.gather [hbm4b:s4+s16], $0x80, s28, s16, $0xb8;
	[tilespmem:$0x1CC00] =	vst v63  }
0x1c1: {  	_ =	swait.ge [sflag:s20], $0x4000  }
0x1c2: {  	[sflag:s20] =	ssyncset.done $0x0  }
0x1c3: {  	[sflag:s20] =	ssyncadd.s32 $0xFFFFC000  }
0x1c4: {  	[spmem:s2] =	stream.indirect.scatter.add.f32 [tilespmem:s17], [sflag:$0x4], $0x80, s29, s16, $0xb8;
	[tilespmem:$0x1CC00] =	vst v63  }
0x1c5: {  	_ =	swait.ge [sflag:s21], $0x4000  }
0x1c6: {  	[sflag:s21] =	ssyncset.done $0x0  }
0x1c7: {  	[sflag:s21] =	ssyncadd.s32 $0xFFFFC000  }
0x1c8: {  	[tilespmem:s17], [sflag:$0x2] =	stream.indirect.gather [hbm4b:s4+s16], $0x80, s30, s16, $0xb8;
	[tilespmem:$0x1CC00] =	vst v63  }
0x1c9: {  	_ =	swait.ge [sflag:s18], $0x4000  }
0x1ca: {  	[sflag:s18] =	ssyncset.done $0x0  }
0x1cb: {  	[sflag:s18] =	ssyncadd.s32 $0xFFFFC000  }
0x1cc: {  	[spmem:s2] =	stream.indirect.scatter.add.f32 [tilespmem:s12], [sflag:$0x3], $0x80, s31, s16, $0xb8;
	[tilespmem:$0x1CC00] =	vst v63  }
0x1cd: {  	_ =	swait.ge [sflag:s19], $0x4000  }
0x1ce: {  	[sflag:s19] =	ssyncset.done $0x0  }
0x1cf: {  	[sflag:s19] =	ssyncadd.s32 $0xFFFFC000  }
0x1d0: {  	[tilespmem:s12], [sflag:$0x1] =	stream.indirect.gather [hbm4b:s4+s16], $0x80, s1, s16, $0xb8;
	[tilespmem:$0x1CC00] =	vst v63  }
0x1d1: {  	_ =	swait.ge [sflag:s20], $0x4000  }
0x1d2: {  	[sflag:s20] =	ssyncset.done $0x0  }
0x1d3: {  	[sflag:s20] =	ssyncadd.s32 $0xFFFFC000  }
0x1d4: {  	[spmem:s2] =	stream.indirect.scatter.add.f32 [tilespmem:s17], [sflag:$0x4], $0x80, s0, s16, $0xb8;
	[tilespmem:$0x1CC00] =	vst v63  }
0x1d5: {  	_ =	swait.ge [sflag:s21], $0x4000  }
0x1d6: {  	[sflag:s21] =	ssyncset.done $0x0  }
0x1d7: {  	[sflag:s21] =	ssyncadd.s32 $0xFFFFC000  }
0x1d8: {  	[tilespmem:s17], [sflag:$0x2] =	stream.indirect.gather [hbm4b:s4+s16], $0x80, s6, s16, $0xb8;
	[tilespmem:$0x1CC00] =	vst v63  }
0x1d9: {  	_ =	swait.ge [sflag:s18], $0x4000  }
0x1da: {  	[sflag:s18] =	ssyncset.done $0x0  }
0x1db: {  	[sflag:s18] =	ssyncadd.s32 $0xFFFFC000  }
0x1dc: {  	[spmem:s2] =	stream.indirect.scatter.add.f32 [tilespmem:s12], [sflag:$0x3], $0x80, s7, s16, $0xb8;
	[tilespmem:$0x1CC00] =	vst v63  }
0x1dd: {  	_ =	swait.ge [sflag:s19], $0x4000  }
0x1de: {  	[sflag:s19] =	ssyncset.done $0x0  }
0x1df: {  	[sflag:s19] =	ssyncadd.s32 $0xFFFFC000  }
0x1e0: {  	_ =	swait.ge [sflag:s20], $0x4000  }
0x1e1: {  	[sflag:s20] =	ssyncset.done $0x0  }
0x1e2: {  	[sflag:s20] =	ssyncadd.s32 $0xFFFFC000  }
0x1e3: {  	[spmem:s2] =	stream.indirect.scatter.add.f32 [tilespmem:s17], [sflag:$0x4], $0x80, s8, s16, $0xb8;
	[tilespmem:$0x1CC00] =	vst v63  }
0x1e4: {  	_ =	swait.ge [sflag:s21], $0x4000  }
0x1e5: {  	[sflag:s21] =	ssyncset.done $0x0  }
0x1e6: {  	[sflag:s21] =	ssyncadd.s32 $0xFFFFC000  }
0x1e7: {  	s10 =	stileid.u32;
	[bflag:$0x0] =	sbarrier.arrive $0xFFFF  }
0x1e8: {  	s5 =	sshll.u32 s10, $0x6;
	s9 =	rddreg [dreg:$0x15]  }
0x1e9: {  	s5 =	sor.u32 $0x1C05, s5;
	s11 =	rddreg [dreg:$0x1a];
	s9 =	sshrl.u32 s9, $0x3  }
0x1ea: {  	[hbm:s11], [sflag:s5] =	dma.local [spmem:s9], $0x2780  }
0x1eb: {  	_ =	swait.ge [sflag:s13], $0x2780  }
0x1ec: {  	s10 =	rddreg [dreg:$0x1c]  }
0x1ed: {  	s11 =	rddreg [dreg:$0x1b];
	s9 =	sadd.s32 $0x1, s10  }
0x1ee: {  	p0 =	sne.s32 s9, s11  }
.Ltmp2:
0x1ef: {  	_ = 	snop;
	(pc) =	sbr.rel @p0 .LBB2_1-.Ltmp2, $3  }
0x1f0: {  	_ =	sdelay $0x1  }
0x1f1: {  	[sflag:s13] =	ssyncset.done $0x0  }
0x1f2: {  	[sflag:s13] =	ssyncadd.s32 $0xFFFFD880  }
0x1f3: {  	_ =	sfence.sel $0x180000  }
0x1f4: {  	[bflag:$0x0] =	sbarrier.arrive $0xFFFF  }
0x1f5: {  	_ =	strace $0x9000004A  }
0x1f6: {  	s0 =	stileid.u32;
	[bflag:$0x2] =	sbarrier.arrive $0xFFFF  }
0x1f7: {  	p0 =	sne.s32 s0, $0x0;
	s0 =	rddreg [dreg:$0x2]  }
0x1f8: {  	s0 =	sadd.s32 @!p0 $0x100000, s0  }
0x1f9: {  	[sflag:s0] =	ssyncadd.tile.s32 @!p0 $0x1;
	_ =	shalt  }
.Lfunc_end2:
_tile_overlayer_lowered:
.L_overlay_start_2:
0x1fa: {  	(tag) =	ssettag $0x2  }
0x1fb: {  	s0 =	rddreg [dreg:$0x0];
	s2 =	stileid.u32  }
0x1fc: {  	s1 =	rddreg [dreg:$0x1];
	p0 =	sne.s32 s2, $0x0  }
0x1fd: {  	s3 =	rddreg [dreg:$0x2];
	[bflag:$0x3] =	sbarrier.arrive $0xFFFF;
	s2 =	simm.s32 @!p0 $0x1C05  }
0x1fe: {  	[timem:s3], [sflag:s2] =	dma.local @!p0 [hbm:s0], s1  }
0x1ff: {  	s0 =	simm.s32 @!p0 $0x5  }
0x200: {  	_ =	swait.ge @!p0 [sflag:s0], s1  }
0x201: {  	s1 =	ssub.s32 @!p0 $0x0, s1;
	[sflag:s0] =	ssyncset.done @!p0 $0x0  }
0x202: {  	[sflag:s0] =	ssyncadd.s32 @!p0 s1  }
0x203: {  	[bflag:$0x3] =	sbarrier.arrive $0xFFFF  }
0x204: {  	_ =	shalt  }

// kernel: sc_segsum_w128.7.cloned.1.call-start
scs
__scs_entry_jumppad:
0x0: {  	(pc) =	sbr.rel $0x88, $3  }
0x1: {  	(tag) =	ssettag $0x0;
	lr =	simm.s32 $0x1  }
0x2: {  	[smem:$0x3F99] =	sst lr;
	_ =	strace $0xD0000000  }
0x3: {  	_ = 	snop  }
0x4: {  	_ = 	snop  }
0x5: {  	_ = 	snop  }
0x6: {  	_ = 	snop  }
0x7: {  	_ = 	snop  }
__scs_overlays_trampoline_lowered:
0x8: {  	[smem:$0x3FA8] =	sst s0  }
0x9: {  	[smem:$0x3FA9] =	sst s1  }
0xa: {  	[smem:$0x3FAA] =	sst s2  }
0xb: {  	[smem:$0x3FAB] =	sst s3  }
0xc: {  	[smem:$0x3FAC] =	sst s4  }
0xd: {  	[smem:$0x3FAD] =	sst s5  }
0xe: {  	[smem:$0x3FAE] =	sst s6  }
0xf: {  	[smem:$0x3FAF] =	sst s7  }
0x10: {  	[smem:$0x3FB0] =	sst s8  }
0x11: {  	[smem:$0x3FB1] =	sst s9;
	s0 =	simm.s32 @!p0 $0x0  }
0x12: {  	s1 =	sld [smem:$0x3F97];
	s0 =	simm.s32 @p0 $0x1  }
0x13: {  	[smem:$0x3FB2] =	sst s0;
	s0 =	simm.s32 @!p1 $0x0  }
0x14: {  	s2 =	sld [smem:$0x3F96];
	s0 =	simm.s32 @p1 $0x1  }
0x15: {  	[smem:$0x3FB3] =	sst s0;
	s0 =	simm.s32 @!p2 $0x0  }
0x16: {  	s3 =	sld [smem:$0x3FDB];
	s0 =	simm.s32 @p2 $0x1  }
0x17: {  	s4 =	simm.s32 $0x1BF5;
	[smem:$0x3FB5] =	sst s0  }
0x18: {  	s0 =	sld [smem:$0x3F98];
	_ =	swait.ge [sflag:s4], $0x0  }
0x19: {  	s7 =	sld [smem:$0x3F99]  }
0x1a: {  	s8 =	sadd.s32 $0xFFFFE003, lr  }
0x1b: {  	s9 =	sadd.s32 $0xFFFFFEF7, lr;
	s5 =	simm.s32 $0xFFFFFFFF;
	p2 =	slt.u32 s8, $0xFFFFF086  }
0x1c: {  	p1 =	slt.u32 s9, $0xF7A;
	s5 =	simm.s32 @!p2 $0x0  }
0x1d: {  	s5 =	simm.s32 @p1 $0x1;
	p0 =	seq.s32 s7, s2  }
0x1e: {  	s7 =	smul.u32 @!p0 $0xF7A, s2;
	p2 =	seq.s32 @!p0 s5, $0x0  }
0x1f: {  	s9 =	smul.u32 $0xF7A, s1;
	s8 =	simm.s32 @!p0 $0x1BF5;
	p2 =	por !p2, p0  }
0x20: {  	[sflag:s8] =	ssyncset.s32 @!p0 $0xFFFFF086;
	s6 =	sadd.s32 @!p0 s3, s7;
	s7 =	simm.s32 @!p0 $0x108  }
0x21: {  	s3 =	sadd.s32 s3, s9;
	s6 =	sadd.s32 @!p0 $0x88, s6;
	s7 =	simm.s32 @p2 $0x1082  }
0x22: {  	[simem:s7], [sflag:s8] =	dma.local @!p0 [hbm:s6], $0xF7A  }
0x23: {  	s9 =	sor.u32 $0xD0000000, s2;
	s6 =	simm.s32 $0x108;
	_ =	swait.ge @!p0 [sflag:s8], $0x0  }
0x24: {  	s3 =	sadd.s32 $0x88, s3;
	s6 =	simm.s32 @!p1 $0x1082;
	[sflag:s4] =	ssyncset.s32 $0xFFFFF086  }
0x25: {  	[simem:s6], [sflag:s4] =	dma.local [hbm:s3], $0xF7A  }
0x26: {  	[smem:$0x3F99] =	sst s1;
	(tag) =	ssettag s2;
	_ =	strace s9  }
0x27: {  	s1 =	sld [smem:$0x3FA9]  }
0x28: {  	s2 =	sld [smem:$0x3FAA]  }
0x29: {  	s4 =	sld [smem:$0x3FAC]  }
0x2a: {  	p0 =	seq.s32 s5, $0x0;
	s5 =	sld [smem:$0x3FAD]  }
0x2b: {  	s6 =	sld [smem:$0x3FAE]  }
0x2c: {  	s7 =	sld [smem:$0x3FAF]  }
0x2d: {  	s3 =	simm.s32 $0x108;
	s8 =	sld [smem:$0x3FB0]  }
0x2e: {  	s3 =	simm.s32 @!p0 $0x1082;
	s9 =	sld [smem:$0x3FB1]  }
0x2f: {  	lr =	sadd.s32 s0, s3;
	s0 =	sld [smem:$0x3FA8]  }
0x30: {  	s3 =	sld [smem:$0x3FAB]  }
0x31: {  	[smem:$0x3FB4] =	sst s10  }
0x32: {  	s10 =	sld [smem:$0x3FB2];
	_ =	sdelay $0x3  }
0x33: {  	p0 =	seq.s32 s10, $0x1;
	s10 =	sld [smem:$0x3FB4];
	_ =	sdelay $0x3  }
0x34: {  	[smem:$0x3FB4] =	sst s10  }
0x35: {  	s10 =	sld [smem:$0x3FB3];
	_ =	sdelay $0x3  }
0x36: {  	p1 =	seq.s32 s10, $0x1;
	s10 =	sld [smem:$0x3FB4];
	_ =	sdelay $0x3  }
0x37: {  	[smem:$0x3FB4] =	sst s10  }
0x38: {  	s10 =	sld [smem:$0x3FB5]  }
0x39: {  	_ = 	snop;
	(pc) =	sbr.ind lr, $3  }
0x3a: {  	_ = 	snop  }
0x3b: {  	_ = 	snop  }
0x3c: {  	p2 =	seq.s32 s10, $0x1;
	s10 =	sld [smem:$0x3FB4]  }
0x3d: {  	_ =	shalt  }
0x3e: {  	_ =	shalt  }
0x3f: {  	_ =	shalt  }
0x40: {  	_ =	shalt  }
0x41: {  	_ =	shalt  }
0x42: {  	_ =	shalt  }
0x43: {  	_ =	shalt  }
0x44: {  	_ =	shalt  }
0x45: {  	_ =	shalt  }
0x46: {  	_ =	shalt  }
0x47: {  	_ =	shalt  }
0x48: {  	_ =	shalt  }
0x49: {  	_ =	shalt  }
0x4a: {  	_ =	shalt  }
0x4b: {  	_ =	shalt  }
0x4c: {  	_ =	shalt  }
0x4d: {  	_ =	shalt  }
0x4e: {  	_ =	shalt  }
0x4f: {  	_ =	shalt  }
0x50: {  	_ =	shalt  }
0x51: {  	_ =	shalt  }
0x52: {  	_ =	shalt  }
0x53: {  	_ =	shalt  }
0x54: {  	_ =	shalt  }
0x55: {  	_ =	shalt  }
0x56: {  	_ =	shalt  }
0x57: {  	_ =	shalt  }
0x58: {  	_ =	shalt  }
0x59: {  	_ =	shalt  }
0x5a: {  	_ =	shalt  }
0x5b: {  	_ =	shalt  }
0x5c: {  	_ =	shalt  }
0x5d: {  	_ =	shalt  }
0x5e: {  	_ =	shalt  }
0x5f: {  	_ =	shalt  }
0x60: {  	_ =	shalt  }
0x61: {  	_ =	shalt  }
0x62: {  	_ =	shalt  }
0x63: {  	_ =	shalt  }
0x64: {  	_ =	shalt  }
0x65: {  	_ =	shalt  }
0x66: {  	_ =	shalt  }
0x67: {  	_ =	shalt  }
0x68: {  	_ =	shalt  }
0x69: {  	_ =	shalt  }
0x6a: {  	_ =	shalt  }
0x6b: {  	_ =	shalt  }
0x6c: {  	_ =	shalt  }
0x6d: {  	_ =	shalt  }
0x6e: {  	_ =	shalt  }
0x6f: {  	_ =	shalt  }
0x70: {  	_ =	shalt  }
0x71: {  	_ =	shalt  }
0x72: {  	_ =	shalt  }
0x73: {  	_ =	shalt  }
0x74: {  	_ =	shalt  }
0x75: {  	_ =	shalt  }
0x76: {  	_ =	shalt  }
0x77: {  	_ =	shalt  }
0x78: {  	_ =	shalt  }
0x79: {  	_ =	shalt  }
0x7a: {  	_ =	shalt  }
0x7b: {  	_ =	shalt  }
0x7c: {  	_ =	shalt  }
0x7d: {  	_ =	shalt  }
0x7e: {  	_ =	shalt  }
0x7f: {  	_ =	shalt  }
0x80: {  	_ =	shalt  }
0x81: {  	_ =	shalt  }
0x82: {  	_ =	shalt  }
0x83: {  	_ =	shalt  }
0x84: {  	_ =	shalt  }
0x85: {  	_ =	shalt  }
0x86: {  	_ =	shalt  }
0x87: {  	_ =	shalt  }
.Lfunc_end0:
.L_simem_size_0:
called_computation.2_lowered:
.L_overlay_start_0:
0x88: {  	s2 =	sld [smem:$0x3FD9]  }
0x89: {  	s3 =	sld [smem:$0x3FFE];
	_ =	sdelay $0x1  }
0x8a: {  	s1 =	srdreg.scid  }
0x8b: {  	s0 =	sand.u32 $0x1, s1  }
0x8c: {  	s17 =	sshll.u32 s0, $0xA;
	s2 =	sadd.s32 s3, s2  }
0x8d: {  	s2 =	sadd.s32 s2, s17  }
0x8e: {  	[smem:$0x3FC0] =	sst s2  }
0x8f: {  	_ = 	snop  }
0x90: {  	s2 =	sld [smem:$0x3FD0];
	(tm) =	ssettm $0x1  }
0x91: {  	s18 =	sld [smem:$0x3FFB];
	_ =	sdelay $0x3  }
0x92: {  	_ =	strace s18  }
0x93: {  	s3 =	sld [smem:$0x3FFC];
	_ =	sdelay $0x3  }
0x94: {  	_ =	strace s3  }
0x95: {  	s3 =	sld [smem:$0x3FFD];
	_ =	sdelay $0x3  }
0x96: {  	_ =	strace s3  }
0x97: {  	_ =	strace $0x8FFFFFFF  }
0x98: {  	s19 =	sld [smem:$0x3FDB];
	_ =	sdelay $0x1  }
0x99: {  	s4 =	simm.s32 $_scs_section_size  }
0x9a: {  	s5 =	simm.s32 $_size__tile_overlayer_lowered;
	s6 =	simm.s32 $_tile_overlayer_lowered  }
0x9b: {  	s22 =	simm.s32 $0x1BFF;
	s21 =	sshll.u32 s6, $0x1;
	s3 =	sadd.s32 s4, s19  }
0x9c: {  	s7 =	simm.s32 $0x0;
	s20 =	sshll.u32 s5, $0x1;
	s5 =	sadd.s32 s21, s3  }
0x9d: {  	[timem:s7], [sflag:s22] =	dma.local [hbm:s5], s20  }
0x9e: {  	_ =	swait.ge [sflag:s22], s20  }
0x9f: {  	s4 =	ssub.s32 $0x0, s20;
	[sflag:s22] =	ssyncset.done $0x0  }
0xa0: {  	[sflag:s22] =	ssyncadd.s32 s4;
	_ =	sdelay $0x1  }
0xa1: {  	s23 =	simm.s32 $0x1B8B  }
0xa2: {  	_ =	swait.ge [sflag:s23], $0x1  }
0xa3: {  	[sflag:s23] =	ssyncset.done $0x0  }
0xa4: {  	s25 =	simm.s32 $0x1B8E;
	s24 =	sld [smem:$0x3FFE];
	[sflag:s23] =	ssyncadd.s32 $0xFFFFFFFF  }
0xa5: {  	s26 =	simm.s32 $execute0_lowered;
	[smem:$0x3FD2] =	sst s25  }
0xa6: {  	s5 =	sshll.u32 s26, $0x1;
	_ =	strace $0x8000004C;
	[dreg:$0x1] =	wrdreg $0xFFFFFFFF  }
0xa7: {  	s28 =	simm.s32 $_size_execute0_lowered;
	s3 =	sadd.s32 s3, s5;
	[dreg:$0x0] =	wrdreg $0x0  }
0xa8: {  	s5 =	sshll.u32 s28, $0x1;
	[dreg:$0x2] =	wrdreg s3  }
0xa9: {  	[dreg:$0x3] =	wrdreg s5  }
0xaa: {  	[dreg:$0x4] =	wrdreg $0xC0  }
0xab: {  	_ =	task [dreg:s7], $0x5FFFF  }
0xac: {  	[dreg:$0x1] =	wrdreg $0xFFFFFFFF  }
0xad: {  	[dreg:$0x0] =	wrdreg $0x60  }
0xae: {  	[dreg:$0x2] =	wrdreg s24  }
0xaf: {  	[dreg:$0x3] =	wrdreg s2  }
0xb0: {  	[dreg:$0x4] =	wrdreg $0x0  }
0xb1: {  	[dreg:$0x5] =	wrdreg $0x9  }
0xb2: {  	_ =	task.clear_ibuf [dreg:s7], $0x6FFFF;
	_ =	strace $0x9000004C  }
0xb3: {  	s29 =	simm.s32 $0x9;
	_ =	strace $0x8000004E  }
0xb4: {  	_ =	swait.ge [sflag:s29], $0x1  }
0xb5: {  	[sflag:s29] =	ssyncadd.s32 $0xFFFFFFFF  }
0xb6: {  	_ =	strace $0x9000004E  }
0xb7: {  	_ =	sfence  }
0xb8: {  	s30 =	sld [smem:$0x0];
	_ =	sdelay $0x2  }
0xb9: {  	s31 =	sshll.u32 s1, $0xD;
	s1 =	sshrl.u32 s1, $0x2  }
0xba: {  	s3 =	sand.u32 $0x4000, s31;
	s1 =	sadd.s32 s1, s30  }
0xbb: {  	s0 =	sor.u32 s3, s0;
	s1 =	sshll.u32 s1, $0x11  }
0xbc: {  	s0 =	sor.u32 s1, s0  }
0xbd: {  	s0 =	sadd.s32 $0x8F2B, s0  }
0xbe: {  	[sflag:s0] =	ssyncadd.remote.s32 $0x1  }
0xbf: {  	_ =	sfence.sel $0xFFFF  }
0xc0: {  	[dreg:$0x0] =	wrdreg $0xFFFFFFFF;
	(pc) =	sbr.abs _section_cstart, $3  }
0xc1: {  	[dreg:$0x1] =	wrdreg $0xFFFFFFFF  }
0xc2: {  	_ =	task.clear_ibuf [dreg:s7], $0x2FFFF;
	_ =	strace $0x9FFFFFFF  }
0xc3: {  	(tm) =	ssettm $0x7FFFFFFF  }
tec
execute0_lowered:
.L_overlay_start_1:
0x0: {  	(tag) =	ssettag $0x1  }
0x1: {  	s11 =	stileid.u32  }
0x2: {  	s0 =	srdreg.scid;
	s1 =	rddreg [dreg:$0x0]  }
0x3: {  	s6 =	rddreg [dreg:$0x1];
	s5 =	smul.u32 $0x500, s11  }
0x4: {  	s2 =	rddreg [dreg:$0x2];
	s3 =	simm.s32 $0x0;
	s8 =	smul.u32 $0x13C00, s11  }
0x5: {  	s13 =	simm.s32 $0x1C580;
	s15 =	simm.s32 $0x13D00;
	s10 =	smul.u32 $0x2800, s11  }
0x6: {  	[smem:$0x7FF] =	sst s3;
	s26 =	smul.u32 $0x4F000, s11;
	s11 =	simm.s32 $0x13C80  }
0x7: {  	s16 =	simm.s32 $0x1C600;
	_ =	strace $0x8000004D;
	[dreg:$0x8] =	wrdreg s11  }
0x8: {  	s17 =	simm.s32 $0x13D80;
	s18 =	simm.s32 $0x1C680;
	[dreg:$0x9] =	wrdreg s13  }
0x9: {  	s19 =	simm.s32 $0x13E00;
	s20 =	simm.s32 $0x1C700;
	[dreg:$0xa] =	wrdreg s15  }
0xa: {  	s21 =	simm.s32 $0x13E80;
	s22 =	simm.s32 $0x1C780;
	[dreg:$0xb] =	wrdreg s16  }
0xb: {  	s28 =	simm.s32 $0x1CA00;
	s29 =	simm.s32 $0x14180;
	[dreg:$0xc] =	wrdreg s17  }
0xc: {  	s30 =	simm.s32 $0x1CA80;
	s0 =	sand.u32 $0x1, s0;
	[dreg:$0xd] =	wrdreg s18  }
0xd: {  	s31 =	simm.s32 $0x14200;
	s7 =	smul.u32 $0x13C000, s0;
	[dreg:$0xe] =	wrdreg s19  }
0xe: {  	s4 =	sadd.s32 $0x1A200, s1;
	s9 =	smul.u32 $0x28000, s0;
	[dreg:$0xf] =	wrdreg s20  }
0xf: {  	s0 =	ssub.s32 $0x2, s0;
	s13 =	simm.s32 $0x5;
	[dreg:$0x10] =	wrdreg s21  }
0x10: {  	s15 =	simm.s32 $0x13C00;
	s16 =	simm.s32 $0x80;
	[dreg:$0x11] =	wrdreg s22  }
0x11: {  	s17 =	simm.s32 $0x18400;
	s18 =	simm.s32 $0x1;
	s19 =	simm.s32 $0x3  }
0x12: {  	s20 =	simm.s32 $0x2;
	s21 =	simm.s32 $0x4;
	s5 =	sadd.s32 s5, s1  }
0x13: {  	s22 =	simm.s32 $0x14000;
	s25 =	sshrl.u32 s0, $0x1;
	s5 =	sadd.s32 $0xB7400, s5  }
0x14: {  	s7 =	sadd.s32 s8, s7;
	s8 =	simm.s32 $0x1C480;
	[dreg:$0x5] =	wrdreg s5  }
0x15: {  	s23 =	sadd.s32 s9, s10;
	s9 =	simm.s32 $0x1C500;
	[dreg:$0x6] =	wrdreg s8  }
0x16: {  	s0 =	ssub.s32 s0, s25;
	s25 =	simm.s32 $0x13F80;
	[dreg:$0x7] =	wrdreg s9  }
0x17: {  	s7 =	sshrl.u32 s7, $0x3;
	s0 =	smax.u32 s0, $0x1;
	[dreg:$0x14] =	wrdreg s25  }
0x18: {  	s24 =	sshrl.u32 s23, $0x3;
	s23 =	simm.s32 $0x13F00;
	[dreg:$0x1c] =	wrdreg s0  }
0x19: {  	s25 =	simm.s32 $0x1C980;
	s6 =	sadd.s32 s24, s6;
	[dreg:$0x12] =	wrdreg s23  }
0x1a: {  	s1 =	sadd.s32 s7, s1;
	s24 =	simm.s32 $0x1C800;
	[dreg:$0x4] =	wrdreg s6  }
0x1b: {  	s7 =	sshrl.u32 s26, $0x2;
	s26 =	simm.s32 $0x1C880;
	[dreg:$0x13] =	wrdreg s24  }
0x1c: {  	s8 =	simm.s32 $0x14380;
	s6 =	sadd.s32 s7, s2;
	[dreg:$0x15] =	wrdreg s26  }
0x1d: {  	s9 =	simm.s32 $0x0;
	s1 =	sadd.s32 $0x68400, s1;
	[dreg:$0x16] =	wrdreg s6  }
0x1e: {  	s23 =	simm.s32 $0x1C900;
	s10 =	sadd.s32 $0x4000, s6;
	[dreg:$0x1b] =	wrdreg s1  }
0x1f: {  	s0 =	simm.s32 $0x14280;
	s12 =	sadd.s32 $0x8000, s6;
	[dreg:$0x17] =	wrdreg s10  }
0x20: {  	s24 =	simm.s32 $0x14080;
	s14 =	sadd.s32 $0xC000, s6;
	[dreg:$0x18] =	wrdreg s12  }
0x21: {  	s26 =	simm.s32 $0x14100;
	s6 =	sadd.s32 $0x10000, s6;
	[dreg:$0x19] =	wrdreg s14  }
0x22: {  	s7 =	simm.s32 $0x14300;
	s1 =	simm.s32 $0x1CB00;
	[dreg:$0x1a] =	wrdreg s6  }
0x23: {  	v0 =	vimm.f32 $0.0e+00;
	s12 =	simm.s32 $0x14400;
	s14 =	simm.s32 $0x1C400;
	s6 =	simm.s32 $0x1CB80  }
.LBB2_1:
0x24: {  	s10 =	simm.s32 $0x0;
	s11 =	simm.s32 $0x200  }
.LBB2_2:
0x25: {  	p0 =	sne.s32 s11, $0xFE00;
	[tilespmem:s10+$0x14470] =	vst v0  }
0x26: {  	[tilespmem:s10+$0x14400] =	vst v0  }
0x27: {  	[tilespmem:s10+$0x14410] =	vst v0  }
.Ltmp0:
0x28: {  	[tilespmem:s10+$0x14420] =	vst v0;
	(pc) =	sbr.rel @p0 .LBB2_2-.Ltmp0, $4  }
0x29: {  	[tilespmem:s10+$0x14430] =	vst v0  }
0x2a: {  	[tilespmem:s10+$0x14440] =	vst v0  }
0x2b: {  	[tilespmem:s10+$0x14450] =	vst v0  }
0x2c: {  	[tilespmem:s10+$0x14460] =	vst v0;
	s10 =	sshra.s32 s11, $0x2;
	s11 =	sadd.s32 $0x200, s11  }
0x2d: {  	[tilespmem:s10+$0x14470] =	vst v0  }
0x2e: {  	[tilespmem:s10+$0x14400] =	vst v0  }
0x2f: {  	[tilespmem:s10+$0x14410] =	vst v0  }
0x30: {  	[tilespmem:s10+$0x14420] =	vst v0  }
0x31: {  	[tilespmem:s10+$0x14430] =	vst v0  }
0x32: {  	[tilespmem:s10+$0x14440] =	vst v0  }
0x33: {  	[dreg:$0x1d] =	wrdreg s9;
	[tilespmem:s10+$0x14450] =	vst v0  }
0x34: {  	[tilespmem:s10+$0x14460] =	vst v0;
	s5 =	rddreg [dreg:$0x16]  }
0x35: {  	[spmem:s5] =	stream.linear.scatter [tilespmem:s12], [sflag:$0x5], $0x4000, $0x38;
	[tilespmem:$0x1CC00] =	vst v63  }
0x36: {  	_ =	swait.ge [sflag:s13], $0x4000  }
0x37: {  	[sflag:s13] =	ssyncset.done $0x0  }
0x38: {  	s11 =	rddreg [dreg:$0x17];
	[sflag:s13] =	ssyncadd.s32 $0xFFFFC000  }
0x39: {  	[spmem:s11] =	stream.linear.scatter [tilespmem:s12], [sflag:$0x5], $0x4000, $0x38;
	[tilespmem:$0x1CC00] =	vst v63  }
0x3a: {  	_ =	swait.ge [sflag:s13], $0x4000  }
0x3b: {  	[sflag:s13] =	ssyncset.done $0x0  }
0x3c: {  	s9 =	rddreg [dreg:$0x18];
	[sflag:s13] =	ssyncadd.s32 $0xFFFFC000  }
0x3d: {  	[spmem:s9] =	stream.linear.scatter [tilespmem:s12], [sflag:$0x5], $0x4000, $0x38;
	[tilespmem:$0x1CC00] =	vst v63  }
0x3e: {  	_ =	swait.ge [sflag:s13], $0x4000  }
0x3f: {  	[sflag:s13] =	ssyncset.done $0x0  }
0x40: {  	s10 =	rddreg [dreg:$0x19];
	[sflag:s13] =	ssyncadd.s32 $0xFFFFC000  }
0x41: {  	[spmem:s10] =	stream.linear.scatter [tilespmem:s12], [sflag:$0x5], $0x4000, $0x38;
	[tilespmem:$0x1CC00] =	vst v63  }
0x42: {  	_ =	swait.ge [sflag:s13], $0x4000  }
0x43: {  	[sflag:s13] =	ssyncset.done $0x0  }
0x44: {  	s11 =	rddreg [dreg:$0x1a];
	[sflag:s13] =	ssyncadd.s32 $0xFFFFC000  }
0x45: {  	[spmem:s11] =	stream.linear.scatter [tilespmem:s12], [sflag:$0x5], $0x3C00, $0x38;
	[tilespmem:$0x1CC00] =	vst v63  }
0x46: {  	_ =	swait.ge [sflag:s13], $0x3C00  }
0x47: {  	[sflag:s13] =	ssyncset.done $0x0  }
0x48: {  	[sflag:s13] =	ssyncadd.s32 $0xFFFFC400  }
0x49: {  	[bflag:$0x0] =	sbarrier.arrive $0xFFFF  }
0x4a: {  	s9 =	rddreg [dreg:$0x4]  }
0x4b: {  	s5 =	sadd.s32 $0x0, s9  }
0x4c: {  	[tilespmem:s14], [sflag:$0x5] =	stream.linear.gather [hbm4b:s5+s3], $0x800, $0x38;
	[tilespmem:$0x1CC00] =	vst v63  }
0x4d: {  	_ =	swait.ge [sflag:s13], $0x800  }
0x4e: {  	s10 =	rddreg [dreg:$0x5];
	[sflag:s13] =	ssyncset.done $0x0  }
0x4f: {  	[sflag:s13] =	ssyncadd.s32 $0xFFFFF800;
	s5 =	sadd.s32 $0x0, s10  }
0x50: {  	[tilespmem:s15], [sflag:$0x5] =	stream.linear.gather [hbm4b:s5+s3], $0x800, $0x38;
	[tilespmem:$0x1CC00] =	vst v63  }
0x51: {  	_ =	swait.ge [sflag:s13], $0x800  }
0x52: {  	[sflag:s13] =	ssyncset.done $0x0  }
0x53: {  	[sflag:s13] =	ssyncadd.s32 $0xFFFFF800  }
0x54: {  	[tilespmem:s12], [sflag:$0x1] =	stream.indirect.gather [hbm4b:s4+s16], $0x80, s14, s16, $0xb8;
	[tilespmem:$0x1CC00] =	vst v63  }
0x55: {  	s11 =	rddreg [dreg:$0x6]  }
0x56: {  	[tilespmem:s17], [sflag:$0x2] =	stream.indirect.gather [hbm4b:s4+s16], $0x80, s11, s16, $0xb8;
	[tilespmem:$0x1CC00] =	vst v63  }
0x57: {  	_ =	swait.ge [sflag:s18], $0x4000  }
0x58: {  	[sflag:s18] =	ssyncset.done $0x0  }
0x59: {  	[sflag:s18] =	ssyncadd.s32 $0xFFFFC000  }
0x5a: {  	[spmem:s2] =	stream.indirect.scatter.add.f32 [tilespmem:s12], [sflag:$0x3], $0x80, s15, s16, $0xb8;
	[tilespmem:$0x1CC00] =	vst v63  }
0x5b: {  	_ =	swait.ge [sflag:s19], $0x4000  }
0x5c: {  	[sflag:s19] =	ssyncset.done $0x0  }
0x5d: {  	s9 =	rddreg [dreg:$0x7];
	[sflag:s19] =	ssyncadd.s32 $0xFFFFC000  }
0x5e: {  	[tilespmem:s12], [sflag:$0x1] =	stream.indirect.gather [hbm4b:s4+s16], $0x80, s9, s16, $0xb8;
	[tilespmem:$0x1CC00] =	vst v63  }
0x5f: {  	_ =	swait.ge [sflag:s20], $0x4000  }
0x60: {  	[sflag:s20] =	ssyncset.done $0x0  }
0x61: {  	s10 =	rddreg [dreg:$0x8];
	[sflag:s20] =	ssyncadd.s32 $0xFFFFC000  }
0x62: {  	[spmem:s2] =	stream.indirect.scatter.add.f32 [tilespmem:s17], [sflag:$0x4], $0x80, s10, s16, $0xb8;
	[tilespmem:$0x1CC00] =	vst v63  }
0x63: {  	_ =	swait.ge [sflag:s21], $0x4000  }
0x64: {  	[sflag:s21] =	ssyncset.done $0x0  }
0x65: {  	s11 =	rddreg [dreg:$0x9];
	[sflag:s21] =	ssyncadd.s32 $0xFFFFC000  }
0x66: {  	[tilespmem:s17], [sflag:$0x2] =	stream.indirect.gather [hbm4b:s4+s16], $0x80, s11, s16, $0xb8;
	[tilespmem:$0x1CC00] =	vst v63  }
0x67: {  	_ =	swait.ge [sflag:s18], $0x4000  }
0x68: {  	[sflag:s18] =	ssyncset.done $0x0  }
0x69: {  	s9 =	rddreg [dreg:$0xa];
	[sflag:s18] =	ssyncadd.s32 $0xFFFFC000  }
0x6a: {  	[spmem:s2] =	stream.indirect.scatter.add.f32 [tilespmem:s12], [sflag:$0x3], $0x80, s9, s16, $0xb8;
	[tilespmem:$0x1CC00] =	vst v63  }
0x6b: {  	_ =	swait.ge [sflag:s19], $0x4000  }
0x6c: {  	[sflag:s19] =	ssyncset.done $0x0  }
0x6d: {  	s10 =	rddreg [dreg:$0xb];
	[sflag:s19] =	ssyncadd.s32 $0xFFFFC000  }
0x6e: {  	[tilespmem:s12], [sflag:$0x1] =	stream.indirect.gather [hbm4b:s4+s16], $0x80, s10, s16, $0xb8;
	[tilespmem:$0x1CC00] =	vst v63  }
0x6f: {  	_ =	swait.ge [sflag:s20], $0x4000  }
0x70: {  	[sflag:s20] =	ssyncset.done $0x0  }
0x71: {  	s11 =	rddreg [dreg:$0xc];
	[sflag:s20] =	ssyncadd.s32 $0xFFFFC000  }
0x72: {  	[spmem:s2] =	stream.indirect.scatter.add.f32 [tilespmem:s17], [sflag:$0x4], $0x80, s11, s16, $0xb8;
	[tilespmem:$0x1CC00] =	vst v63  }
0x73: {  	_ =	swait.ge [sflag:s21], $0x4000  }
0x74: {  	[sflag:s21] =	ssyncset.done $0x0  }
0x75: {  	s9 =	rddreg [dreg:$0xd];
	[sflag:s21] =	ssyncadd.s32 $0xFFFFC000  }
0x76: {  	[tilespmem:s17], [sflag:$0x2] =	stream.indirect.gather [hbm4b:s4+s16], $0x80, s9, s16, $0xb8;
	[tilespmem:$0x1CC00] =	vst v63  }
0x77: {  	_ =	swait.ge [sflag:s18], $0x4000  }
0x78: {  	[sflag:s18] =	ssyncset.done $0x0  }
0x79: {  	s10 =	rddreg [dreg:$0xe];
	[sflag:s18] =	ssyncadd.s32 $0xFFFFC000  }
0x7a: {  	[spmem:s2] =	stream.indirect.scatter.add.f32 [tilespmem:s12], [sflag:$0x3], $0x80, s10, s16, $0xb8;
	[tilespmem:$0x1CC00] =	vst v63  }
0x7b: {  	_ =	swait.ge [sflag:s19], $0x4000  }
0x7c: {  	[sflag:s19] =	ssyncset.done $0x0  }
0x7d: {  	s11 =	rddreg [dreg:$0xf];
	[sflag:s19] =	ssyncadd.s32 $0xFFFFC000  }
0x7e: {  	[tilespmem:s12], [sflag:$0x1] =	stream.indirect.gather [hbm4b:s4+s16], $0x80, s11, s16, $0xb8;
	[tilespmem:$0x1CC00] =	vst v63  }
0x7f: {  	_ =	swait.ge [sflag:s20], $0x4000  }
0x80: {  	[sflag:s20] =	ssyncset.done $0x0  }
0x81: {  	s9 =	rddreg [dreg:$0x10];
	[sflag:s20] =	ssyncadd.s32 $0xFFFFC000  }
0x82: {  	[spmem:s2] =	stream.indirect.scatter.add.f32 [tilespmem:s17], [sflag:$0x4], $0x80, s9, s16, $0xb8;
	[tilespmem:$0x1CC00] =	vst v63  }
0x83: {  	_ =	swait.ge [sflag:s21], $0x4000  }
0x84: {  	[sflag:s21] =	ssyncset.done $0x0  }
0x85: {  	s10 =	rddreg [dreg:$0x11];
	[sflag:s21] =	ssyncadd.s32 $0xFFFFC000  }
0x86: {  	[tilespmem:s17], [sflag:$0x2] =	stream.indirect.gather [hbm4b:s4+s16], $0x80, s10, s16, $0xb8;
	[tilespmem:$0x1CC00] =	vst v63  }
0x87: {  	_ =	swait.ge [sflag:s18], $0x4000  }
0x88: {  	[sflag:s18] =	ssyncset.done $0x0  }
0x89: {  	s11 =	rddreg [dreg:$0x12];
	[sflag:s18] =	ssyncadd.s32 $0xFFFFC000  }
0x8a: {  	[spmem:s2] =	stream.indirect.scatter.add.f32 [tilespmem:s12], [sflag:$0x3], $0x80, s11, s16, $0xb8;
	[tilespmem:$0x1CC00] =	vst v63  }
0x8b: {  	_ =	swait.ge [sflag:s19], $0x4000  }
0x8c: {  	[sflag:s19] =	ssyncset.done $0x0  }
0x8d: {  	s9 =	rddreg [dreg:$0x13];
	[sflag:s19] =	ssyncadd.s32 $0xFFFFC000  }
0x8e: {  	[tilespmem:s12], [sflag:$0x1] =	stream.indirect.gather [hbm4b:s4+s16], $0x80, s9, s16, $0xb8;
	[tilespmem:$0x1CC00] =	vst v63  }
0x8f: {  	_ =	swait.ge [sflag:s20], $0x4000  }
0x90: {  	[sflag:s20] =	ssyncset.done $0x0  }
0x91: {  	s10 =	rddreg [dreg:$0x14];
	[sflag:s20] =	ssyncadd.s32 $0xFFFFC000  }
0x92: {  	[spmem:s2] =	stream.indirect.scatter.add.f32 [tilespmem:s17], [sflag:$0x4], $0x80, s10, s16, $0xb8;
	[tilespmem:$0x1CC00] =	vst v63  }
0x93: {  	_ =	swait.ge [sflag:s21], $0x4000  }
0x94: {  	[sflag:s21] =	ssyncset.done $0x0  }
0x95: {  	s11 =	rddreg [dreg:$0x15];
	[sflag:s21] =	ssyncadd.s32 $0xFFFFC000  }
0x96: {  	[tilespmem:s17], [sflag:$0x2] =	stream.indirect.gather [hbm4b:s4+s16], $0x80, s11, s16, $0xb8;
	[tilespmem:$0x1CC00] =	vst v63  }
0x97: {  	_ =	swait.ge [sflag:s18], $0x4000  }
0x98: {  	[sflag:s18] =	ssyncset.done $0x0  }
0x99: {  	[sflag:s18] =	ssyncadd.s32 $0xFFFFC000  }
0x9a: {  	[spmem:s2] =	stream.indirect.scatter.add.f32 [tilespmem:s12], [sflag:$0x3], $0x80, s22, s16, $0xb8;
	[tilespmem:$0x1CC00] =	vst v63  }
0x9b: {  	_ =	swait.ge [sflag:s19], $0x4000  }
0x9c: {  	[sflag:s19] =	ssyncset.done $0x0  }
0x9d: {  	[sflag:s19] =	ssyncadd.s32 $0xFFFFC000  }
0x9e: {  	[tilespmem:s12], [sflag:$0x1] =	stream.indirect.gather [hbm4b:s4+s16], $0x80, s23, s16, $0xb8;
	[tilespmem:$0x1CC00] =	vst v63  }
0x9f: {  	_ =	swait.ge [sflag:s20], $0x4000  }
0xa0: {  	[sflag:s20] =	ssyncset.done $0x0  }
0xa1: {  	[sflag:s20] =	ssyncadd.s32 $0xFFFFC000  }
0xa2: {  	[spmem:s2] =	stream.indirect.scatter.add.f32 [tilespmem:s17], [sflag:$0x4], $0x80, s24, s16, $0xb8;
	[tilespmem:$0x1CC00] =	vst v63  }
0xa3: {  	_ =	swait.ge [sflag:s21], $0x4000  }
0xa4: {  	[sflag:s21] =	ssyncset.done $0x0  }
0xa5: {  	[sflag:s21] =	ssyncadd.s32 $0xFFFFC000  }
0xa6: {  	[tilespmem:s17], [sflag:$0x2] =	stream.indirect.gather [hbm4b:s4+s16], $0x80, s25, s16, $0xb8;
	[tilespmem:$0x1CC00] =	vst v63  }
0xa7: {  	_ =	swait.ge [sflag:s18], $0x4000  }
0xa8: {  	[sflag:s18] =	ssyncset.done $0x0  }
0xa9: {  	[sflag:s18] =	ssyncadd.s32 $0xFFFFC000  }
0xaa: {  	[spmem:s2] =	stream.indirect.scatter.add.f32 [tilespmem:s12], [sflag:$0x3], $0x80, s26, s16, $0xb8;
	[tilespmem:$0x1CC00] =	vst v63  }
0xab: {  	_ =	swait.ge [sflag:s19], $0x4000  }
0xac: {  	[sflag:s19] =	ssyncset.done $0x0  }
0xad: {  	[sflag:s19] =	ssyncadd.s32 $0xFFFFC000  }
0xae: {  	[tilespmem:s12], [sflag:$0x1] =	stream.indirect.gather [hbm4b:s4+s16], $0x80, s28, s16, $0xb8;
	[tilespmem:$0x1CC00] =	vst v63  }
0xaf: {  	_ =	swait.ge [sflag:s20], $0x4000  }
0xb0: {  	[sflag:s20] =	ssyncset.done $0x0  }
0xb1: {  	[sflag:s20] =	ssyncadd.s32 $0xFFFFC000  }
0xb2: {  	[spmem:s2] =	stream.indirect.scatter.add.f32 [tilespmem:s17], [sflag:$0x4], $0x80, s29, s16, $0xb8;
	[tilespmem:$0x1CC00] =	vst v63  }
0xb3: {  	_ =	swait.ge [sflag:s21], $0x4000  }
0xb4: {  	[sflag:s21] =	ssyncset.done $0x0  }
0xb5: {  	[sflag:s21] =	ssyncadd.s32 $0xFFFFC000  }
0xb6: {  	[tilespmem:s17], [sflag:$0x2] =	stream.indirect.gather [hbm4b:s4+s16], $0x80, s30, s16, $0xb8;
	[tilespmem:$0x1CC00] =	vst v63  }
0xb7: {  	_ =	swait.ge [sflag:s18], $0x4000  }
0xb8: {  	[sflag:s18] =	ssyncset.done $0x0  }
0xb9: {  	[sflag:s18] =	ssyncadd.s32 $0xFFFFC000  }
0xba: {  	[spmem:s2] =	stream.indirect.scatter.add.f32 [tilespmem:s12], [sflag:$0x3], $0x80, s31, s16, $0xb8;
	[tilespmem:$0x1CC00] =	vst v63  }
0xbb: {  	_ =	swait.ge [sflag:s19], $0x4000  }
0xbc: {  	[sflag:s19] =	ssyncset.done $0x0  }
0xbd: {  	[sflag:s19] =	ssyncadd.s32 $0xFFFFC000  }
0xbe: {  	[tilespmem:s12], [sflag:$0x1] =	stream.indirect.gather [hbm4b:s4+s16], $0x80, s1, s16, $0xb8;
	[tilespmem:$0x1CC00] =	vst v63  }
0xbf: {  	_ =	swait.ge [sflag:s20], $0x4000  }
0xc0: {  	[sflag:s20] =	ssyncset.done $0x0  }
0xc1: {  	[sflag:s20] =	ssyncadd.s32 $0xFFFFC000  }
0xc2: {  	[spmem:s2] =	stream.indirect.scatter.add.f32 [tilespmem:s17], [sflag:$0x4], $0x80, s0, s16, $0xb8;
	[tilespmem:$0x1CC00] =	vst v63  }
0xc3: {  	_ =	swait.ge [sflag:s21], $0x4000  }
0xc4: {  	[sflag:s21] =	ssyncset.done $0x0  }
0xc5: {  	[sflag:s21] =	ssyncadd.s32 $0xFFFFC000  }
0xc6: {  	[tilespmem:s17], [sflag:$0x2] =	stream.indirect.gather [hbm4b:s4+s16], $0x80, s6, s16, $0xb8;
	[tilespmem:$0x1CC00] =	vst v63  }
0xc7: {  	_ =	swait.ge [sflag:s18], $0x4000  }
0xc8: {  	[sflag:s18] =	ssyncset.done $0x0  }
0xc9: {  	[sflag:s18] =	ssyncadd.s32 $0xFFFFC000  }
0xca: {  	[spmem:s2] =	stream.indirect.scatter.add.f32 [tilespmem:s12], [sflag:$0x3], $0x80, s7, s16, $0xb8;
	[tilespmem:$0x1CC00] =	vst v63  }
0xcb: {  	_ =	swait.ge [sflag:s19], $0x4000  }
0xcc: {  	[sflag:s19] =	ssyncset.done $0x0  }
0xcd: {  	[sflag:s19] =	ssyncadd.s32 $0xFFFFC000  }
0xce: {  	_ =	swait.ge [sflag:s20], $0x4000  }
0xcf: {  	[sflag:s20] =	ssyncset.done $0x0  }
0xd0: {  	[sflag:s20] =	ssyncadd.s32 $0xFFFFC000  }
0xd1: {  	[spmem:s2] =	stream.indirect.scatter.add.f32 [tilespmem:s17], [sflag:$0x4], $0x80, s8, s16, $0xb8;
	[tilespmem:$0x1CC00] =	vst v63  }
0xd2: {  	s10 =	simm.s32 $0x100;
	_ =	swait.ge [sflag:s21], $0x4000  }
0xd3: {  	s11 =	simm.s32 $0x200;
	s5 =	rddreg [dreg:$0x4];
	[sflag:s21] =	ssyncset.done $0x0  }
.LBB2_4:
0xd4: {  	[sflag:s21] =	ssyncadd.s32 $0xFFFFC000;
	s5 =	sadd.s32 s10, s5  }
0xd5: {  	[tilespmem:s14], [sflag:$0x5] =	stream.linear.gather [hbm4b:s5+s3], $0x800, $0x38;
	[tilespmem:$0x1CC00] =	vst v63  }
0xd6: {  	_ =	swait.ge [sflag:s13], $0x800  }
0xd7: {  	s5 =	rddreg [dreg:$0x5];
	[sflag:s13] =	ssyncset.done $0x0  }
0xd8: {  	[sflag:s13] =	ssyncadd.s32 $0xFFFFF800;
	s5 =	sadd.s32 s10, s5  }
0xd9: {  	[tilespmem:s15], [sflag:$0x5] =	stream.linear.gather [hbm4b:s5+s3], $0x800, $0x38;
	[tilespmem:$0x1CC00] =	vst v63  }
0xda: {  	_ =	swait.ge [sflag:s13], $0x800  }
0xdb: {  	[sflag:s13] =	ssyncset.done $0x0  }
0xdc: {  	s9 =	smov.u32 s11;
	[sflag:s13] =	ssyncadd.s32 $0xFFFFF800  }
0xdd: {  	[tilespmem:s12], [sflag:$0x1] =	stream.indirect.gather [hbm4b:s4+s16], $0x80, s14, s16, $0xb8;
	[tilespmem:$0x1CC00] =	vst v63  }
0xde: {  	s10 =	smov.u32 s9;
	s9 =	rddreg [dreg:$0x6]  }
0xdf: {  	[tilespmem:s17], [sflag:$0x2] =	stream.indirect.gather [hbm4b:s4+s16], $0x80, s9, s16, $0xb8;
	[tilespmem:$0x1CC00] =	vst v63  }
0xe0: {  	_ =	swait.ge [sflag:s18], $0x4000  }
0xe1: {  	[sflag:s18] =	ssyncset.done $0x0  }
0xe2: {  	[sflag:s18] =	ssyncadd.s32 $0xFFFFC000  }
0xe3: {  	[spmem:s2] =	stream.indirect.scatter.add.f32 [tilespmem:s12], [sflag:$0x3], $0x80, s15, s16, $0xb8;
	[tilespmem:$0x1CC00] =	vst v63  }
0xe4: {  	_ =	swait.ge [sflag:s19], $0x4000  }
0xe5: {  	[sflag:s19] =	ssyncset.done $0x0  }
0xe6: {  	s9 =	rddreg [dreg:$0x7];
	[sflag:s19] =	ssyncadd.s32 $0xFFFFC000  }
0xe7: {  	[tilespmem:s12], [sflag:$0x1] =	stream.indirect.gather [hbm4b:s4+s16], $0x80, s9, s16, $0xb8;
	[tilespmem:$0x1CC00] =	vst v63  }
0xe8: {  	_ =	swait.ge [sflag:s20], $0x4000  }
0xe9: {  	[sflag:s20] =	ssyncset.done $0x0  }
0xea: {  	s9 =	rddreg [dreg:$0x8];
	[sflag:s20] =	ssyncadd.s32 $0xFFFFC000  }
0xeb: {  	[spmem:s2] =	stream.indirect.scatter.add.f32 [tilespmem:s17], [sflag:$0x4], $0x80, s9, s16, $0xb8;
	[tilespmem:$0x1CC00] =	vst v63  }
0xec: {  	_ =	swait.ge [sflag:s21], $0x4000  }
0xed: {  	[sflag:s21] =	ssyncset.done $0x0  }
0xee: {  	s9 =	rddreg [dreg:$0x9];
	[sflag:s21] =	ssyncadd.s32 $0xFFFFC000  }
0xef: {  	[tilespmem:s17], [sflag:$0x2] =	stream.indirect.gather [hbm4b:s4+s16], $0x80, s9, s16, $0xb8;
	[tilespmem:$0x1CC00] =	vst v63  }
0xf0: {  	_ =	swait.ge [sflag:s18], $0x4000  }
0xf1: {  	[sflag:s18] =	ssyncset.done $0x0  }
0xf2: {  	s9 =	rddreg [dreg:$0xa];
	[sflag:s18] =	ssyncadd.s32 $0xFFFFC000  }
0xf3: {  	[spmem:s2] =	stream.indirect.scatter.add.f32 [tilespmem:s12], [sflag:$0x3], $0x80, s9, s16, $0xb8;
	[tilespmem:$0x1CC00] =	vst v63  }
0xf4: {  	_ =	swait.ge [sflag:s19], $0x4000  }
0xf5: {  	[sflag:s19] =	ssyncset.done $0x0  }
0xf6: {  	s9 =	rddreg [dreg:$0xb];
	[sflag:s19] =	ssyncadd.s32 $0xFFFFC000  }
0xf7: {  	[tilespmem:s12], [sflag:$0x1] =	stream.indirect.gather [hbm4b:s4+s16], $0x80, s9, s16, $0xb8;
	[tilespmem:$0x1CC00] =	vst v63  }
0xf8: {  	_ =	swait.ge [sflag:s20], $0x4000  }
0xf9: {  	[sflag:s20] =	ssyncset.done $0x0  }
0xfa: {  	s9 =	rddreg [dreg:$0xc];
	[sflag:s20] =	ssyncadd.s32 $0xFFFFC000  }
0xfb: {  	[spmem:s2] =	stream.indirect.scatter.add.f32 [tilespmem:s17], [sflag:$0x4], $0x80, s9, s16, $0xb8;
	[tilespmem:$0x1CC00] =	vst v63  }
0xfc: {  	_ =	swait.ge [sflag:s21], $0x4000  }
0xfd: {  	[sflag:s21] =	ssyncset.done $0x0  }
0xfe: {  	s9 =	rddreg [dreg:$0xd];
	[sflag:s21] =	ssyncadd.s32 $0xFFFFC000  }
0xff: {  	[tilespmem:s17], [sflag:$0x2] =	stream.indirect.gather [hbm4b:s4+s16], $0x80, s9, s16, $0xb8;
	[tilespmem:$0x1CC00] =	vst v63  }
0x100: {  	_ =	swait.ge [sflag:s18], $0x4000  }
0x101: {  	[sflag:s18] =	ssyncset.done $0x0  }
0x102: {  	s9 =	rddreg [dreg:$0xe];
	[sflag:s18] =	ssyncadd.s32 $0xFFFFC000  }
0x103: {  	[spmem:s2] =	stream.indirect.scatter.add.f32 [tilespmem:s12], [sflag:$0x3], $0x80, s9, s16, $0xb8;
	[tilespmem:$0x1CC00] =	vst v63  }
0x104: {  	_ =	swait.ge [sflag:s19], $0x4000  }
0x105: {  	[sflag:s19] =	ssyncset.done $0x0  }
0x106: {  	s9 =	rddreg [dreg:$0xf];
	[sflag:s19] =	ssyncadd.s32 $0xFFFFC000  }
0x107: {  	[tilespmem:s12], [sflag:$0x1] =	stream.indirect.gather [hbm4b:s4+s16], $0x80, s9, s16, $0xb8;
	[tilespmem:$0x1CC00] =	vst v63  }
0x108: {  	_ =	swait.ge [sflag:s20], $0x4000  }
0x109: {  	[sflag:s20] =	ssyncset.done $0x0  }
0x10a: {  	s9 =	rddreg [dreg:$0x10];
	[sflag:s20] =	ssyncadd.s32 $0xFFFFC000  }
0x10b: {  	[spmem:s2] =	stream.indirect.scatter.add.f32 [tilespmem:s17], [sflag:$0x4], $0x80, s9, s16, $0xb8;
	[tilespmem:$0x1CC00] =	vst v63  }
0x10c: {  	_ =	swait.ge [sflag:s21], $0x4000  }
0x10d: {  	[sflag:s21] =	ssyncset.done $0x0  }
0x10e: {  	s9 =	rddreg [dreg:$0x11];
	[sflag:s21] =	ssyncadd.s32 $0xFFFFC000  }
0x10f: {  	[tilespmem:s17], [sflag:$0x2] =	stream.indirect.gather [hbm4b:s4+s16], $0x80, s9, s16, $0xb8;
	[tilespmem:$0x1CC00] =	vst v63  }
0x110: {  	_ =	swait.ge [sflag:s18], $0x4000  }
0x111: {  	[sflag:s18] =	ssyncset.done $0x0  }
0x112: {  	s9 =	rddreg [dreg:$0x12];
	[sflag:s18] =	ssyncadd.s32 $0xFFFFC000  }
0x113: {  	[spmem:s2] =	stream.indirect.scatter.add.f32 [tilespmem:s12], [sflag:$0x3], $0x80, s9, s16, $0xb8;
	[tilespmem:$0x1CC00] =	vst v63  }
0x114: {  	_ =	swait.ge [sflag:s19], $0x4000  }
0x115: {  	[sflag:s19] =	ssyncset.done $0x0  }
0x116: {  	s9 =	rddreg [dreg:$0x13];
	[sflag:s19] =	ssyncadd.s32 $0xFFFFC000  }
0x117: {  	[tilespmem:s12], [sflag:$0x1] =	stream.indirect.gather [hbm4b:s4+s16], $0x80, s9, s16, $0xb8;
	[tilespmem:$0x1CC00] =	vst v63  }
0x118: {  	_ =	swait.ge [sflag:s20], $0x4000  }
0x119: {  	[sflag:s20] =	ssyncset.done $0x0  }
0x11a: {  	s9 =	rddreg [dreg:$0x14];
	[sflag:s20] =	ssyncadd.s32 $0xFFFFC000  }
0x11b: {  	[spmem:s2] =	stream.indirect.scatter.add.f32 [tilespmem:s17], [sflag:$0x4], $0x80, s9, s16, $0xb8;
	[tilespmem:$0x1CC00] =	vst v63  }
0x11c: {  	_ =	swait.ge [sflag:s21], $0x4000  }
0x11d: {  	[sflag:s21] =	ssyncset.done $0x0  }
0x11e: {  	s9 =	rddreg [dreg:$0x15];
	[sflag:s21] =	ssyncadd.s32 $0xFFFFC000  }
0x11f: {  	[tilespmem:s17], [sflag:$0x2] =	stream.indirect.gather [hbm4b:s4+s16], $0x80, s9, s16, $0xb8;
	[tilespmem:$0x1CC00] =	vst v63  }
0x120: {  	_ =	swait.ge [sflag:s18], $0x4000  }
0x121: {  	[sflag:s18] =	ssyncset.done $0x0  }
0x122: {  	[sflag:s18] =	ssyncadd.s32 $0xFFFFC000  }
0x123: {  	[spmem:s2] =	stream.indirect.scatter.add.f32 [tilespmem:s12], [sflag:$0x3], $0x80, s22, s16, $0xb8;
	[tilespmem:$0x1CC00] =	vst v63  }
0x124: {  	_ =	swait.ge [sflag:s19], $0x4000  }
0x125: {  	[sflag:s19] =	ssyncset.done $0x0  }
0x126: {  	[sflag:s19] =	ssyncadd.s32 $0xFFFFC000  }
0x127: {  	[tilespmem:s12], [sflag:$0x1] =	stream.indirect.gather [hbm4b:s4+s16], $0x80, s23, s16, $0xb8;
	[tilespmem:$0x1CC00] =	vst v63  }
0x128: {  	_ =	swait.ge [sflag:s20], $0x4000  }
0x129: {  	[sflag:s20] =	ssyncset.done $0x0  }
0x12a: {  	[sflag:s20] =	ssyncadd.s32 $0xFFFFC000  }
0x12b: {  	[spmem:s2] =	stream.indirect.scatter.add.f32 [tilespmem:s17], [sflag:$0x4], $0x80, s24, s16, $0xb8;
	[tilespmem:$0x1CC00] =	vst v63  }
0x12c: {  	_ =	swait.ge [sflag:s21], $0x4000  }
0x12d: {  	[sflag:s21] =	ssyncset.done $0x0  }
0x12e: {  	[sflag:s21] =	ssyncadd.s32 $0xFFFFC000  }
0x12f: {  	[tilespmem:s17], [sflag:$0x2] =	stream.indirect.gather [hbm4b:s4+s16], $0x80, s25, s16, $0xb8;
	[tilespmem:$0x1CC00] =	vst v63  }
0x130: {  	_ =	swait.ge [sflag:s18], $0x4000  }
0x131: {  	[sflag:s18] =	ssyncset.done $0x0  }
0x132: {  	[sflag:s18] =	ssyncadd.s32 $0xFFFFC000  }
0x133: {  	[spmem:s2] =	stream.indirect.scatter.add.f32 [tilespmem:s12], [sflag:$0x3], $0x80, s26, s16, $0xb8;
	[tilespmem:$0x1CC00] =	vst v63  }
0x134: {  	_ =	swait.ge [sflag:s19], $0x4000  }
0x135: {  	[sflag:s19] =	ssyncset.done $0x0  }
0x136: {  	[sflag:s19] =	ssyncadd.s32 $0xFFFFC000  }
0x137: {  	[tilespmem:s12], [sflag:$0x1] =	stream.indirect.gather [hbm4b:s4+s16], $0x80, s28, s16, $0xb8;
	[tilespmem:$0x1CC00] =	vst v63  }
0x138: {  	_ =	swait.ge [sflag:s20], $0x4000  }
0x139: {  	[sflag:s20] =	ssyncset.done $0x0  }
0x13a: {  	[sflag:s20] =	ssyncadd.s32 $0xFFFFC000  }
0x13b: {  	[spmem:s2] =	stream.indirect.scatter.add.f32 [tilespmem:s17], [sflag:$0x4], $0x80, s29, s16, $0xb8;
	[tilespmem:$0x1CC00] =	vst v63  }
0x13c: {  	_ =	swait.ge [sflag:s21], $0x4000  }
0x13d: {  	[sflag:s21] =	ssyncset.done $0x0  }
0x13e: {  	[sflag:s21] =	ssyncadd.s32 $0xFFFFC000  }
0x13f: {  	[tilespmem:s17], [sflag:$0x2] =	stream.indirect.gather [hbm4b:s4+s16], $0x80, s30, s16, $0xb8;
	[tilespmem:$0x1CC00] =	vst v63  }
0x140: {  	_ =	swait.ge [sflag:s18], $0x4000  }
0x141: {  	[sflag:s18] =	ssyncset.done $0x0  }
0x142: {  	[sflag:s18] =	ssyncadd.s32 $0xFFFFC000  }
0x143: {  	[spmem:s2] =	stream.indirect.scatter.add.f32 [tilespmem:s12], [sflag:$0x3], $0x80, s31, s16, $0xb8;
	[tilespmem:$0x1CC00] =	vst v63  }
0x144: {  	_ =	swait.ge [sflag:s19], $0x4000  }
0x145: {  	[sflag:s19] =	ssyncset.done $0x0  }
0x146: {  	[sflag:s19] =	ssyncadd.s32 $0xFFFFC000  }
0x147: {  	[tilespmem:s12], [sflag:$0x1] =	stream.indirect.gather [hbm4b:s4+s16], $0x80, s1, s16, $0xb8;
	[tilespmem:$0x1CC00] =	vst v63  }
0x148: {  	_ =	swait.ge [sflag:s20], $0x4000  }
0x149: {  	[sflag:s20] =	ssyncset.done $0x0  }
0x14a: {  	[sflag:s20] =	ssyncadd.s32 $0xFFFFC000  }
0x14b: {  	[spmem:s2] =	stream.indirect.scatter.add.f32 [tilespmem:s17], [sflag:$0x4], $0x80, s0, s16, $0xb8;
	[tilespmem:$0x1CC00] =	vst v63  }
0x14c: {  	_ =	swait.ge [sflag:s21], $0x4000  }
0x14d: {  	[sflag:s21] =	ssyncset.done $0x0  }
0x14e: {  	[sflag:s21] =	ssyncadd.s32 $0xFFFFC000  }
0x14f: {  	[tilespmem:s17], [sflag:$0x2] =	stream.indirect.gather [hbm4b:s4+s16], $0x80, s6, s16, $0xb8;
	[tilespmem:$0x1CC00] =	vst v63  }
0x150: {  	_ =	swait.ge [sflag:s18], $0x4000  }
0x151: {  	[sflag:s18] =	ssyncset.done $0x0  }
0x152: {  	[sflag:s18] =	ssyncadd.s32 $0xFFFFC000  }
0x153: {  	[spmem:s2] =	stream.indirect.scatter.add.f32 [tilespmem:s12], [sflag:$0x3], $0x80, s7, s16, $0xb8;
	[tilespmem:$0x1CC00] =	vst v63  }
0x154: {  	_ =	swait.ge [sflag:s19], $0x4000  }
0x155: {  	[sflag:s19] =	ssyncset.done $0x0  }
0x156: {  	[sflag:s19] =	ssyncadd.s32 $0xFFFFC000  }
0x157: {  	p0 =	sne.s32 s11, $0x400;
	_ =	swait.ge [sflag:s20], $0x4000  }
.Ltmp1:
0x158: {  	[sflag:s20] =	ssyncset.done $0x0;
	(pc) =	sbr.rel @p0 .LBB2_4-.Ltmp1, $4  }
0x159: {  	[sflag:s20] =	ssyncadd.s32 $0xFFFFC000  }
0x15a: {  	[spmem:s2] =	stream.indirect.scatter.add.f32 [tilespmem:s17], [sflag:$0x4], $0x80, s8, s16, $0xb8;
	[tilespmem:$0x1CC00] =	vst v63  }
0x15b: {  	_ =	swait.ge [sflag:s21], $0x4000  }
0x15c: {  	s11 =	sadd.s32 $0x100, s11;
	s5 =	rddreg [dreg:$0x4];
	[sflag:s21] =	ssyncset.done $0x0  }
0x15d: {  	[sflag:s21] =	ssyncadd.s32 $0xFFFFC000;
	s5 =	sadd.s32 s10, s5  }
0x15e: {  	[tilespmem:s14], [sflag:$0x5] =	stream.linear.gather [hbm4b:s5+s3], $0x800, $0x38;
	[tilespmem:$0x1CC00] =	vst v63  }
0x15f: {  	_ =	swait.ge [sflag:s13], $0x800  }
0x160: {  	s11 =	rddreg [dreg:$0x5];
	[sflag:s13] =	ssyncset.done $0x0  }
0x161: {  	[sflag:s13] =	ssyncadd.s32 $0xFFFFF800;
	s5 =	sadd.s32 s10, s11  }
0x162: {  	[tilespmem:s15], [sflag:$0x5] =	stream.linear.gather [hbm4b:s5+s3], $0x800, $0x38;
	[tilespmem:$0x1CC00] =	vst v63  }
0x163: {  	_ =	swait.ge [sflag:s13], $0x800  }
0x164: {  	[sflag:s13] =	ssyncset.done $0x0  }
0x165: {  	[sflag:s13] =	ssyncadd.s32 $0xFFFFF800  }
0x166: {  	[tilespmem:s12], [sflag:$0x1] =	stream.indirect.gather [hbm4b:s4+s16], $0x80, s14, s16, $0xb8;
	[tilespmem:$0x1CC00] =	vst v63  }
0x167: {  	s9 =	rddreg [dreg:$0x6]  }
0x168: {  	[tilespmem:s17], [sflag:$0x2] =	stream.indirect.gather [hbm4b:s4+s16], $0x80, s9, s16, $0xb8;
	[tilespmem:$0x1CC00] =	vst v63  }
0x169: {  	_ =	swait.ge [sflag:s18], $0x4000  }
0x16a: {  	[sflag:s18] =	ssyncset.done $0x0  }
0x16b: {  	[sflag:s18] =	ssyncadd.s32 $0xFFFFC000  }
0x16c: {  	[spmem:s2] =	stream.indirect.scatter.add.f32 [tilespmem:s12], [sflag:$0x3], $0x80, s15, s16, $0xb8;
	[tilespmem:$0x1CC00] =	vst v63  }
0x16d: {  	_ =	swait.ge [sflag:s19], $0x4000  }
0x16e: {  	[sflag:s19] =	ssyncset.done $0x0  }
0x16f: {  	s10 =	rddreg [dreg:$0x7];
	[sflag:s19] =	ssyncadd.s32 $0xFFFFC000  }
0x170: {  	[tilespmem:s12], [sflag:$0x1] =	stream.indirect.gather [hbm4b:s4+s16], $0x80, s10, s16, $0xb8;
	[tilespmem:$0x1CC00] =	vst v63  }
0x171: {  	_ =	swait.ge [sflag:s20], $0x4000  }
0x172: {  	[sflag:s20] =	ssyncset.done $0x0  }
0x173: {  	s11 =	rddreg [dreg:$0x8];
	[sflag:s20] =	ssyncadd.s32 $0xFFFFC000  }
0x174: {  	[spmem:s2] =	stream.indirect.scatter.add.f32 [tilespmem:s17], [sflag:$0x4], $0x80, s11, s16, $0xb8;
	[tilespmem:$0x1CC00] =	vst v63  }
0x175: {  	_ =	swait.ge [sflag:s21], $0x4000  }
0x176: {  	[sflag:s21] =	ssyncset.done $0x0  }
0x177: {  	s9 =	rddreg [dreg:$0x9];
	[sflag:s21] =	ssyncadd.s32 $0xFFFFC000  }
0x178: {  	[tilespmem:s17], [sflag:$0x2] =	stream.indirect.gather [hbm4b:s4+s16], $0x80, s9, s16, $0xb8;
	[tilespmem:$0x1CC00] =	vst v63  }
0x179: {  	_ =	swait.ge [sflag:s18], $0x4000  }
0x17a: {  	[sflag:s18] =	ssyncset.done $0x0  }
0x17b: {  	s10 =	rddreg [dreg:$0xa];
	[sflag:s18] =	ssyncadd.s32 $0xFFFFC000  }
0x17c: {  	[spmem:s2] =	stream.indirect.scatter.add.f32 [tilespmem:s12], [sflag:$0x3], $0x80, s10, s16, $0xb8;
	[tilespmem:$0x1CC00] =	vst v63  }
0x17d: {  	_ =	swait.ge [sflag:s19], $0x4000  }
0x17e: {  	[sflag:s19] =	ssyncset.done $0x0  }
0x17f: {  	s11 =	rddreg [dreg:$0xb];
	[sflag:s19] =	ssyncadd.s32 $0xFFFFC000  }
0x180: {  	[tilespmem:s12], [sflag:$0x1] =	stream.indirect.gather [hbm4b:s4+s16], $0x80, s11, s16, $0xb8;
	[tilespmem:$0x1CC00] =	vst v63  }
0x181: {  	_ =	swait.ge [sflag:s20], $0x4000  }
0x182: {  	[sflag:s20] =	ssyncset.done $0x0  }
0x183: {  	s9 =	rddreg [dreg:$0xc];
	[sflag:s20] =	ssyncadd.s32 $0xFFFFC000  }
0x184: {  	[spmem:s2] =	stream.indirect.scatter.add.f32 [tilespmem:s17], [sflag:$0x4], $0x80, s9, s16, $0xb8;
	[tilespmem:$0x1CC00] =	vst v63  }
0x185: {  	_ =	swait.ge [sflag:s21], $0x4000  }
0x186: {  	[sflag:s21] =	ssyncset.done $0x0  }
0x187: {  	s10 =	rddreg [dreg:$0xd];
	[sflag:s21] =	ssyncadd.s32 $0xFFFFC000  }
0x188: {  	[tilespmem:s17], [sflag:$0x2] =	stream.indirect.gather [hbm4b:s4+s16], $0x80, s10, s16, $0xb8;
	[tilespmem:$0x1CC00] =	vst v63  }
0x189: {  	_ =	swait.ge [sflag:s18], $0x4000  }
0x18a: {  	[sflag:s18] =	ssyncset.done $0x0  }
0x18b: {  	s11 =	rddreg [dreg:$0xe];
	[sflag:s18] =	ssyncadd.s32 $0xFFFFC000  }
0x18c: {  	[spmem:s2] =	stream.indirect.scatter.add.f32 [tilespmem:s12], [sflag:$0x3], $0x80, s11, s16, $0xb8;
	[tilespmem:$0x1CC00] =	vst v63  }
0x18d: {  	_ =	swait.ge [sflag:s19], $0x4000  }
0x18e: {  	[sflag:s19] =	ssyncset.done $0x0  }
0x18f: {  	s9 =	rddreg [dreg:$0xf];
	[sflag:s19] =	ssyncadd.s32 $0xFFFFC000  }
0x190: {  	[tilespmem:s12], [sflag:$0x1] =	stream.indirect.gather [hbm4b:s4+s16], $0x80, s9, s16, $0xb8;
	[tilespmem:$0x1CC00] =	vst v63  }
0x191: {  	_ =	swait.ge [sflag:s20], $0x4000  }
0x192: {  	[sflag:s20] =	ssyncset.done $0x0  }
0x193: {  	s10 =	rddreg [dreg:$0x10];
	[sflag:s20] =	ssyncadd.s32 $0xFFFFC000  }
0x194: {  	[spmem:s2] =	stream.indirect.scatter.add.f32 [tilespmem:s17], [sflag:$0x4], $0x80, s10, s16, $0xb8;
	[tilespmem:$0x1CC00] =	vst v63  }
0x195: {  	_ =	swait.ge [sflag:s21], $0x4000  }
0x196: {  	[sflag:s21] =	ssyncset.done $0x0  }
0x197: {  	s11 =	rddreg [dreg:$0x11];
	[sflag:s21] =	ssyncadd.s32 $0xFFFFC000  }
0x198: {  	[tilespmem:s17], [sflag:$0x2] =	stream.indirect.gather [hbm4b:s4+s16], $0x80, s11, s16, $0xb8;
	[tilespmem:$0x1CC00] =	vst v63  }
0x199: {  	_ =	swait.ge [sflag:s18], $0x4000  }
0x19a: {  	[sflag:s18] =	ssyncset.done $0x0  }
0x19b: {  	s9 =	rddreg [dreg:$0x12];
	[sflag:s18] =	ssyncadd.s32 $0xFFFFC000  }
0x19c: {  	[spmem:s2] =	stream.indirect.scatter.add.f32 [tilespmem:s12], [sflag:$0x3], $0x80, s9, s16, $0xb8;
	[tilespmem:$0x1CC00] =	vst v63  }
0x19d: {  	_ =	swait.ge [sflag:s19], $0x4000  }
0x19e: {  	[sflag:s19] =	ssyncset.done $0x0  }
0x19f: {  	s10 =	rddreg [dreg:$0x13];
	[sflag:s19] =	ssyncadd.s32 $0xFFFFC000  }
0x1a0: {  	[tilespmem:s12], [sflag:$0x1] =	stream.indirect.gather [hbm4b:s4+s16], $0x80, s10, s16, $0xb8;
	[tilespmem:$0x1CC00] =	vst v63  }
0x1a1: {  	_ =	swait.ge [sflag:s20], $0x4000  }
0x1a2: {  	[sflag:s20] =	ssyncset.done $0x0  }
0x1a3: {  	s11 =	rddreg [dreg:$0x14];
	[sflag:s20] =	ssyncadd.s32 $0xFFFFC000  }
0x1a4: {  	[spmem:s2] =	stream.indirect.scatter.add.f32 [tilespmem:s17], [sflag:$0x4], $0x80, s11, s16, $0xb8;
	[tilespmem:$0x1CC00] =	vst v63  }
0x1a5: {  	_ =	swait.ge [sflag:s21], $0x4000  }
0x1a6: {  	[sflag:s21] =	ssyncset.done $0x0  }
0x1a7: {  	s9 =	rddreg [dreg:$0x15];
	[sflag:s21] =	ssyncadd.s32 $0xFFFFC000  }
0x1a8: {  	[tilespmem:s17], [sflag:$0x2] =	stream.indirect.gather [hbm4b:s4+s16], $0x80, s9, s16, $0xb8;
	[tilespmem:$0x1CC00] =	vst v63  }
0x1a9: {  	_ =	swait.ge [sflag:s18], $0x4000  }
0x1aa: {  	[sflag:s18] =	ssyncset.done $0x0  }
0x1ab: {  	[sflag:s18] =	ssyncadd.s32 $0xFFFFC000  }
0x1ac: {  	[spmem:s2] =	stream.indirect.scatter.add.f32 [tilespmem:s12], [sflag:$0x3], $0x80, s22, s16, $0xb8;
	[tilespmem:$0x1CC00] =	vst v63  }
0x1ad: {  	_ =	swait.ge [sflag:s19], $0x4000  }
0x1ae: {  	[sflag:s19] =	ssyncset.done $0x0  }
0x1af: {  	[sflag:s19] =	ssyncadd.s32 $0xFFFFC000  }
0x1b0: {  	[tilespmem:s12], [sflag:$0x1] =	stream.indirect.gather [hbm4b:s4+s16], $0x80, s23, s16, $0xb8;
	[tilespmem:$0x1CC00] =	vst v63  }
0x1b1: {  	_ =	swait.ge [sflag:s20], $0x4000  }
0x1b2: {  	[sflag:s20] =	ssyncset.done $0x0  }
0x1b3: {  	[sflag:s20] =	ssyncadd.s32 $0xFFFFC000  }
0x1b4: {  	[spmem:s2] =	stream.indirect.scatter.add.f32 [tilespmem:s17], [sflag:$0x4], $0x80, s24, s16, $0xb8;
	[tilespmem:$0x1CC00] =	vst v63  }
0x1b5: {  	_ =	swait.ge [sflag:s21], $0x4000  }
0x1b6: {  	[sflag:s21] =	ssyncset.done $0x0  }
0x1b7: {  	[sflag:s21] =	ssyncadd.s32 $0xFFFFC000  }
0x1b8: {  	[tilespmem:s17], [sflag:$0x2] =	stream.indirect.gather [hbm4b:s4+s16], $0x80, s25, s16, $0xb8;
	[tilespmem:$0x1CC00] =	vst v63  }
0x1b9: {  	_ =	swait.ge [sflag:s18], $0x4000  }
0x1ba: {  	[sflag:s18] =	ssyncset.done $0x0  }
0x1bb: {  	[sflag:s18] =	ssyncadd.s32 $0xFFFFC000  }
0x1bc: {  	[spmem:s2] =	stream.indirect.scatter.add.f32 [tilespmem:s12], [sflag:$0x3], $0x80, s26, s16, $0xb8;
	[tilespmem:$0x1CC00] =	vst v63  }
0x1bd: {  	_ =	swait.ge [sflag:s19], $0x4000  }
0x1be: {  	[sflag:s19] =	ssyncset.done $0x0  }
0x1bf: {  	[sflag:s19] =	ssyncadd.s32 $0xFFFFC000  }
0x1c0: {  	[tilespmem:s12], [sflag:$0x1] =	stream.indirect.gather [hbm4b:s4+s16], $0x80, s28, s16, $0xb8;
	[tilespmem:$0x1CC00] =	vst v63  }
0x1c1: {  	_ =	swait.ge [sflag:s20], $0x4000  }
0x1c2: {  	[sflag:s20] =	ssyncset.done $0x0  }
0x1c3: {  	[sflag:s20] =	ssyncadd.s32 $0xFFFFC000  }
0x1c4: {  	[spmem:s2] =	stream.indirect.scatter.add.f32 [tilespmem:s17], [sflag:$0x4], $0x80, s29, s16, $0xb8;
	[tilespmem:$0x1CC00] =	vst v63  }
0x1c5: {  	_ =	swait.ge [sflag:s21], $0x4000  }
0x1c6: {  	[sflag:s21] =	ssyncset.done $0x0  }
0x1c7: {  	[sflag:s21] =	ssyncadd.s32 $0xFFFFC000  }
0x1c8: {  	[tilespmem:s17], [sflag:$0x2] =	stream.indirect.gather [hbm4b:s4+s16], $0x80, s30, s16, $0xb8;
	[tilespmem:$0x1CC00] =	vst v63  }
0x1c9: {  	_ =	swait.ge [sflag:s18], $0x4000  }
0x1ca: {  	[sflag:s18] =	ssyncset.done $0x0  }
0x1cb: {  	[sflag:s18] =	ssyncadd.s32 $0xFFFFC000  }
0x1cc: {  	[spmem:s2] =	stream.indirect.scatter.add.f32 [tilespmem:s12], [sflag:$0x3], $0x80, s31, s16, $0xb8;
	[tilespmem:$0x1CC00] =	vst v63  }
0x1cd: {  	_ =	swait.ge [sflag:s19], $0x4000  }
0x1ce: {  	[sflag:s19] =	ssyncset.done $0x0  }
0x1cf: {  	[sflag:s19] =	ssyncadd.s32 $0xFFFFC000  }
0x1d0: {  	[tilespmem:s12], [sflag:$0x1] =	stream.indirect.gather [hbm4b:s4+s16], $0x80, s1, s16, $0xb8;
	[tilespmem:$0x1CC00] =	vst v63  }
0x1d1: {  	_ =	swait.ge [sflag:s20], $0x4000  }
0x1d2: {  	[sflag:s20] =	ssyncset.done $0x0  }
0x1d3: {  	[sflag:s20] =	ssyncadd.s32 $0xFFFFC000  }
0x1d4: {  	[spmem:s2] =	stream.indirect.scatter.add.f32 [tilespmem:s17], [sflag:$0x4], $0x80, s0, s16, $0xb8;
	[tilespmem:$0x1CC00] =	vst v63  }
0x1d5: {  	_ =	swait.ge [sflag:s21], $0x4000  }
0x1d6: {  	[sflag:s21] =	ssyncset.done $0x0  }
0x1d7: {  	[sflag:s21] =	ssyncadd.s32 $0xFFFFC000  }
0x1d8: {  	[tilespmem:s17], [sflag:$0x2] =	stream.indirect.gather [hbm4b:s4+s16], $0x80, s6, s16, $0xb8;
	[tilespmem:$0x1CC00] =	vst v63  }
0x1d9: {  	_ =	swait.ge [sflag:s18], $0x4000  }
0x1da: {  	[sflag:s18] =	ssyncset.done $0x0  }
0x1db: {  	[sflag:s18] =	ssyncadd.s32 $0xFFFFC000  }
0x1dc: {  	[spmem:s2] =	stream.indirect.scatter.add.f32 [tilespmem:s12], [sflag:$0x3], $0x80, s7, s16, $0xb8;
	[tilespmem:$0x1CC00] =	vst v63  }
0x1dd: {  	_ =	swait.ge [sflag:s19], $0x4000  }
0x1de: {  	[sflag:s19] =	ssyncset.done $0x0  }
0x1df: {  	[sflag:s19] =	ssyncadd.s32 $0xFFFFC000  }
0x1e0: {  	_ =	swait.ge [sflag:s20], $0x4000  }
0x1e1: {  	[sflag:s20] =	ssyncset.done $0x0  }
0x1e2: {  	[sflag:s20] =	ssyncadd.s32 $0xFFFFC000  }
0x1e3: {  	[spmem:s2] =	stream.indirect.scatter.add.f32 [tilespmem:s17], [sflag:$0x4], $0x80, s8, s16, $0xb8;
	[tilespmem:$0x1CC00] =	vst v63  }
0x1e4: {  	_ =	swait.ge [sflag:s21], $0x4000  }
0x1e5: {  	[sflag:s21] =	ssyncset.done $0x0  }
0x1e6: {  	[sflag:s21] =	ssyncadd.s32 $0xFFFFC000  }
0x1e7: {  	s10 =	stileid.u32;
	[bflag:$0x0] =	sbarrier.arrive $0xFFFF  }
0x1e8: {  	s5 =	sshll.u32 s10, $0x6;
	s9 =	rddreg [dreg:$0x16]  }
0x1e9: {  	s5 =	sor.u32 $0x1C05, s5;
	s11 =	rddreg [dreg:$0x1b];
	s9 =	sshrl.u32 s9, $0x3  }
0x1ea: {  	[hbm:s11], [sflag:s5] =	dma.local [spmem:s9], $0x2780  }
0x1eb: {  	_ =	swait.ge [sflag:s13], $0x2780  }
0x1ec: {  	s10 =	rddreg [dreg:$0x1d]  }
0x1ed: {  	s11 =	rddreg [dreg:$0x1c];
	s9 =	sadd.s32 $0x1, s10  }
0x1ee: {  	p0 =	sne.s32 s9, s11  }
.Ltmp2:
0x1ef: {  	_ = 	snop;
	(pc) =	sbr.rel @p0 .LBB2_1-.Ltmp2, $3  }
0x1f0: {  	_ =	sdelay $0x1  }
0x1f1: {  	[sflag:s13] =	ssyncset.done $0x0  }
0x1f2: {  	[sflag:s13] =	ssyncadd.s32 $0xFFFFD880  }
0x1f3: {  	_ =	sfence.sel $0x180000  }
0x1f4: {  	[bflag:$0x0] =	sbarrier.arrive $0xFFFF  }
0x1f5: {  	_ =	strace $0x9000004D  }
0x1f6: {  	s0 =	stileid.u32;
	[bflag:$0x2] =	sbarrier.arrive $0xFFFF  }
0x1f7: {  	p0 =	sne.s32 s0, $0x0;
	s0 =	rddreg [dreg:$0x3]  }
0x1f8: {  	s0 =	sadd.s32 @!p0 $0x100000, s0  }
0x1f9: {  	[sflag:s0] =	ssyncadd.tile.s32 @!p0 $0x1;
	_ =	shalt  }
.Lfunc_end2:
_tile_overlayer_lowered:
.L_overlay_start_2:
0x1fa: {  	(tag) =	ssettag $0x2  }
0x1fb: {  	s0 =	rddreg [dreg:$0x0];
	s2 =	stileid.u32  }
0x1fc: {  	s1 =	rddreg [dreg:$0x1];
	p0 =	sne.s32 s2, $0x0  }
0x1fd: {  	s3 =	rddreg [dreg:$0x2];
	[bflag:$0x3] =	sbarrier.arrive $0xFFFF;
	s2 =	simm.s32 @!p0 $0x1C05  }
0x1fe: {  	[timem:s3], [sflag:s2] =	dma.local @!p0 [hbm:s0], s1  }
0x1ff: {  	s0 =	simm.s32 @!p0 $0x5  }
0x200: {  	_ =	swait.ge @!p0 [sflag:s0], s1  }
0x201: {  	s1 =	ssub.s32 @!p0 $0x0, s1;
	[sflag:s0] =	ssyncset.done @!p0 $0x0  }
0x202: {  	[sflag:s0] =	ssyncadd.s32 @!p0 s1  }
0x203: {  	[bflag:$0x3] =	sbarrier.arrive $0xFFFF  }
0x204: {  	_ =	shalt  }

// kernel: sc_segsum_w32.3.cloned.1.call-start
scs
__scs_entry_jumppad:
0x0: {  	(pc) =	sbr.rel $0x88, $3  }
0x1: {  	(tag) =	ssettag $0x0;
	lr =	simm.s32 $0x1  }
0x2: {  	[smem:$0x3F99] =	sst lr;
	_ =	strace $0xD0000000  }
0x3: {  	_ = 	snop  }
0x4: {  	_ = 	snop  }
0x5: {  	_ = 	snop  }
0x6: {  	_ = 	snop  }
0x7: {  	_ = 	snop  }
__scs_overlays_trampoline_lowered:
0x8: {  	[smem:$0x3FA8] =	sst s0  }
0x9: {  	[smem:$0x3FA9] =	sst s1  }
0xa: {  	[smem:$0x3FAA] =	sst s2  }
0xb: {  	[smem:$0x3FAB] =	sst s3  }
0xc: {  	[smem:$0x3FAC] =	sst s4  }
0xd: {  	[smem:$0x3FAD] =	sst s5  }
0xe: {  	[smem:$0x3FAE] =	sst s6  }
0xf: {  	[smem:$0x3FAF] =	sst s7  }
0x10: {  	[smem:$0x3FB0] =	sst s8  }
0x11: {  	[smem:$0x3FB1] =	sst s9;
	s0 =	simm.s32 @!p0 $0x0  }
0x12: {  	s1 =	sld [smem:$0x3F97];
	s0 =	simm.s32 @p0 $0x1  }
0x13: {  	[smem:$0x3FB2] =	sst s0;
	s0 =	simm.s32 @!p1 $0x0  }
0x14: {  	s2 =	sld [smem:$0x3F96];
	s0 =	simm.s32 @p1 $0x1  }
0x15: {  	[smem:$0x3FB3] =	sst s0;
	s0 =	simm.s32 @!p2 $0x0  }
0x16: {  	s3 =	sld [smem:$0x3FDB];
	s0 =	simm.s32 @p2 $0x1  }
0x17: {  	s4 =	simm.s32 $0x1BF5;
	[smem:$0x3FB5] =	sst s0  }
0x18: {  	s0 =	sld [smem:$0x3F98];
	_ =	swait.ge [sflag:s4], $0x0  }
0x19: {  	s7 =	sld [smem:$0x3F99]  }
0x1a: {  	s8 =	sadd.s32 $0xFFFFE003, lr  }
0x1b: {  	s9 =	sadd.s32 $0xFFFFFEF7, lr;
	s5 =	simm.s32 $0xFFFFFFFF;
	p2 =	slt.u32 s8, $0xFFFFF086  }
0x1c: {  	p1 =	slt.u32 s9, $0xF7A;
	s5 =	simm.s32 @!p2 $0x0  }
0x1d: {  	s5 =	simm.s32 @p1 $0x1;
	p0 =	seq.s32 s7, s2  }
0x1e: {  	s7 =	smul.u32 @!p0 $0xF7A, s2;
	p2 =	seq.s32 @!p0 s5, $0x0  }
0x1f: {  	s9 =	smul.u32 $0xF7A, s1;
	s8 =	simm.s32 @!p0 $0x1BF5;
	p2 =	por !p2, p0  }
0x20: {  	[sflag:s8] =	ssyncset.s32 @!p0 $0xFFFFF086;
	s6 =	sadd.s32 @!p0 s3, s7;
	s7 =	simm.s32 @!p0 $0x108  }
0x21: {  	s3 =	sadd.s32 s3, s9;
	s6 =	sadd.s32 @!p0 $0x88, s6;
	s7 =	simm.s32 @p2 $0x1082  }
0x22: {  	[simem:s7], [sflag:s8] =	dma.local @!p0 [hbm:s6], $0xF7A  }
0x23: {  	s9 =	sor.u32 $0xD0000000, s2;
	s6 =	simm.s32 $0x108;
	_ =	swait.ge @!p0 [sflag:s8], $0x0  }
0x24: {  	s3 =	sadd.s32 $0x88, s3;
	s6 =	simm.s32 @!p1 $0x1082;
	[sflag:s4] =	ssyncset.s32 $0xFFFFF086  }
0x25: {  	[simem:s6], [sflag:s4] =	dma.local [hbm:s3], $0xF7A  }
0x26: {  	[smem:$0x3F99] =	sst s1;
	(tag) =	ssettag s2;
	_ =	strace s9  }
0x27: {  	s1 =	sld [smem:$0x3FA9]  }
0x28: {  	s2 =	sld [smem:$0x3FAA]  }
0x29: {  	s4 =	sld [smem:$0x3FAC]  }
0x2a: {  	p0 =	seq.s32 s5, $0x0;
	s5 =	sld [smem:$0x3FAD]  }
0x2b: {  	s6 =	sld [smem:$0x3FAE]  }
0x2c: {  	s7 =	sld [smem:$0x3FAF]  }
0x2d: {  	s3 =	simm.s32 $0x108;
	s8 =	sld [smem:$0x3FB0]  }
0x2e: {  	s3 =	simm.s32 @!p0 $0x1082;
	s9 =	sld [smem:$0x3FB1]  }
0x2f: {  	lr =	sadd.s32 s0, s3;
	s0 =	sld [smem:$0x3FA8]  }
0x30: {  	s3 =	sld [smem:$0x3FAB]  }
0x31: {  	[smem:$0x3FB4] =	sst s10  }
0x32: {  	s10 =	sld [smem:$0x3FB2];
	_ =	sdelay $0x3  }
0x33: {  	p0 =	seq.s32 s10, $0x1;
	s10 =	sld [smem:$0x3FB4];
	_ =	sdelay $0x3  }
0x34: {  	[smem:$0x3FB4] =	sst s10  }
0x35: {  	s10 =	sld [smem:$0x3FB3];
	_ =	sdelay $0x3  }
0x36: {  	p1 =	seq.s32 s10, $0x1;
	s10 =	sld [smem:$0x3FB4];
	_ =	sdelay $0x3  }
0x37: {  	[smem:$0x3FB4] =	sst s10  }
0x38: {  	s10 =	sld [smem:$0x3FB5]  }
0x39: {  	_ = 	snop;
	(pc) =	sbr.ind lr, $3  }
0x3a: {  	_ = 	snop  }
0x3b: {  	_ = 	snop  }
0x3c: {  	p2 =	seq.s32 s10, $0x1;
	s10 =	sld [smem:$0x3FB4]  }
0x3d: {  	_ =	shalt  }
0x3e: {  	_ =	shalt  }
0x3f: {  	_ =	shalt  }
0x40: {  	_ =	shalt  }
0x41: {  	_ =	shalt  }
0x42: {  	_ =	shalt  }
0x43: {  	_ =	shalt  }
0x44: {  	_ =	shalt  }
0x45: {  	_ =	shalt  }
0x46: {  	_ =	shalt  }
0x47: {  	_ =	shalt  }
0x48: {  	_ =	shalt  }
0x49: {  	_ =	shalt  }
0x4a: {  	_ =	shalt  }
0x4b: {  	_ =	shalt  }
0x4c: {  	_ =	shalt  }
0x4d: {  	_ =	shalt  }
0x4e: {  	_ =	shalt  }
0x4f: {  	_ =	shalt  }
0x50: {  	_ =	shalt  }
0x51: {  	_ =	shalt  }
0x52: {  	_ =	shalt  }
0x53: {  	_ =	shalt  }
0x54: {  	_ =	shalt  }
0x55: {  	_ =	shalt  }
0x56: {  	_ =	shalt  }
0x57: {  	_ =	shalt  }
0x58: {  	_ =	shalt  }
0x59: {  	_ =	shalt  }
0x5a: {  	_ =	shalt  }
0x5b: {  	_ =	shalt  }
0x5c: {  	_ =	shalt  }
0x5d: {  	_ =	shalt  }
0x5e: {  	_ =	shalt  }
0x5f: {  	_ =	shalt  }
0x60: {  	_ =	shalt  }
0x61: {  	_ =	shalt  }
0x62: {  	_ =	shalt  }
0x63: {  	_ =	shalt  }
0x64: {  	_ =	shalt  }
0x65: {  	_ =	shalt  }
0x66: {  	_ =	shalt  }
0x67: {  	_ =	shalt  }
0x68: {  	_ =	shalt  }
0x69: {  	_ =	shalt  }
0x6a: {  	_ =	shalt  }
0x6b: {  	_ =	shalt  }
0x6c: {  	_ =	shalt  }
0x6d: {  	_ =	shalt  }
0x6e: {  	_ =	shalt  }
0x6f: {  	_ =	shalt  }
0x70: {  	_ =	shalt  }
0x71: {  	_ =	shalt  }
0x72: {  	_ =	shalt  }
0x73: {  	_ =	shalt  }
0x74: {  	_ =	shalt  }
0x75: {  	_ =	shalt  }
0x76: {  	_ =	shalt  }
0x77: {  	_ =	shalt  }
0x78: {  	_ =	shalt  }
0x79: {  	_ =	shalt  }
0x7a: {  	_ =	shalt  }
0x7b: {  	_ =	shalt  }
0x7c: {  	_ =	shalt  }
0x7d: {  	_ =	shalt  }
0x7e: {  	_ =	shalt  }
0x7f: {  	_ =	shalt  }
0x80: {  	_ =	shalt  }
0x81: {  	_ =	shalt  }
0x82: {  	_ =	shalt  }
0x83: {  	_ =	shalt  }
0x84: {  	_ =	shalt  }
0x85: {  	_ =	shalt  }
0x86: {  	_ =	shalt  }
0x87: {  	_ =	shalt  }
.Lfunc_end0:
.L_simem_size_0:
called_computation.3_lowered:
.L_overlay_start_0:
0x88: {  	s2 =	sld [smem:$0x3FD9]  }
0x89: {  	s3 =	sld [smem:$0x3FFE];
	_ =	sdelay $0x1  }
0x8a: {  	s1 =	srdreg.scid  }
0x8b: {  	s0 =	sand.u32 $0x1, s1  }
0x8c: {  	s17 =	sshll.u32 s0, $0xA;
	s2 =	sadd.s32 s3, s2  }
0x8d: {  	s2 =	sadd.s32 s2, s17  }
0x8e: {  	[smem:$0x3FC0] =	sst s2  }
0x8f: {  	_ = 	snop  }
0x90: {  	s2 =	sld [smem:$0x3FD0];
	(tm) =	ssettm $0x1  }
0x91: {  	s18 =	sld [smem:$0x3FFB];
	_ =	sdelay $0x3  }
0x92: {  	_ =	strace s18  }
0x93: {  	s3 =	sld [smem:$0x3FFC];
	_ =	sdelay $0x3  }
0x94: {  	_ =	strace s3  }
0x95: {  	s3 =	sld [smem:$0x3FFD];
	_ =	sdelay $0x3  }
0x96: {  	_ =	strace s3  }
0x97: {  	_ =	strace $0x8FFFFFFF  }
0x98: {  	s19 =	sld [smem:$0x3FDB];
	_ =	sdelay $0x1  }
0x99: {  	s4 =	simm.s32 $_scs_section_size  }
0x9a: {  	s5 =	simm.s32 $_size__tile_overlayer_lowered;
	s6 =	simm.s32 $_tile_overlayer_lowered  }
0x9b: {  	s22 =	simm.s32 $0x1BFF;
	s21 =	sshll.u32 s6, $0x1;
	s3 =	sadd.s32 s4, s19  }
0x9c: {  	s7 =	simm.s32 $0x0;
	s20 =	sshll.u32 s5, $0x1;
	s5 =	sadd.s32 s21, s3  }
0x9d: {  	[timem:s7], [sflag:s22] =	dma.local [hbm:s5], s20  }
0x9e: {  	_ =	swait.ge [sflag:s22], s20  }
0x9f: {  	s4 =	ssub.s32 $0x0, s20;
	[sflag:s22] =	ssyncset.done $0x0  }
0xa0: {  	[sflag:s22] =	ssyncadd.s32 s4;
	_ =	sdelay $0x1  }
0xa1: {  	s23 =	simm.s32 $0x1B8B  }
0xa2: {  	_ =	swait.ge [sflag:s23], $0x1  }
0xa3: {  	[sflag:s23] =	ssyncset.done $0x0  }
0xa4: {  	s25 =	simm.s32 $0x1B8E;
	s24 =	sld [smem:$0x3FFE];
	[sflag:s23] =	ssyncadd.s32 $0xFFFFFFFF  }
0xa5: {  	s26 =	simm.s32 $execute0_lowered;
	[smem:$0x3FD2] =	sst s25  }
0xa6: {  	s5 =	sshll.u32 s26, $0x1;
	_ =	strace $0x8000004F;
	[dreg:$0x1] =	wrdreg $0xFFFFFFFF  }
0xa7: {  	s28 =	simm.s32 $_size_execute0_lowered;
	s3 =	sadd.s32 s3, s5;
	[dreg:$0x0] =	wrdreg $0x0  }
0xa8: {  	s5 =	sshll.u32 s28, $0x1;
	[dreg:$0x2] =	wrdreg s3  }
0xa9: {  	[dreg:$0x3] =	wrdreg s5  }
0xaa: {  	[dreg:$0x4] =	wrdreg $0xC0  }
0xab: {  	_ =	task [dreg:s7], $0x5FFFF  }
0xac: {  	[dreg:$0x1] =	wrdreg $0xFFFFFFFF  }
0xad: {  	[dreg:$0x0] =	wrdreg $0x60  }
0xae: {  	[dreg:$0x2] =	wrdreg s24  }
0xaf: {  	[dreg:$0x3] =	wrdreg s2  }
0xb0: {  	[dreg:$0x4] =	wrdreg $0x0  }
0xb1: {  	[dreg:$0x5] =	wrdreg $0x9  }
0xb2: {  	_ =	task.clear_ibuf [dreg:s7], $0x6FFFF;
	_ =	strace $0x9000004F  }
0xb3: {  	s29 =	simm.s32 $0x9;
	_ =	strace $0x80000051  }
0xb4: {  	_ =	swait.ge [sflag:s29], $0x1  }
0xb5: {  	[sflag:s29] =	ssyncadd.s32 $0xFFFFFFFF  }
0xb6: {  	_ =	strace $0x90000051  }
0xb7: {  	_ =	sfence  }
0xb8: {  	s30 =	sld [smem:$0x0];
	_ =	sdelay $0x2  }
0xb9: {  	s31 =	sshll.u32 s1, $0xD;
	s1 =	sshrl.u32 s1, $0x2  }
0xba: {  	s3 =	sand.u32 $0x4000, s31;
	s1 =	sadd.s32 s1, s30  }
0xbb: {  	s0 =	sor.u32 s3, s0;
	s1 =	sshll.u32 s1, $0x11  }
0xbc: {  	s0 =	sor.u32 s1, s0  }
0xbd: {  	s0 =	sadd.s32 $0x8F2B, s0  }
0xbe: {  	[sflag:s0] =	ssyncadd.remote.s32 $0x1  }
0xbf: {  	_ =	sfence.sel $0xFFFF  }
0xc0: {  	[dreg:$0x0] =	wrdreg $0xFFFFFFFF;
	(pc) =	sbr.abs _section_cstart, $3  }
0xc1: {  	[dreg:$0x1] =	wrdreg $0xFFFFFFFF  }
0xc2: {  	_ =	task.clear_ibuf [dreg:s7], $0x2FFFF;
	_ =	strace $0x9FFFFFFF  }
0xc3: {  	(tm) =	ssettm $0x7FFFFFFF  }
tec
execute0_lowered:
.L_overlay_start_1:
0x0: {  	(tag) =	ssettag $0x1  }
0x1: {  	s0 =	rddreg [dreg:$0x0]  }
0x2: {  	s2 =	rddreg [dreg:$0x1]  }
0x3: {  	s1 =	rddreg [dreg:$0x2]  }
0x4: {  	s3 =	srdreg.scid;
	s11 =	stileid.u32;
	s25 =	simm.s32 $0x7780  }
0x5: {  	s13 =	simm.s32 $0x7880;
	s14 =	simm.s32 $0x5000;
	s15 =	simm.s32 $0x7900  }
0x6: {  	s16 =	simm.s32 $0x5080;
	s18 =	simm.s32 $0x7980;
	s28 =	simm.s32 $0x7D00  }
0x7: {  	s29 =	simm.s32 $0x5480;
	s30 =	simm.s32 $0x7D80;
	s7 =	smul.u32 $0x2800, s11  }
0x8: {  	s5 =	sand.u32 $0x1, s3;
	s3 =	simm.s32 $0x0;
	s19 =	smul.u32 $0x500, s11  }
0x9: {  	s31 =	simm.s32 $0x5500;
	s9 =	smul.u32 $0x13C00, s11;
	[smem:$0x7FF] =	sst s3  }
0xa: {  	s11 =	smul.u32 $0x4F00, s11;
	_ =	strace $0x80000050;
	[dreg:$0x6] =	wrdreg s25  }
0xb: {  	s4 =	sadd.s32 $0x1A200, s0;
	s6 =	smul.u32 $0x28000, s5;
	[dreg:$0x9] =	wrdreg s13  }
0xc: {  	s8 =	ssub.s32 $0x2, s5;
	s5 =	smul.u32 $0x4F000, s5;
	[dreg:$0xa] =	wrdreg s14  }
0xd: {  	s10 =	sshrl.u32 s8, $0x1;
	s21 =	sshrl.u32 s9, $0x2;
	[dreg:$0xb] =	wrdreg s15  }
0xe: {  	s22 =	sadd.s32 s11, s1;
	s9 =	simm.s32 $0x7800;
	[dreg:$0xc] =	wrdreg s16  }
0xf: {  	[dreg:$0xd] =	wrdreg s18;
	s13 =	simm.s32 $0x5;
	s14 =	simm.s32 $0x7700  }
0x10: {  	s15 =	simm.s32 $0x4F00;
	s16 =	simm.s32 $0x80;
	s18 =	simm.s32 $0x1  }
0x11: {  	s25 =	simm.s32 $0x5280;
	s6 =	sadd.s32 s6, s7;
	[dreg:$0x16] =	wrdreg s22  }
0x12: {  	s20 =	ssub.s32 s8, s10;
	s8 =	sadd.s32 s21, s1;
	[dreg:$0x7] =	wrdreg s9  }
0x13: {  	s10 =	simm.s32 $0x4F80;
	s5 =	sadd.s32 s11, s5;
	s21 =	simm.s32 $0x5180  }
0x14: {  	s22 =	simm.s32 $0x7A80;
	[dreg:$0x14] =	wrdreg s25;
	s25 =	simm.s32 $0x7C80  }
0x15: {  	s7 =	simm.s32 $0x5600;
	s9 =	simm.s32 $0x0;
	[dreg:$0x8] =	wrdreg s10  }
0x16: {  	s6 =	sshrl.u32 s6, $0x3;
	s23 =	sadd.s32 $0x1000, s8;
	[dreg:$0x10] =	wrdreg s21  }
0x17: {  	s24 =	sadd.s32 $0x2000, s8;
	s26 =	sadd.s32 $0x3000, s8;
	[dreg:$0x11] =	wrdreg s22  }
0x18: {  	s12 =	sadd.s32 $0x4000, s8;
	s5 =	sshrl.u32 s5, $0x3;
	[dreg:$0x17] =	wrdreg s23  }
0x19: {  	s17 =	smax.u32 s20, $0x1;
	s20 =	simm.s32 $0x7A00;
	[dreg:$0x18] =	wrdreg s24  }
0x1a: {  	s21 =	simm.s32 $0x4;
	s22 =	simm.s32 $0x5300;
	[dreg:$0x19] =	wrdreg s26  }
0x1b: {  	s8 =	simm.s32 $0x5680;
	s6 =	sadd.s32 s6, s0;
	[dreg:$0x1a] =	wrdreg s12  }
0x1c: {  	s0 =	sadd.s32 s19, s0;
	s2 =	sadd.s32 s2, s5;
	[dreg:$0x1c] =	wrdreg s17  }
0x1d: {  	s12 =	simm.s32 $0x5700;
	s19 =	simm.s32 $0x5100;
	[dreg:$0xf] =	wrdreg s20  }
0x1e: {  	s23 =	simm.s32 $0x5200;
	s17 =	simm.s32 $0x6700;
	[dreg:$0x1b] =	wrdreg s2  }
0x1f: {  	s24 =	simm.s32 $0x7B00;
	s26 =	simm.s32 $0x7B80;
	[dreg:$0xe] =	wrdreg s19  }
0x20: {  	s20 =	simm.s32 $0x2;
	s6 =	sadd.s32 $0x10200, s6;
	[dreg:$0x12] =	wrdreg s23  }
0x21: {  	s0 =	sadd.s32 $0x1400, s0;
	[dreg:$0x13] =	wrdreg s24;
	s19 =	simm.s32 $0x3  }
0x22: {  	[dreg:$0x15] =	wrdreg s26;
	s23 =	simm.s32 $0x7C00;
	s24 =	simm.s32 $0x5380  }
0x23: {  	s26 =	simm.s32 $0x5400;
	s2 =	simm.s32 $0x5580;
	[dreg:$0x4] =	wrdreg s6  }
0x24: {  	v0 =	vimm.f32 $0.0e+00;
	[dreg:$0x5] =	wrdreg s0;
	s0 =	simm.s32 $0x7E00;
	s6 =	simm.s32 $0x7E80  }
.LBB2_1:
0x25: {  	s10 =	simm.s32 $0x80;
	s5 =	simm.s32 $0x0  }
.LBB2_2:
0x26: {  	p0 =	sne.s32 s10, $0x3F80;
	[tilespmem:s5+$0x5700] =	vst v0;
	s11 =	smov.u32 s10;
	s10 =	sadd.s32 $0x80, s10  }
.Ltmp0:
0x27: {  	[tilespmem:s5+$0x5710] =	vst v0;
	(pc) =	sbr.rel @p0 .LBB2_2-.Ltmp0, $2  }
0x28: {  	_ =	sdelay $0x2  }
0x29: {  	s5 =	sshra.s32 s11, $0x2  }
0x2a: {  	[dreg:$0x1d] =	wrdreg s9;
	[tilespmem:s5+$0x5700] =	vst v0  }
0x2b: {  	[tilespmem:s5+$0x5710] =	vst v0;
	s10 =	rddreg [dreg:$0x16]  }
0x2c: {  	[spmem:s10] =	stream.linear.scatter [tilespmem:s12], [sflag:$0x5], $0x1000, $0x38;
	[tilespmem:$0x7F00] =	vst v63  }
0x2d: {  	_ =	swait.ge [sflag:s13], $0x1000  }
0x2e: {  	[sflag:s13] =	ssyncset.done $0x0  }
0x2f: {  	s11 =	rddreg [dreg:$0x17];
	[sflag:s13] =	ssyncadd.s32 $0xFFFFF000  }
0x30: {  	[spmem:s11] =	stream.linear.scatter [tilespmem:s12], [sflag:$0x5], $0x1000, $0x38;
	[tilespmem:$0x7F00] =	vst v63  }
0x31: {  	_ =	swait.ge [sflag:s13], $0x1000  }
0x32: {  	[sflag:s13] =	ssyncset.done $0x0  }
0x33: {  	s9 =	rddreg [dreg:$0x18];
	[sflag:s13] =	ssyncadd.s32 $0xFFFFF000  }
0x34: {  	[spmem:s9] =	stream.linear.scatter [tilespmem:s12], [sflag:$0x5], $0x1000, $0x38;
	[tilespmem:$0x7F00] =	vst v63  }
0x35: {  	_ =	swait.ge [sflag:s13], $0x1000  }
0x36: {  	[sflag:s13] =	ssyncset.done $0x0  }
0x37: {  	s10 =	rddreg [dreg:$0x19];
	[sflag:s13] =	ssyncadd.s32 $0xFFFFF000  }
0x38: {  	[spmem:s10] =	stream.linear.scatter [tilespmem:s12], [sflag:$0x5], $0x1000, $0x38;
	[tilespmem:$0x7F00] =	vst v63  }
0x39: {  	_ =	swait.ge [sflag:s13], $0x1000  }
0x3a: {  	[sflag:s13] =	ssyncset.done $0x0  }
0x3b: {  	s11 =	rddreg [dreg:$0x1a];
	[sflag:s13] =	ssyncadd.s32 $0xFFFFF000  }
0x3c: {  	[spmem:s11] =	stream.linear.scatter [tilespmem:s12], [sflag:$0x5], $0xF00, $0x38;
	[tilespmem:$0x7F00] =	vst v63  }
0x3d: {  	_ =	swait.ge [sflag:s13], $0xF00  }
0x3e: {  	[sflag:s13] =	ssyncset.done $0x0  }
0x3f: {  	[sflag:s13] =	ssyncadd.s32 $0xFFFFF100  }
0x40: {  	[bflag:$0x0] =	sbarrier.arrive $0xFFFF  }
0x41: {  	s9 =	rddreg [dreg:$0x4]  }
0x42: {  	s5 =	sadd.s32 $0x0, s9  }
0x43: {  	[tilespmem:s14], [sflag:$0x5] =	stream.linear.gather [hbm4b:s5+s3], $0x800, $0x38;
	[tilespmem:$0x7F00] =	vst v63  }
0x44: {  	_ =	swait.ge [sflag:s13], $0x800  }
0x45: {  	s10 =	rddreg [dreg:$0x5];
	[sflag:s13] =	ssyncset.done $0x0  }
0x46: {  	[sflag:s13] =	ssyncadd.s32 $0xFFFFF800;
	s5 =	sadd.s32 $0x0, s10  }
0x47: {  	[tilespmem:s15], [sflag:$0x5] =	stream.linear.gather [hbm4b:s5+s3], $0x800, $0x38;
	[tilespmem:$0x7F00] =	vst v63  }
0x48: {  	_ =	swait.ge [sflag:s13], $0x800  }
0x49: {  	[sflag:s13] =	ssyncset.done $0x0  }
0x4a: {  	[sflag:s13] =	ssyncadd.s32 $0xFFFFF800  }
0x4b: {  	[tilespmem:s12], [sflag:$0x1] =	stream.indirect.gather [hbm4b:s4+s16], $0x20, s14, s16, $0xb8;
	[tilespmem:$0x7F00] =	vst v63  }
0x4c: {  	s11 =	rddreg [dreg:$0x6]  }
0x4d: {  	[tilespmem:s17], [sflag:$0x2] =	stream.indirect.gather [hbm4b:s4+s16], $0x20, s11, s16, $0xb8;
	[tilespmem:$0x7F00] =	vst v63  }
0x4e: {  	_ =	swait.ge [sflag:s18], $0x1000  }
0x4f: {  	[sflag:s18] =	ssyncset.done $0x0  }
0x50: {  	[sflag:s18] =	ssyncadd.s32 $0xFFFFF000  }
0x51: {  	[spmem:s1] =	stream.indirect.scatter.add.f32 [tilespmem:s12], [sflag:$0x3], $0x20, s15, s16, $0xb8;
	[tilespmem:$0x7F00] =	vst v63  }
0x52: {  	_ =	swait.ge [sflag:s19], $0x1000  }
0x53: {  	[sflag:s19] =	ssyncset.done $0x0  }
0x54: {  	s9 =	rddreg [dreg:$0x7];
	[sflag:s19] =	ssyncadd.s32 $0xFFFFF000  }
0x55: {  	[tilespmem:s12], [sflag:$0x1] =	stream.indirect.gather [hbm4b:s4+s16], $0x20, s9, s16, $0xb8;
	[tilespmem:$0x7F00] =	vst v63  }
0x56: {  	_ =	swait.ge [sflag:s20], $0x1000  }
0x57: {  	[sflag:s20] =	ssyncset.done $0x0  }
0x58: {  	s10 =	rddreg [dreg:$0x8];
	[sflag:s20] =	ssyncadd.s32 $0xFFFFF000  }
0x59: {  	[spmem:s1] =	stream.indirect.scatter.add.f32 [tilespmem:s17], [sflag:$0x4], $0x20, s10, s16, $0xb8;
	[tilespmem:$0x7F00] =	vst v63  }
0x5a: {  	_ =	swait.ge [sflag:s21], $0x1000  }
0x5b: {  	[sflag:s21] =	ssyncset.done $0x0  }
0x5c: {  	s11 =	rddreg [dreg:$0x9];
	[sflag:s21] =	ssyncadd.s32 $0xFFFFF000  }
0x5d: {  	[tilespmem:s17], [sflag:$0x2] =	stream.indirect.gather [hbm4b:s4+s16], $0x20, s11, s16, $0xb8;
	[tilespmem:$0x7F00] =	vst v63  }
0x5e: {  	_ =	swait.ge [sflag:s18], $0x1000  }
0x5f: {  	[sflag:s18] =	ssyncset.done $0x0  }
0x60: {  	s9 =	rddreg [dreg:$0xa];
	[sflag:s18] =	ssyncadd.s32 $0xFFFFF000  }
0x61: {  	[spmem:s1] =	stream.indirect.scatter.add.f32 [tilespmem:s12], [sflag:$0x3], $0x20, s9, s16, $0xb8;
	[tilespmem:$0x7F00] =	vst v63  }
0x62: {  	_ =	swait.ge [sflag:s19], $0x1000  }
0x63: {  	[sflag:s19] =	ssyncset.done $0x0  }
0x64: {  	s10 =	rddreg [dreg:$0xb];
	[sflag:s19] =	ssyncadd.s32 $0xFFFFF000  }
0x65: {  	[tilespmem:s12], [sflag:$0x1] =	stream.indirect.gather [hbm4b:s4+s16], $0x20, s10, s16, $0xb8;
	[tilespmem:$0x7F00] =	vst v63  }
0x66: {  	_ =	swait.ge [sflag:s20], $0x1000  }
0x67: {  	[sflag:s20] =	ssyncset.done $0x0  }
0x68: {  	s11 =	rddreg [dreg:$0xc];
	[sflag:s20] =	ssyncadd.s32 $0xFFFFF000  }
0x69: {  	[spmem:s1] =	stream.indirect.scatter.add.f32 [tilespmem:s17], [sflag:$0x4], $0x20, s11, s16, $0xb8;
	[tilespmem:$0x7F00] =	vst v63  }
0x6a: {  	_ =	swait.ge [sflag:s21], $0x1000  }
0x6b: {  	[sflag:s21] =	ssyncset.done $0x0  }
0x6c: {  	s9 =	rddreg [dreg:$0xd];
	[sflag:s21] =	ssyncadd.s32 $0xFFFFF000  }
0x6d: {  	[tilespmem:s17], [sflag:$0x2] =	stream.indirect.gather [hbm4b:s4+s16], $0x20, s9, s16, $0xb8;
	[tilespmem:$0x7F00] =	vst v63  }
0x6e: {  	_ =	swait.ge [sflag:s18], $0x1000  }
0x6f: {  	[sflag:s18] =	ssyncset.done $0x0  }
0x70: {  	s10 =	rddreg [dreg:$0xe];
	[sflag:s18] =	ssyncadd.s32 $0xFFFFF000  }
0x71: {  	[spmem:s1] =	stream.indirect.scatter.add.f32 [tilespmem:s12], [sflag:$0x3], $0x20, s10, s16, $0xb8;
	[tilespmem:$0x7F00] =	vst v63  }
0x72: {  	_ =	swait.ge [sflag:s19], $0x1000  }
0x73: {  	[sflag:s19] =	ssyncset.done $0x0  }
0x74: {  	s11 =	rddreg [dreg:$0xf];
	[sflag:s19] =	ssyncadd.s32 $0xFFFFF000  }
0x75: {  	[tilespmem:s12], [sflag:$0x1] =	stream.indirect.gather [hbm4b:s4+s16], $0x20, s11, s16, $0xb8;
	[tilespmem:$0x7F00] =	vst v63  }
0x76: {  	_ =	swait.ge [sflag:s20], $0x1000  }
0x77: {  	[sflag:s20] =	ssyncset.done $0x0  }
0x78: {  	s9 =	rddreg [dreg:$0x10];
	[sflag:s20] =	ssyncadd.s32 $0xFFFFF000  }
0x79: {  	[spmem:s1] =	stream.indirect.scatter.add.f32 [tilespmem:s17], [sflag:$0x4], $0x20, s9, s16, $0xb8;
	[tilespmem:$0x7F00] =	vst v63  }
0x7a: {  	_ =	swait.ge [sflag:s21], $0x1000  }
0x7b: {  	[sflag:s21] =	ssyncset.done $0x0  }
0x7c: {  	s10 =	rddreg [dreg:$0x11];
	[sflag:s21] =	ssyncadd.s32 $0xFFFFF000  }
0x7d: {  	[tilespmem:s17], [sflag:$0x2] =	stream.indirect.gather [hbm4b:s4+s16], $0x20, s10, s16, $0xb8;
	[tilespmem:$0x7F00] =	vst v63  }
0x7e: {  	_ =	swait.ge [sflag:s18], $0x1000  }
0x7f: {  	[sflag:s18] =	ssyncset.done $0x0  }
0x80: {  	s11 =	rddreg [dreg:$0x12];
	[sflag:s18] =	ssyncadd.s32 $0xFFFFF000  }
0x81: {  	[spmem:s1] =	stream.indirect.scatter.add.f32 [tilespmem:s12], [sflag:$0x3], $0x20, s11, s16, $0xb8;
	[tilespmem:$0x7F00] =	vst v63  }
0x82: {  	_ =	swait.ge [sflag:s19], $0x1000  }
0x83: {  	[sflag:s19] =	ssyncset.done $0x0  }
0x84: {  	s9 =	rddreg [dreg:$0x13];
	[sflag:s19] =	ssyncadd.s32 $0xFFFFF000  }
0x85: {  	[tilespmem:s12], [sflag:$0x1] =	stream.indirect.gather [hbm4b:s4+s16], $0x20, s9, s16, $0xb8;
	[tilespmem:$0x7F00] =	vst v63  }
0x86: {  	_ =	swait.ge [sflag:s20], $0x1000  }
0x87: {  	[sflag:s20] =	ssyncset.done $0x0  }
0x88: {  	s10 =	rddreg [dreg:$0x14];
	[sflag:s20] =	ssyncadd.s32 $0xFFFFF000  }
0x89: {  	[spmem:s1] =	stream.indirect.scatter.add.f32 [tilespmem:s17], [sflag:$0x4], $0x20, s10, s16, $0xb8;
	[tilespmem:$0x7F00] =	vst v63  }
0x8a: {  	_ =	swait.ge [sflag:s21], $0x1000  }
0x8b: {  	[sflag:s21] =	ssyncset.done $0x0  }
0x8c: {  	s11 =	rddreg [dreg:$0x15];
	[sflag:s21] =	ssyncadd.s32 $0xFFFFF000  }
0x8d: {  	[tilespmem:s17], [sflag:$0x2] =	stream.indirect.gather [hbm4b:s4+s16], $0x20, s11, s16, $0xb8;
	[tilespmem:$0x7F00] =	vst v63  }
0x8e: {  	_ =	swait.ge [sflag:s18], $0x1000  }
0x8f: {  	[sflag:s18] =	ssyncset.done $0x0  }
0x90: {  	[sflag:s18] =	ssyncadd.s32 $0xFFFFF000  }
0x91: {  	[spmem:s1] =	stream.indirect.scatter.add.f32 [tilespmem:s12], [sflag:$0x3], $0x20, s22, s16, $0xb8;
	[tilespmem:$0x7F00] =	vst v63  }
0x92: {  	_ =	swait.ge [sflag:s19], $0x1000  }
0x93: {  	[sflag:s19] =	ssyncset.done $0x0  }
0x94: {  	[sflag:s19] =	ssyncadd.s32 $0xFFFFF000  }
0x95: {  	[tilespmem:s12], [sflag:$0x1] =	stream.indirect.gather [hbm4b:s4+s16], $0x20, s23, s16, $0xb8;
	[tilespmem:$0x7F00] =	vst v63  }
0x96: {  	_ =	swait.ge [sflag:s20], $0x1000  }
0x97: {  	[sflag:s20] =	ssyncset.done $0x0  }
0x98: {  	[sflag:s20] =	ssyncadd.s32 $0xFFFFF000  }
0x99: {  	[spmem:s1] =	stream.indirect.scatter.add.f32 [tilespmem:s17], [sflag:$0x4], $0x20, s24, s16, $0xb8;
	[tilespmem:$0x7F00] =	vst v63  }
0x9a: {  	_ =	swait.ge [sflag:s21], $0x1000  }
0x9b: {  	[sflag:s21] =	ssyncset.done $0x0  }
0x9c: {  	[sflag:s21] =	ssyncadd.s32 $0xFFFFF000  }
0x9d: {  	[tilespmem:s17], [sflag:$0x2] =	stream.indirect.gather [hbm4b:s4+s16], $0x20, s25, s16, $0xb8;
	[tilespmem:$0x7F00] =	vst v63  }
0x9e: {  	_ =	swait.ge [sflag:s18], $0x1000  }
0x9f: {  	[sflag:s18] =	ssyncset.done $0x0  }
0xa0: {  	[sflag:s18] =	ssyncadd.s32 $0xFFFFF000  }
0xa1: {  	[spmem:s1] =	stream.indirect.scatter.add.f32 [tilespmem:s12], [sflag:$0x3], $0x20, s26, s16, $0xb8;
	[tilespmem:$0x7F00] =	vst v63  }
0xa2: {  	_ =	swait.ge [sflag:s19], $0x1000  }
0xa3: {  	[sflag:s19] =	ssyncset.done $0x0  }
0xa4: {  	[sflag:s19] =	ssyncadd.s32 $0xFFFFF000  }
0xa5: {  	[tilespmem:s12], [sflag:$0x1] =	stream.indirect.gather [hbm4b:s4+s16], $0x20, s28, s16, $0xb8;
	[tilespmem:$0x7F00] =	vst v63  }
0xa6: {  	_ =	swait.ge [sflag:s20], $0x1000  }
0xa7: {  	[sflag:s20] =	ssyncset.done $0x0  }
0xa8: {  	[sflag:s20] =	ssyncadd.s32 $0xFFFFF000  }
0xa9: {  	[spmem:s1] =	stream.indirect.scatter.add.f32 [tilespmem:s17], [sflag:$0x4], $0x20, s29, s16, $0xb8;
	[tilespmem:$0x7F00] =	vst v63  }
0xaa: {  	_ =	swait.ge [sflag:s21], $0x1000  }
0xab: {  	[sflag:s21] =	ssyncset.done $0x0  }
0xac: {  	[sflag:s21] =	ssyncadd.s32 $0xFFFFF000  }
0xad: {  	[tilespmem:s17], [sflag:$0x2] =	stream.indirect.gather [hbm4b:s4+s16], $0x20, s30, s16, $0xb8;
	[tilespmem:$0x7F00] =	vst v63  }
0xae: {  	_ =	swait.ge [sflag:s18], $0x1000  }
0xaf: {  	[sflag:s18] =	ssyncset.done $0x0  }
0xb0: {  	[sflag:s18] =	ssyncadd.s32 $0xFFFFF000  }
0xb1: {  	[spmem:s1] =	stream.indirect.scatter.add.f32 [tilespmem:s12], [sflag:$0x3], $0x20, s31, s16, $0xb8;
	[tilespmem:$0x7F00] =	vst v63  }
0xb2: {  	_ =	swait.ge [sflag:s19], $0x1000  }
0xb3: {  	[sflag:s19] =	ssyncset.done $0x0  }
0xb4: {  	[sflag:s19] =	ssyncadd.s32 $0xFFFFF000  }
0xb5: {  	[tilespmem:s12], [sflag:$0x1] =	stream.indirect.gather [hbm4b:s4+s16], $0x20, s0, s16, $0xb8;
	[tilespmem:$0x7F00] =	vst v63  }
0xb6: {  	_ =	swait.ge [sflag:s20], $0x1000  }
0xb7: {  	[sflag:s20] =	ssyncset.done $0x0  }
0xb8: {  	[sflag:s20] =	ssyncadd.s32 $0xFFFFF000  }
0xb9: {  	[spmem:s1] =	stream.indirect.scatter.add.f32 [tilespmem:s17], [sflag:$0x4], $0x20, s2, s16, $0xb8;
	[tilespmem:$0x7F00] =	vst v63  }
0xba: {  	_ =	swait.ge [sflag:s21], $0x1000  }
0xbb: {  	[sflag:s21] =	ssyncset.done $0x0  }
0xbc: {  	[sflag:s21] =	ssyncadd.s32 $0xFFFFF000  }
0xbd: {  	[tilespmem:s17], [sflag:$0x2] =	stream.indirect.gather [hbm4b:s4+s16], $0x20, s6, s16, $0xb8;
	[tilespmem:$0x7F00] =	vst v63  }
0xbe: {  	_ =	swait.ge [sflag:s18], $0x1000  }
0xbf: {  	[sflag:s18] =	ssyncset.done $0x0  }
0xc0: {  	[sflag:s18] =	ssyncadd.s32 $0xFFFFF000  }
0xc1: {  	[spmem:s1] =	stream.indirect.scatter.add.f32 [tilespmem:s12], [sflag:$0x3], $0x20, s7, s16, $0xb8;
	[tilespmem:$0x7F00] =	vst v63  }
0xc2: {  	_ =	swait.ge [sflag:s19], $0x1000  }
0xc3: {  	[sflag:s19] =	ssyncset.done $0x0  }
0xc4: {  	[sflag:s19] =	ssyncadd.s32 $0xFFFFF000  }
0xc5: {  	_ =	swait.ge [sflag:s20], $0x1000  }
0xc6: {  	[sflag:s20] =	ssyncset.done $0x0  }
0xc7: {  	[sflag:s20] =	ssyncadd.s32 $0xFFFFF000  }
0xc8: {  	[spmem:s1] =	stream.indirect.scatter.add.f32 [tilespmem:s17], [sflag:$0x4], $0x20, s8, s16, $0xb8;
	[tilespmem:$0x7F00] =	vst v63  }
0xc9: {  	s10 =	simm.s32 $0x100;
	_ =	swait.ge [sflag:s21], $0x1000  }
0xca: {  	s11 =	simm.s32 $0x200;
	s5 =	rddreg [dreg:$0x4];
	[sflag:s21] =	ssyncset.done $0x0  }
.LBB2_4:
0xcb: {  	[sflag:s21] =	ssyncadd.s32 $0xFFFFF000;
	s5 =	sadd.s32 s10, s5  }
0xcc: {  	[tilespmem:s14], [sflag:$0x5] =	stream.linear.gather [hbm4b:s5+s3], $0x800, $0x38;
	[tilespmem:$0x7F00] =	vst v63  }
0xcd: {  	_ =	swait.ge [sflag:s13], $0x800  }
0xce: {  	s5 =	rddreg [dreg:$0x5];
	[sflag:s13] =	ssyncset.done $0x0  }
0xcf: {  	[sflag:s13] =	ssyncadd.s32 $0xFFFFF800;
	s5 =	sadd.s32 s10, s5  }
0xd0: {  	[tilespmem:s15], [sflag:$0x5] =	stream.linear.gather [hbm4b:s5+s3], $0x800, $0x38;
	[tilespmem:$0x7F00] =	vst v63  }
0xd1: {  	_ =	swait.ge [sflag:s13], $0x800  }
0xd2: {  	[sflag:s13] =	ssyncset.done $0x0  }
0xd3: {  	s9 =	smov.u32 s11;
	[sflag:s13] =	ssyncadd.s32 $0xFFFFF800  }
0xd4: {  	[tilespmem:s12], [sflag:$0x1] =	stream.indirect.gather [hbm4b:s4+s16], $0x20, s14, s16, $0xb8;
	[tilespmem:$0x7F00] =	vst v63  }
0xd5: {  	s10 =	smov.u32 s9;
	s9 =	rddreg [dreg:$0x6]  }
0xd6: {  	[tilespmem:s17], [sflag:$0x2] =	stream.indirect.gather [hbm4b:s4+s16], $0x20, s9, s16, $0xb8;
	[tilespmem:$0x7F00] =	vst v63  }
0xd7: {  	_ =	swait.ge [sflag:s18], $0x1000  }
0xd8: {  	[sflag:s18] =	ssyncset.done $0x0  }
0xd9: {  	[sflag:s18] =	ssyncadd.s32 $0xFFFFF000  }
0xda: {  	[spmem:s1] =	stream.indirect.scatter.add.f32 [tilespmem:s12], [sflag:$0x3], $0x20, s15, s16, $0xb8;
	[tilespmem:$0x7F00] =	vst v63  }
0xdb: {  	_ =	swait.ge [sflag:s19], $0x1000  }
0xdc: {  	[sflag:s19] =	ssyncset.done $0x0  }
0xdd: {  	s9 =	rddreg [dreg:$0x7];
	[sflag:s19] =	ssyncadd.s32 $0xFFFFF000  }
0xde: {  	[tilespmem:s12], [sflag:$0x1] =	stream.indirect.gather [hbm4b:s4+s16], $0x20, s9, s16, $0xb8;
	[tilespmem:$0x7F00] =	vst v63  }
0xdf: {  	_ =	swait.ge [sflag:s20], $0x1000  }
0xe0: {  	[sflag:s20] =	ssyncset.done $0x0  }
0xe1: {  	s9 =	rddreg [dreg:$0x8];
	[sflag:s20] =	ssyncadd.s32 $0xFFFFF000  }
0xe2: {  	[spmem:s1] =	stream.indirect.scatter.add.f32 [tilespmem:s17], [sflag:$0x4], $0x20, s9, s16, $0xb8;
	[tilespmem:$0x7F00] =	vst v63  }
0xe3: {  	_ =	swait.ge [sflag:s21], $0x1000  }
0xe4: {  	[sflag:s21] =	ssyncset.done $0x0  }
0xe5: {  	s9 =	rddreg [dreg:$0x9];
	[sflag:s21] =	ssyncadd.s32 $0xFFFFF000  }
0xe6: {  	[tilespmem:s17], [sflag:$0x2] =	stream.indirect.gather [hbm4b:s4+s16], $0x20, s9, s16, $0xb8;
	[tilespmem:$0x7F00] =	vst v63  }
0xe7: {  	_ =	swait.ge [sflag:s18], $0x1000  }
0xe8: {  	[sflag:s18] =	ssyncset.done $0x0  }
0xe9: {  	s9 =	rddreg [dreg:$0xa];
	[sflag:s18] =	ssyncadd.s32 $0xFFFFF000  }
0xea: {  	[spmem:s1] =	stream.indirect.scatter.add.f32 [tilespmem:s12], [sflag:$0x3], $0x20, s9, s16, $0xb8;
	[tilespmem:$0x7F00] =	vst v63  }
0xeb: {  	_ =	swait.ge [sflag:s19], $0x1000  }
0xec: {  	[sflag:s19] =	ssyncset.done $0x0  }
0xed: {  	s9 =	rddreg [dreg:$0xb];
	[sflag:s19] =	ssyncadd.s32 $0xFFFFF000  }
0xee: {  	[tilespmem:s12], [sflag:$0x1] =	stream.indirect.gather [hbm4b:s4+s16], $0x20, s9, s16, $0xb8;
	[tilespmem:$0x7F00] =	vst v63  }
0xef: {  	_ =	swait.ge [sflag:s20], $0x1000  }
0xf0: {  	[sflag:s20] =	ssyncset.done $0x0  }
0xf1: {  	s9 =	rddreg [dreg:$0xc];
	[sflag:s20] =	ssyncadd.s32 $0xFFFFF000  }
0xf2: {  	[spmem:s1] =	stream.indirect.scatter.add.f32 [tilespmem:s17], [sflag:$0x4], $0x20, s9, s16, $0xb8;
	[tilespmem:$0x7F00] =	vst v63  }
0xf3: {  	_ =	swait.ge [sflag:s21], $0x1000  }
0xf4: {  	[sflag:s21] =	ssyncset.done $0x0  }
0xf5: {  	s9 =	rddreg [dreg:$0xd];
	[sflag:s21] =	ssyncadd.s32 $0xFFFFF000  }
0xf6: {  	[tilespmem:s17], [sflag:$0x2] =	stream.indirect.gather [hbm4b:s4+s16], $0x20, s9, s16, $0xb8;
	[tilespmem:$0x7F00] =	vst v63  }
0xf7: {  	_ =	swait.ge [sflag:s18], $0x1000  }
0xf8: {  	[sflag:s18] =	ssyncset.done $0x0  }
0xf9: {  	s9 =	rddreg [dreg:$0xe];
	[sflag:s18] =	ssyncadd.s32 $0xFFFFF000  }
0xfa: {  	[spmem:s1] =	stream.indirect.scatter.add.f32 [tilespmem:s12], [sflag:$0x3], $0x20, s9, s16, $0xb8;
	[tilespmem:$0x7F00] =	vst v63  }
0xfb: {  	_ =	swait.ge [sflag:s19], $0x1000  }
0xfc: {  	[sflag:s19] =	ssyncset.done $0x0  }
0xfd: {  	s9 =	rddreg [dreg:$0xf];
	[sflag:s19] =	ssyncadd.s32 $0xFFFFF000  }
0xfe: {  	[tilespmem:s12], [sflag:$0x1] =	stream.indirect.gather [hbm4b:s4+s16], $0x20, s9, s16, $0xb8;
	[tilespmem:$0x7F00] =	vst v63  }
0xff: {  	_ =	swait.ge [sflag:s20], $0x1000  }
0x100: {  	[sflag:s20] =	ssyncset.done $0x0  }
0x101: {  	s9 =	rddreg [dreg:$0x10];
	[sflag:s20] =	ssyncadd.s32 $0xFFFFF000  }
0x102: {  	[spmem:s1] =	stream.indirect.scatter.add.f32 [tilespmem:s17], [sflag:$0x4], $0x20, s9, s16, $0xb8;
	[tilespmem:$0x7F00] =	vst v63  }
0x103: {  	_ =	swait.ge [sflag:s21], $0x1000  }
0x104: {  	[sflag:s21] =	ssyncset.done $0x0  }
0x105: {  	s9 =	rddreg [dreg:$0x11];
	[sflag:s21] =	ssyncadd.s32 $0xFFFFF000  }
0x106: {  	[tilespmem:s17], [sflag:$0x2] =	stream.indirect.gather [hbm4b:s4+s16], $0x20, s9, s16, $0xb8;
	[tilespmem:$0x7F00] =	vst v63  }
0x107: {  	_ =	swait.ge [sflag:s18], $0x1000  }
0x108: {  	[sflag:s18] =	ssyncset.done $0x0  }
0x109: {  	s9 =	rddreg [dreg:$0x12];
	[sflag:s18] =	ssyncadd.s32 $0xFFFFF000  }
0x10a: {  	[spmem:s1] =	stream.indirect.scatter.add.f32 [tilespmem:s12], [sflag:$0x3], $0x20, s9, s16, $0xb8;
	[tilespmem:$0x7F00] =	vst v63  }
0x10b: {  	_ =	swait.ge [sflag:s19], $0x1000  }
0x10c: {  	[sflag:s19] =	ssyncset.done $0x0  }
0x10d: {  	s9 =	rddreg [dreg:$0x13];
	[sflag:s19] =	ssyncadd.s32 $0xFFFFF000  }
0x10e: {  	[tilespmem:s12], [sflag:$0x1] =	stream.indirect.gather [hbm4b:s4+s16], $0x20, s9, s16, $0xb8;
	[tilespmem:$0x7F00] =	vst v63  }
0x10f: {  	_ =	swait.ge [sflag:s20], $0x1000  }
0x110: {  	[sflag:s20] =	ssyncset.done $0x0  }
0x111: {  	s9 =	rddreg [dreg:$0x14];
	[sflag:s20] =	ssyncadd.s32 $0xFFFFF000  }
0x112: {  	[spmem:s1] =	stream.indirect.scatter.add.f32 [tilespmem:s17], [sflag:$0x4], $0x20, s9, s16, $0xb8;
	[tilespmem:$0x7F00] =	vst v63  }
0x113: {  	_ =	swait.ge [sflag:s21], $0x1000  }
0x114: {  	[sflag:s21] =	ssyncset.done $0x0  }
0x115: {  	s9 =	rddreg [dreg:$0x15];
	[sflag:s21] =	ssyncadd.s32 $0xFFFFF000  }
0x116: {  	[tilespmem:s17], [sflag:$0x2] =	stream.indirect.gather [hbm4b:s4+s16], $0x20, s9, s16, $0xb8;
	[tilespmem:$0x7F00] =	vst v63  }
0x117: {  	_ =	swait.ge [sflag:s18], $0x1000  }
0x118: {  	[sflag:s18] =	ssyncset.done $0x0  }
0x119: {  	[sflag:s18] =	ssyncadd.s32 $0xFFFFF000  }
0x11a: {  	[spmem:s1] =	stream.indirect.scatter.add.f32 [tilespmem:s12], [sflag:$0x3], $0x20, s22, s16, $0xb8;
	[tilespmem:$0x7F00] =	vst v63  }
0x11b: {  	_ =	swait.ge [sflag:s19], $0x1000  }
0x11c: {  	[sflag:s19] =	ssyncset.done $0x0  }
0x11d: {  	[sflag:s19] =	ssyncadd.s32 $0xFFFFF000  }
0x11e: {  	[tilespmem:s12], [sflag:$0x1] =	stream.indirect.gather [hbm4b:s4+s16], $0x20, s23, s16, $0xb8;
	[tilespmem:$0x7F00] =	vst v63  }
0x11f: {  	_ =	swait.ge [sflag:s20], $0x1000  }
0x120: {  	[sflag:s20] =	ssyncset.done $0x0  }
0x121: {  	[sflag:s20] =	ssyncadd.s32 $0xFFFFF000  }
0x122: {  	[spmem:s1] =	stream.indirect.scatter.add.f32 [tilespmem:s17], [sflag:$0x4], $0x20, s24, s16, $0xb8;
	[tilespmem:$0x7F00] =	vst v63  }
0x123: {  	_ =	swait.ge [sflag:s21], $0x1000  }
0x124: {  	[sflag:s21] =	ssyncset.done $0x0  }
0x125: {  	[sflag:s21] =	ssyncadd.s32 $0xFFFFF000  }
0x126: {  	[tilespmem:s17], [sflag:$0x2] =	stream.indirect.gather [hbm4b:s4+s16], $0x20, s25, s16, $0xb8;
	[tilespmem:$0x7F00] =	vst v63  }
0x127: {  	_ =	swait.ge [sflag:s18], $0x1000  }
0x128: {  	[sflag:s18] =	ssyncset.done $0x0  }
0x129: {  	[sflag:s18] =	ssyncadd.s32 $0xFFFFF000  }
0x12a: {  	[spmem:s1] =	stream.indirect.scatter.add.f32 [tilespmem:s12], [sflag:$0x3], $0x20, s26, s16, $0xb8;
	[tilespmem:$0x7F00] =	vst v63  }
0x12b: {  	_ =	swait.ge [sflag:s19], $0x1000  }
0x12c: {  	[sflag:s19] =	ssyncset.done $0x0  }
0x12d: {  	[sflag:s19] =	ssyncadd.s32 $0xFFFFF000  }
0x12e: {  	[tilespmem:s12], [sflag:$0x1] =	stream.indirect.gather [hbm4b:s4+s16], $0x20, s28, s16, $0xb8;
	[tilespmem:$0x7F00] =	vst v63  }
0x12f: {  	_ =	swait.ge [sflag:s20], $0x1000  }
0x130: {  	[sflag:s20] =	ssyncset.done $0x0  }
0x131: {  	[sflag:s20] =	ssyncadd.s32 $0xFFFFF000  }
0x132: {  	[spmem:s1] =	stream.indirect.scatter.add.f32 [tilespmem:s17], [sflag:$0x4], $0x20, s29, s16, $0xb8;
	[tilespmem:$0x7F00] =	vst v63  }
0x133: {  	_ =	swait.ge [sflag:s21], $0x1000  }
0x134: {  	[sflag:s21] =	ssyncset.done $0x0  }
0x135: {  	[sflag:s21] =	ssyncadd.s32 $0xFFFFF000  }
0x136: {  	[tilespmem:s17], [sflag:$0x2] =	stream.indirect.gather [hbm4b:s4+s16], $0x20, s30, s16, $0xb8;
	[tilespmem:$0x7F00] =	vst v63  }
0x137: {  	_ =	swait.ge [sflag:s18], $0x1000  }
0x138: {  	[sflag:s18] =	ssyncset.done $0x0  }
0x139: {  	[sflag:s18] =	ssyncadd.s32 $0xFFFFF000  }
0x13a: {  	[spmem:s1] =	stream.indirect.scatter.add.f32 [tilespmem:s12], [sflag:$0x3], $0x20, s31, s16, $0xb8;
	[tilespmem:$0x7F00] =	vst v63  }
0x13b: {  	_ =	swait.ge [sflag:s19], $0x1000  }
0x13c: {  	[sflag:s19] =	ssyncset.done $0x0  }
0x13d: {  	[sflag:s19] =	ssyncadd.s32 $0xFFFFF000  }
0x13e: {  	[tilespmem:s12], [sflag:$0x1] =	stream.indirect.gather [hbm4b:s4+s16], $0x20, s0, s16, $0xb8;
	[tilespmem:$0x7F00] =	vst v63  }
0x13f: {  	_ =	swait.ge [sflag:s20], $0x1000  }
0x140: {  	[sflag:s20] =	ssyncset.done $0x0  }
0x141: {  	[sflag:s20] =	ssyncadd.s32 $0xFFFFF000  }
0x142: {  	[spmem:s1] =	stream.indirect.scatter.add.f32 [tilespmem:s17], [sflag:$0x4], $0x20, s2, s16, $0xb8;
	[tilespmem:$0x7F00] =	vst v63  }
0x143: {  	_ =	swait.ge [sflag:s21], $0x1000  }
0x144: {  	[sflag:s21] =	ssyncset.done $0x0  }
0x145: {  	[sflag:s21] =	ssyncadd.s32 $0xFFFFF000  }
0x146: {  	[tilespmem:s17], [sflag:$0x2] =	stream.indirect.gather [hbm4b:s4+s16], $0x20, s6, s16, $0xb8;
	[tilespmem:$0x7F00] =	vst v63  }
0x147: {  	_ =	swait.ge [sflag:s18], $0x1000  }
0x148: {  	[sflag:s18] =	ssyncset.done $0x0  }
0x149: {  	[sflag:s18] =	ssyncadd.s32 $0xFFFFF000  }
0x14a: {  	[spmem:s1] =	stream.indirect.scatter.add.f32 [tilespmem:s12], [sflag:$0x3], $0x20, s7, s16, $0xb8;
	[tilespmem:$0x7F00] =	vst v63  }
0x14b: {  	_ =	swait.ge [sflag:s19], $0x1000  }
0x14c: {  	[sflag:s19] =	ssyncset.done $0x0  }
0x14d: {  	[sflag:s19] =	ssyncadd.s32 $0xFFFFF000  }
0x14e: {  	p0 =	sne.s32 s11, $0x400;
	_ =	swait.ge [sflag:s20], $0x1000  }
.Ltmp1:
0x14f: {  	[sflag:s20] =	ssyncset.done $0x0;
	(pc) =	sbr.rel @p0 .LBB2_4-.Ltmp1, $4  }
0x150: {  	[sflag:s20] =	ssyncadd.s32 $0xFFFFF000  }
0x151: {  	[spmem:s1] =	stream.indirect.scatter.add.f32 [tilespmem:s17], [sflag:$0x4], $0x20, s8, s16, $0xb8;
	[tilespmem:$0x7F00] =	vst v63  }
0x152: {  	_ =	swait.ge [sflag:s21], $0x1000  }
0x153: {  	s11 =	sadd.s32 $0x100, s11;
	s5 =	rddreg [dreg:$0x4];
	[sflag:s21] =	ssyncset.done $0x0  }
0x154: {  	[sflag:s21] =	ssyncadd.s32 $0xFFFFF000;
	s5 =	sadd.s32 s10, s5  }
0x155: {  	[tilespmem:s14], [sflag:$0x5] =	stream.linear.gather [hbm4b:s5+s3], $0x800, $0x38;
	[tilespmem:$0x7F00] =	vst v63  }
0x156: {  	_ =	swait.ge [sflag:s13], $0x800  }
0x157: {  	s11 =	rddreg [dreg:$0x5];
	[sflag:s13] =	ssyncset.done $0x0  }
0x158: {  	[sflag:s13] =	ssyncadd.s32 $0xFFFFF800;
	s5 =	sadd.s32 s10, s11  }
0x159: {  	[tilespmem:s15], [sflag:$0x5] =	stream.linear.gather [hbm4b:s5+s3], $0x800, $0x38;
	[tilespmem:$0x7F00] =	vst v63  }
0x15a: {  	_ =	swait.ge [sflag:s13], $0x800  }
0x15b: {  	[sflag:s13] =	ssyncset.done $0x0  }
0x15c: {  	[sflag:s13] =	ssyncadd.s32 $0xFFFFF800  }
0x15d: {  	[tilespmem:s12], [sflag:$0x1] =	stream.indirect.gather [hbm4b:s4+s16], $0x20, s14, s16, $0xb8;
	[tilespmem:$0x7F00] =	vst v63  }
0x15e: {  	s9 =	rddreg [dreg:$0x6]  }
0x15f: {  	[tilespmem:s17], [sflag:$0x2] =	stream.indirect.gather [hbm4b:s4+s16], $0x20, s9, s16, $0xb8;
	[tilespmem:$0x7F00] =	vst v63  }
0x160: {  	_ =	swait.ge [sflag:s18], $0x1000  }
0x161: {  	[sflag:s18] =	ssyncset.done $0x0  }
0x162: {  	[sflag:s18] =	ssyncadd.s32 $0xFFFFF000  }
0x163: {  	[spmem:s1] =	stream.indirect.scatter.add.f32 [tilespmem:s12], [sflag:$0x3], $0x20, s15, s16, $0xb8;
	[tilespmem:$0x7F00] =	vst v63  }
0x164: {  	_ =	swait.ge [sflag:s19], $0x1000  }
0x165: {  	[sflag:s19] =	ssyncset.done $0x0  }
0x166: {  	s10 =	rddreg [dreg:$0x7];
	[sflag:s19] =	ssyncadd.s32 $0xFFFFF000  }
0x167: {  	[tilespmem:s12], [sflag:$0x1] =	stream.indirect.gather [hbm4b:s4+s16], $0x20, s10, s16, $0xb8;
	[tilespmem:$0x7F00] =	vst v63  }
0x168: {  	_ =	swait.ge [sflag:s20], $0x1000  }
0x169: {  	[sflag:s20] =	ssyncset.done $0x0  }
0x16a: {  	s11 =	rddreg [dreg:$0x8];
	[sflag:s20] =	ssyncadd.s32 $0xFFFFF000  }
0x16b: {  	[spmem:s1] =	stream.indirect.scatter.add.f32 [tilespmem:s17], [sflag:$0x4], $0x20, s11, s16, $0xb8;
	[tilespmem:$0x7F00] =	vst v63  }
0x16c: {  	_ =	swait.ge [sflag:s21], $0x1000  }
0x16d: {  	[sflag:s21] =	ssyncset.done $0x0  }
0x16e: {  	s9 =	rddreg [dreg:$0x9];
	[sflag:s21] =	ssyncadd.s32 $0xFFFFF000  }
0x16f: {  	[tilespmem:s17], [sflag:$0x2] =	stream.indirect.gather [hbm4b:s4+s16], $0x20, s9, s16, $0xb8;
	[tilespmem:$0x7F00] =	vst v63  }
0x170: {  	_ =	swait.ge [sflag:s18], $0x1000  }
0x171: {  	[sflag:s18] =	ssyncset.done $0x0  }
0x172: {  	s10 =	rddreg [dreg:$0xa];
	[sflag:s18] =	ssyncadd.s32 $0xFFFFF000  }
0x173: {  	[spmem:s1] =	stream.indirect.scatter.add.f32 [tilespmem:s12], [sflag:$0x3], $0x20, s10, s16, $0xb8;
	[tilespmem:$0x7F00] =	vst v63  }
0x174: {  	_ =	swait.ge [sflag:s19], $0x1000  }
0x175: {  	[sflag:s19] =	ssyncset.done $0x0  }
0x176: {  	s11 =	rddreg [dreg:$0xb];
	[sflag:s19] =	ssyncadd.s32 $0xFFFFF000  }
0x177: {  	[tilespmem:s12], [sflag:$0x1] =	stream.indirect.gather [hbm4b:s4+s16], $0x20, s11, s16, $0xb8;
	[tilespmem:$0x7F00] =	vst v63  }
0x178: {  	_ =	swait.ge [sflag:s20], $0x1000  }
0x179: {  	[sflag:s20] =	ssyncset.done $0x0  }
0x17a: {  	s9 =	rddreg [dreg:$0xc];
	[sflag:s20] =	ssyncadd.s32 $0xFFFFF000  }
0x17b: {  	[spmem:s1] =	stream.indirect.scatter.add.f32 [tilespmem:s17], [sflag:$0x4], $0x20, s9, s16, $0xb8;
	[tilespmem:$0x7F00] =	vst v63  }
0x17c: {  	_ =	swait.ge [sflag:s21], $0x1000  }
0x17d: {  	[sflag:s21] =	ssyncset.done $0x0  }
0x17e: {  	s10 =	rddreg [dreg:$0xd];
	[sflag:s21] =	ssyncadd.s32 $0xFFFFF000  }
0x17f: {  	[tilespmem:s17], [sflag:$0x2] =	stream.indirect.gather [hbm4b:s4+s16], $0x20, s10, s16, $0xb8;
	[tilespmem:$0x7F00] =	vst v63  }
0x180: {  	_ =	swait.ge [sflag:s18], $0x1000  }
0x181: {  	[sflag:s18] =	ssyncset.done $0x0  }
0x182: {  	s11 =	rddreg [dreg:$0xe];
	[sflag:s18] =	ssyncadd.s32 $0xFFFFF000  }
0x183: {  	[spmem:s1] =	stream.indirect.scatter.add.f32 [tilespmem:s12], [sflag:$0x3], $0x20, s11, s16, $0xb8;
	[tilespmem:$0x7F00] =	vst v63  }
0x184: {  	_ =	swait.ge [sflag:s19], $0x1000  }
0x185: {  	[sflag:s19] =	ssyncset.done $0x0  }
0x186: {  	s9 =	rddreg [dreg:$0xf];
	[sflag:s19] =	ssyncadd.s32 $0xFFFFF000  }
0x187: {  	[tilespmem:s12], [sflag:$0x1] =	stream.indirect.gather [hbm4b:s4+s16], $0x20, s9, s16, $0xb8;
	[tilespmem:$0x7F00] =	vst v63  }
0x188: {  	_ =	swait.ge [sflag:s20], $0x1000  }
0x189: {  	[sflag:s20] =	ssyncset.done $0x0  }
0x18a: {  	s10 =	rddreg [dreg:$0x10];
	[sflag:s20] =	ssyncadd.s32 $0xFFFFF000  }
0x18b: {  	[spmem:s1] =	stream.indirect.scatter.add.f32 [tilespmem:s17], [sflag:$0x4], $0x20, s10, s16, $0xb8;
	[tilespmem:$0x7F00] =	vst v63  }
0x18c: {  	_ =	swait.ge [sflag:s21], $0x1000  }
0x18d: {  	[sflag:s21] =	ssyncset.done $0x0  }
0x18e: {  	s11 =	rddreg [dreg:$0x11];
	[sflag:s21] =	ssyncadd.s32 $0xFFFFF000  }
0x18f: {  	[tilespmem:s17], [sflag:$0x2] =	stream.indirect.gather [hbm4b:s4+s16], $0x20, s11, s16, $0xb8;
	[tilespmem:$0x7F00] =	vst v63  }
0x190: {  	_ =	swait.ge [sflag:s18], $0x1000  }
0x191: {  	[sflag:s18] =	ssyncset.done $0x0  }
0x192: {  	s9 =	rddreg [dreg:$0x12];
	[sflag:s18] =	ssyncadd.s32 $0xFFFFF000  }
0x193: {  	[spmem:s1] =	stream.indirect.scatter.add.f32 [tilespmem:s12], [sflag:$0x3], $0x20, s9, s16, $0xb8;
	[tilespmem:$0x7F00] =	vst v63  }
0x194: {  	_ =	swait.ge [sflag:s19], $0x1000  }
0x195: {  	[sflag:s19] =	ssyncset.done $0x0  }
0x196: {  	s10 =	rddreg [dreg:$0x13];
	[sflag:s19] =	ssyncadd.s32 $0xFFFFF000  }
0x197: {  	[tilespmem:s12], [sflag:$0x1] =	stream.indirect.gather [hbm4b:s4+s16], $0x20, s10, s16, $0xb8;
	[tilespmem:$0x7F00] =	vst v63  }
0x198: {  	_ =	swait.ge [sflag:s20], $0x1000  }
0x199: {  	[sflag:s20] =	ssyncset.done $0x0  }
0x19a: {  	s11 =	rddreg [dreg:$0x14];
	[sflag:s20] =	ssyncadd.s32 $0xFFFFF000  }
0x19b: {  	[spmem:s1] =	stream.indirect.scatter.add.f32 [tilespmem:s17], [sflag:$0x4], $0x20, s11, s16, $0xb8;
	[tilespmem:$0x7F00] =	vst v63  }
0x19c: {  	_ =	swait.ge [sflag:s21], $0x1000  }
0x19d: {  	[sflag:s21] =	ssyncset.done $0x0  }
0x19e: {  	s9 =	rddreg [dreg:$0x15];
	[sflag:s21] =	ssyncadd.s32 $0xFFFFF000  }
0x19f: {  	[tilespmem:s17], [sflag:$0x2] =	stream.indirect.gather [hbm4b:s4+s16], $0x20, s9, s16, $0xb8;
	[tilespmem:$0x7F00] =	vst v63  }
0x1a0: {  	_ =	swait.ge [sflag:s18], $0x1000  }
0x1a1: {  	[sflag:s18] =	ssyncset.done $0x0  }
0x1a2: {  	[sflag:s18] =	ssyncadd.s32 $0xFFFFF000  }
0x1a3: {  	[spmem:s1] =	stream.indirect.scatter.add.f32 [tilespmem:s12], [sflag:$0x3], $0x20, s22, s16, $0xb8;
	[tilespmem:$0x7F00] =	vst v63  }
0x1a4: {  	_ =	swait.ge [sflag:s19], $0x1000  }
0x1a5: {  	[sflag:s19] =	ssyncset.done $0x0  }
0x1a6: {  	[sflag:s19] =	ssyncadd.s32 $0xFFFFF000  }
0x1a7: {  	[tilespmem:s12], [sflag:$0x1] =	stream.indirect.gather [hbm4b:s4+s16], $0x20, s23, s16, $0xb8;
	[tilespmem:$0x7F00] =	vst v63  }
0x1a8: {  	_ =	swait.ge [sflag:s20], $0x1000  }
0x1a9: {  	[sflag:s20] =	ssyncset.done $0x0  }
0x1aa: {  	[sflag:s20] =	ssyncadd.s32 $0xFFFFF000  }
0x1ab: {  	[spmem:s1] =	stream.indirect.scatter.add.f32 [tilespmem:s17], [sflag:$0x4], $0x20, s24, s16, $0xb8;
	[tilespmem:$0x7F00] =	vst v63  }
0x1ac: {  	_ =	swait.ge [sflag:s21], $0x1000  }
0x1ad: {  	[sflag:s21] =	ssyncset.done $0x0  }
0x1ae: {  	[sflag:s21] =	ssyncadd.s32 $0xFFFFF000  }
0x1af: {  	[tilespmem:s17], [sflag:$0x2] =	stream.indirect.gather [hbm4b:s4+s16], $0x20, s25, s16, $0xb8;
	[tilespmem:$0x7F00] =	vst v63  }
0x1b0: {  	_ =	swait.ge [sflag:s18], $0x1000  }
0x1b1: {  	[sflag:s18] =	ssyncset.done $0x0  }
0x1b2: {  	[sflag:s18] =	ssyncadd.s32 $0xFFFFF000  }
0x1b3: {  	[spmem:s1] =	stream.indirect.scatter.add.f32 [tilespmem:s12], [sflag:$0x3], $0x20, s26, s16, $0xb8;
	[tilespmem:$0x7F00] =	vst v63  }
0x1b4: {  	_ =	swait.ge [sflag:s19], $0x1000  }
0x1b5: {  	[sflag:s19] =	ssyncset.done $0x0  }
0x1b6: {  	[sflag:s19] =	ssyncadd.s32 $0xFFFFF000  }
0x1b7: {  	[tilespmem:s12], [sflag:$0x1] =	stream.indirect.gather [hbm4b:s4+s16], $0x20, s28, s16, $0xb8;
	[tilespmem:$0x7F00] =	vst v63  }
0x1b8: {  	_ =	swait.ge [sflag:s20], $0x1000  }
0x1b9: {  	[sflag:s20] =	ssyncset.done $0x0  }
0x1ba: {  	[sflag:s20] =	ssyncadd.s32 $0xFFFFF000  }
0x1bb: {  	[spmem:s1] =	stream.indirect.scatter.add.f32 [tilespmem:s17], [sflag:$0x4], $0x20, s29, s16, $0xb8;
	[tilespmem:$0x7F00] =	vst v63  }
0x1bc: {  	_ =	swait.ge [sflag:s21], $0x1000  }
0x1bd: {  	[sflag:s21] =	ssyncset.done $0x0  }
0x1be: {  	[sflag:s21] =	ssyncadd.s32 $0xFFFFF000  }
0x1bf: {  	[tilespmem:s17], [sflag:$0x2] =	stream.indirect.gather [hbm4b:s4+s16], $0x20, s30, s16, $0xb8;
	[tilespmem:$0x7F00] =	vst v63  }
0x1c0: {  	_ =	swait.ge [sflag:s18], $0x1000  }
0x1c1: {  	[sflag:s18] =	ssyncset.done $0x0  }
0x1c2: {  	[sflag:s18] =	ssyncadd.s32 $0xFFFFF000  }
0x1c3: {  	[spmem:s1] =	stream.indirect.scatter.add.f32 [tilespmem:s12], [sflag:$0x3], $0x20, s31, s16, $0xb8;
	[tilespmem:$0x7F00] =	vst v63  }
0x1c4: {  	_ =	swait.ge [sflag:s19], $0x1000  }
0x1c5: {  	[sflag:s19] =	ssyncset.done $0x0  }
0x1c6: {  	[sflag:s19] =	ssyncadd.s32 $0xFFFFF000  }
0x1c7: {  	[tilespmem:s12], [sflag:$0x1] =	stream.indirect.gather [hbm4b:s4+s16], $0x20, s0, s16, $0xb8;
	[tilespmem:$0x7F00] =	vst v63  }
0x1c8: {  	_ =	swait.ge [sflag:s20], $0x1000  }
0x1c9: {  	[sflag:s20] =	ssyncset.done $0x0  }
0x1ca: {  	[sflag:s20] =	ssyncadd.s32 $0xFFFFF000  }
0x1cb: {  	[spmem:s1] =	stream.indirect.scatter.add.f32 [tilespmem:s17], [sflag:$0x4], $0x20, s2, s16, $0xb8;
	[tilespmem:$0x7F00] =	vst v63  }
0x1cc: {  	_ =	swait.ge [sflag:s21], $0x1000  }
0x1cd: {  	[sflag:s21] =	ssyncset.done $0x0  }
0x1ce: {  	[sflag:s21] =	ssyncadd.s32 $0xFFFFF000  }
0x1cf: {  	[tilespmem:s17], [sflag:$0x2] =	stream.indirect.gather [hbm4b:s4+s16], $0x20, s6, s16, $0xb8;
	[tilespmem:$0x7F00] =	vst v63  }
0x1d0: {  	_ =	swait.ge [sflag:s18], $0x1000  }
0x1d1: {  	[sflag:s18] =	ssyncset.done $0x0  }
0x1d2: {  	[sflag:s18] =	ssyncadd.s32 $0xFFFFF000  }
0x1d3: {  	[spmem:s1] =	stream.indirect.scatter.add.f32 [tilespmem:s12], [sflag:$0x3], $0x20, s7, s16, $0xb8;
	[tilespmem:$0x7F00] =	vst v63  }
0x1d4: {  	_ =	swait.ge [sflag:s19], $0x1000  }
0x1d5: {  	[sflag:s19] =	ssyncset.done $0x0  }
0x1d6: {  	[sflag:s19] =	ssyncadd.s32 $0xFFFFF000  }
0x1d7: {  	_ =	swait.ge [sflag:s20], $0x1000  }
0x1d8: {  	[sflag:s20] =	ssyncset.done $0x0  }
0x1d9: {  	[sflag:s20] =	ssyncadd.s32 $0xFFFFF000  }
0x1da: {  	[spmem:s1] =	stream.indirect.scatter.add.f32 [tilespmem:s17], [sflag:$0x4], $0x20, s8, s16, $0xb8;
	[tilespmem:$0x7F00] =	vst v63  }
0x1db: {  	_ =	swait.ge [sflag:s21], $0x1000  }
0x1dc: {  	[sflag:s21] =	ssyncset.done $0x0  }
0x1dd: {  	[sflag:s21] =	ssyncadd.s32 $0xFFFFF000  }
0x1de: {  	s10 =	stileid.u32;
	[bflag:$0x0] =	sbarrier.arrive $0xFFFF  }
0x1df: {  	s5 =	sshll.u32 s10, $0x6;
	s9 =	rddreg [dreg:$0x16]  }
0x1e0: {  	s5 =	sor.u32 $0x1C05, s5;
	s11 =	rddreg [dreg:$0x1b];
	s9 =	sshrl.u32 s9, $0x3  }
0x1e1: {  	[hbm:s11], [sflag:s5] =	dma.local [spmem:s9], $0x9E0  }
0x1e2: {  	_ =	swait.ge [sflag:s13], $0x9E0  }
0x1e3: {  	s10 =	rddreg [dreg:$0x1d]  }
0x1e4: {  	s11 =	rddreg [dreg:$0x1c];
	s9 =	sadd.s32 $0x1, s10  }
0x1e5: {  	p0 =	sne.s32 s9, s11  }
.Ltmp2:
0x1e6: {  	_ = 	snop;
	(pc) =	sbr.rel @p0 .LBB2_1-.Ltmp2, $3  }
0x1e7: {  	_ =	sdelay $0x1  }
0x1e8: {  	[sflag:s13] =	ssyncset.done $0x0  }
0x1e9: {  	[sflag:s13] =	ssyncadd.s32 $0xFFFFF620  }
0x1ea: {  	_ =	sfence.sel $0x180000  }
0x1eb: {  	[bflag:$0x0] =	sbarrier.arrive $0xFFFF  }
0x1ec: {  	_ =	strace $0x90000050  }
0x1ed: {  	s0 =	stileid.u32;
	[bflag:$0x2] =	sbarrier.arrive $0xFFFF  }
0x1ee: {  	p0 =	sne.s32 s0, $0x0;
	s0 =	rddreg [dreg:$0x3]  }
0x1ef: {  	s0 =	sadd.s32 @!p0 $0x100000, s0  }
0x1f0: {  	[sflag:s0] =	ssyncadd.tile.s32 @!p0 $0x1;
	_ =	shalt  }
.Lfunc_end2:
_tile_overlayer_lowered:
.L_overlay_start_2:
0x1f1: {  	(tag) =	ssettag $0x2  }
0x1f2: {  	s0 =	rddreg [dreg:$0x0];
	s2 =	stileid.u32  }
0x1f3: {  	s1 =	rddreg [dreg:$0x1];
	p0 =	sne.s32 s2, $0x0  }
0x1f4: {  	s3 =	rddreg [dreg:$0x2];
	[bflag:$0x3] =	sbarrier.arrive $0xFFFF;
	s2 =	simm.s32 @!p0 $0x1C05  }
0x1f5: {  	[timem:s3], [sflag:s2] =	dma.local @!p0 [hbm:s0], s1  }
0x1f6: {  	s0 =	simm.s32 @!p0 $0x5  }
0x1f7: {  	_ =	swait.ge @!p0 [sflag:s0], s1  }
0x1f8: {  	s1 =	ssub.s32 @!p0 $0x0, s1;
	[sflag:s0] =	ssyncset.done @!p0 $0x0  }
0x1f9: {  	[sflag:s0] =	ssyncadd.s32 @!p0 s1  }
0x1fa: {  	[bflag:$0x3] =	sbarrier.arrive $0xFFFF  }
0x1fb: {  	_ =	shalt  }

</sc_bundles>
